<compile_context>
chip_gen: v7x
topology: tpu7x:2x2x1
jax: 0.10.2.dev20260603
libtpu: 0.0.44.dev20260713+nightly
codegen_flags: <defaults>
</compile_context>

<pallas_src>
import functools

import jax
import jax.numpy as jnp
import numpy as np
from jax.experimental import pallas as pl
from jax.experimental.pallas import tpu as pltpu
from jax.experimental.pallas import tpu_sc as plsc

KNN = 8
NSEL = KNN + 1
ROWS = 512
GW = 128


def _b16(v):
    return v.astype(jnp.bfloat16).astype(jnp.float32)


def _topk_proj_body(posT_ref, posr_ref, x_ref, wkT_ref, bk_ref,
                    wvT_ref, bv_ref, gidx_ref, nd_ref, kx_ref, ky_ref,
                    kz_ref, kf_ref, vf_ref, dist_ref):
    n = posT_ref.shape[2]
    b = pl.program_id(0)

    pall = posT_ref[0]
    xall = pall[0:1, :]
    yall = pall[1:2, :]
    zall = pall[2:3, :]
    sq_all = xall * xall + yall * yall + zall * zall

    pr = posr_ref[0]
    xr = pr[:, 0:1]
    yr = pr[:, 1:2]
    zr = pr[:, 2:3]
    sq_r = xr * xr + yr * yr + zr * zr

    xr6 = _b16(xr); yr6 = _b16(yr); zr6 = _b16(zr)
    xa6 = _b16(xall); ya6 = _b16(yall); za6 = _b16(zall)
    d2 = sq_r + sq_all - 2.0 * (xr6 * xa6 + yr6 * ya6 + zr6 * za6)
    dist = jnp.where(d2 > 1e-12, jnp.sqrt(jnp.maximum(d2, 1e-12)), 0.0)
    dist_ref[...] = dist

    iota = jax.lax.broadcasted_iota(jnp.int32, (1, n), 1)
    for t in range(NSEL):
        dcur = dist_ref[...]
        m = jnp.min(dcur, axis=1, keepdims=True)
        cand = jnp.where(dcur == m, iota, n)
        idx = jnp.min(cand, axis=1, keepdims=True)
        onehot = iota == idx
        dist_ref[...] = jnp.where(onehot, jnp.inf, dcur)
        if t >= 1:
            gidx_ref[0, :, t - 1] = idx[:, 0] + b * n
            nd_ref[0, :, t - 1] = m[:, 0]
            kx_ref[0, :, t - 1] = jnp.sum(
                jnp.where(onehot, xall, 0.0), axis=1)
            ky_ref[0, :, t - 1] = jnp.sum(
                jnp.where(onehot, yall, 0.0), axis=1)
            kz_ref[0, :, t - 1] = jnp.sum(
                jnp.where(onehot, zall, 0.0), axis=1)

    x16 = x_ref[0].astype(jnp.bfloat16)
    kf_ref[0] = jnp.dot(x16, wkT_ref[...],
                        preferred_element_type=jnp.float32) + bk_ref[...]
    vf_ref[0] = jnp.dot(x16, wvT_ref[...],
                        preferred_element_type=jnp.float32) + bv_ref[...]


def _run_topk_proj(posT, pos, x, wkT, bk2, wvT, bv2):
    b, n, d = x.shape
    grid = (b, n // ROWS)
    return pl.pallas_call(
        _topk_proj_body,
        grid=grid,
        in_specs=[
            pl.BlockSpec((1, 3, n), lambda bi, ri: (bi, 0, 0)),
            pl.BlockSpec((1, ROWS, 3), lambda bi, ri: (bi, ri, 0)),
            pl.BlockSpec((1, ROWS, d), lambda bi, ri: (bi, ri, 0)),
            pl.BlockSpec((d, d), lambda bi, ri: (0, 0)),
            pl.BlockSpec((1, d), lambda bi, ri: (0, 0)),
            pl.BlockSpec((d, d), lambda bi, ri: (0, 0)),
            pl.BlockSpec((1, d), lambda bi, ri: (0, 0)),
        ],
        out_specs=[
            pl.BlockSpec((1, ROWS, KNN), lambda bi, ri: (bi, ri, 0)),
            pl.BlockSpec((1, ROWS, KNN), lambda bi, ri: (bi, ri, 0)),
            pl.BlockSpec((1, ROWS, KNN), lambda bi, ri: (bi, ri, 0)),
            pl.BlockSpec((1, ROWS, KNN), lambda bi, ri: (bi, ri, 0)),
            pl.BlockSpec((1, ROWS, KNN), lambda bi, ri: (bi, ri, 0)),
            pl.BlockSpec((1, ROWS, d), lambda bi, ri: (bi, ri, 0)),
            pl.BlockSpec((1, ROWS, d), lambda bi, ri: (bi, ri, 0)),
        ],
        out_shape=[
            jax.ShapeDtypeStruct((b, n, KNN), jnp.int32),
            jax.ShapeDtypeStruct((b, n, KNN), jnp.float32),
            jax.ShapeDtypeStruct((b, n, KNN), jnp.float32),
            jax.ShapeDtypeStruct((b, n, KNN), jnp.float32),
            jax.ShapeDtypeStruct((b, n, KNN), jnp.float32),
            jax.ShapeDtypeStruct((b, n, d), jnp.float32),
            jax.ShapeDtypeStruct((b, n, d), jnp.float32),
        ],
        scratch_shapes=[pltpu.VMEM((ROWS, n), jnp.float32)],
        compiler_params=pltpu.CompilerParams(
            dimension_semantics=("parallel", "parallel")),
    )(posT, pos, x, wkT, bk2, wvT, bv2)


def _sc_gather_one(tab, idx_flat):
    m = idx_flat.shape[1]
    d = tab.shape[1]
    mesh = plsc.VectorSubcoreMesh(core_axis_name="core",
                                  subcore_axis_name="subcore")

    @functools.partial(
        pl.kernel,
        out_type=jax.ShapeDtypeStruct((m, d), jnp.float32),
        mesh=mesh,
    )
    def gather_kernel(tab_hbm, i_hbm, o_hbm):
        def body(i_vmem, o_vmem):
            pltpu.sync_copy(tab_hbm.at[i_vmem.at[0]], o_vmem)

        pltpu.emit_pipeline(
            body,
            grid=(m // GW,),
            in_specs=[pl.BlockSpec((1, GW), lambda i: (0, i))],
            out_specs=[pl.BlockSpec((GW, d), lambda i: (i, 0))],
            core_axis_name=("core", "subcore"),
            dimension_semantics=(pltpu.PARALLEL,),
        )(i_hbm, o_hbm)

    return gather_kernel(tab, idx_flat)




def _acos_poly(r):
    ax = jnp.abs(r)
    p = (-0.0012624911 + 0.0066700901 * ax)
    p = (-0.0170881256 + ax * p)
    p = (0.0308918810 + ax * p)
    p = (-0.0501743046 + ax * p)
    p = (0.0889789874 + ax * p)
    p = (-0.2145988016 + ax * p)
    p = (1.5707963050 + ax * p)
    base = jnp.sqrt(jnp.maximum(1.0 - ax, 0.0)) * p
    return jnp.where(r >= 0.0, base, np.pi - base)


def _cos_sin_small(y):
    y2 = y * y
    c = 1.0 + y2 * (-0.5 + y2 * (1.0 / 24.0 + y2 * (-1.0 / 720.0
        + y2 * (1.0 / 40320.0 - y2 * (1.0 / 3628800.0)))))
    s = y * (1.0 + y2 * (-1.0 / 6.0 + y2 * (1.0 / 120.0 + y2 * (-1.0 / 5040.0
        + y2 * (1.0 / 362880.0)))))
    return c, s


def _attn_geo_body(x_ref, wqT_ref, bq_ref, k3_ref, nd_ref, kx_ref, ky_ref,
                   kz_ref, kfg_ref, vfg_ref, wge1T_ref, bge1_ref, wge2T_ref,
                   bge2_ref, wgaT_ref, bga_ref, woT_ref, bo_ref, out_ref):
    d = x_ref.shape[2]
    hd = d // 4
    nh = 4

    nd = nd_ref[0]
    mean_d = jnp.mean(nd, axis=1, keepdims=True)
    dev = nd - mean_d
    std_d = jnp.sqrt(jnp.sum(dev * dev, axis=1, keepdims=True) / (KNN - 1))

    kxm = kx_ref[0]
    kym = ky_ref[0]
    kzm = kz_ref[0]
    xs = [kxm[:, k:k + 1] for k in range(KNN)]
    ys = [kym[:, k:k + 1] for k in range(KNN)]
    zs = [kzm[:, k:k + 1] for k in range(KNN)]
    cx = sum(xs) / KNN
    cy = sum(ys) / KNN
    cz = sum(zs) / KNN

    k3 = k3_ref[0]
    rcx = k3[:, 0:1] - cx
    rcy = k3[:, 1:2] - cy
    rcz = k3[:, 2:3] - cz

    a00 = a01 = a02 = a11 = a12 = a22 = 0.0
    for k in range(KNN):
        ex = _b16(xs[k] - cx)
        ey = _b16(ys[k] - cy)
        ez = _b16(zs[k] - cz)
        a00 += ex * ex
        a01 += ex * ey
        a02 += ex * ez
        a11 += ey * ey
        a12 += ey * ez
        a22 += ez * ez
    a00 /= KNN; a01 /= KNN; a02 /= KNN
    a11 /= KNN; a12 /= KNN; a22 /= KNN

    q = (a00 + a11 + a22) / 3.0
    p1 = a01 * a01 + a02 * a02 + a12 * a12
    d0 = a00 - q
    d1 = a11 - q
    d2m = a22 - q
    p2 = d0 * d0 + d1 * d1 + d2m * d2m + 2.0 * p1
    p = jnp.sqrt(jnp.maximum(p2, 0.0) / 6.0)
    ps = jnp.maximum(p, 1e-20)
    b00 = d0 / ps; b11 = d1 / ps; b22 = d2m / ps
    b01 = a01 / ps; b02 = a02 / ps; b12 = a12 / ps
    detb = (b00 * (b11 * b22 - b12 * b12)
            - b01 * (b01 * b22 - b12 * b02)
            + b02 * (b01 * b12 - b11 * b02))
    r = jnp.clip(detb / 2.0, -1.0, 1.0)
    phi = _acos_poly(r) / 3.0
    cphi, sphi = _cos_sin_small(phi)
    eig_max = q + 2.0 * p * cphi
    eig_min = q - p * (cphi + np.sqrt(3.0) * sphi)
    degen = p2 < 1e-30
    eig_max = jnp.where(degen, q, eig_max)
    eig_min = jnp.where(degen, q, eig_min)
    anis = eig_max / (eig_min + 1e-8)

    ga = jnp.concatenate([mean_d, mean_d, std_d, rcx, rcy, rcz, anis],
                         axis=1)
    h1 = jnp.maximum(
        jnp.dot(ga.astype(jnp.bfloat16), wge1T_ref[...],
                preferred_element_type=jnp.float32) + bge1_ref[...], 0.0)
    ge = jnp.dot(h1.astype(jnp.bfloat16), wge2T_ref[...],
                 preferred_element_type=jnp.float32) + bge2_ref[...]

    x16 = x_ref[0].astype(jnp.bfloat16)
    qm = jnp.dot(x16, wqT_ref[...],
                 preferred_element_type=jnp.float32) + bq_ref[...]

    kfg = kfg_ref[0]
    vfg = vfg_ref[0]
    wgaT = wgaT_ref[...]
    bga = bga_ref[...]
    scale = 1.0 / np.sqrt(hd)

    attn_cols = []
    for k in range(KNN):
        kk = kfg[:, d * k:d * (k + 1)]
        prod = qm * kk
        s_h = [jnp.sum(prod[:, hd * h:hd * (h + 1)], axis=1, keepdims=True)
               for h in range(nh)]
        s_k = jnp.concatenate(s_h, axis=1) * scale
        gf_k = jnp.concatenate(
            [nd[:, k:k + 1], mean_d, std_d, rcx, rcy, rcz, anis], axis=1)
        bias_k = jnp.dot(gf_k.astype(jnp.bfloat16), wgaT,
                         preferred_element_type=jnp.float32) + bga
        attn_cols.append(s_k + bias_k)

    agg = jnp.zeros_like(qm)
    aw_cols = [[None] * KNN for _ in range(nh)]
    for h in range(nh):
        a_h = jnp.concatenate([attn_cols[k][:, h:h + 1] for k in range(KNN)],
                              axis=1)
        a_h = a_h - jnp.max(a_h, axis=1, keepdims=True)
        e_h = jnp.exp(a_h)
        w_h = e_h / jnp.sum(e_h, axis=1, keepdims=True)
        for k in range(KNN):
            aw_cols[h][k] = w_h[:, k:k + 1]
    rr = qm.shape[0]
    for k in range(KNN):
        sc = jnp.concatenate(
            [jnp.broadcast_to(aw_cols[h][k], (rr, hd)) for h in range(nh)],
            axis=1)
        agg += sc * vfg[:, d * k:d * (k + 1)]

    out_ref[0] = ge + jnp.dot(agg.astype(jnp.bfloat16), woT_ref[...],
                              preferred_element_type=jnp.float32) + bo_ref[...]


def _run_attn_geo(x, wqT, bq2, kpt_3d, nd, kx, ky, kz, kfg, vfg,
                  wge1T, bge12, wge2T, bge22, wgaT, bga2, woT, bo2):
    b, n, d = x.shape
    grid = (b, n // ROWS)
    full = lambda bi, ri: (0, 0)
    rows = lambda bi, ri: (bi, ri, 0)
    return pl.pallas_call(
        _attn_geo_body,
        grid=grid,
        in_specs=[
            pl.BlockSpec((1, ROWS, d), rows),
            pl.BlockSpec((d, d), full),
            pl.BlockSpec((1, d), full),
            pl.BlockSpec((1, ROWS, 3), rows),
            pl.BlockSpec((1, ROWS, KNN), rows),
            pl.BlockSpec((1, ROWS, KNN), rows),
            pl.BlockSpec((1, ROWS, KNN), rows),
            pl.BlockSpec((1, ROWS, KNN), rows),
            pl.BlockSpec((1, ROWS, KNN * d), rows),
            pl.BlockSpec((1, ROWS, KNN * d), rows),
            pl.BlockSpec((7, 64), full),
            pl.BlockSpec((1, 64), full),
            pl.BlockSpec((64, d), full),
            pl.BlockSpec((1, d), full),
            pl.BlockSpec((7, 4), full),
            pl.BlockSpec((1, 4), full),
            pl.BlockSpec((d, d), full),
            pl.BlockSpec((1, d), full),
        ],
        out_specs=[pl.BlockSpec((1, ROWS, d), rows)],
        out_shape=[jax.ShapeDtypeStruct((b, n, d), jnp.float32)],
        compiler_params=pltpu.CompilerParams(
            dimension_semantics=("parallel", "parallel")),
    )(x, wqT, bq2, kpt_3d, nd, kx, ky, kz, kfg, vfg,
      wge1T, bge12, wge2T, bge22, wgaT, bga2, woT, bo2)[0]


@jax.jit
def kernel(kpt_feature, kpt_3d, W_ge1, b_ge1, W_ge2, b_ge2, Wq, bq, Wk, bk,
           Wv, bv, Wga, bga, Wo, bo):
    b, n, d = kpt_feature.shape

    b16 = jnp.bfloat16
    wkT = Wk.T.astype(b16)
    wvT = Wv.T.astype(b16)
    wqT = Wq.T.astype(b16)
    wge1T = W_ge1.T.astype(b16)
    wge2T = W_ge2.T.astype(b16)
    wgaT = Wga.T.astype(b16)
    woT = Wo.T.astype(b16)

    outs = []
    for lo, hi in ((0, b // 2), (b // 2, b)):
        bh = hi - lo
        pf = kpt_feature[lo:hi]
        p3 = kpt_3d[lo:hi]
        posT = jnp.transpose(p3, (0, 2, 1))
        gidx, nd, kx, ky, kz, kf, vf = _run_topk_proj(
            posT, p3, pf, wkT, bk.reshape(1, d), wvT, bv.reshape(1, d))

        idx_flat = gidx.reshape(1, bh * n * KNN)
        kf_g = _sc_gather_one(kf.reshape(bh * n, d), idx_flat)
        vf_g = _sc_gather_one(vf.reshape(bh * n, d), idx_flat)

        outs.append(_run_attn_geo(
            pf, wqT, bq.reshape(1, d), p3, nd, kx, ky, kz,
            kf_g.reshape(bh, n, KNN * d), vf_g.reshape(bh, n, KNN * d),
            wge1T, b_ge1.reshape(1, 64), wge2T, b_ge2.reshape(1, d),
            wgaT, bga.reshape(1, 4), woT, bo.reshape(1, d)))
    return jnp.concatenate(outs, axis=0)

# --- scband reference (transcript-rebuilt; emitter-appended) ---
"""Pipeline reference for scband-vectorized-geometric-consistency-graph-5274219840019 (READ-ONLY COPY).

The authoritative reference and input builder live on the scoring server;
editing this copy changes nothing except your own understanding.
"""

import jax, jax.numpy as jnp
import numpy as np

B, N, D, H, K = 8, 2048, 256, 4, 8

def setup_inputs(seed: int = 0) -> dict:
    key = jax.random.key(seed)
    ks = jax.random.split(key, 12)
    def lin(k, out_d, in_d):
        return (jax.random.normal(k, (out_d, in_d), jnp.float32) / np.sqrt(in_d)).astype(jnp.float32)
    return {
        "kpt_feature": jax.random.normal(ks[0], (B, N, D), jnp.float32),
        "kpt_3d": jax.random.normal(ks[1], (B, N, 3), jnp.float32),
        "W_ge1": lin(ks[2], 64, 7), "b_ge1": jnp.zeros((64,), jnp.float32),
        "W_ge2": lin(ks[3], D, 64), "b_ge2": jnp.zeros((D,), jnp.float32),
        "Wq": lin(ks[4], D, D), "bq": jnp.zeros((D,), jnp.float32),
        "Wk": lin(ks[5], D, D), "bk": jnp.zeros((D,), jnp.float32),
        "Wv": lin(ks[6], D, D), "bv": jnp.zeros((D,), jnp.float32),
        "Wga": lin(ks[7], H, 7), "bga": jnp.zeros((H,), jnp.float32),
        "Wo": lin(ks[8], D, D), "bo": jnp.zeros((D,), jnp.float32),
    }

def reference(kpt_feature, kpt_3d, W_ge1, b_ge1, W_ge2, b_ge2, Wq, bq, Wk, bk, Wv, bv, Wga, bga, Wo, bo):
    b, n, d = kpt_feature.shape
    hd = d // H
    # pairwise distances (cdist)
    sq = jnp.sum(kpt_3d ** 2, axis=-1)
    d2 = sq[:, :, None] + sq[:, None, :] - 2.0 * jnp.einsum('bnc,bmc->bnm', kpt_3d, kpt_3d)
    dist = jnp.where(d2 > 1e-12, jnp.sqrt(jnp.maximum(d2, 1e-12)), 0.0)
    # kNN (exclude self at rank 0)
    knn_idx = jnp.argsort(dist, axis=2)[:, :, 1:K + 1]  # (b, n, K)
    bidx = jnp.arange(b)[:, None, None]
    knn_pos = kpt_3d[bidx, knn_idx]                      # (b, n, K, 3)
    # geometry features
    nd = jnp.take_along_axis(dist, knn_idx, axis=2)      # (b, n, K)
    mean_d = jnp.mean(nd, axis=2, keepdims=True)
    std_d = jnp.std(nd, axis=2, keepdims=True, ddof=1)
    centroid = jnp.mean(knn_pos, axis=2)                 # (b, n, 3)
    rel_c = kpt_3d - centroid
    cen = knn_pos - centroid[:, :, None, :]
    cov = jnp.einsum('bnkx,bnky->bnxy', cen, cen) / K
    eig = jnp.linalg.eigvalsh(cov)                       # (b, n, 3)
    anis = eig[..., -1] / (eig[..., 0] + 1e-8)
    gf = jnp.concatenate([
        nd[..., None],
        jnp.broadcast_to(mean_d[:, :, None, :], (b, n, K, 1)),
        jnp.broadcast_to(std_d[:, :, None, :], (b, n, K, 1)),
        jnp.broadcast_to(rel_c[:, :, None, :], (b, n, K, 3)),
        jnp.broadcast_to(anis[:, :, None, None], (b, n, K, 1)),
    ], axis=-1)                                          # (b, n, K, 7)
    ga = jnp.mean(gf, axis=2)                            # (b, n, 7)
    ge = jax.nn.relu(ga @ W_ge1.T + b_ge1) @ W_ge2.T + b_ge2
    # kNN attention
    knn_feat = kpt_feature[bidx, knn_idx]                # (b, n, K, d)
    Q = (kpt_feature @ Wq.T + bq).reshape(b, n, H, hd)
    Kt = (knn_feat @ Wk.T + bk).reshape(b, n, K, H, hd)
    V = (knn_feat @ Wv.T + bv).reshape(b, n, K, H, hd)
    attn = jnp.sum(Q[:, :, None] * Kt, axis=-1) / np.sqrt(hd)  # (b, n, K, H)
    attn = attn + gf @ Wga.T + bga
    aw = jax.nn.softmax(attn, axis=2)
    agg = jnp.sum(aw[..., None] * V, axis=2).reshape(b, n, d)
    return ge + agg @ Wo.T + bo

if __name__ == "__main__":
    import jax
    _d = setup_inputs()
    print(jax.jit(kernel)(*tuple(_d.values())))

</pallas_src>

<mosaic_0001>
#map = affine_map<(d0, d1) -> (0, 0)>
module attributes {stable_mosaic.version = 14 : i64} {
  func.func @gather_kernel(%arg0: i32, %arg1: i32, %arg2: memref<8192x256xf32, #tpu.memory_space<hbm>>, %arg3: memref<1x65536xi32, #tpu.memory_space<hbm>>, %arg4: memref<65536x256xf32, #tpu.memory_space<hbm>>) attributes {dimension_semantics = [#tpu.dimension_semantics<core_parallel>, #tpu.dimension_semantics<subcore_parallel>], iteration_bounds = array<i64: 2, 16>, scalar_prefetch = 0 : i64, scratch_operands = 0 : i64, tpu.core_type = #tpu.core_type<sc_vector_subcore>, window_params = [{transform_indices = #map}, {transform_indices = #map}, {transform_indices = #map}]} {
    %mul3A = arith.constant 1 : i32
    %mul3A_0 = arith.muli %arg1, %mul3A : i32
    %add3A = arith.constant 0 : i32
    %add3A_1 = arith.addi %add3A, %mul3A_0 : i32
    %mul3A_2 = arith.constant 16 : i32
    %mul3A_3 = arith.muli %arg0, %mul3A_2 : i32
    %add3A_4 = arith.addi %add3A_1, %mul3A_3 : i32
    %mul3A_5 = arith.constant 16 : i32
    %mul3A_6 = arith.muli %add3A_4, %mul3A_5 : i32
    "tpu.region"() ({
      %run_scoped3A = memref.alloca() : memref<2x1x128xi32, #tpu.memory_space<vmem>>
      %run_scoped3A_7 = tpu.sem_alloc : memref<2x!tpu.dma_semaphore, #tpu.memory_space<semaphore_mem>>
      %run_scoped3A_8 = memref.alloca() : memref<2x128x256xf32, #tpu.memory_space<vmem>>
      %run_scoped3A_9 = tpu.sem_alloc : memref<2x!tpu.dma_semaphore, #tpu.memory_space<semaphore_mem>>
      %add3A_10 = arith.constant 0 : i32
      %add3A_11 = arith.addi %add3A_10, %mul3A_6 : i32
      %select_n3A = arith.constant true
      %select_n3A_12 = arith.constant 0 : i32
      %select_n3A_13 = arith.constant -1 : i32
      %select_n3A_14 = arith.select %select_n3A, %select_n3A_13, %select_n3A_12 : i32
      %eq3A = arith.constant -1 : i32
      %eq3A_15 = arith.cmpi eq, %select_n3A_14, %eq3A : i32
      %select_n3A_16 = arith.constant 15 : i32
      %select_n3A_17 = arith.select %eq3A_15, %select_n3A_16, %select_n3A_14 : i32
      %add3A_18 = arith.addi %select_n3A_17, %mul3A_6 : i32
      %select_n3A_19 = arith.constant true
      %select_n3A_20 = arith.constant 0 : i32
      %select_n3A_21 = arith.constant 1 : i32
      %select_n3A_22 = arith.select %select_n3A_19, %select_n3A_21, %select_n3A_20 : i32
      %eq3A_23 = arith.constant 16 : i32
      %eq3A_24 = arith.cmpi eq, %select_n3A_22, %eq3A_23 : i32
      %select_n3A_25 = arith.constant 0 : i32
      %select_n3A_26 = arith.select %eq3A_24, %select_n3A_25, %select_n3A_22 : i32
      %add3A_27 = arith.addi %select_n3A_26, %mul3A_6 : i32
      %add3A_28 = arith.constant 1 : i32
      %add3A_29 = arith.addi %select_n3A_26, %add3A_28 : i32
      %select_n3A_30 = arith.constant true
      %select_n3A_31 = arith.select %select_n3A_30, %add3A_29, %select_n3A_26 : i32
      %eq3A_32 = arith.constant 16 : i32
      %eq3A_33 = arith.cmpi eq, %select_n3A_31, %eq3A_32 : i32
      %select_n3A_34 = arith.constant 0 : i32
      %select_n3A_35 = arith.select %eq3A_33, %select_n3A_34, %select_n3A_31 : i32
      %add3A_36 = arith.addi %select_n3A_35, %mul3A_6 : i32
      "tpu.trace_start"() <{level = 10 : i32, message = "ep_initialize_0"}> : () -> ()
      %rem3A = arith.constant 0 : i32
      %rem3A_37 = arith.constant 2 : i32
      %rem3A_38 = arith.remui %rem3A, %rem3A_37 : i32
      %mul3A_39 = arith.constant 128 : i32
      %mul3A_40 = arith.muli %mul3A_39, %add3A_11 : i32
      %dma_start3A = arith.constant 0 : i32
      %dma_start3A_41 = arith.constant 0 : i32
      %dma_start3A_42 = tpu.memref_slice %run_scoped3A[%rem3A_38, %dma_start3A, %dma_start3A_41] : memref<2x1x128xi32, #tpu.memory_space<vmem>> -> memref<1x1x128xi32, #tpu.memory_space<vmem>>
      %dma_start3A_43 = tpu.memref_squeeze %dma_start3A_42 : memref<1x1x128xi32, #tpu.memory_space<vmem>> -> memref<1x128xi32, #tpu.memory_space<vmem>>
      %dma_start3A_44 = arith.constant 0 : i32
      %dma_start3A_45 = tpu.memref_slice %arg3[%dma_start3A_44, %mul3A_40] : memref<1x65536xi32, #tpu.memory_space<hbm>> -> memref<1x128xi32, #tpu.memory_space<hbm>>
      %dma_start3A_46 = tpu.memref_slice %run_scoped3A_7[%rem3A_38] : memref<2x!tpu.dma_semaphore, #tpu.memory_space<semaphore_mem>> -> memref<1x!tpu.dma_semaphore, #tpu.memory_space<semaphore_mem>>
      %dma_start3A_47 = tpu.memref_squeeze %dma_start3A_46 : memref<1x!tpu.dma_semaphore, #tpu.memory_space<semaphore_mem>> -> memref<!tpu.dma_semaphore, #tpu.memory_space<semaphore_mem>>
      %dma_start3A_48 = arith.constant 0 : i32
      %dma_start3A_49 = arith.constant 0 : i32
      %dma_start3A_50 = tpu.memref_slice %run_scoped3A[%rem3A_38, %dma_start3A_48, %dma_start3A_49] : memref<2x1x128xi32, #tpu.memory_space<vmem>> -> memref<1x1x128xi32, #tpu.memory_space<vmem>>
      %dma_start3A_51 = tpu.memref_squeeze %dma_start3A_50 : memref<1x1x128xi32, #tpu.memory_space<vmem>> -> memref<1x128xi32, #tpu.memory_space<vmem>>
      %dma_start3A_52 = arith.constant 0 : i32
      %dma_start3A_53 = tpu.memref_slice %arg3[%dma_start3A_52, %mul3A_40] : memref<1x65536xi32, #tpu.memory_space<hbm>> -> memref<1x128xi32, #tpu.memory_space<hbm>>
      tpu.enqueue_dma source(%dma_start3A_53 : memref<1x128xi32, #tpu.memory_space<hbm>>) target(%dma_start3A_51 : memref<1x128xi32, #tpu.memory_space<vmem>>) target_semaphore(%dma_start3A_47 : memref<!tpu.dma_semaphore, #tpu.memory_space<semaphore_mem>>)
      %add3A_54 = arith.constant 0 : i32
      %add3A_55 = arith.constant 1 : i32
      %add3A_56 = arith.addi %add3A_54, %add3A_55 : i32
      %select_n3A_57 = arith.constant true
      %select_n3A_58 = arith.constant 0 : i32
      %select_n3A_59 = arith.select %select_n3A_57, %add3A_56, %select_n3A_58 : i32
      "tpu.trace_stop"() : () -> ()
      %scan3A = arith.constant 0 : i32
      %scan3A_60 = arith.constant 0 : i32
      %scan3A_61 = arith.constant 0 : i32
      %scan3A_62 = arith.constant 0 : i32
      %scan3A_63 = arith.constant 0 : i32
      %scan3A_64 = arith.constant 16 : i32
      %scan3A_65 = arith.addi %scan3A_63, %scan3A_64 : i32
      %scan3A_66 = arith.constant 1 : i32
      %scan3A_67:5 = scf.for %scan3A_121 = %scan3A_63 to %scan3A_65 step %scan3A_66 iter_args(%scan3A_122 = %select_n3A_59, %scan3A_123 = %scan3A, %scan3A_124 = %scan3A_60, %scan3A_125 = %scan3A_61, %scan3A_126 = %scan3A_62) -> (i32, i32, i32, i32, i32)  : i32 {
        %eq3A_127 = arith.constant 0 : i32
        %eq3A_128 = arith.cmpi eq, %scan3A_121, %eq3A_127 : i32
        %eq3A_129 = arith.constant 15 : i32
        %eq3A_130 = arith.cmpi eq, %scan3A_121, %eq3A_129 : i32
        %add3A_131 = arith.addi %scan3A_126, %mul3A_6 : i32
        %sub3A_132 = arith.constant 1 : i32
        %sub3A_133 = arith.subi %scan3A_126, %sub3A_132 : i32
        %select_n3A_134 = arith.constant true
        %select_n3A_135 = arith.select %select_n3A_134, %sub3A_133, %scan3A_126 : i32
        %eq3A_136 = arith.constant -1 : i32
        %eq3A_137 = arith.cmpi eq, %select_n3A_135, %eq3A_136 : i32
        %select_n3A_138 = arith.constant 15 : i32
        %select_n3A_139 = arith.select %eq3A_137, %select_n3A_138, %select_n3A_135 : i32
        %add3A_140 = arith.addi %select_n3A_139, %mul3A_6 : i32
        %add3A_141 = arith.constant 1 : i32
        %add3A_142 = arith.addi %scan3A_126, %add3A_141 : i32
        %select_n3A_143 = arith.constant true
        %select_n3A_144 = arith.select %select_n3A_143, %add3A_142, %scan3A_126 : i32
        %eq3A_145 = arith.constant 16 : i32
        %eq3A_146 = arith.cmpi eq, %select_n3A_144, %eq3A_145 : i32
        %select_n3A_147 = arith.constant 0 : i32
        %select_n3A_148 = arith.select %eq3A_146, %select_n3A_147, %select_n3A_144 : i32
        %add3A_149 = arith.addi %select_n3A_148, %mul3A_6 : i32
        %add3A_150 = arith.constant 1 : i32
        %add3A_151 = arith.addi %select_n3A_148, %add3A_150 : i32
        %select_n3A_152 = arith.constant true
        %select_n3A_153 = arith.select %select_n3A_152, %add3A_151, %select_n3A_148 : i32
        %eq3A_154 = arith.constant 16 : i32
        %eq3A_155 = arith.cmpi eq, %select_n3A_153, %eq3A_154 : i32
        %select_n3A_156 = arith.constant 0 : i32
        %select_n3A_157 = arith.select %eq3A_155, %select_n3A_156, %select_n3A_153 : i32
        %add3A_158 = arith.addi %select_n3A_157, %mul3A_6 : i32
        %ne3A = arith.cmpi ne, %add3A_131, %add3A_149 : i32
        %or3A = arith.constant false
        %or3A_159 = arith.ori %or3A, %ne3A : i1
        %ge3A = arith.constant 15 : i32
        %ge3A_160 = arith.cmpi sge, %scan3A_121, %ge3A : i32
        %not3A = arith.constant true
        %not3A_161 = arith.xori %ge3A_160, %not3A : i1
        %and3A = arith.andi %or3A_159, %not3A_161 : i1
        %convert_element_type3A = arith.extui %and3A : i1 to i32
        %cond3A = arith.constant 0 : i32
        %cond3A_162 = arith.cmpi ne, %convert_element_type3A, %cond3A : i32
        scf.if %cond3A_162 {
          "tpu.trace_start"() <{level = 10 : i32, message = "ep_copy_in"}> : () -> ()
          %rem3A_264 = arith.constant 2 : i32
          %rem3A_265 = arith.remui %scan3A_122, %rem3A_264 : i32
          %mul3A_266 = arith.constant 128 : i32
          %mul3A_267 = arith.muli %mul3A_266, %add3A_149 : i32
          %dma_start3A_268 = arith.constant 0 : i32
          %dma_start3A_269 = arith.constant 0 : i32
          %dma_start3A_270 = tpu.memref_slice %run_scoped3A[%rem3A_265, %dma_start3A_268, %dma_start3A_269] : memref<2x1x128xi32, #tpu.memory_space<vmem>> -> memref<1x1x128xi32, #tpu.memory_space<vmem>>
          %dma_start3A_271 = tpu.memref_squeeze %dma_start3A_270 : memref<1x1x128xi32, #tpu.memory_space<vmem>> -> memref<1x128xi32, #tpu.memory_space<vmem>>
          %dma_start3A_272 = arith.constant 0 : i32
          %dma_start3A_273 = tpu.memref_slice %arg3[%dma_start3A_272, %mul3A_267] : memref<1x65536xi32, #tpu.memory_space<hbm>> -> memref<1x128xi32, #tpu.memory_space<hbm>>
          %dma_start3A_274 = tpu.memref_slice %run_scoped3A_7[%rem3A_265] : memref<2x!tpu.dma_semaphore, #tpu.memory_space<semaphore_mem>> -> memref<1x!tpu.dma_semaphore, #tpu.memory_space<semaphore_mem>>
          %dma_start3A_275 = tpu.memref_squeeze %dma_start3A_274 : memref<1x!tpu.dma_semaphore, #tpu.memory_space<semaphore_mem>> -> memref<!tpu.dma_semaphore, #tpu.memory_space<semaphore_mem>>
          %dma_start3A_276 = arith.constant 0 : i32
          %dma_start3A_277 = arith.constant 0 : i32
          %dma_start3A_278 = tpu.memref_slice %run_scoped3A[%rem3A_265, %dma_start3A_276, %dma_start3A_277] : memref<2x1x128xi32, #tpu.memory_space<vmem>> -> memref<1x1x128xi32, #tpu.memory_space<vmem>>
          %dma_start3A_279 = tpu.memref_squeeze %dma_start3A_278 : memref<1x1x128xi32, #tpu.memory_space<vmem>> -> memref<1x128xi32, #tpu.memory_space<vmem>>
          %dma_start3A_280 = arith.constant 0 : i32
          %dma_start3A_281 = tpu.memref_slice %arg3[%dma_start3A_280, %mul3A_267] : memref<1x65536xi32, #tpu.memory_space<hbm>> -> memref<1x128xi32, #tpu.memory_space<hbm>>
          tpu.enqueue_dma source(%dma_start3A_281 : memref<1x128xi32, #tpu.memory_space<hbm>>) target(%dma_start3A_279 : memref<1x128xi32, #tpu.memory_space<vmem>>) target_semaphore(%dma_start3A_275 : memref<!tpu.dma_semaphore, #tpu.memory_space<semaphore_mem>>)
          "tpu.trace_stop"() : () -> ()
        } else {
        }
        %and3A_163 = arith.constant true
        %and3A_164 = arith.andi %and3A, %and3A_163 : i1
        %add3A_165 = arith.constant 1 : i32
        %add3A_166 = arith.addi %scan3A_122, %add3A_165 : i32
        %select_n3A_167 = arith.select %and3A_164, %add3A_166, %scan3A_122 : i32
        %ne3A_168 = arith.cmpi ne, %add3A_131, %add3A_149 : i32
        %or3A_169 = arith.constant false
        %or3A_170 = arith.ori %or3A_169, %ne3A_168 : i1
        %or3A_171 = arith.constant false
        %or3A_172 = arith.ori %or3A_170, %or3A_171 : i1
        %ge3A_173 = arith.constant 15 : i32
        %ge3A_174 = arith.cmpi sge, %scan3A_121, %ge3A_173 : i32
        %not3A_175 = arith.constant true
        %not3A_176 = arith.xori %ge3A_174, %not3A_175 : i1
        %and3A_177 = arith.andi %or3A_172, %not3A_176 : i1
        %ne3A_178 = arith.cmpi ne, %add3A_131, %add3A_140 : i32
        %or3A_179 = arith.constant false
        %or3A_180 = arith.ori %or3A_179, %ne3A_178 : i1
        %or3A_181 = arith.ori %or3A_180, %eq3A_128 : i1
        %convert_element_type3A_182 = arith.extui %or3A_181 : i1 to i32
        %cond3A_183 = arith.constant 0 : i32
        %cond3A_184 = arith.cmpi ne, %convert_element_type3A_182, %cond3A_183 : i32
        scf.if %cond3A_184 {
          "tpu.trace_start"() <{level = 10 : i32, message = "ep_wait_in"}> : () -> ()
          %mul3A_264 = arith.constant 128 : i32
          %mul3A_265 = arith.muli %mul3A_264, %add3A_131 : i32
          %rem3A_266 = arith.constant 2 : i32
          %rem3A_267 = arith.remui %scan3A_123, %rem3A_266 : i32
          %dma_wait3A_268 = arith.constant 0 : i32
          %dma_wait3A_269 = arith.constant 0 : i32
          %dma_wait3A_270 = tpu.memref_slice %run_scoped3A[%rem3A_267, %dma_wait3A_268, %dma_wait3A_269] : memref<2x1x128xi32, #tpu.memory_space<vmem>> -> memref<1x1x128xi32, #tpu.memory_space<vmem>>
          %dma_wait3A_271 = tpu.memref_squeeze %dma_wait3A_270 : memref<1x1x128xi32, #tpu.memory_space<vmem>> -> memref<1x128xi32, #tpu.memory_space<vmem>>
          %dma_wait3A_272 = arith.constant 0 : i32
          %dma_wait3A_273 = tpu.memref_slice %arg3[%dma_wait3A_272, %mul3A_265] : memref<1x65536xi32, #tpu.memory_space<hbm>> -> memref<1x128xi32, #tpu.memory_space<hbm>>
          %dma_wait3A_274 = tpu.memref_slice %run_scoped3A_7[%rem3A_267] : memref<2x!tpu.dma_semaphore, #tpu.memory_space<semaphore_mem>> -> memref<1x!tpu.dma_semaphore, #tpu.memory_space<semaphore_mem>>
          %dma_wait3A_275 = tpu.memref_squeeze %dma_wait3A_274 : memref<1x!tpu.dma_semaphore, #tpu.memory_space<semaphore_mem>> -> memref<!tpu.dma_semaphore, #tpu.memory_space<semaphore_mem>>
          %dma_wait3A_276 = arith.constant 0 : i32
          %dma_wait3A_277 = arith.constant 0 : i32
          %dma_wait3A_278 = tpu.memref_slice %run_scoped3A[%rem3A_267, %dma_wait3A_276, %dma_wait3A_277] : memref<2x1x128xi32, #tpu.memory_space<vmem>> -> memref<1x1x128xi32, #tpu.memory_space<vmem>>
          %dma_wait3A_279 = tpu.memref_squeeze %dma_wait3A_278 : memref<1x1x128xi32, #tpu.memory_space<vmem>> -> memref<1x128xi32, #tpu.memory_space<vmem>>
          %dma_wait3A_280 = arith.constant 0 : i32
          %dma_wait3A_281 = tpu.memref_slice %arg3[%dma_wait3A_280, %mul3A_265] : memref<1x65536xi32, #tpu.memory_space<hbm>> -> memref<1x128xi32, #tpu.memory_space<hbm>>
          tpu.wait_dma2 semaphore(%dma_wait3A_275 : memref<!tpu.dma_semaphore, #tpu.memory_space<semaphore_mem>>) src(%dma_wait3A_281 : memref<1x128xi32, #tpu.memory_space<hbm>>) dst(%dma_wait3A_279 : memref<1x128xi32, #tpu.memory_space<vmem>>)
          "tpu.trace_stop"() : () -> ()
        } else {
        }
        %ne3A_185 = arith.cmpi ne, %add3A_131, %add3A_140 : i32
        %or3A_186 = arith.constant false
        %or3A_187 = arith.ori %or3A_186, %ne3A_185 : i1
        %or3A_188 = arith.constant false
        %or3A_189 = arith.ori %or3A_187, %or3A_188 : i1
        %or3A_190 = arith.ori %or3A_189, %eq3A_128 : i1
        %convert_element_type3A_191 = arith.extui %or3A_190 : i1 to i32
        %cond3A_192 = arith.constant 0 : i32
        %cond3A_193 = arith.cmpi ne, %convert_element_type3A_191, %cond3A_192 : i32
        scf.if %cond3A_193 {
        } else {
        }
        %rem3A_194 = arith.constant 2 : i32
        %rem3A_195 = arith.remui %scan3A_123, %rem3A_194 : i32
        %rem3A_196 = arith.constant 2 : i32
        %rem3A_197 = arith.remui %scan3A_124, %rem3A_196 : i32
        %run_scoped3A_198 = arith.constant 0 : i32
        "tpu.trace_start"() <{level = 10 : i32, message = "ep_run_kernel"}> : () -> ()
        "tpu.region"() ({
          %run_scoped3A_264 = tpu.sem_alloc : memref<!tpu.dma_semaphore, #tpu.memory_space<semaphore_mem>>
          %dma_start3A_265 = arith.constant 0 : i32
          %dma_start3A_266 = arith.constant 0 : i32
          %dma_start3A_267 = tpu.memref_slice %run_scoped3A_8[%rem3A_197, %dma_start3A_265, %dma_start3A_266] : memref<2x128x256xf32, #tpu.memory_space<vmem>> -> memref<1x128x256xf32, #tpu.memory_space<vmem>>
          %dma_start3A_268 = tpu.memref_squeeze %dma_start3A_267 : memref<1x128x256xf32, #tpu.memory_space<vmem>> -> memref<128x256xf32, #tpu.memory_space<vmem>>
          %dma_start3A_269 = arith.constant 0 : i32
          %dma_start3A_270 = arith.constant 0 : i32
          %dma_start3A_271 = tpu.memref_slice %run_scoped3A[%rem3A_195, %dma_start3A_269, %dma_start3A_270] : memref<2x1x128xi32, #tpu.memory_space<vmem>> -> memref<1x1x128xi32, #tpu.memory_space<vmem>>
          %dma_start3A_272 = tpu.memref_squeeze %dma_start3A_271 : memref<1x1x128xi32, #tpu.memory_space<vmem>> -> memref<1x128xi32, #tpu.memory_space<vmem>>
          %dma_start3A_273 = arith.constant 0 : i32
          %dma_start3A_274 = tpu.memref_slice %dma_start3A_272[%run_scoped3A_198, %dma_start3A_273] : memref<1x128xi32, #tpu.memory_space<vmem>> -> memref<1x128xi32, #tpu.memory_space<vmem>>
          %dma_start3A_275 = tpu.memref_squeeze %dma_start3A_274 : memref<1x128xi32, #tpu.memory_space<vmem>> -> memref<128xi32, #tpu.memory_space<vmem>>
          %dma_start3A_276 = arith.constant 0 : i32
          %dma_start3A_277 = arith.constant 0 : i32
          %dma_start3A_278 = tpu.memref_slice %arg2[%dma_start3A_276, %dma_start3A_277] : memref<8192x256xf32, #tpu.memory_space<hbm>> -> memref<8192x256xf32, #tpu.memory_space<hbm>>
          tpu.enqueue_indirect_dma source(%dma_start3A_278 : memref<8192x256xf32, #tpu.memory_space<hbm>>) target(%dma_start3A_268 : memref<128x256xf32, #tpu.memory_space<vmem>>) offsets(%dma_start3A_275 : memref<128xi32, #tpu.memory_space<vmem>>) semaphore(%run_scoped3A_264 : memref<!tpu.dma_semaphore, #tpu.memory_space<semaphore_mem>>)
          %dma_wait3A_279 = arith.constant 0 : i32
          %dma_wait3A_280 = arith.constant 0 : i32
          %dma_wait3A_281 = tpu.memref_slice %run_scoped3A_8[%rem3A_197, %dma_wait3A_279, %dma_wait3A_280] : memref<2x128x256xf32, #tpu.memory_space<vmem>> -> memref<1x128x256xf32, #tpu.memory_space<vmem>>
          %dma_wait3A_282 = tpu.memref_squeeze %dma_wait3A_281 : memref<1x128x256xf32, #tpu.memory_space<vmem>> -> memref<128x256xf32, #tpu.memory_space<vmem>>
          %dma_wait3A_283 = arith.constant 0 : i32
          %dma_wait3A_284 = arith.constant 0 : i32
          %dma_wait3A_285 = tpu.memref_slice %run_scoped3A[%rem3A_195, %dma_wait3A_283, %dma_wait3A_284] : memref<2x1x128xi32, #tpu.memory_space<vmem>> -> memref<1x1x128xi32, #tpu.memory_space<vmem>>
          %dma_wait3A_286 = tpu.memref_squeeze %dma_wait3A_285 : memref<1x1x128xi32, #tpu.memory_space<vmem>> -> memref<1x128xi32, #tpu.memory_space<vmem>>
          %dma_wait3A_287 = arith.constant 0 : i32
          %dma_wait3A_288 = tpu.memref_slice %dma_wait3A_286[%run_scoped3A_198, %dma_wait3A_287] : memref<1x128xi32, #tpu.memory_space<vmem>> -> memref<1x128xi32, #tpu.memory_space<vmem>>
          %dma_wait3A_289 = tpu.memref_squeeze %dma_wait3A_288 : memref<1x128xi32, #tpu.memory_space<vmem>> -> memref<128xi32, #tpu.memory_space<vmem>>
          %dma_wait3A_290 = arith.constant 0 : i32
          %dma_wait3A_291 = arith.constant 0 : i32
          %dma_wait3A_292 = tpu.memref_slice %arg2[%dma_wait3A_290, %dma_wait3A_291] : memref<8192x256xf32, #tpu.memory_space<hbm>> -> memref<8192x256xf32, #tpu.memory_space<hbm>>
          tpu.wait_indirect_dma semaphore(%run_scoped3A_264 : memref<!tpu.dma_semaphore, #tpu.memory_space<semaphore_mem>>) src(%dma_wait3A_292 : memref<8192x256xf32, #tpu.memory_space<hbm>>) dst(%dma_wait3A_282 : memref<128x256xf32, #tpu.memory_space<vmem>>)
          tpu.yield
        }) : () -> ()
        "tpu.trace_stop"() : () -> ()
        %ne3A_199 = arith.cmpi ne, %add3A_131, %add3A_149 : i32
        %or3A_200 = arith.constant false
        %or3A_201 = arith.ori %or3A_200, %ne3A_199 : i1
        %or3A_202 = arith.ori %or3A_201, %eq3A_130 : i1
        %convert_element_type3A_203 = arith.extui %or3A_202 : i1 to i32
        %cond3A_204 = arith.constant 0 : i32
        %cond3A_205 = arith.cmpi ne, %convert_element_type3A_203, %cond3A_204 : i32
        scf.if %cond3A_205 {
        } else {
        }
        %and3A_206 = arith.constant false
        %and3A_207 = arith.andi %or3A_202, %and3A_206 : i1
        %ne3A_208 = arith.cmpi ne, %add3A_131, %add3A_149 : i32
        %or3A_209 = arith.constant false
        %or3A_210 = arith.ori %or3A_209, %ne3A_208 : i1
        %or3A_211 = arith.constant false
        %or3A_212 = arith.ori %or3A_210, %or3A_211 : i1
        %or3A_213 = arith.ori %or3A_212, %eq3A_130 : i1
        %convert_element_type3A_214 = arith.extui %or3A_213 : i1 to i32
        %cond3A_215 = arith.constant 0 : i32
        %cond3A_216 = arith.cmpi ne, %convert_element_type3A_214, %cond3A_215 : i32
        scf.if %cond3A_216 {
          "tpu.trace_start"() <{level = 10 : i32, message = "ep_copy_out"}> : () -> ()
          %rem3A_264 = arith.constant 2 : i32
          %rem3A_265 = arith.remui %scan3A_124, %rem3A_264 : i32
          %mul3A_266 = arith.constant 128 : i32
          %mul3A_267 = arith.muli %mul3A_266, %add3A_131 : i32
          %dma_start3A_268 = arith.constant 0 : i32
          %dma_start3A_269 = arith.constant 0 : i32
          %dma_start3A_270 = tpu.memref_slice %run_scoped3A_8[%rem3A_265, %dma_start3A_268, %dma_start3A_269] : memref<2x128x256xf32, #tpu.memory_space<vmem>> -> memref<1x128x256xf32, #tpu.memory_space<vmem>>
          %dma_start3A_271 = tpu.memref_squeeze %dma_start3A_270 : memref<1x128x256xf32, #tpu.memory_space<vmem>> -> memref<128x256xf32, #tpu.memory_space<vmem>>
          %dma_start3A_272 = arith.constant 0 : i32
          %dma_start3A_273 = tpu.memref_slice %arg4[%mul3A_267, %dma_start3A_272] : memref<65536x256xf32, #tpu.memory_space<hbm>> -> memref<128x256xf32, #tpu.memory_space<hbm>>
          %dma_start3A_274 = tpu.memref_slice %run_scoped3A_9[%rem3A_265] : memref<2x!tpu.dma_semaphore, #tpu.memory_space<semaphore_mem>> -> memref<1x!tpu.dma_semaphore, #tpu.memory_space<semaphore_mem>>
          %dma_start3A_275 = tpu.memref_squeeze %dma_start3A_274 : memref<1x!tpu.dma_semaphore, #tpu.memory_space<semaphore_mem>> -> memref<!tpu.dma_semaphore, #tpu.memory_space<semaphore_mem>>
          %dma_start3A_276 = arith.constant 0 : i32
          %dma_start3A_277 = tpu.memref_slice %arg4[%mul3A_267, %dma_start3A_276] : memref<65536x256xf32, #tpu.memory_space<hbm>> -> memref<128x256xf32, #tpu.memory_space<hbm>>
          %dma_start3A_278 = arith.constant 0 : i32
          %dma_start3A_279 = arith.constant 0 : i32
          %dma_start3A_280 = tpu.memref_slice %run_scoped3A_8[%rem3A_265, %dma_start3A_278, %dma_start3A_279] : memref<2x128x256xf32, #tpu.memory_space<vmem>> -> memref<1x128x256xf32, #tpu.memory_space<vmem>>
          %dma_start3A_281 = tpu.memref_squeeze %dma_start3A_280 : memref<1x128x256xf32, #tpu.memory_space<vmem>> -> memref<128x256xf32, #tpu.memory_space<vmem>>
          tpu.enqueue_dma source(%dma_start3A_281 : memref<128x256xf32, #tpu.memory_space<vmem>>) target(%dma_start3A_277 : memref<128x256xf32, #tpu.memory_space<hbm>>) target_semaphore(%dma_start3A_275 : memref<!tpu.dma_semaphore, #tpu.memory_space<semaphore_mem>>)
          "tpu.trace_stop"() : () -> ()
        } else {
        }
        %and3A_217 = arith.constant true
        %and3A_218 = arith.andi %or3A_213, %and3A_217 : i1
        %add3A_219 = arith.constant 1 : i32
        %add3A_220 = arith.addi %scan3A_124, %add3A_219 : i32
        %select_n3A_221 = arith.select %and3A_218, %add3A_220, %scan3A_124 : i32
        %ne3A_222 = arith.cmpi ne, %add3A_131, %add3A_140 : i32
        %or3A_223 = arith.constant false
        %or3A_224 = arith.ori %or3A_223, %ne3A_222 : i1
        %not3A_225 = arith.constant true
        %not3A_226 = arith.xori %eq3A_128, %not3A_225 : i1
        %and3A_227 = arith.andi %or3A_224, %not3A_226 : i1
        %convert_element_type3A_228 = arith.extui %and3A_227 : i1 to i32
        %cond3A_229 = arith.constant 0 : i32
        %cond3A_230 = arith.cmpi ne, %convert_element_type3A_228, %cond3A_229 : i32
        scf.if %cond3A_230 {
        } else {
        }
        %and3A_231 = arith.constant false
        %and3A_232 = arith.andi %and3A_227, %and3A_231 : i1
        %ne3A_233 = arith.cmpi ne, %add3A_131, %add3A_140 : i32
        %or3A_234 = arith.constant false
        %or3A_235 = arith.ori %or3A_234, %ne3A_233 : i1
        %or3A_236 = arith.constant false
        %or3A_237 = arith.ori %or3A_235, %or3A_236 : i1
        %not3A_238 = arith.constant true
        %not3A_239 = arith.xori %eq3A_128, %not3A_238 : i1
        %and3A_240 = arith.andi %or3A_237, %not3A_239 : i1
        %convert_element_type3A_241 = arith.extui %and3A_240 : i1 to i32
        %cond3A_242 = arith.constant 0 : i32
        %cond3A_243 = arith.cmpi ne, %convert_element_type3A_241, %cond3A_242 : i32
        scf.if %cond3A_243 {
          "tpu.trace_start"() <{level = 10 : i32, message = "ep_wait_out"}> : () -> ()
          %rem3A_264 = arith.constant 2 : i32
          %rem3A_265 = arith.remui %scan3A_125, %rem3A_264 : i32
          %mul3A_266 = arith.constant 128 : i32
          %mul3A_267 = arith.muli %mul3A_266, %add3A_140 : i32
          %dma_wait3A_268 = arith.constant 0 : i32
          %dma_wait3A_269 = arith.constant 0 : i32
          %dma_wait3A_270 = tpu.memref_slice %run_scoped3A_8[%rem3A_265, %dma_wait3A_268, %dma_wait3A_269] : memref<2x128x256xf32, #tpu.memory_space<vmem>> -> memref<1x128x256xf32, #tpu.memory_space<vmem>>
          %dma_wait3A_271 = tpu.memref_squeeze %dma_wait3A_270 : memref<1x128x256xf32, #tpu.memory_space<vmem>> -> memref<128x256xf32, #tpu.memory_space<vmem>>
          %dma_wait3A_272 = arith.constant 0 : i32
          %dma_wait3A_273 = tpu.memref_slice %arg4[%mul3A_267, %dma_wait3A_272] : memref<65536x256xf32, #tpu.memory_space<hbm>> -> memref<128x256xf32, #tpu.memory_space<hbm>>
          %dma_wait3A_274 = tpu.memref_slice %run_scoped3A_9[%rem3A_265] : memref<2x!tpu.dma_semaphore, #tpu.memory_space<semaphore_mem>> -> memref<1x!tpu.dma_semaphore, #tpu.memory_space<semaphore_mem>>
          %dma_wait3A_275 = tpu.memref_squeeze %dma_wait3A_274 : memref<1x!tpu.dma_semaphore, #tpu.memory_space<semaphore_mem>> -> memref<!tpu.dma_semaphore, #tpu.memory_space<semaphore_mem>>
          %dma_wait3A_276 = arith.constant 0 : i32
          %dma_wait3A_277 = tpu.memref_slice %arg4[%mul3A_267, %dma_wait3A_276] : memref<65536x256xf32, #tpu.memory_space<hbm>> -> memref<128x256xf32, #tpu.memory_space<hbm>>
          %dma_wait3A_278 = arith.constant 0 : i32
          %dma_wait3A_279 = arith.constant 0 : i32
          %dma_wait3A_280 = tpu.memref_slice %run_scoped3A_8[%rem3A_265, %dma_wait3A_278, %dma_wait3A_279] : memref<2x128x256xf32, #tpu.memory_space<vmem>> -> memref<1x128x256xf32, #tpu.memory_space<vmem>>
          %dma_wait3A_281 = tpu.memref_squeeze %dma_wait3A_280 : memref<1x128x256xf32, #tpu.memory_space<vmem>> -> memref<128x256xf32, #tpu.memory_space<vmem>>
          tpu.wait_dma2 semaphore(%dma_wait3A_275 : memref<!tpu.dma_semaphore, #tpu.memory_space<semaphore_mem>>) src(%dma_wait3A_281 : memref<128x256xf32, #tpu.memory_space<vmem>>) dst(%dma_wait3A_277 : memref<128x256xf32, #tpu.memory_space<hbm>>)
          "tpu.trace_stop"() : () -> ()
        } else {
        }
        %and3A_244 = arith.constant true
        %and3A_245 = arith.andi %and3A_240, %and3A_244 : i1
        %add3A_246 = arith.constant 1 : i32
        %add3A_247 = arith.addi %scan3A_125, %add3A_246 : i32
        %select_n3A_248 = arith.select %and3A_245, %add3A_247, %scan3A_125 : i32
        %ne3A_249 = arith.cmpi ne, %add3A_131, %add3A_149 : i32
        %or3A_250 = arith.constant false
        %or3A_251 = arith.ori %or3A_250, %ne3A_249 : i1
        %or3A_252 = arith.ori %or3A_251, %eq3A_130 : i1
        %add3A_253 = arith.constant 1 : i32
        %add3A_254 = arith.addi %scan3A_123, %add3A_253 : i32
        %select_n3A_255 = arith.select %or3A_252, %add3A_254, %scan3A_123 : i32
        %add3A_256 = arith.constant 1 : i32
        %add3A_257 = arith.addi %scan3A_126, %add3A_256 : i32
        %select_n3A_258 = arith.constant true
        %select_n3A_259 = arith.select %select_n3A_258, %add3A_257, %scan3A_126 : i32
        %eq3A_260 = arith.constant 16 : i32
        %eq3A_261 = arith.cmpi eq, %select_n3A_259, %eq3A_260 : i32
        %select_n3A_262 = arith.constant 0 : i32
        %select_n3A_263 = arith.select %eq3A_261, %select_n3A_262, %select_n3A_259 : i32
        scf.yield %select_n3A_167, %select_n3A_255, %select_n3A_221, %select_n3A_248, %select_n3A_263 : i32, i32, i32, i32, i32
      }
      %scan3A_68 = arith.constant 16 : i32
      %sub3A = arith.constant 1 : i32
      %sub3A_69 = arith.subi %scan3A_67#4, %sub3A : i32
      %select_n3A_70 = arith.constant true
      %select_n3A_71 = arith.select %select_n3A_70, %sub3A_69, %scan3A_67#4 : i32
      %eq3A_72 = arith.constant -1 : i32
      %eq3A_73 = arith.cmpi eq, %select_n3A_71, %eq3A_72 : i32
      %select_n3A_74 = arith.constant 15 : i32
      %select_n3A_75 = arith.select %eq3A_73, %select_n3A_74, %select_n3A_71 : i32
      %add3A_76 = arith.addi %select_n3A_75, %mul3A_6 : i32
      %sub3A_77 = arith.constant 1 : i32
      %sub3A_78 = arith.subi %select_n3A_75, %sub3A_77 : i32
      %select_n3A_79 = arith.constant true
      %select_n3A_80 = arith.select %select_n3A_79, %sub3A_78, %select_n3A_75 : i32
      %eq3A_81 = arith.constant -1 : i32
      %eq3A_82 = arith.cmpi eq, %select_n3A_80, %eq3A_81 : i32
      %select_n3A_83 = arith.constant 15 : i32
      %select_n3A_84 = arith.select %eq3A_82, %select_n3A_83, %select_n3A_80 : i32
      %add3A_85 = arith.addi %select_n3A_84, %mul3A_6 : i32
      %add3A_86 = arith.constant 1 : i32
      %add3A_87 = arith.addi %select_n3A_75, %add3A_86 : i32
      %select_n3A_88 = arith.constant true
      %select_n3A_89 = arith.select %select_n3A_88, %add3A_87, %select_n3A_75 : i32
      %eq3A_90 = arith.constant 16 : i32
      %eq3A_91 = arith.cmpi eq, %select_n3A_89, %eq3A_90 : i32
      %select_n3A_92 = arith.constant 0 : i32
      %select_n3A_93 = arith.select %eq3A_91, %select_n3A_92, %select_n3A_89 : i32
      %add3A_94 = arith.addi %select_n3A_93, %mul3A_6 : i32
      %add3A_95 = arith.constant 1 : i32
      %add3A_96 = arith.addi %select_n3A_93, %add3A_95 : i32
      %select_n3A_97 = arith.constant true
      %select_n3A_98 = arith.select %select_n3A_97, %add3A_96, %select_n3A_93 : i32
      %eq3A_99 = arith.constant 16 : i32
      %eq3A_100 = arith.cmpi eq, %select_n3A_98, %eq3A_99 : i32
      %select_n3A_101 = arith.constant 0 : i32
      %select_n3A_102 = arith.select %eq3A_100, %select_n3A_101, %select_n3A_98 : i32
      %add3A_103 = arith.addi %select_n3A_102, %mul3A_6 : i32
      "tpu.trace_start"() <{level = 10 : i32, message = "ep_finalize"}> : () -> ()
      %rem3A_104 = arith.constant 2 : i32
      %rem3A_105 = arith.remui %scan3A_67#3, %rem3A_104 : i32
      %mul3A_106 = arith.constant 128 : i32
      %mul3A_107 = arith.muli %mul3A_106, %add3A_76 : i32
      %dma_wait3A = arith.constant 0 : i32
      %dma_wait3A_108 = arith.constant 0 : i32
      %dma_wait3A_109 = tpu.memref_slice %run_scoped3A_8[%rem3A_105, %dma_wait3A, %dma_wait3A_108] : memref<2x128x256xf32, #tpu.memory_space<vmem>> -> memref<1x128x256xf32, #tpu.memory_space<vmem>>
      %dma_wait3A_110 = tpu.memref_squeeze %dma_wait3A_109 : memref<1x128x256xf32, #tpu.memory_space<vmem>> -> memref<128x256xf32, #tpu.memory_space<vmem>>
      %dma_wait3A_111 = arith.constant 0 : i32
      %dma_wait3A_112 = tpu.memref_slice %arg4[%mul3A_107, %dma_wait3A_111] : memref<65536x256xf32, #tpu.memory_space<hbm>> -> memref<128x256xf32, #tpu.memory_space<hbm>>
      %dma_wait3A_113 = tpu.memref_slice %run_scoped3A_9[%rem3A_105] : memref<2x!tpu.dma_semaphore, #tpu.memory_space<semaphore_mem>> -> memref<1x!tpu.dma_semaphore, #tpu.memory_space<semaphore_mem>>
      %dma_wait3A_114 = tpu.memref_squeeze %dma_wait3A_113 : memref<1x!tpu.dma_semaphore, #tpu.memory_space<semaphore_mem>> -> memref<!tpu.dma_semaphore, #tpu.memory_space<semaphore_mem>>
      %dma_wait3A_115 = arith.constant 0 : i32
      %dma_wait3A_116 = tpu.memref_slice %arg4[%mul3A_107, %dma_wait3A_115] : memref<65536x256xf32, #tpu.memory_space<hbm>> -> memref<128x256xf32, #tpu.memory_space<hbm>>
      %dma_wait3A_117 = arith.constant 0 : i32
      %dma_wait3A_118 = arith.constant 0 : i32
      %dma_wait3A_119 = tpu.memref_slice %run_scoped3A_8[%rem3A_105, %dma_wait3A_117, %dma_wait3A_118] : memref<2x128x256xf32, #tpu.memory_space<vmem>> -> memref<1x128x256xf32, #tpu.memory_space<vmem>>
      %dma_wait3A_120 = tpu.memref_squeeze %dma_wait3A_119 : memref<1x128x256xf32, #tpu.memory_space<vmem>> -> memref<128x256xf32, #tpu.memory_space<vmem>>
      tpu.wait_dma2 semaphore(%dma_wait3A_114 : memref<!tpu.dma_semaphore, #tpu.memory_space<semaphore_mem>>) src(%dma_wait3A_120 : memref<128x256xf32, #tpu.memory_space<vmem>>) dst(%dma_wait3A_116 : memref<128x256xf32, #tpu.memory_space<hbm>>)
      "tpu.trace_stop"() : () -> ()
      tpu.yield
    }) : () -> ()
    return
  }
}

#map = affine_map<(d0, d1) -> (0, 0)>
module attributes {stable_mosaic.version = 14 : i64} {
  func.func @gather_kernel(%arg0: i32, %arg1: i32, %arg2: memref<8192x256xf32, #tpu.memory_space<hbm>>, %arg3: memref<1x65536xi32, #tpu.memory_space<hbm>>, %arg4: memref<65536x256xf32, #tpu.memory_space<hbm>>) attributes {dimension_semantics = [#tpu.dimension_semantics<core_parallel>, #tpu.dimension_semantics<subcore_parallel>], iteration_bounds = array<i64: 2, 16>, scalar_prefetch = 0 : i64, scratch_operands = 0 : i64, tpu.core_type = #tpu.core_type<sc_vector_subcore>, window_params = [{transform_indices = #map}, {transform_indices = #map}, {transform_indices = #map}]} {
    %mul3A = arith.constant 1 : i32
    %mul3A_0 = arith.muli %arg1, %mul3A : i32
    %add3A = arith.constant 0 : i32
    %add3A_1 = arith.addi %add3A, %mul3A_0 : i32
    %mul3A_2 = arith.constant 16 : i32
    %mul3A_3 = arith.muli %arg0, %mul3A_2 : i32
    %add3A_4 = arith.addi %add3A_1, %mul3A_3 : i32
    %mul3A_5 = arith.constant 16 : i32
    %mul3A_6 = arith.muli %add3A_4, %mul3A_5 : i32
    "tpu.region"() ({
      %run_scoped3A = memref.alloca() : memref<2x1x128xi32, #tpu.memory_space<vmem>>
      %run_scoped3A_7 = tpu.sem_alloc : memref<2x!tpu.dma_semaphore, #tpu.memory_space<semaphore_mem>>
      %run_scoped3A_8 = memref.alloca() : memref<2x128x256xf32, #tpu.memory_space<vmem>>
      %run_scoped3A_9 = tpu.sem_alloc : memref<2x!tpu.dma_semaphore, #tpu.memory_space<semaphore_mem>>
      %add3A_10 = arith.constant 0 : i32
      %add3A_11 = arith.addi %add3A_10, %mul3A_6 : i32
      %select_n3A = arith.constant true
      %select_n3A_12 = arith.constant 0 : i32
      %select_n3A_13 = arith.constant -1 : i32
      %select_n3A_14 = arith.select %select_n3A, %select_n3A_13, %select_n3A_12 : i32
      %eq3A = arith.constant -1 : i32
      %eq3A_15 = arith.cmpi eq, %select_n3A_14, %eq3A : i32
      %select_n3A_16 = arith.constant 15 : i32
      %select_n3A_17 = arith.select %eq3A_15, %select_n3A_16, %select_n3A_14 : i32
      %add3A_18 = arith.addi %select_n3A_17, %mul3A_6 : i32
      %select_n3A_19 = arith.constant true
      %select_n3A_20 = arith.constant 0 : i32
      %select_n3A_21 = arith.constant 1 : i32
      %select_n3A_22 = arith.select %select_n3A_19, %select_n3A_21, %select_n3A_20 : i32
      %eq3A_23 = arith.constant 16 : i32
      %eq3A_24 = arith.cmpi eq, %select_n3A_22, %eq3A_23 : i32
      %select_n3A_25 = arith.constant 0 : i32
      %select_n3A_26 = arith.select %eq3A_24, %select_n3A_25, %select_n3A_22 : i32
      %add3A_27 = arith.addi %select_n3A_26, %mul3A_6 : i32
      %add3A_28 = arith.constant 1 : i32
      %add3A_29 = arith.addi %select_n3A_26, %add3A_28 : i32
      %select_n3A_30 = arith.constant true
      %select_n3A_31 = arith.select %select_n3A_30, %add3A_29, %select_n3A_26 : i32
      %eq3A_32 = arith.constant 16 : i32
      %eq3A_33 = arith.cmpi eq, %select_n3A_31, %eq3A_32 : i32
      %select_n3A_34 = arith.constant 0 : i32
      %select_n3A_35 = arith.select %eq3A_33, %select_n3A_34, %select_n3A_31 : i32
      %add3A_36 = arith.addi %select_n3A_35, %mul3A_6 : i32
      "tpu.trace_start"() <{level = 10 : i32, message = "ep_initialize_0"}> : () -> ()
      %rem3A = arith.constant 0 : i32
      %rem3A_37 = arith.constant 2 : i32
      %rem3A_38 = arith.remui %rem3A, %rem3A_37 : i32
      %mul3A_39 = arith.constant 128 : i32
      %mul3A_40 = arith.muli %mul3A_39, %add3A_11 : i32
      %dma_start3A = arith.constant 0 : i32
      %dma_start3A_41 = arith.constant 0 : i32
      %dma_start3A_42 = tpu.memref_slice %run_scoped3A[%rem3A_38, %dma_start3A, %dma_start3A_41] : memref<2x1x128xi32, #tpu.memory_space<vmem>> -> memref<1x1x128xi32, #tpu.memory_space<vmem>>
      %dma_start3A_43 = tpu.memref_squeeze %dma_start3A_42 : memref<1x1x128xi32, #tpu.memory_space<vmem>> -> memref<1x128xi32, #tpu.memory_space<vmem>>
      %dma_start3A_44 = arith.constant 0 : i32
      %dma_start3A_45 = tpu.memref_slice %arg3[%dma_start3A_44, %mul3A_40] : memref<1x65536xi32, #tpu.memory_space<hbm>> -> memref<1x128xi32, #tpu.memory_space<hbm>>
      %dma_start3A_46 = tpu.memref_slice %run_scoped3A_7[%rem3A_38] : memref<2x!tpu.dma_semaphore, #tpu.memory_space<semaphore_mem>> -> memref<1x!tpu.dma_semaphore, #tpu.memory_space<semaphore_mem>>
      %dma_start3A_47 = tpu.memref_squeeze %dma_start3A_46 : memref<1x!tpu.dma_semaphore, #tpu.memory_space<semaphore_mem>> -> memref<!tpu.dma_semaphore, #tpu.memory_space<semaphore_mem>>
      %dma_start3A_48 = arith.constant 0 : i32
      %dma_start3A_49 = arith.constant 0 : i32
      %dma_start3A_50 = tpu.memref_slice %run_scoped3A[%rem3A_38, %dma_start3A_48, %dma_start3A_49] : memref<2x1x128xi32, #tpu.memory_space<vmem>> -> memref<1x1x128xi32, #tpu.memory_space<vmem>>
      %dma_start3A_51 = tpu.memref_squeeze %dma_start3A_50 : memref<1x1x128xi32, #tpu.memory_space<vmem>> -> memref<1x128xi32, #tpu.memory_space<vmem>>
      %dma_start3A_52 = arith.constant 0 : i32
      %dma_start3A_53 = tpu.memref_slice %arg3[%dma_start3A_52, %mul3A_40] : memref<1x65536xi32, #tpu.memory_space<hbm>> -> memref<1x128xi32, #tpu.memory_space<hbm>>
      tpu.enqueue_dma source(%dma_start3A_53 : memref<1x128xi32, #tpu.memory_space<hbm>>) target(%dma_start3A_51 : memref<1x128xi32, #tpu.memory_space<vmem>>) target_semaphore(%dma_start3A_47 : memref<!tpu.dma_semaphore, #tpu.memory_space<semaphore_mem>>)
      %add3A_54 = arith.constant 0 : i32
      %add3A_55 = arith.constant 1 : i32
      %add3A_56 = arith.addi %add3A_54, %add3A_55 : i32
      %select_n3A_57 = arith.constant true
      %select_n3A_58 = arith.constant 0 : i32
      %select_n3A_59 = arith.select %select_n3A_57, %add3A_56, %select_n3A_58 : i32
      "tpu.trace_stop"() : () -> ()
      %scan3A = arith.constant 0 : i32
      %scan3A_60 = arith.constant 0 : i32
      %scan3A_61 = arith.constant 0 : i32
      %scan3A_62 = arith.constant 0 : i32
      %scan3A_63 = arith.constant 0 : i32
      %scan3A_64 = arith.constant 16 : i32
      %scan3A_65 = arith.addi %scan3A_63, %scan3A_64 : i32
      %scan3A_66 = arith.constant 1 : i32
      %scan3A_67:5 = scf.for %scan3A_121 = %scan3A_63 to %scan3A_65 step %scan3A_66 iter_args(%scan3A_122 = %select_n3A_59, %scan3A_123 = %scan3A, %scan3A_124 = %scan3A_60, %scan3A_125 = %scan3A_61, %scan3A_126 = %scan3A_62) -> (i32, i32, i32, i32, i32)  : i32 {
        %eq3A_127 = arith.constant 0 : i32
        %eq3A_128 = arith.cmpi eq, %scan3A_121, %eq3A_127 : i32
        %eq3A_129 = arith.constant 15 : i32
        %eq3A_130 = arith.cmpi eq, %scan3A_121, %eq3A_129 : i32
        %add3A_131 = arith.addi %scan3A_126, %mul3A_6 : i32
        %sub3A_132 = arith.constant 1 : i32
        %sub3A_133 = arith.subi %scan3A_126, %sub3A_132 : i32
        %select_n3A_134 = arith.constant true
        %select_n3A_135 = arith.select %select_n3A_134, %sub3A_133, %scan3A_126 : i32
        %eq3A_136 = arith.constant -1 : i32
        %eq3A_137 = arith.cmpi eq, %select_n3A_135, %eq3A_136 : i32
        %select_n3A_138 = arith.constant 15 : i32
        %select_n3A_139 = arith.select %eq3A_137, %select_n3A_138, %select_n3A_135 : i32
        %add3A_140 = arith.addi %select_n3A_139, %mul3A_6 : i32
        %add3A_141 = arith.constant 1 : i32
        %add3A_142 = arith.addi %scan3A_126, %add3A_141 : i32
        %select_n3A_143 = arith.constant true
        %select_n3A_144 = arith.select %select_n3A_143, %add3A_142, %scan3A_126 : i32
        %eq3A_145 = arith.constant 16 : i32
        %eq3A_146 = arith.cmpi eq, %select_n3A_144, %eq3A_145 : i32
        %select_n3A_147 = arith.constant 0 : i32
        %select_n3A_148 = arith.select %eq3A_146, %select_n3A_147, %select_n3A_144 : i32
        %add3A_149 = arith.addi %select_n3A_148, %mul3A_6 : i32
        %add3A_150 = arith.constant 1 : i32
        %add3A_151 = arith.addi %select_n3A_148, %add3A_150 : i32
        %select_n3A_152 = arith.constant true
        %select_n3A_153 = arith.select %select_n3A_152, %add3A_151, %select_n3A_148 : i32
        %eq3A_154 = arith.constant 16 : i32
        %eq3A_155 = arith.cmpi eq, %select_n3A_153, %eq3A_154 : i32
        %select_n3A_156 = arith.constant 0 : i32
        %select_n3A_157 = arith.select %eq3A_155, %select_n3A_156, %select_n3A_153 : i32
        %add3A_158 = arith.addi %select_n3A_157, %mul3A_6 : i32
        %ne3A = arith.cmpi ne, %add3A_131, %add3A_149 : i32
        %or3A = arith.constant false
        %or3A_159 = arith.ori %or3A, %ne3A : i1
        %ge3A = arith.constant 15 : i32
        %ge3A_160 = arith.cmpi sge, %scan3A_121, %ge3A : i32
        %not3A = arith.constant true
        %not3A_161 = arith.xori %ge3A_160, %not3A : i1
        %and3A = arith.andi %or3A_159, %not3A_161 : i1
        %convert_element_type3A = arith.extui %and3A : i1 to i32
        %cond3A = arith.constant 0 : i32
        %cond3A_162 = arith.cmpi ne, %convert_element_type3A, %cond3A : i32
        scf.if %cond3A_162 {
          "tpu.trace_start"() <{level = 10 : i32, message = "ep_copy_in"}> : () -> ()
          %rem3A_264 = arith.constant 2 : i32
          %rem3A_265 = arith.remui %scan3A_122, %rem3A_264 : i32
          %mul3A_266 = arith.constant 128 : i32
          %mul3A_267 = arith.muli %mul3A_266, %add3A_149 : i32
          %dma_start3A_268 = arith.constant 0 : i32
          %dma_start3A_269 = arith.constant 0 : i32
          %dma_start3A_270 = tpu.memref_slice %run_scoped3A[%rem3A_265, %dma_start3A_268, %dma_start3A_269] : memref<2x1x128xi32, #tpu.memory_space<vmem>> -> memref<1x1x128xi32, #tpu.memory_space<vmem>>
          %dma_start3A_271 = tpu.memref_squeeze %dma_start3A_270 : memref<1x1x128xi32, #tpu.memory_space<vmem>> -> memref<1x128xi32, #tpu.memory_space<vmem>>
          %dma_start3A_272 = arith.constant 0 : i32
          %dma_start3A_273 = tpu.memref_slice %arg3[%dma_start3A_272, %mul3A_267] : memref<1x65536xi32, #tpu.memory_space<hbm>> -> memref<1x128xi32, #tpu.memory_space<hbm>>
          %dma_start3A_274 = tpu.memref_slice %run_scoped3A_7[%rem3A_265] : memref<2x!tpu.dma_semaphore, #tpu.memory_space<semaphore_mem>> -> memref<1x!tpu.dma_semaphore, #tpu.memory_space<semaphore_mem>>
          %dma_start3A_275 = tpu.memref_squeeze %dma_start3A_274 : memref<1x!tpu.dma_semaphore, #tpu.memory_space<semaphore_mem>> -> memref<!tpu.dma_semaphore, #tpu.memory_space<semaphore_mem>>
          %dma_start3A_276 = arith.constant 0 : i32
          %dma_start3A_277 = arith.constant 0 : i32
          %dma_start3A_278 = tpu.memref_slice %run_scoped3A[%rem3A_265, %dma_start3A_276, %dma_start3A_277] : memref<2x1x128xi32, #tpu.memory_space<vmem>> -> memref<1x1x128xi32, #tpu.memory_space<vmem>>
          %dma_start3A_279 = tpu.memref_squeeze %dma_start3A_278 : memref<1x1x128xi32, #tpu.memory_space<vmem>> -> memref<1x128xi32, #tpu.memory_space<vmem>>
          %dma_start3A_280 = arith.constant 0 : i32
          %dma_start3A_281 = tpu.memref_slice %arg3[%dma_start3A_280, %mul3A_267] : memref<1x65536xi32, #tpu.memory_space<hbm>> -> memref<1x128xi32, #tpu.memory_space<hbm>>
          tpu.enqueue_dma source(%dma_start3A_281 : memref<1x128xi32, #tpu.memory_space<hbm>>) target(%dma_start3A_279 : memref<1x128xi32, #tpu.memory_space<vmem>>) target_semaphore(%dma_start3A_275 : memref<!tpu.dma_semaphore, #tpu.memory_space<semaphore_mem>>)
          "tpu.trace_stop"() : () -> ()
        } else {
        }
        %and3A_163 = arith.constant true
        %and3A_164 = arith.andi %and3A, %and3A_163 : i1
        %add3A_165 = arith.constant 1 : i32
        %add3A_166 = arith.addi %scan3A_122, %add3A_165 : i32
        %select_n3A_167 = arith.select %and3A_164, %add3A_166, %scan3A_122 : i32
        %ne3A_168 = arith.cmpi ne, %add3A_131, %add3A_149 : i32
        %or3A_169 = arith.constant false
        %or3A_170 = arith.ori %or3A_169, %ne3A_168 : i1
        %or3A_171 = arith.constant false
        %or3A_172 = arith.ori %or3A_170, %or3A_171 : i1
        %ge3A_173 = arith.constant 15 : i32
        %ge3A_174 = arith.cmpi sge, %scan3A_121, %ge3A_173 : i32
        %not3A_175 = arith.constant true
        %not3A_176 = arith.xori %ge3A_174, %not3A_175 : i1
        %and3A_177 = arith.andi %or3A_172, %not3A_176 : i1
        %ne3A_178 = arith.cmpi ne, %add3A_131, %add3A_140 : i32
        %or3A_179 = arith.constant false
        %or3A_180 = arith.ori %or3A_179, %ne3A_178 : i1
        %or3A_181 = arith.ori %or3A_180, %eq3A_128 : i1
        %convert_element_type3A_182 = arith.extui %or3A_181 : i1 to i32
        %cond3A_183 = arith.constant 0 : i32
        %cond3A_184 = arith.cmpi ne, %convert_element_type3A_182, %cond3A_183 : i32
        scf.if %cond3A_184 {
          "tpu.trace_start"() <{level = 10 : i32, message = "ep_wait_in"}> : () -> ()
          %mul3A_264 = arith.constant 128 : i32
          %mul3A_265 = arith.muli %mul3A_264, %add3A_131 : i32
          %rem3A_266 = arith.constant 2 : i32
          %rem3A_267 = arith.remui %scan3A_123, %rem3A_266 : i32
          %dma_wait3A_268 = arith.constant 0 : i32
          %dma_wait3A_269 = arith.constant 0 : i32
          %dma_wait3A_270 = tpu.memref_slice %run_scoped3A[%rem3A_267, %dma_wait3A_268, %dma_wait3A_269] : memref<2x1x128xi32, #tpu.memory_space<vmem>> -> memref<1x1x128xi32, #tpu.memory_space<vmem>>
          %dma_wait3A_271 = tpu.memref_squeeze %dma_wait3A_270 : memref<1x1x128xi32, #tpu.memory_space<vmem>> -> memref<1x128xi32, #tpu.memory_space<vmem>>
          %dma_wait3A_272 = arith.constant 0 : i32
          %dma_wait3A_273 = tpu.memref_slice %arg3[%dma_wait3A_272, %mul3A_265] : memref<1x65536xi32, #tpu.memory_space<hbm>> -> memref<1x128xi32, #tpu.memory_space<hbm>>
          %dma_wait3A_274 = tpu.memref_slice %run_scoped3A_7[%rem3A_267] : memref<2x!tpu.dma_semaphore, #tpu.memory_space<semaphore_mem>> -> memref<1x!tpu.dma_semaphore, #tpu.memory_space<semaphore_mem>>
          %dma_wait3A_275 = tpu.memref_squeeze %dma_wait3A_274 : memref<1x!tpu.dma_semaphore, #tpu.memory_space<semaphore_mem>> -> memref<!tpu.dma_semaphore, #tpu.memory_space<semaphore_mem>>
          %dma_wait3A_276 = arith.constant 0 : i32
          %dma_wait3A_277 = arith.constant 0 : i32
          %dma_wait3A_278 = tpu.memref_slice %run_scoped3A[%rem3A_267, %dma_wait3A_276, %dma_wait3A_277] : memref<2x1x128xi32, #tpu.memory_space<vmem>> -> memref<1x1x128xi32, #tpu.memory_space<vmem>>
          %dma_wait3A_279 = tpu.memref_squeeze %dma_wait3A_278 : memref<1x1x128xi32, #tpu.memory_space<vmem>> -> memref<1x128xi32, #tpu.memory_space<vmem>>
          %dma_wait3A_280 = arith.constant 0 : i32
          %dma_wait3A_281 = tpu.memref_slice %arg3[%dma_wait3A_280, %mul3A_265] : memref<1x65536xi32, #tpu.memory_space<hbm>> -> memref<1x128xi32, #tpu.memory_space<hbm>>
          tpu.wait_dma2 semaphore(%dma_wait3A_275 : memref<!tpu.dma_semaphore, #tpu.memory_space<semaphore_mem>>) src(%dma_wait3A_281 : memref<1x128xi32, #tpu.memory_space<hbm>>) dst(%dma_wait3A_279 : memref<1x128xi32, #tpu.memory_space<vmem>>)
          "tpu.trace_stop"() : () -> ()
        } else {
        }
        %ne3A_185 = arith.cmpi ne, %add3A_131, %add3A_140 : i32
        %or3A_186 = arith.constant false
        %or3A_187 = arith.ori %or3A_186, %ne3A_185 : i1
        %or3A_188 = arith.constant false
        %or3A_189 = arith.ori %or3A_187, %or3A_188 : i1
        %or3A_190 = arith.ori %or3A_189, %eq3A_128 : i1
        %convert_element_type3A_191 = arith.extui %or3A_190 : i1 to i32
        %cond3A_192 = arith.constant 0 : i32
        %cond3A_193 = arith.cmpi ne, %convert_element_type3A_191, %cond3A_192 : i32
        scf.if %cond3A_193 {
        } else {
        }
        %rem3A_194 = arith.constant 2 : i32
        %rem3A_195 = arith.remui %scan3A_123, %rem3A_194 : i32
        %rem3A_196 = arith.constant 2 : i32
        %rem3A_197 = arith.remui %scan3A_124, %rem3A_196 : i32
        %run_scoped3A_198 = arith.constant 0 : i32
        "tpu.trace_start"() <{level = 10 : i32, message = "ep_run_kernel"}> : () -> ()
        "tpu.region"() ({
          %run_scoped3A_264 = tpu.sem_alloc : memref<!tpu.dma_semaphore, #tpu.memory_space<semaphore_mem>>
          %dma_start3A_265 = arith.constant 0 : i32
          %dma_start3A_266 = arith.constant 0 : i32
          %dma_start3A_267 = tpu.memref_slice %run_scoped3A_8[%rem3A_197, %dma_start3A_265, %dma_start3A_266] : memref<2x128x256xf32, #tpu.memory_space<vmem>> -> memref<1x128x256xf32, #tpu.memory_space<vmem>>
          %dma_start3A_268 = tpu.memref_squeeze %dma_start3A_267 : memref<1x128x256xf32, #tpu.memory_space<vmem>> -> memref<128x256xf32, #tpu.memory_space<vmem>>
          %dma_start3A_269 = arith.constant 0 : i32
          %dma_start3A_270 = arith.constant 0 : i32
          %dma_start3A_271 = tpu.memref_slice %run_scoped3A[%rem3A_195, %dma_start3A_269, %dma_start3A_270] : memref<2x1x128xi32, #tpu.memory_space<vmem>> -> memref<1x1x128xi32, #tpu.memory_space<vmem>>
          %dma_start3A_272 = tpu.memref_squeeze %dma_start3A_271 : memref<1x1x128xi32, #tpu.memory_space<vmem>> -> memref<1x128xi32, #tpu.memory_space<vmem>>
          %dma_start3A_273 = arith.constant 0 : i32
          %dma_start3A_274 = tpu.memref_slice %dma_start3A_272[%run_scoped3A_198, %dma_start3A_273] : memref<1x128xi32, #tpu.memory_space<vmem>> -> memref<1x128xi32, #tpu.memory_space<vmem>>
          %dma_start3A_275 = tpu.memref_squeeze %dma_start3A_274 : memref<1x128xi32, #tpu.memory_space<vmem>> -> memref<128xi32, #tpu.memory_space<vmem>>
          %dma_start3A_276 = arith.constant 0 : i32
          %dma_start3A_277 = arith.constant 0 : i32
          %dma_start3A_278 = tpu.memref_slice %arg2[%dma_start3A_276, %dma_start3A_277] : memref<8192x256xf32, #tpu.memory_space<hbm>> -> memref<8192x256xf32, #tpu.memory_space<hbm>>
          tpu.enqueue_indirect_dma source(%dma_start3A_278 : memref<8192x256xf32, #tpu.memory_space<hbm>>) target(%dma_start3A_268 : memref<128x256xf32, #tpu.memory_space<vmem>>) offsets(%dma_start3A_275 : memref<128xi32, #tpu.memory_space<vmem>>) semaphore(%run_scoped3A_264 : memref<!tpu.dma_semaphore, #tpu.memory_space<semaphore_mem>>)
          %dma_wait3A_279 = arith.constant 0 : i32
          %dma_wait3A_280 = arith.constant 0 : i32
          %dma_wait3A_281 = tpu.memref_slice %run_scoped3A_8[%rem3A_197, %dma_wait3A_279, %dma_wait3A_280] : memref<2x128x256xf32, #tpu.memory_space<vmem>> -> memref<1x128x256xf32, #tpu.memory_space<vmem>>
          %dma_wait3A_282 = tpu.memref_squeeze %dma_wait3A_281 : memref<1x128x256xf32, #tpu.memory_space<vmem>> -> memref<128x256xf32, #tpu.memory_space<vmem>>
          %dma_wait3A_283 = arith.constant 0 : i32
          %dma_wait3A_284 = arith.constant 0 : i32
          %dma_wait3A_285 = tpu.memref_slice %run_scoped3A[%rem3A_195, %dma_wait3A_283, %dma_wait3A_284] : memref<2x1x128xi32, #tpu.memory_space<vmem>> -> memref<1x1x128xi32, #tpu.memory_space<vmem>>
          %dma_wait3A_286 = tpu.memref_squeeze %dma_wait3A_285 : memref<1x1x128xi32, #tpu.memory_space<vmem>> -> memref<1x128xi32, #tpu.memory_space<vmem>>
          %dma_wait3A_287 = arith.constant 0 : i32
          %dma_wait3A_288 = tpu.memref_slice %dma_wait3A_286[%run_scoped3A_198, %dma_wait3A_287] : memref<1x128xi32, #tpu.memory_space<vmem>> -> memref<1x128xi32, #tpu.memory_space<vmem>>
          %dma_wait3A_289 = tpu.memref_squeeze %dma_wait3A_288 : memref<1x128xi32, #tpu.memory_space<vmem>> -> memref<128xi32, #tpu.memory_space<vmem>>
          %dma_wait3A_290 = arith.constant 0 : i32
          %dma_wait3A_291 = arith.constant 0 : i32
          %dma_wait3A_292 = tpu.memref_slice %arg2[%dma_wait3A_290, %dma_wait3A_291] : memref<8192x256xf32, #tpu.memory_space<hbm>> -> memref<8192x256xf32, #tpu.memory_space<hbm>>
          tpu.wait_indirect_dma semaphore(%run_scoped3A_264 : memref<!tpu.dma_semaphore, #tpu.memory_space<semaphore_mem>>) src(%dma_wait3A_292 : memref<8192x256xf32, #tpu.memory_space<hbm>>) dst(%dma_wait3A_282 : memref<128x256xf32, #tpu.memory_space<vmem>>)
          tpu.yield
        }) : () -> ()
        "tpu.trace_stop"() : () -> ()
        %ne3A_199 = arith.cmpi ne, %add3A_131, %add3A_149 : i32
        %or3A_200 = arith.constant false
        %or3A_201 = arith.ori %or3A_200, %ne3A_199 : i1
        %or3A_202 = arith.ori %or3A_201, %eq3A_130 : i1
        %convert_element_type3A_203 = arith.extui %or3A_202 : i1 to i32
        %cond3A_204 = arith.constant 0 : i32
        %cond3A_205 = arith.cmpi ne, %convert_element_type3A_203, %cond3A_204 : i32
        scf.if %cond3A_205 {
        } else {
        }
        %and3A_206 = arith.constant false
        %and3A_207 = arith.andi %or3A_202, %and3A_206 : i1
        %ne3A_208 = arith.cmpi ne, %add3A_131, %add3A_149 : i32
        %or3A_209 = arith.constant false
        %or3A_210 = arith.ori %or3A_209, %ne3A_208 : i1
        %or3A_211 = arith.constant false
        %or3A_212 = arith.ori %or3A_210, %or3A_211 : i1
        %or3A_213 = arith.ori %or3A_212, %eq3A_130 : i1
        %convert_element_type3A_214 = arith.extui %or3A_213 : i1 to i32
        %cond3A_215 = arith.constant 0 : i32
        %cond3A_216 = arith.cmpi ne, %convert_element_type3A_214, %cond3A_215 : i32
        scf.if %cond3A_216 {
          "tpu.trace_start"() <{level = 10 : i32, message = "ep_copy_out"}> : () -> ()
          %rem3A_264 = arith.constant 2 : i32
          %rem3A_265 = arith.remui %scan3A_124, %rem3A_264 : i32
          %mul3A_266 = arith.constant 128 : i32
          %mul3A_267 = arith.muli %mul3A_266, %add3A_131 : i32
          %dma_start3A_268 = arith.constant 0 : i32
          %dma_start3A_269 = arith.constant 0 : i32
          %dma_start3A_270 = tpu.memref_slice %run_scoped3A_8[%rem3A_265, %dma_start3A_268, %dma_start3A_269] : memref<2x128x256xf32, #tpu.memory_space<vmem>> -> memref<1x128x256xf32, #tpu.memory_space<vmem>>
          %dma_start3A_271 = tpu.memref_squeeze %dma_start3A_270 : memref<1x128x256xf32, #tpu.memory_space<vmem>> -> memref<128x256xf32, #tpu.memory_space<vmem>>
          %dma_start3A_272 = arith.constant 0 : i32
          %dma_start3A_273 = tpu.memref_slice %arg4[%mul3A_267, %dma_start3A_272] : memref<65536x256xf32, #tpu.memory_space<hbm>> -> memref<128x256xf32, #tpu.memory_space<hbm>>
          %dma_start3A_274 = tpu.memref_slice %run_scoped3A_9[%rem3A_265] : memref<2x!tpu.dma_semaphore, #tpu.memory_space<semaphore_mem>> -> memref<1x!tpu.dma_semaphore, #tpu.memory_space<semaphore_mem>>
          %dma_start3A_275 = tpu.memref_squeeze %dma_start3A_274 : memref<1x!tpu.dma_semaphore, #tpu.memory_space<semaphore_mem>> -> memref<!tpu.dma_semaphore, #tpu.memory_space<semaphore_mem>>
          %dma_start3A_276 = arith.constant 0 : i32
          %dma_start3A_277 = tpu.memref_slice %arg4[%mul3A_267, %dma_start3A_276] : memref<65536x256xf32, #tpu.memory_space<hbm>> -> memref<128x256xf32, #tpu.memory_space<hbm>>
          %dma_start3A_278 = arith.constant 0 : i32
          %dma_start3A_279 = arith.constant 0 : i32
          %dma_start3A_280 = tpu.memref_slice %run_scoped3A_8[%rem3A_265, %dma_start3A_278, %dma_start3A_279] : memref<2x128x256xf32, #tpu.memory_space<vmem>> -> memref<1x128x256xf32, #tpu.memory_space<vmem>>
          %dma_start3A_281 = tpu.memref_squeeze %dma_start3A_280 : memref<1x128x256xf32, #tpu.memory_space<vmem>> -> memref<128x256xf32, #tpu.memory_space<vmem>>
          tpu.enqueue_dma source(%dma_start3A_281 : memref<128x256xf32, #tpu.memory_space<vmem>>) target(%dma_start3A_277 : memref<128x256xf32, #tpu.memory_space<hbm>>) target_semaphore(%dma_start3A_275 : memref<!tpu.dma_semaphore, #tpu.memory_space<semaphore_mem>>)
          "tpu.trace_stop"() : () -> ()
        } else {
        }
        %and3A_217 = arith.constant true
        %and3A_218 = arith.andi %or3A_213, %and3A_217 : i1
        %add3A_219 = arith.constant 1 : i32
        %add3A_220 = arith.addi %scan3A_124, %add3A_219 : i32
        %select_n3A_221 = arith.select %and3A_218, %add3A_220, %scan3A_124 : i32
        %ne3A_222 = arith.cmpi ne, %add3A_131, %add3A_140 : i32
        %or3A_223 = arith.constant false
        %or3A_224 = arith.ori %or3A_223, %ne3A_222 : i1
        %not3A_225 = arith.constant true
        %not3A_226 = arith.xori %eq3A_128, %not3A_225 : i1
        %and3A_227 = arith.andi %or3A_224, %not3A_226 : i1
        %convert_element_type3A_228 = arith.extui %and3A_227 : i1 to i32
        %cond3A_229 = arith.constant 0 : i32
        %cond3A_230 = arith.cmpi ne, %convert_element_type3A_228, %cond3A_229 : i32
        scf.if %cond3A_230 {
        } else {
        }
        %and3A_231 = arith.constant false
        %and3A_232 = arith.andi %and3A_227, %and3A_231 : i1
        %ne3A_233 = arith.cmpi ne, %add3A_131, %add3A_140 : i32
        %or3A_234 = arith.constant false
        %or3A_235 = arith.ori %or3A_234, %ne3A_233 : i1
        %or3A_236 = arith.constant false
        %or3A_237 = arith.ori %or3A_235, %or3A_236 : i1
        %not3A_238 = arith.constant true
        %not3A_239 = arith.xori %eq3A_128, %not3A_238 : i1
        %and3A_240 = arith.andi %or3A_237, %not3A_239 : i1
        %convert_element_type3A_241 = arith.extui %and3A_240 : i1 to i32
        %cond3A_242 = arith.constant 0 : i32
        %cond3A_243 = arith.cmpi ne, %convert_element_type3A_241, %cond3A_242 : i32
        scf.if %cond3A_243 {
          "tpu.trace_start"() <{level = 10 : i32, message = "ep_wait_out"}> : () -> ()
          %rem3A_264 = arith.constant 2 : i32
          %rem3A_265 = arith.remui %scan3A_125, %rem3A_264 : i32
          %mul3A_266 = arith.constant 128 : i32
          %mul3A_267 = arith.muli %mul3A_266, %add3A_140 : i32
          %dma_wait3A_268 = arith.constant 0 : i32
          %dma_wait3A_269 = arith.constant 0 : i32
          %dma_wait3A_270 = tpu.memref_slice %run_scoped3A_8[%rem3A_265, %dma_wait3A_268, %dma_wait3A_269] : memref<2x128x256xf32, #tpu.memory_space<vmem>> -> memref<1x128x256xf32, #tpu.memory_space<vmem>>
          %dma_wait3A_271 = tpu.memref_squeeze %dma_wait3A_270 : memref<1x128x256xf32, #tpu.memory_space<vmem>> -> memref<128x256xf32, #tpu.memory_space<vmem>>
          %dma_wait3A_272 = arith.constant 0 : i32
          %dma_wait3A_273 = tpu.memref_slice %arg4[%mul3A_267, %dma_wait3A_272] : memref<65536x256xf32, #tpu.memory_space<hbm>> -> memref<128x256xf32, #tpu.memory_space<hbm>>
          %dma_wait3A_274 = tpu.memref_slice %run_scoped3A_9[%rem3A_265] : memref<2x!tpu.dma_semaphore, #tpu.memory_space<semaphore_mem>> -> memref<1x!tpu.dma_semaphore, #tpu.memory_space<semaphore_mem>>
          %dma_wait3A_275 = tpu.memref_squeeze %dma_wait3A_274 : memref<1x!tpu.dma_semaphore, #tpu.memory_space<semaphore_mem>> -> memref<!tpu.dma_semaphore, #tpu.memory_space<semaphore_mem>>
          %dma_wait3A_276 = arith.constant 0 : i32
          %dma_wait3A_277 = tpu.memref_slice %arg4[%mul3A_267, %dma_wait3A_276] : memref<65536x256xf32, #tpu.memory_space<hbm>> -> memref<128x256xf32, #tpu.memory_space<hbm>>
          %dma_wait3A_278 = arith.constant 0 : i32
          %dma_wait3A_279 = arith.constant 0 : i32
          %dma_wait3A_280 = tpu.memref_slice %run_scoped3A_8[%rem3A_265, %dma_wait3A_278, %dma_wait3A_279] : memref<2x128x256xf32, #tpu.memory_space<vmem>> -> memref<1x128x256xf32, #tpu.memory_space<vmem>>
          %dma_wait3A_281 = tpu.memref_squeeze %dma_wait3A_280 : memref<1x128x256xf32, #tpu.memory_space<vmem>> -> memref<128x256xf32, #tpu.memory_space<vmem>>
          tpu.wait_dma2 semaphore(%dma_wait3A_275 : memref<!tpu.dma_semaphore, #tpu.memory_space<semaphore_mem>>) src(%dma_wait3A_281 : memref<128x256xf32, #tpu.memory_space<vmem>>) dst(%dma_wait3A_277 : memref<128x256xf32, #tpu.memory_space<hbm>>)
          "tpu.trace_stop"() : () -> ()
        } else {
        }
        %and3A_244 = arith.constant true
        %and3A_245 = arith.andi %and3A_240, %and3A_244 : i1
        %add3A_246 = arith.constant 1 : i32
        %add3A_247 = arith.addi %scan3A_125, %add3A_246 : i32
        %select_n3A_248 = arith.select %and3A_245, %add3A_247, %scan3A_125 : i32
        %ne3A_249 = arith.cmpi ne, %add3A_131, %add3A_149 : i32
        %or3A_250 = arith.constant false
        %or3A_251 = arith.ori %or3A_250, %ne3A_249 : i1
        %or3A_252 = arith.ori %or3A_251, %eq3A_130 : i1
        %add3A_253 = arith.constant 1 : i32
        %add3A_254 = arith.addi %scan3A_123, %add3A_253 : i32
        %select_n3A_255 = arith.select %or3A_252, %add3A_254, %scan3A_123 : i32
        %add3A_256 = arith.constant 1 : i32
        %add3A_257 = arith.addi %scan3A_126, %add3A_256 : i32
        %select_n3A_258 = arith.constant true
        %select_n3A_259 = arith.select %select_n3A_258, %add3A_257, %scan3A_126 : i32
        %eq3A_260 = arith.constant 16 : i32
        %eq3A_261 = arith.cmpi eq, %select_n3A_259, %eq3A_260 : i32
        %select_n3A_262 = arith.constant 0 : i32
        %select_n3A_263 = arith.select %eq3A_261, %select_n3A_262, %select_n3A_259 : i32
        scf.yield %select_n3A_167, %select_n3A_255, %select_n3A_221, %select_n3A_248, %select_n3A_263 : i32, i32, i32, i32, i32
      }
      %scan3A_68 = arith.constant 16 : i32
      %sub3A = arith.constant 1 : i32
      %sub3A_69 = arith.subi %scan3A_67#4, %sub3A : i32
      %select_n3A_70 = arith.constant true
      %select_n3A_71 = arith.select %select_n3A_70, %sub3A_69, %scan3A_67#4 : i32
      %eq3A_72 = arith.constant -1 : i32
      %eq3A_73 = arith.cmpi eq, %select_n3A_71, %eq3A_72 : i32
      %select_n3A_74 = arith.constant 15 : i32
      %select_n3A_75 = arith.select %eq3A_73, %select_n3A_74, %select_n3A_71 : i32
      %add3A_76 = arith.addi %select_n3A_75, %mul3A_6 : i32
      %sub3A_77 = arith.constant 1 : i32
      %sub3A_78 = arith.subi %select_n3A_75, %sub3A_77 : i32
      %select_n3A_79 = arith.constant true
      %select_n3A_80 = arith.select %select_n3A_79, %sub3A_78, %select_n3A_75 : i32
      %eq3A_81 = arith.constant -1 : i32
      %eq3A_82 = arith.cmpi eq, %select_n3A_80, %eq3A_81 : i32
      %select_n3A_83 = arith.constant 15 : i32
      %select_n3A_84 = arith.select %eq3A_82, %select_n3A_83, %select_n3A_80 : i32
      %add3A_85 = arith.addi %select_n3A_84, %mul3A_6 : i32
      %add3A_86 = arith.constant 1 : i32
      %add3A_87 = arith.addi %select_n3A_75, %add3A_86 : i32
      %select_n3A_88 = arith.constant true
      %select_n3A_89 = arith.select %select_n3A_88, %add3A_87, %select_n3A_75 : i32
      %eq3A_90 = arith.constant 16 : i32
      %eq3A_91 = arith.cmpi eq, %select_n3A_89, %eq3A_90 : i32
      %select_n3A_92 = arith.constant 0 : i32
      %select_n3A_93 = arith.select %eq3A_91, %select_n3A_92, %select_n3A_89 : i32
      %add3A_94 = arith.addi %select_n3A_93, %mul3A_6 : i32
      %add3A_95 = arith.constant 1 : i32
      %add3A_96 = arith.addi %select_n3A_93, %add3A_95 : i32
      %select_n3A_97 = arith.constant true
      %select_n3A_98 = arith.select %select_n3A_97, %add3A_96, %select_n3A_93 : i32
      %eq3A_99 = arith.constant 16 : i32
      %eq3A_100 = arith.cmpi eq, %select_n3A_98, %eq3A_99 : i32
      %select_n3A_101 = arith.constant 0 : i32
      %select_n3A_102 = arith.select %eq3A_100, %select_n3A_101, %select_n3A_98 : i32
      %add3A_103 = arith.addi %select_n3A_102, %mul3A_6 : i32
      "tpu.trace_start"() <{level = 10 : i32, message = "ep_finalize"}> : () -> ()
      %rem3A_104 = arith.constant 2 : i32
      %rem3A_105 = arith.remui %scan3A_67#3, %rem3A_104 : i32
      %mul3A_106 = arith.constant 128 : i32
      %mul3A_107 = arith.muli %mul3A_106, %add3A_76 : i32
      %dma_wait3A = arith.constant 0 : i32
      %dma_wait3A_108 = arith.constant 0 : i32
      %dma_wait3A_109 = tpu.memref_slice %run_scoped3A_8[%rem3A_105, %dma_wait3A, %dma_wait3A_108] : memref<2x128x256xf32, #tpu.memory_space<vmem>> -> memref<1x128x256xf32, #tpu.memory_space<vmem>>
      %dma_wait3A_110 = tpu.memref_squeeze %dma_wait3A_109 : memref<1x128x256xf32, #tpu.memory_space<vmem>> -> memref<128x256xf32, #tpu.memory_space<vmem>>
      %dma_wait3A_111 = arith.constant 0 : i32
      %dma_wait3A_112 = tpu.memref_slice %arg4[%mul3A_107, %dma_wait3A_111] : memref<65536x256xf32, #tpu.memory_space<hbm>> -> memref<128x256xf32, #tpu.memory_space<hbm>>
      %dma_wait3A_113 = tpu.memref_slice %run_scoped3A_9[%rem3A_105] : memref<2x!tpu.dma_semaphore, #tpu.memory_space<semaphore_mem>> -> memref<1x!tpu.dma_semaphore, #tpu.memory_space<semaphore_mem>>
      %dma_wait3A_114 = tpu.memref_squeeze %dma_wait3A_113 : memref<1x!tpu.dma_semaphore, #tpu.memory_space<semaphore_mem>> -> memref<!tpu.dma_semaphore, #tpu.memory_space<semaphore_mem>>
      %dma_wait3A_115 = arith.constant 0 : i32
      %dma_wait3A_116 = tpu.memref_slice %arg4[%mul3A_107, %dma_wait3A_115] : memref<65536x256xf32, #tpu.memory_space<hbm>> -> memref<128x256xf32, #tpu.memory_space<hbm>>
      %dma_wait3A_117 = arith.constant 0 : i32
      %dma_wait3A_118 = arith.constant 0 : i32
      %dma_wait3A_119 = tpu.memref_slice %run_scoped3A_8[%rem3A_105, %dma_wait3A_117, %dma_wait3A_118] : memref<2x128x256xf32, #tpu.memory_space<vmem>> -> memref<1x128x256xf32, #tpu.memory_space<vmem>>
      %dma_wait3A_120 = tpu.memref_squeeze %dma_wait3A_119 : memref<1x128x256xf32, #tpu.memory_space<vmem>> -> memref<128x256xf32, #tpu.memory_space<vmem>>
      tpu.wait_dma2 semaphore(%dma_wait3A_114 : memref<!tpu.dma_semaphore, #tpu.memory_space<semaphore_mem>>) src(%dma_wait3A_120 : memref<128x256xf32, #tpu.memory_space<vmem>>) dst(%dma_wait3A_116 : memref<128x256xf32, #tpu.memory_space<hbm>>)
      "tpu.trace_stop"() : () -> ()
      tpu.yield
    }) : () -> ()
    return
  }
}

#map = affine_map<(d0, d1) -> (0, 0)>
module attributes {stable_mosaic.version = 14 : i64} {
  func.func @gather_kernel(%arg0: i32, %arg1: i32, %arg2: memref<8192x256xf32, #tpu.memory_space<hbm>>, %arg3: memref<1x65536xi32, #tpu.memory_space<hbm>>, %arg4: memref<65536x256xf32, #tpu.memory_space<hbm>>) attributes {dimension_semantics = [#tpu.dimension_semantics<core_parallel>, #tpu.dimension_semantics<subcore_parallel>], iteration_bounds = array<i64: 2, 16>, scalar_prefetch = 0 : i64, scratch_operands = 0 : i64, tpu.core_type = #tpu.core_type<sc_vector_subcore>, window_params = [{transform_indices = #map}, {transform_indices = #map}, {transform_indices = #map}]} {
    %mul3A = arith.constant 1 : i32
    %mul3A_0 = arith.muli %arg1, %mul3A : i32
    %add3A = arith.constant 0 : i32
    %add3A_1 = arith.addi %add3A, %mul3A_0 : i32
    %mul3A_2 = arith.constant 16 : i32
    %mul3A_3 = arith.muli %arg0, %mul3A_2 : i32
    %add3A_4 = arith.addi %add3A_1, %mul3A_3 : i32
    %mul3A_5 = arith.constant 16 : i32
    %mul3A_6 = arith.muli %add3A_4, %mul3A_5 : i32
    "tpu.region"() ({
      %run_scoped3A = memref.alloca() : memref<2x1x128xi32, #tpu.memory_space<vmem>>
      %run_scoped3A_7 = tpu.sem_alloc : memref<2x!tpu.dma_semaphore, #tpu.memory_space<semaphore_mem>>
      %run_scoped3A_8 = memref.alloca() : memref<2x128x256xf32, #tpu.memory_space<vmem>>
      %run_scoped3A_9 = tpu.sem_alloc : memref<2x!tpu.dma_semaphore, #tpu.memory_space<semaphore_mem>>
      %add3A_10 = arith.constant 0 : i32
      %add3A_11 = arith.addi %add3A_10, %mul3A_6 : i32
      %select_n3A = arith.constant true
      %select_n3A_12 = arith.constant 0 : i32
      %select_n3A_13 = arith.constant -1 : i32
      %select_n3A_14 = arith.select %select_n3A, %select_n3A_13, %select_n3A_12 : i32
      %eq3A = arith.constant -1 : i32
      %eq3A_15 = arith.cmpi eq, %select_n3A_14, %eq3A : i32
      %select_n3A_16 = arith.constant 15 : i32
      %select_n3A_17 = arith.select %eq3A_15, %select_n3A_16, %select_n3A_14 : i32
      %add3A_18 = arith.addi %select_n3A_17, %mul3A_6 : i32
      %select_n3A_19 = arith.constant true
      %select_n3A_20 = arith.constant 0 : i32
      %select_n3A_21 = arith.constant 1 : i32
      %select_n3A_22 = arith.select %select_n3A_19, %select_n3A_21, %select_n3A_20 : i32
      %eq3A_23 = arith.constant 16 : i32
      %eq3A_24 = arith.cmpi eq, %select_n3A_22, %eq3A_23 : i32
      %select_n3A_25 = arith.constant 0 : i32
      %select_n3A_26 = arith.select %eq3A_24, %select_n3A_25, %select_n3A_22 : i32
      %add3A_27 = arith.addi %select_n3A_26, %mul3A_6 : i32
      %add3A_28 = arith.constant 1 : i32
      %add3A_29 = arith.addi %select_n3A_26, %add3A_28 : i32
      %select_n3A_30 = arith.constant true
      %select_n3A_31 = arith.select %select_n3A_30, %add3A_29, %select_n3A_26 : i32
      %eq3A_32 = arith.constant 16 : i32
      %eq3A_33 = arith.cmpi eq, %select_n3A_31, %eq3A_32 : i32
      %select_n3A_34 = arith.constant 0 : i32
      %select_n3A_35 = arith.select %eq3A_33, %select_n3A_34, %select_n3A_31 : i32
      %add3A_36 = arith.addi %select_n3A_35, %mul3A_6 : i32
      "tpu.trace_start"() <{level = 10 : i32, message = "ep_initialize_0"}> : () -> ()
      %rem3A = arith.constant 0 : i32
      %rem3A_37 = arith.constant 2 : i32
      %rem3A_38 = arith.remui %rem3A, %rem3A_37 : i32
      %mul3A_39 = arith.constant 128 : i32
      %mul3A_40 = arith.muli %mul3A_39, %add3A_11 : i32
      %dma_start3A = arith.constant 0 : i32
      %dma_start3A_41 = arith.constant 0 : i32
      %dma_start3A_42 = tpu.memref_slice %run_scoped3A[%rem3A_38, %dma_start3A, %dma_start3A_41] : memref<2x1x128xi32, #tpu.memory_space<vmem>> -> memref<1x1x128xi32, #tpu.memory_space<vmem>>
      %dma_start3A_43 = tpu.memref_squeeze %dma_start3A_42 : memref<1x1x128xi32, #tpu.memory_space<vmem>> -> memref<1x128xi32, #tpu.memory_space<vmem>>
      %dma_start3A_44 = arith.constant 0 : i32
      %dma_start3A_45 = tpu.memref_slice %arg3[%dma_start3A_44, %mul3A_40] : memref<1x65536xi32, #tpu.memory_space<hbm>> -> memref<1x128xi32, #tpu.memory_space<hbm>>
      %dma_start3A_46 = tpu.memref_slice %run_scoped3A_7[%rem3A_38] : memref<2x!tpu.dma_semaphore, #tpu.memory_space<semaphore_mem>> -> memref<1x!tpu.dma_semaphore, #tpu.memory_space<semaphore_mem>>
      %dma_start3A_47 = tpu.memref_squeeze %dma_start3A_46 : memref<1x!tpu.dma_semaphore, #tpu.memory_space<semaphore_mem>> -> memref<!tpu.dma_semaphore, #tpu.memory_space<semaphore_mem>>
      %dma_start3A_48 = arith.constant 0 : i32
      %dma_start3A_49 = arith.constant 0 : i32
      %dma_start3A_50 = tpu.memref_slice %run_scoped3A[%rem3A_38, %dma_start3A_48, %dma_start3A_49] : memref<2x1x128xi32, #tpu.memory_space<vmem>> -> memref<1x1x128xi32, #tpu.memory_space<vmem>>
      %dma_start3A_51 = tpu.memref_squeeze %dma_start3A_50 : memref<1x1x128xi32, #tpu.memory_space<vmem>> -> memref<1x128xi32, #tpu.memory_space<vmem>>
      %dma_start3A_52 = arith.constant 0 : i32
      %dma_start3A_53 = tpu.memref_slice %arg3[%dma_start3A_52, %mul3A_40] : memref<1x65536xi32, #tpu.memory_space<hbm>> -> memref<1x128xi32, #tpu.memory_space<hbm>>
      tpu.enqueue_dma source(%dma_start3A_53 : memref<1x128xi32, #tpu.memory_space<hbm>>) target(%dma_start3A_51 : memref<1x128xi32, #tpu.memory_space<vmem>>) target_semaphore(%dma_start3A_47 : memref<!tpu.dma_semaphore, #tpu.memory_space<semaphore_mem>>)
      %add3A_54 = arith.constant 0 : i32
      %add3A_55 = arith.constant 1 : i32
      %add3A_56 = arith.addi %add3A_54, %add3A_55 : i32
      %select_n3A_57 = arith.constant true
      %select_n3A_58 = arith.constant 0 : i32
      %select_n3A_59 = arith.select %select_n3A_57, %add3A_56, %select_n3A_58 : i32
      "tpu.trace_stop"() : () -> ()
      %scan3A = arith.constant 0 : i32
      %scan3A_60 = arith.constant 0 : i32
      %scan3A_61 = arith.constant 0 : i32
      %scan3A_62 = arith.constant 0 : i32
      %scan3A_63 = arith.constant 0 : i32
      %scan3A_64 = arith.constant 16 : i32
      %scan3A_65 = arith.addi %scan3A_63, %scan3A_64 : i32
      %scan3A_66 = arith.constant 1 : i32
      %scan3A_67:5 = scf.for %scan3A_121 = %scan3A_63 to %scan3A_65 step %scan3A_66 iter_args(%scan3A_122 = %select_n3A_59, %scan3A_123 = %scan3A, %scan3A_124 = %scan3A_60, %scan3A_125 = %scan3A_61, %scan3A_126 = %scan3A_62) -> (i32, i32, i32, i32, i32)  : i32 {
        %eq3A_127 = arith.constant 0 : i32
        %eq3A_128 = arith.cmpi eq, %scan3A_121, %eq3A_127 : i32
        %eq3A_129 = arith.constant 15 : i32
        %eq3A_130 = arith.cmpi eq, %scan3A_121, %eq3A_129 : i32
        %add3A_131 = arith.addi %scan3A_126, %mul3A_6 : i32
        %sub3A_132 = arith.constant 1 : i32
        %sub3A_133 = arith.subi %scan3A_126, %sub3A_132 : i32
        %select_n3A_134 = arith.constant true
        %select_n3A_135 = arith.select %select_n3A_134, %sub3A_133, %scan3A_126 : i32
        %eq3A_136 = arith.constant -1 : i32
        %eq3A_137 = arith.cmpi eq, %select_n3A_135, %eq3A_136 : i32
        %select_n3A_138 = arith.constant 15 : i32
        %select_n3A_139 = arith.select %eq3A_137, %select_n3A_138, %select_n3A_135 : i32
        %add3A_140 = arith.addi %select_n3A_139, %mul3A_6 : i32
        %add3A_141 = arith.constant 1 : i32
        %add3A_142 = arith.addi %scan3A_126, %add3A_141 : i32
        %select_n3A_143 = arith.constant true
        %select_n3A_144 = arith.select %select_n3A_143, %add3A_142, %scan3A_126 : i32
        %eq3A_145 = arith.constant 16 : i32
        %eq3A_146 = arith.cmpi eq, %select_n3A_144, %eq3A_145 : i32
        %select_n3A_147 = arith.constant 0 : i32
        %select_n3A_148 = arith.select %eq3A_146, %select_n3A_147, %select_n3A_144 : i32
        %add3A_149 = arith.addi %select_n3A_148, %mul3A_6 : i32
        %add3A_150 = arith.constant 1 : i32
        %add3A_151 = arith.addi %select_n3A_148, %add3A_150 : i32
        %select_n3A_152 = arith.constant true
        %select_n3A_153 = arith.select %select_n3A_152, %add3A_151, %select_n3A_148 : i32
        %eq3A_154 = arith.constant 16 : i32
        %eq3A_155 = arith.cmpi eq, %select_n3A_153, %eq3A_154 : i32
        %select_n3A_156 = arith.constant 0 : i32
        %select_n3A_157 = arith.select %eq3A_155, %select_n3A_156, %select_n3A_153 : i32
        %add3A_158 = arith.addi %select_n3A_157, %mul3A_6 : i32
        %ne3A = arith.cmpi ne, %add3A_131, %add3A_149 : i32
        %or3A = arith.constant false
        %or3A_159 = arith.ori %or3A, %ne3A : i1
        %ge3A = arith.constant 15 : i32
        %ge3A_160 = arith.cmpi sge, %scan3A_121, %ge3A : i32
        %not3A = arith.constant true
        %not3A_161 = arith.xori %ge3A_160, %not3A : i1
        %and3A = arith.andi %or3A_159, %not3A_161 : i1
        %convert_element_type3A = arith.extui %and3A : i1 to i32
        %cond3A = arith.constant 0 : i32
        %cond3A_162 = arith.cmpi ne, %convert_element_type3A, %cond3A : i32
        scf.if %cond3A_162 {
          "tpu.trace_start"() <{level = 10 : i32, message = "ep_copy_in"}> : () -> ()
          %rem3A_264 = arith.constant 2 : i32
          %rem3A_265 = arith.remui %scan3A_122, %rem3A_264 : i32
          %mul3A_266 = arith.constant 128 : i32
          %mul3A_267 = arith.muli %mul3A_266, %add3A_149 : i32
          %dma_start3A_268 = arith.constant 0 : i32
          %dma_start3A_269 = arith.constant 0 : i32
          %dma_start3A_270 = tpu.memref_slice %run_scoped3A[%rem3A_265, %dma_start3A_268, %dma_start3A_269] : memref<2x1x128xi32, #tpu.memory_space<vmem>> -> memref<1x1x128xi32, #tpu.memory_space<vmem>>
          %dma_start3A_271 = tpu.memref_squeeze %dma_start3A_270 : memref<1x1x128xi32, #tpu.memory_space<vmem>> -> memref<1x128xi32, #tpu.memory_space<vmem>>
          %dma_start3A_272 = arith.constant 0 : i32
          %dma_start3A_273 = tpu.memref_slice %arg3[%dma_start3A_272, %mul3A_267] : memref<1x65536xi32, #tpu.memory_space<hbm>> -> memref<1x128xi32, #tpu.memory_space<hbm>>
          %dma_start3A_274 = tpu.memref_slice %run_scoped3A_7[%rem3A_265] : memref<2x!tpu.dma_semaphore, #tpu.memory_space<semaphore_mem>> -> memref<1x!tpu.dma_semaphore, #tpu.memory_space<semaphore_mem>>
          %dma_start3A_275 = tpu.memref_squeeze %dma_start3A_274 : memref<1x!tpu.dma_semaphore, #tpu.memory_space<semaphore_mem>> -> memref<!tpu.dma_semaphore, #tpu.memory_space<semaphore_mem>>
          %dma_start3A_276 = arith.constant 0 : i32
          %dma_start3A_277 = arith.constant 0 : i32
          %dma_start3A_278 = tpu.memref_slice %run_scoped3A[%rem3A_265, %dma_start3A_276, %dma_start3A_277] : memref<2x1x128xi32, #tpu.memory_space<vmem>> -> memref<1x1x128xi32, #tpu.memory_space<vmem>>
          %dma_start3A_279 = tpu.memref_squeeze %dma_start3A_278 : memref<1x1x128xi32, #tpu.memory_space<vmem>> -> memref<1x128xi32, #tpu.memory_space<vmem>>
          %dma_start3A_280 = arith.constant 0 : i32
          %dma_start3A_281 = tpu.memref_slice %arg3[%dma_start3A_280, %mul3A_267] : memref<1x65536xi32, #tpu.memory_space<hbm>> -> memref<1x128xi32, #tpu.memory_space<hbm>>
          tpu.enqueue_dma source(%dma_start3A_281 : memref<1x128xi32, #tpu.memory_space<hbm>>) target(%dma_start3A_279 : memref<1x128xi32, #tpu.memory_space<vmem>>) target_semaphore(%dma_start3A_275 : memref<!tpu.dma_semaphore, #tpu.memory_space<semaphore_mem>>)
          "tpu.trace_stop"() : () -> ()
        } else {
        }
        %and3A_163 = arith.constant true
        %and3A_164 = arith.andi %and3A, %and3A_163 : i1
        %add3A_165 = arith.constant 1 : i32
        %add3A_166 = arith.addi %scan3A_122, %add3A_165 : i32
        %select_n3A_167 = arith.select %and3A_164, %add3A_166, %scan3A_122 : i32
        %ne3A_168 = arith.cmpi ne, %add3A_131, %add3A_149 : i32
        %or3A_169 = arith.constant false
        %or3A_170 = arith.ori %or3A_169, %ne3A_168 : i1
        %or3A_171 = arith.constant false
        %or3A_172 = arith.ori %or3A_170, %or3A_171 : i1
        %ge3A_173 = arith.constant 15 : i32
        %ge3A_174 = arith.cmpi sge, %scan3A_121, %ge3A_173 : i32
        %not3A_175 = arith.constant true
        %not3A_176 = arith.xori %ge3A_174, %not3A_175 : i1
        %and3A_177 = arith.andi %or3A_172, %not3A_176 : i1
        %ne3A_178 = arith.cmpi ne, %add3A_131, %add3A_140 : i32
        %or3A_179 = arith.constant false
        %or3A_180 = arith.ori %or3A_179, %ne3A_178 : i1
        %or3A_181 = arith.ori %or3A_180, %eq3A_128 : i1
        %convert_element_type3A_182 = arith.extui %or3A_181 : i1 to i32
        %cond3A_183 = arith.constant 0 : i32
        %cond3A_184 = arith.cmpi ne, %convert_element_type3A_182, %cond3A_183 : i32
        scf.if %cond3A_184 {
          "tpu.trace_start"() <{level = 10 : i32, message = "ep_wait_in"}> : () -> ()
          %mul3A_264 = arith.constant 128 : i32
          %mul3A_265 = arith.muli %mul3A_264, %add3A_131 : i32
          %rem3A_266 = arith.constant 2 : i32
          %rem3A_267 = arith.remui %scan3A_123, %rem3A_266 : i32
          %dma_wait3A_268 = arith.constant 0 : i32
          %dma_wait3A_269 = arith.constant 0 : i32
          %dma_wait3A_270 = tpu.memref_slice %run_scoped3A[%rem3A_267, %dma_wait3A_268, %dma_wait3A_269] : memref<2x1x128xi32, #tpu.memory_space<vmem>> -> memref<1x1x128xi32, #tpu.memory_space<vmem>>
          %dma_wait3A_271 = tpu.memref_squeeze %dma_wait3A_270 : memref<1x1x128xi32, #tpu.memory_space<vmem>> -> memref<1x128xi32, #tpu.memory_space<vmem>>
          %dma_wait3A_272 = arith.constant 0 : i32
          %dma_wait3A_273 = tpu.memref_slice %arg3[%dma_wait3A_272, %mul3A_265] : memref<1x65536xi32, #tpu.memory_space<hbm>> -> memref<1x128xi32, #tpu.memory_space<hbm>>
          %dma_wait3A_274 = tpu.memref_slice %run_scoped3A_7[%rem3A_267] : memref<2x!tpu.dma_semaphore, #tpu.memory_space<semaphore_mem>> -> memref<1x!tpu.dma_semaphore, #tpu.memory_space<semaphore_mem>>
          %dma_wait3A_275 = tpu.memref_squeeze %dma_wait3A_274 : memref<1x!tpu.dma_semaphore, #tpu.memory_space<semaphore_mem>> -> memref<!tpu.dma_semaphore, #tpu.memory_space<semaphore_mem>>
          %dma_wait3A_276 = arith.constant 0 : i32
          %dma_wait3A_277 = arith.constant 0 : i32
          %dma_wait3A_278 = tpu.memref_slice %run_scoped3A[%rem3A_267, %dma_wait3A_276, %dma_wait3A_277] : memref<2x1x128xi32, #tpu.memory_space<vmem>> -> memref<1x1x128xi32, #tpu.memory_space<vmem>>
          %dma_wait3A_279 = tpu.memref_squeeze %dma_wait3A_278 : memref<1x1x128xi32, #tpu.memory_space<vmem>> -> memref<1x128xi32, #tpu.memory_space<vmem>>
          %dma_wait3A_280 = arith.constant 0 : i32
          %dma_wait3A_281 = tpu.memref_slice %arg3[%dma_wait3A_280, %mul3A_265] : memref<1x65536xi32, #tpu.memory_space<hbm>> -> memref<1x128xi32, #tpu.memory_space<hbm>>
          tpu.wait_dma2 semaphore(%dma_wait3A_275 : memref<!tpu.dma_semaphore, #tpu.memory_space<semaphore_mem>>) src(%dma_wait3A_281 : memref<1x128xi32, #tpu.memory_space<hbm>>) dst(%dma_wait3A_279 : memref<1x128xi32, #tpu.memory_space<vmem>>)
          "tpu.trace_stop"() : () -> ()
        } else {
        }
        %ne3A_185 = arith.cmpi ne, %add3A_131, %add3A_140 : i32
        %or3A_186 = arith.constant false
        %or3A_187 = arith.ori %or3A_186, %ne3A_185 : i1
        %or3A_188 = arith.constant false
        %or3A_189 = arith.ori %or3A_187, %or3A_188 : i1
        %or3A_190 = arith.ori %or3A_189, %eq3A_128 : i1
        %convert_element_type3A_191 = arith.extui %or3A_190 : i1 to i32
        %cond3A_192 = arith.constant 0 : i32
        %cond3A_193 = arith.cmpi ne, %convert_element_type3A_191, %cond3A_192 : i32
        scf.if %cond3A_193 {
        } else {
        }
        %rem3A_194 = arith.constant 2 : i32
        %rem3A_195 = arith.remui %scan3A_123, %rem3A_194 : i32
        %rem3A_196 = arith.constant 2 : i32
        %rem3A_197 = arith.remui %scan3A_124, %rem3A_196 : i32
        %run_scoped3A_198 = arith.constant 0 : i32
        "tpu.trace_start"() <{level = 10 : i32, message = "ep_run_kernel"}> : () -> ()
        "tpu.region"() ({
          %run_scoped3A_264 = tpu.sem_alloc : memref<!tpu.dma_semaphore, #tpu.memory_space<semaphore_mem>>
          %dma_start3A_265 = arith.constant 0 : i32
          %dma_start3A_266 = arith.constant 0 : i32
          %dma_start3A_267 = tpu.memref_slice %run_scoped3A_8[%rem3A_197, %dma_start3A_265, %dma_start3A_266] : memref<2x128x256xf32, #tpu.memory_space<vmem>> -> memref<1x128x256xf32, #tpu.memory_space<vmem>>
          %dma_start3A_268 = tpu.memref_squeeze %dma_start3A_267 : memref<1x128x256xf32, #tpu.memory_space<vmem>> -> memref<128x256xf32, #tpu.memory_space<vmem>>
          %dma_start3A_269 = arith.constant 0 : i32
          %dma_start3A_270 = arith.constant 0 : i32
          %dma_start3A_271 = tpu.memref_slice %run_scoped3A[%rem3A_195, %dma_start3A_269, %dma_start3A_270] : memref<2x1x128xi32, #tpu.memory_space<vmem>> -> memref<1x1x128xi32, #tpu.memory_space<vmem>>
          %dma_start3A_272 = tpu.memref_squeeze %dma_start3A_271 : memref<1x1x128xi32, #tpu.memory_space<vmem>> -> memref<1x128xi32, #tpu.memory_space<vmem>>
          %dma_start3A_273 = arith.constant 0 : i32
          %dma_start3A_274 = tpu.memref_slice %dma_start3A_272[%run_scoped3A_198, %dma_start3A_273] : memref<1x128xi32, #tpu.memory_space<vmem>> -> memref<1x128xi32, #tpu.memory_space<vmem>>
          %dma_start3A_275 = tpu.memref_squeeze %dma_start3A_274 : memref<1x128xi32, #tpu.memory_space<vmem>> -> memref<128xi32, #tpu.memory_space<vmem>>
          %dma_start3A_276 = arith.constant 0 : i32
          %dma_start3A_277 = arith.constant 0 : i32
          %dma_start3A_278 = tpu.memref_slice %arg2[%dma_start3A_276, %dma_start3A_277] : memref<8192x256xf32, #tpu.memory_space<hbm>> -> memref<8192x256xf32, #tpu.memory_space<hbm>>
          tpu.enqueue_indirect_dma source(%dma_start3A_278 : memref<8192x256xf32, #tpu.memory_space<hbm>>) target(%dma_start3A_268 : memref<128x256xf32, #tpu.memory_space<vmem>>) offsets(%dma_start3A_275 : memref<128xi32, #tpu.memory_space<vmem>>) semaphore(%run_scoped3A_264 : memref<!tpu.dma_semaphore, #tpu.memory_space<semaphore_mem>>)
          %dma_wait3A_279 = arith.constant 0 : i32
          %dma_wait3A_280 = arith.constant 0 : i32
          %dma_wait3A_281 = tpu.memref_slice %run_scoped3A_8[%rem3A_197, %dma_wait3A_279, %dma_wait3A_280] : memref<2x128x256xf32, #tpu.memory_space<vmem>> -> memref<1x128x256xf32, #tpu.memory_space<vmem>>
          %dma_wait3A_282 = tpu.memref_squeeze %dma_wait3A_281 : memref<1x128x256xf32, #tpu.memory_space<vmem>> -> memref<128x256xf32, #tpu.memory_space<vmem>>
          %dma_wait3A_283 = arith.constant 0 : i32
          %dma_wait3A_284 = arith.constant 0 : i32
          %dma_wait3A_285 = tpu.memref_slice %run_scoped3A[%rem3A_195, %dma_wait3A_283, %dma_wait3A_284] : memref<2x1x128xi32, #tpu.memory_space<vmem>> -> memref<1x1x128xi32, #tpu.memory_space<vmem>>
          %dma_wait3A_286 = tpu.memref_squeeze %dma_wait3A_285 : memref<1x1x128xi32, #tpu.memory_space<vmem>> -> memref<1x128xi32, #tpu.memory_space<vmem>>
          %dma_wait3A_287 = arith.constant 0 : i32
          %dma_wait3A_288 = tpu.memref_slice %dma_wait3A_286[%run_scoped3A_198, %dma_wait3A_287] : memref<1x128xi32, #tpu.memory_space<vmem>> -> memref<1x128xi32, #tpu.memory_space<vmem>>
          %dma_wait3A_289 = tpu.memref_squeeze %dma_wait3A_288 : memref<1x128xi32, #tpu.memory_space<vmem>> -> memref<128xi32, #tpu.memory_space<vmem>>
          %dma_wait3A_290 = arith.constant 0 : i32
          %dma_wait3A_291 = arith.constant 0 : i32
          %dma_wait3A_292 = tpu.memref_slice %arg2[%dma_wait3A_290, %dma_wait3A_291] : memref<8192x256xf32, #tpu.memory_space<hbm>> -> memref<8192x256xf32, #tpu.memory_space<hbm>>
          tpu.wait_indirect_dma semaphore(%run_scoped3A_264 : memref<!tpu.dma_semaphore, #tpu.memory_space<semaphore_mem>>) src(%dma_wait3A_292 : memref<8192x256xf32, #tpu.memory_space<hbm>>) dst(%dma_wait3A_282 : memref<128x256xf32, #tpu.memory_space<vmem>>)
          tpu.yield
        }) : () -> ()
        "tpu.trace_stop"() : () -> ()
        %ne3A_199 = arith.cmpi ne, %add3A_131, %add3A_149 : i32
        %or3A_200 = arith.constant false
        %or3A_201 = arith.ori %or3A_200, %ne3A_199 : i1
        %or3A_202 = arith.ori %or3A_201, %eq3A_130 : i1
        %convert_element_type3A_203 = arith.extui %or3A_202 : i1 to i32
        %cond3A_204 = arith.constant 0 : i32
        %cond3A_205 = arith.cmpi ne, %convert_element_type3A_203, %cond3A_204 : i32
        scf.if %cond3A_205 {
        } else {
        }
        %and3A_206 = arith.constant false
        %and3A_207 = arith.andi %or3A_202, %and3A_206 : i1
        %ne3A_208 = arith.cmpi ne, %add3A_131, %add3A_149 : i32
        %or3A_209 = arith.constant false
        %or3A_210 = arith.ori %or3A_209, %ne3A_208 : i1
        %or3A_211 = arith.constant false
        %or3A_212 = arith.ori %or3A_210, %or3A_211 : i1
        %or3A_213 = arith.ori %or3A_212, %eq3A_130 : i1
        %convert_element_type3A_214 = arith.extui %or3A_213 : i1 to i32
        %cond3A_215 = arith.constant 0 : i32
        %cond3A_216 = arith.cmpi ne, %convert_element_type3A_214, %cond3A_215 : i32
        scf.if %cond3A_216 {
          "tpu.trace_start"() <{level = 10 : i32, message = "ep_copy_out"}> : () -> ()
          %rem3A_264 = arith.constant 2 : i32
          %rem3A_265 = arith.remui %scan3A_124, %rem3A_264 : i32
          %mul3A_266 = arith.constant 128 : i32
          %mul3A_267 = arith.muli %mul3A_266, %add3A_131 : i32
          %dma_start3A_268 = arith.constant 0 : i32
          %dma_start3A_269 = arith.constant 0 : i32
          %dma_start3A_270 = tpu.memref_slice %run_scoped3A_8[%rem3A_265, %dma_start3A_268, %dma_start3A_269] : memref<2x128x256xf32, #tpu.memory_space<vmem>> -> memref<1x128x256xf32, #tpu.memory_space<vmem>>
          %dma_start3A_271 = tpu.memref_squeeze %dma_start3A_270 : memref<1x128x256xf32, #tpu.memory_space<vmem>> -> memref<128x256xf32, #tpu.memory_space<vmem>>
          %dma_start3A_272 = arith.constant 0 : i32
          %dma_start3A_273 = tpu.memref_slice %arg4[%mul3A_267, %dma_start3A_272] : memref<65536x256xf32, #tpu.memory_space<hbm>> -> memref<128x256xf32, #tpu.memory_space<hbm>>
          %dma_start3A_274 = tpu.memref_slice %run_scoped3A_9[%rem3A_265] : memref<2x!tpu.dma_semaphore, #tpu.memory_space<semaphore_mem>> -> memref<1x!tpu.dma_semaphore, #tpu.memory_space<semaphore_mem>>
          %dma_start3A_275 = tpu.memref_squeeze %dma_start3A_274 : memref<1x!tpu.dma_semaphore, #tpu.memory_space<semaphore_mem>> -> memref<!tpu.dma_semaphore, #tpu.memory_space<semaphore_mem>>
          %dma_start3A_276 = arith.constant 0 : i32
          %dma_start3A_277 = tpu.memref_slice %arg4[%mul3A_267, %dma_start3A_276] : memref<65536x256xf32, #tpu.memory_space<hbm>> -> memref<128x256xf32, #tpu.memory_space<hbm>>
          %dma_start3A_278 = arith.constant 0 : i32
          %dma_start3A_279 = arith.constant 0 : i32
          %dma_start3A_280 = tpu.memref_slice %run_scoped3A_8[%rem3A_265, %dma_start3A_278, %dma_start3A_279] : memref<2x128x256xf32, #tpu.memory_space<vmem>> -> memref<1x128x256xf32, #tpu.memory_space<vmem>>
          %dma_start3A_281 = tpu.memref_squeeze %dma_start3A_280 : memref<1x128x256xf32, #tpu.memory_space<vmem>> -> memref<128x256xf32, #tpu.memory_space<vmem>>
          tpu.enqueue_dma source(%dma_start3A_281 : memref<128x256xf32, #tpu.memory_space<vmem>>) target(%dma_start3A_277 : memref<128x256xf32, #tpu.memory_space<hbm>>) target_semaphore(%dma_start3A_275 : memref<!tpu.dma_semaphore, #tpu.memory_space<semaphore_mem>>)
          "tpu.trace_stop"() : () -> ()
        } else {
        }
        %and3A_217 = arith.constant true
        %and3A_218 = arith.andi %or3A_213, %and3A_217 : i1
        %add3A_219 = arith.constant 1 : i32
        %add3A_220 = arith.addi %scan3A_124, %add3A_219 : i32
        %select_n3A_221 = arith.select %and3A_218, %add3A_220, %scan3A_124 : i32
        %ne3A_222 = arith.cmpi ne, %add3A_131, %add3A_140 : i32
        %or3A_223 = arith.constant false
        %or3A_224 = arith.ori %or3A_223, %ne3A_222 : i1
        %not3A_225 = arith.constant true
        %not3A_226 = arith.xori %eq3A_128, %not3A_225 : i1
        %and3A_227 = arith.andi %or3A_224, %not3A_226 : i1
        %convert_element_type3A_228 = arith.extui %and3A_227 : i1 to i32
        %cond3A_229 = arith.constant 0 : i32
        %cond3A_230 = arith.cmpi ne, %convert_element_type3A_228, %cond3A_229 : i32
        scf.if %cond3A_230 {
        } else {
        }
        %and3A_231 = arith.constant false
        %and3A_232 = arith.andi %and3A_227, %and3A_231 : i1
        %ne3A_233 = arith.cmpi ne, %add3A_131, %add3A_140 : i32
        %or3A_234 = arith.constant false
        %or3A_235 = arith.ori %or3A_234, %ne3A_233 : i1
        %or3A_236 = arith.constant false
        %or3A_237 = arith.ori %or3A_235, %or3A_236 : i1
        %not3A_238 = arith.constant true
        %not3A_239 = arith.xori %eq3A_128, %not3A_238 : i1
        %and3A_240 = arith.andi %or3A_237, %not3A_239 : i1
        %convert_element_type3A_241 = arith.extui %and3A_240 : i1 to i32
        %cond3A_242 = arith.constant 0 : i32
        %cond3A_243 = arith.cmpi ne, %convert_element_type3A_241, %cond3A_242 : i32
        scf.if %cond3A_243 {
          "tpu.trace_start"() <{level = 10 : i32, message = "ep_wait_out"}> : () -> ()
          %rem3A_264 = arith.constant 2 : i32
          %rem3A_265 = arith.remui %scan3A_125, %rem3A_264 : i32
          %mul3A_266 = arith.constant 128 : i32
          %mul3A_267 = arith.muli %mul3A_266, %add3A_140 : i32
          %dma_wait3A_268 = arith.constant 0 : i32
          %dma_wait3A_269 = arith.constant 0 : i32
          %dma_wait3A_270 = tpu.memref_slice %run_scoped3A_8[%rem3A_265, %dma_wait3A_268, %dma_wait3A_269] : memref<2x128x256xf32, #tpu.memory_space<vmem>> -> memref<1x128x256xf32, #tpu.memory_space<vmem>>
          %dma_wait3A_271 = tpu.memref_squeeze %dma_wait3A_270 : memref<1x128x256xf32, #tpu.memory_space<vmem>> -> memref<128x256xf32, #tpu.memory_space<vmem>>
          %dma_wait3A_272 = arith.constant 0 : i32
          %dma_wait3A_273 = tpu.memref_slice %arg4[%mul3A_267, %dma_wait3A_272] : memref<65536x256xf32, #tpu.memory_space<hbm>> -> memref<128x256xf32, #tpu.memory_space<hbm>>
          %dma_wait3A_274 = tpu.memref_slice %run_scoped3A_9[%rem3A_265] : memref<2x!tpu.dma_semaphore, #tpu.memory_space<semaphore_mem>> -> memref<1x!tpu.dma_semaphore, #tpu.memory_space<semaphore_mem>>
          %dma_wait3A_275 = tpu.memref_squeeze %dma_wait3A_274 : memref<1x!tpu.dma_semaphore, #tpu.memory_space<semaphore_mem>> -> memref<!tpu.dma_semaphore, #tpu.memory_space<semaphore_mem>>
          %dma_wait3A_276 = arith.constant 0 : i32
          %dma_wait3A_277 = tpu.memref_slice %arg4[%mul3A_267, %dma_wait3A_276] : memref<65536x256xf32, #tpu.memory_space<hbm>> -> memref<128x256xf32, #tpu.memory_space<hbm>>
          %dma_wait3A_278 = arith.constant 0 : i32
          %dma_wait3A_279 = arith.constant 0 : i32
          %dma_wait3A_280 = tpu.memref_slice %run_scoped3A_8[%rem3A_265, %dma_wait3A_278, %dma_wait3A_279] : memref<2x128x256xf32, #tpu.memory_space<vmem>> -> memref<1x128x256xf32, #tpu.memory_space<vmem>>
          %dma_wait3A_281 = tpu.memref_squeeze %dma_wait3A_280 : memref<1x128x256xf32, #tpu.memory_space<vmem>> -> memref<128x256xf32, #tpu.memory_space<vmem>>
          tpu.wait_dma2 semaphore(%dma_wait3A_275 : memref<!tpu.dma_semaphore, #tpu.memory_space<semaphore_mem>>) src(%dma_wait3A_281 : memref<128x256xf32, #tpu.memory_space<vmem>>) dst(%dma_wait3A_277 : memref<128x256xf32, #tpu.memory_space<hbm>>)
          "tpu.trace_stop"() : () -> ()
        } else {
        }
        %and3A_244 = arith.constant true
        %and3A_245 = arith.andi %and3A_240, %and3A_244 : i1
        %add3A_246 = arith.constant 1 : i32
        %add3A_247 = arith.addi %scan3A_125, %add3A_246 : i32
        %select_n3A_248 = arith.select %and3A_245, %add3A_247, %scan3A_125 : i32
        %ne3A_249 = arith.cmpi ne, %add3A_131, %add3A_149 : i32
        %or3A_250 = arith.constant false
        %or3A_251 = arith.ori %or3A_250, %ne3A_249 : i1
        %or3A_252 = arith.ori %or3A_251, %eq3A_130 : i1
        %add3A_253 = arith.constant 1 : i32
        %add3A_254 = arith.addi %scan3A_123, %add3A_253 : i32
        %select_n3A_255 = arith.select %or3A_252, %add3A_254, %scan3A_123 : i32
        %add3A_256 = arith.constant 1 : i32
        %add3A_257 = arith.addi %scan3A_126, %add3A_256 : i32
        %select_n3A_258 = arith.constant true
        %select_n3A_259 = arith.select %select_n3A_258, %add3A_257, %scan3A_126 : i32
        %eq3A_260 = arith.constant 16 : i32
        %eq3A_261 = arith.cmpi eq, %select_n3A_259, %eq3A_260 : i32
        %select_n3A_262 = arith.constant 0 : i32
        %select_n3A_263 = arith.select %eq3A_261, %select_n3A_262, %select_n3A_259 : i32
        scf.yield %select_n3A_167, %select_n3A_255, %select_n3A_221, %select_n3A_248, %select_n3A_263 : i32, i32, i32, i32, i32
      }
      %scan3A_68 = arith.constant 16 : i32
      %sub3A = arith.constant 1 : i32
      %sub3A_69 = arith.subi %scan3A_67#4, %sub3A : i32
      %select_n3A_70 = arith.constant true
      %select_n3A_71 = arith.select %select_n3A_70, %sub3A_69, %scan3A_67#4 : i32
      %eq3A_72 = arith.constant -1 : i32
      %eq3A_73 = arith.cmpi eq, %select_n3A_71, %eq3A_72 : i32
      %select_n3A_74 = arith.constant 15 : i32
      %select_n3A_75 = arith.select %eq3A_73, %select_n3A_74, %select_n3A_71 : i32
      %add3A_76 = arith.addi %select_n3A_75, %mul3A_6 : i32
      %sub3A_77 = arith.constant 1 : i32
      %sub3A_78 = arith.subi %select_n3A_75, %sub3A_77 : i32
      %select_n3A_79 = arith.constant true
      %select_n3A_80 = arith.select %select_n3A_79, %sub3A_78, %select_n3A_75 : i32
      %eq3A_81 = arith.constant -1 : i32
      %eq3A_82 = arith.cmpi eq, %select_n3A_80, %eq3A_81 : i32
      %select_n3A_83 = arith.constant 15 : i32
      %select_n3A_84 = arith.select %eq3A_82, %select_n3A_83, %select_n3A_80 : i32
      %add3A_85 = arith.addi %select_n3A_84, %mul3A_6 : i32
      %add3A_86 = arith.constant 1 : i32
      %add3A_87 = arith.addi %select_n3A_75, %add3A_86 : i32
      %select_n3A_88 = arith.constant true
      %select_n3A_89 = arith.select %select_n3A_88, %add3A_87, %select_n3A_75 : i32
      %eq3A_90 = arith.constant 16 : i32
      %eq3A_91 = arith.cmpi eq, %select_n3A_89, %eq3A_90 : i32
      %select_n3A_92 = arith.constant 0 : i32
      %select_n3A_93 = arith.select %eq3A_91, %select_n3A_92, %select_n3A_89 : i32
      %add3A_94 = arith.addi %select_n3A_93, %mul3A_6 : i32
      %add3A_95 = arith.constant 1 : i32
      %add3A_96 = arith.addi %select_n3A_93, %add3A_95 : i32
      %select_n3A_97 = arith.constant true
      %select_n3A_98 = arith.select %select_n3A_97, %add3A_96, %select_n3A_93 : i32
      %eq3A_99 = arith.constant 16 : i32
      %eq3A_100 = arith.cmpi eq, %select_n3A_98, %eq3A_99 : i32
      %select_n3A_101 = arith.constant 0 : i32
      %select_n3A_102 = arith.select %eq3A_100, %select_n3A_101, %select_n3A_98 : i32
      %add3A_103 = arith.addi %select_n3A_102, %mul3A_6 : i32
      "tpu.trace_start"() <{level = 10 : i32, message = "ep_finalize"}> : () -> ()
      %rem3A_104 = arith.constant 2 : i32
      %rem3A_105 = arith.remui %scan3A_67#3, %rem3A_104 : i32
      %mul3A_106 = arith.constant 128 : i32
      %mul3A_107 = arith.muli %mul3A_106, %add3A_76 : i32
      %dma_wait3A = arith.constant 0 : i32
      %dma_wait3A_108 = arith.constant 0 : i32
      %dma_wait3A_109 = tpu.memref_slice %run_scoped3A_8[%rem3A_105, %dma_wait3A, %dma_wait3A_108] : memref<2x128x256xf32, #tpu.memory_space<vmem>> -> memref<1x128x256xf32, #tpu.memory_space<vmem>>
      %dma_wait3A_110 = tpu.memref_squeeze %dma_wait3A_109 : memref<1x128x256xf32, #tpu.memory_space<vmem>> -> memref<128x256xf32, #tpu.memory_space<vmem>>
      %dma_wait3A_111 = arith.constant 0 : i32
      %dma_wait3A_112 = tpu.memref_slice %arg4[%mul3A_107, %dma_wait3A_111] : memref<65536x256xf32, #tpu.memory_space<hbm>> -> memref<128x256xf32, #tpu.memory_space<hbm>>
      %dma_wait3A_113 = tpu.memref_slice %run_scoped3A_9[%rem3A_105] : memref<2x!tpu.dma_semaphore, #tpu.memory_space<semaphore_mem>> -> memref<1x!tpu.dma_semaphore, #tpu.memory_space<semaphore_mem>>
      %dma_wait3A_114 = tpu.memref_squeeze %dma_wait3A_113 : memref<1x!tpu.dma_semaphore, #tpu.memory_space<semaphore_mem>> -> memref<!tpu.dma_semaphore, #tpu.memory_space<semaphore_mem>>
      %dma_wait3A_115 = arith.constant 0 : i32
      %dma_wait3A_116 = tpu.memref_slice %arg4[%mul3A_107, %dma_wait3A_115] : memref<65536x256xf32, #tpu.memory_space<hbm>> -> memref<128x256xf32, #tpu.memory_space<hbm>>
      %dma_wait3A_117 = arith.constant 0 : i32
      %dma_wait3A_118 = arith.constant 0 : i32
      %dma_wait3A_119 = tpu.memref_slice %run_scoped3A_8[%rem3A_105, %dma_wait3A_117, %dma_wait3A_118] : memref<2x128x256xf32, #tpu.memory_space<vmem>> -> memref<1x128x256xf32, #tpu.memory_space<vmem>>
      %dma_wait3A_120 = tpu.memref_squeeze %dma_wait3A_119 : memref<1x128x256xf32, #tpu.memory_space<vmem>> -> memref<128x256xf32, #tpu.memory_space<vmem>>
      tpu.wait_dma2 semaphore(%dma_wait3A_114 : memref<!tpu.dma_semaphore, #tpu.memory_space<semaphore_mem>>) src(%dma_wait3A_120 : memref<128x256xf32, #tpu.memory_space<vmem>>) dst(%dma_wait3A_116 : memref<128x256xf32, #tpu.memory_space<hbm>>)
      "tpu.trace_stop"() : () -> ()
      tpu.yield
    }) : () -> ()
    return
  }
}

#map = affine_map<(d0, d1) -> (0, 0)>
module attributes {stable_mosaic.version = 14 : i64} {
  func.func @gather_kernel(%arg0: i32, %arg1: i32, %arg2: memref<8192x256xf32, #tpu.memory_space<hbm>>, %arg3: memref<1x65536xi32, #tpu.memory_space<hbm>>, %arg4: memref<65536x256xf32, #tpu.memory_space<hbm>>) attributes {dimension_semantics = [#tpu.dimension_semantics<core_parallel>, #tpu.dimension_semantics<subcore_parallel>], iteration_bounds = array<i64: 2, 16>, scalar_prefetch = 0 : i64, scratch_operands = 0 : i64, tpu.core_type = #tpu.core_type<sc_vector_subcore>, window_params = [{transform_indices = #map}, {transform_indices = #map}, {transform_indices = #map}]} {
    %mul3A = arith.constant 1 : i32
    %mul3A_0 = arith.muli %arg1, %mul3A : i32
    %add3A = arith.constant 0 : i32
    %add3A_1 = arith.addi %add3A, %mul3A_0 : i32
    %mul3A_2 = arith.constant 16 : i32
    %mul3A_3 = arith.muli %arg0, %mul3A_2 : i32
    %add3A_4 = arith.addi %add3A_1, %mul3A_3 : i32
    %mul3A_5 = arith.constant 16 : i32
    %mul3A_6 = arith.muli %add3A_4, %mul3A_5 : i32
    "tpu.region"() ({
      %run_scoped3A = memref.alloca() : memref<2x1x128xi32, #tpu.memory_space<vmem>>
      %run_scoped3A_7 = tpu.sem_alloc : memref<2x!tpu.dma_semaphore, #tpu.memory_space<semaphore_mem>>
      %run_scoped3A_8 = memref.alloca() : memref<2x128x256xf32, #tpu.memory_space<vmem>>
      %run_scoped3A_9 = tpu.sem_alloc : memref<2x!tpu.dma_semaphore, #tpu.memory_space<semaphore_mem>>
      %add3A_10 = arith.constant 0 : i32
      %add3A_11 = arith.addi %add3A_10, %mul3A_6 : i32
      %select_n3A = arith.constant true
      %select_n3A_12 = arith.constant 0 : i32
      %select_n3A_13 = arith.constant -1 : i32
      %select_n3A_14 = arith.select %select_n3A, %select_n3A_13, %select_n3A_12 : i32
      %eq3A = arith.constant -1 : i32
      %eq3A_15 = arith.cmpi eq, %select_n3A_14, %eq3A : i32
      %select_n3A_16 = arith.constant 15 : i32
      %select_n3A_17 = arith.select %eq3A_15, %select_n3A_16, %select_n3A_14 : i32
      %add3A_18 = arith.addi %select_n3A_17, %mul3A_6 : i32
      %select_n3A_19 = arith.constant true
      %select_n3A_20 = arith.constant 0 : i32
      %select_n3A_21 = arith.constant 1 : i32
      %select_n3A_22 = arith.select %select_n3A_19, %select_n3A_21, %select_n3A_20 : i32
      %eq3A_23 = arith.constant 16 : i32
      %eq3A_24 = arith.cmpi eq, %select_n3A_22, %eq3A_23 : i32
      %select_n3A_25 = arith.constant 0 : i32
      %select_n3A_26 = arith.select %eq3A_24, %select_n3A_25, %select_n3A_22 : i32
      %add3A_27 = arith.addi %select_n3A_26, %mul3A_6 : i32
      %add3A_28 = arith.constant 1 : i32
      %add3A_29 = arith.addi %select_n3A_26, %add3A_28 : i32
      %select_n3A_30 = arith.constant true
      %select_n3A_31 = arith.select %select_n3A_30, %add3A_29, %select_n3A_26 : i32
      %eq3A_32 = arith.constant 16 : i32
      %eq3A_33 = arith.cmpi eq, %select_n3A_31, %eq3A_32 : i32
      %select_n3A_34 = arith.constant 0 : i32
      %select_n3A_35 = arith.select %eq3A_33, %select_n3A_34, %select_n3A_31 : i32
      %add3A_36 = arith.addi %select_n3A_35, %mul3A_6 : i32
      "tpu.trace_start"() <{level = 10 : i32, message = "ep_initialize_0"}> : () -> ()
      %rem3A = arith.constant 0 : i32
      %rem3A_37 = arith.constant 2 : i32
      %rem3A_38 = arith.remui %rem3A, %rem3A_37 : i32
      %mul3A_39 = arith.constant 128 : i32
      %mul3A_40 = arith.muli %mul3A_39, %add3A_11 : i32
      %dma_start3A = arith.constant 0 : i32
      %dma_start3A_41 = arith.constant 0 : i32
      %dma_start3A_42 = tpu.memref_slice %run_scoped3A[%rem3A_38, %dma_start3A, %dma_start3A_41] : memref<2x1x128xi32, #tpu.memory_space<vmem>> -> memref<1x1x128xi32, #tpu.memory_space<vmem>>
      %dma_start3A_43 = tpu.memref_squeeze %dma_start3A_42 : memref<1x1x128xi32, #tpu.memory_space<vmem>> -> memref<1x128xi32, #tpu.memory_space<vmem>>
      %dma_start3A_44 = arith.constant 0 : i32
      %dma_start3A_45 = tpu.memref_slice %arg3[%dma_start3A_44, %mul3A_40] : memref<1x65536xi32, #tpu.memory_space<hbm>> -> memref<1x128xi32, #tpu.memory_space<hbm>>
      %dma_start3A_46 = tpu.memref_slice %run_scoped3A_7[%rem3A_38] : memref<2x!tpu.dma_semaphore, #tpu.memory_space<semaphore_mem>> -> memref<1x!tpu.dma_semaphore, #tpu.memory_space<semaphore_mem>>
      %dma_start3A_47 = tpu.memref_squeeze %dma_start3A_46 : memref<1x!tpu.dma_semaphore, #tpu.memory_space<semaphore_mem>> -> memref<!tpu.dma_semaphore, #tpu.memory_space<semaphore_mem>>
      %dma_start3A_48 = arith.constant 0 : i32
      %dma_start3A_49 = arith.constant 0 : i32
      %dma_start3A_50 = tpu.memref_slice %run_scoped3A[%rem3A_38, %dma_start3A_48, %dma_start3A_49] : memref<2x1x128xi32, #tpu.memory_space<vmem>> -> memref<1x1x128xi32, #tpu.memory_space<vmem>>
      %dma_start3A_51 = tpu.memref_squeeze %dma_start3A_50 : memref<1x1x128xi32, #tpu.memory_space<vmem>> -> memref<1x128xi32, #tpu.memory_space<vmem>>
      %dma_start3A_52 = arith.constant 0 : i32
      %dma_start3A_53 = tpu.memref_slice %arg3[%dma_start3A_52, %mul3A_40] : memref<1x65536xi32, #tpu.memory_space<hbm>> -> memref<1x128xi32, #tpu.memory_space<hbm>>
      tpu.enqueue_dma source(%dma_start3A_53 : memref<1x128xi32, #tpu.memory_space<hbm>>) target(%dma_start3A_51 : memref<1x128xi32, #tpu.memory_space<vmem>>) target_semaphore(%dma_start3A_47 : memref<!tpu.dma_semaphore, #tpu.memory_space<semaphore_mem>>)
      %add3A_54 = arith.constant 0 : i32
      %add3A_55 = arith.constant 1 : i32
      %add3A_56 = arith.addi %add3A_54, %add3A_55 : i32
      %select_n3A_57 = arith.constant true
      %select_n3A_58 = arith.constant 0 : i32
      %select_n3A_59 = arith.select %select_n3A_57, %add3A_56, %select_n3A_58 : i32
      "tpu.trace_stop"() : () -> ()
      %scan3A = arith.constant 0 : i32
      %scan3A_60 = arith.constant 0 : i32
      %scan3A_61 = arith.constant 0 : i32
      %scan3A_62 = arith.constant 0 : i32
      %scan3A_63 = arith.constant 0 : i32
      %scan3A_64 = arith.constant 16 : i32
      %scan3A_65 = arith.addi %scan3A_63, %scan3A_64 : i32
      %scan3A_66 = arith.constant 1 : i32
      %scan3A_67:5 = scf.for %scan3A_121 = %scan3A_63 to %scan3A_65 step %scan3A_66 iter_args(%scan3A_122 = %select_n3A_59, %scan3A_123 = %scan3A, %scan3A_124 = %scan3A_60, %scan3A_125 = %scan3A_61, %scan3A_126 = %scan3A_62) -> (i32, i32, i32, i32, i32)  : i32 {
        %eq3A_127 = arith.constant 0 : i32
        %eq3A_128 = arith.cmpi eq, %scan3A_121, %eq3A_127 : i32
        %eq3A_129 = arith.constant 15 : i32
        %eq3A_130 = arith.cmpi eq, %scan3A_121, %eq3A_129 : i32
        %add3A_131 = arith.addi %scan3A_126, %mul3A_6 : i32
        %sub3A_132 = arith.constant 1 : i32
        %sub3A_133 = arith.subi %scan3A_126, %sub3A_132 : i32
        %select_n3A_134 = arith.constant true
        %select_n3A_135 = arith.select %select_n3A_134, %sub3A_133, %scan3A_126 : i32
        %eq3A_136 = arith.constant -1 : i32
        %eq3A_137 = arith.cmpi eq, %select_n3A_135, %eq3A_136 : i32
        %select_n3A_138 = arith.constant 15 : i32
        %select_n3A_139 = arith.select %eq3A_137, %select_n3A_138, %select_n3A_135 : i32
        %add3A_140 = arith.addi %select_n3A_139, %mul3A_6 : i32
        %add3A_141 = arith.constant 1 : i32
        %add3A_142 = arith.addi %scan3A_126, %add3A_141 : i32
        %select_n3A_143 = arith.constant true
        %select_n3A_144 = arith.select %select_n3A_143, %add3A_142, %scan3A_126 : i32
        %eq3A_145 = arith.constant 16 : i32
        %eq3A_146 = arith.cmpi eq, %select_n3A_144, %eq3A_145 : i32
        %select_n3A_147 = arith.constant 0 : i32
        %select_n3A_148 = arith.select %eq3A_146, %select_n3A_147, %select_n3A_144 : i32
        %add3A_149 = arith.addi %select_n3A_148, %mul3A_6 : i32
        %add3A_150 = arith.constant 1 : i32
        %add3A_151 = arith.addi %select_n3A_148, %add3A_150 : i32
        %select_n3A_152 = arith.constant true
        %select_n3A_153 = arith.select %select_n3A_152, %add3A_151, %select_n3A_148 : i32
        %eq3A_154 = arith.constant 16 : i32
        %eq3A_155 = arith.cmpi eq, %select_n3A_153, %eq3A_154 : i32
        %select_n3A_156 = arith.constant 0 : i32
        %select_n3A_157 = arith.select %eq3A_155, %select_n3A_156, %select_n3A_153 : i32
        %add3A_158 = arith.addi %select_n3A_157, %mul3A_6 : i32
        %ne3A = arith.cmpi ne, %add3A_131, %add3A_149 : i32
        %or3A = arith.constant false
        %or3A_159 = arith.ori %or3A, %ne3A : i1
        %ge3A = arith.constant 15 : i32
        %ge3A_160 = arith.cmpi sge, %scan3A_121, %ge3A : i32
        %not3A = arith.constant true
        %not3A_161 = arith.xori %ge3A_160, %not3A : i1
        %and3A = arith.andi %or3A_159, %not3A_161 : i1
        %convert_element_type3A = arith.extui %and3A : i1 to i32
        %cond3A = arith.constant 0 : i32
        %cond3A_162 = arith.cmpi ne, %convert_element_type3A, %cond3A : i32
        scf.if %cond3A_162 {
          "tpu.trace_start"() <{level = 10 : i32, message = "ep_copy_in"}> : () -> ()
          %rem3A_264 = arith.constant 2 : i32
          %rem3A_265 = arith.remui %scan3A_122, %rem3A_264 : i32
          %mul3A_266 = arith.constant 128 : i32
          %mul3A_267 = arith.muli %mul3A_266, %add3A_149 : i32
          %dma_start3A_268 = arith.constant 0 : i32
          %dma_start3A_269 = arith.constant 0 : i32
          %dma_start3A_270 = tpu.memref_slice %run_scoped3A[%rem3A_265, %dma_start3A_268, %dma_start3A_269] : memref<2x1x128xi32, #tpu.memory_space<vmem>> -> memref<1x1x128xi32, #tpu.memory_space<vmem>>
          %dma_start3A_271 = tpu.memref_squeeze %dma_start3A_270 : memref<1x1x128xi32, #tpu.memory_space<vmem>> -> memref<1x128xi32, #tpu.memory_space<vmem>>
          %dma_start3A_272 = arith.constant 0 : i32
          %dma_start3A_273 = tpu.memref_slice %arg3[%dma_start3A_272, %mul3A_267] : memref<1x65536xi32, #tpu.memory_space<hbm>> -> memref<1x128xi32, #tpu.memory_space<hbm>>
          %dma_start3A_274 = tpu.memref_slice %run_scoped3A_7[%rem3A_265] : memref<2x!tpu.dma_semaphore, #tpu.memory_space<semaphore_mem>> -> memref<1x!tpu.dma_semaphore, #tpu.memory_space<semaphore_mem>>
          %dma_start3A_275 = tpu.memref_squeeze %dma_start3A_274 : memref<1x!tpu.dma_semaphore, #tpu.memory_space<semaphore_mem>> -> memref<!tpu.dma_semaphore, #tpu.memory_space<semaphore_mem>>
          %dma_start3A_276 = arith.constant 0 : i32
          %dma_start3A_277 = arith.constant 0 : i32
          %dma_start3A_278 = tpu.memref_slice %run_scoped3A[%rem3A_265, %dma_start3A_276, %dma_start3A_277] : memref<2x1x128xi32, #tpu.memory_space<vmem>> -> memref<1x1x128xi32, #tpu.memory_space<vmem>>
          %dma_start3A_279 = tpu.memref_squeeze %dma_start3A_278 : memref<1x1x128xi32, #tpu.memory_space<vmem>> -> memref<1x128xi32, #tpu.memory_space<vmem>>
          %dma_start3A_280 = arith.constant 0 : i32
          %dma_start3A_281 = tpu.memref_slice %arg3[%dma_start3A_280, %mul3A_267] : memref<1x65536xi32, #tpu.memory_space<hbm>> -> memref<1x128xi32, #tpu.memory_space<hbm>>
          tpu.enqueue_dma source(%dma_start3A_281 : memref<1x128xi32, #tpu.memory_space<hbm>>) target(%dma_start3A_279 : memref<1x128xi32, #tpu.memory_space<vmem>>) target_semaphore(%dma_start3A_275 : memref<!tpu.dma_semaphore, #tpu.memory_space<semaphore_mem>>)
          "tpu.trace_stop"() : () -> ()
        } else {
        }
        %and3A_163 = arith.constant true
        %and3A_164 = arith.andi %and3A, %and3A_163 : i1
        %add3A_165 = arith.constant 1 : i32
        %add3A_166 = arith.addi %scan3A_122, %add3A_165 : i32
        %select_n3A_167 = arith.select %and3A_164, %add3A_166, %scan3A_122 : i32
        %ne3A_168 = arith.cmpi ne, %add3A_131, %add3A_149 : i32
        %or3A_169 = arith.constant false
        %or3A_170 = arith.ori %or3A_169, %ne3A_168 : i1
        %or3A_171 = arith.constant false
        %or3A_172 = arith.ori %or3A_170, %or3A_171 : i1
        %ge3A_173 = arith.constant 15 : i32
        %ge3A_174 = arith.cmpi sge, %scan3A_121, %ge3A_173 : i32
        %not3A_175 = arith.constant true
        %not3A_176 = arith.xori %ge3A_174, %not3A_175 : i1
        %and3A_177 = arith.andi %or3A_172, %not3A_176 : i1
        %ne3A_178 = arith.cmpi ne, %add3A_131, %add3A_140 : i32
        %or3A_179 = arith.constant false
        %or3A_180 = arith.ori %or3A_179, %ne3A_178 : i1
        %or3A_181 = arith.ori %or3A_180, %eq3A_128 : i1
        %convert_element_type3A_182 = arith.extui %or3A_181 : i1 to i32
        %cond3A_183 = arith.constant 0 : i32
        %cond3A_184 = arith.cmpi ne, %convert_element_type3A_182, %cond3A_183 : i32
        scf.if %cond3A_184 {
          "tpu.trace_start"() <{level = 10 : i32, message = "ep_wait_in"}> : () -> ()
          %mul3A_264 = arith.constant 128 : i32
          %mul3A_265 = arith.muli %mul3A_264, %add3A_131 : i32
          %rem3A_266 = arith.constant 2 : i32
          %rem3A_267 = arith.remui %scan3A_123, %rem3A_266 : i32
          %dma_wait3A_268 = arith.constant 0 : i32
          %dma_wait3A_269 = arith.constant 0 : i32
          %dma_wait3A_270 = tpu.memref_slice %run_scoped3A[%rem3A_267, %dma_wait3A_268, %dma_wait3A_269] : memref<2x1x128xi32, #tpu.memory_space<vmem>> -> memref<1x1x128xi32, #tpu.memory_space<vmem>>
          %dma_wait3A_271 = tpu.memref_squeeze %dma_wait3A_270 : memref<1x1x128xi32, #tpu.memory_space<vmem>> -> memref<1x128xi32, #tpu.memory_space<vmem>>
          %dma_wait3A_272 = arith.constant 0 : i32
          %dma_wait3A_273 = tpu.memref_slice %arg3[%dma_wait3A_272, %mul3A_265] : memref<1x65536xi32, #tpu.memory_space<hbm>> -> memref<1x128xi32, #tpu.memory_space<hbm>>
          %dma_wait3A_274 = tpu.memref_slice %run_scoped3A_7[%rem3A_267] : memref<2x!tpu.dma_semaphore, #tpu.memory_space<semaphore_mem>> -> memref<1x!tpu.dma_semaphore, #tpu.memory_space<semaphore_mem>>
          %dma_wait3A_275 = tpu.memref_squeeze %dma_wait3A_274 : memref<1x!tpu.dma_semaphore, #tpu.memory_space<semaphore_mem>> -> memref<!tpu.dma_semaphore, #tpu.memory_space<semaphore_mem>>
          %dma_wait3A_276 = arith.constant 0 : i32
          %dma_wait3A_277 = arith.constant 0 : i32
          %dma_wait3A_278 = tpu.memref_slice %run_scoped3A[%rem3A_267, %dma_wait3A_276, %dma_wait3A_277] : memref<2x1x128xi32, #tpu.memory_space<vmem>> -> memref<1x1x128xi32, #tpu.memory_space<vmem>>
          %dma_wait3A_279 = tpu.memref_squeeze %dma_wait3A_278 : memref<1x1x128xi32, #tpu.memory_space<vmem>> -> memref<1x128xi32, #tpu.memory_space<vmem>>
          %dma_wait3A_280 = arith.constant 0 : i32
          %dma_wait3A_281 = tpu.memref_slice %arg3[%dma_wait3A_280, %mul3A_265] : memref<1x65536xi32, #tpu.memory_space<hbm>> -> memref<1x128xi32, #tpu.memory_space<hbm>>
          tpu.wait_dma2 semaphore(%dma_wait3A_275 : memref<!tpu.dma_semaphore, #tpu.memory_space<semaphore_mem>>) src(%dma_wait3A_281 : memref<1x128xi32, #tpu.memory_space<hbm>>) dst(%dma_wait3A_279 : memref<1x128xi32, #tpu.memory_space<vmem>>)
          "tpu.trace_stop"() : () -> ()
        } else {
        }
        %ne3A_185 = arith.cmpi ne, %add3A_131, %add3A_140 : i32
        %or3A_186 = arith.constant false
        %or3A_187 = arith.ori %or3A_186, %ne3A_185 : i1
        %or3A_188 = arith.constant false
        %or3A_189 = arith.ori %or3A_187, %or3A_188 : i1
        %or3A_190 = arith.ori %or3A_189, %eq3A_128 : i1
        %convert_element_type3A_191 = arith.extui %or3A_190 : i1 to i32
        %cond3A_192 = arith.constant 0 : i32
        %cond3A_193 = arith.cmpi ne, %convert_element_type3A_191, %cond3A_192 : i32
        scf.if %cond3A_193 {
        } else {
        }
        %rem3A_194 = arith.constant 2 : i32
        %rem3A_195 = arith.remui %scan3A_123, %rem3A_194 : i32
        %rem3A_196 = arith.constant 2 : i32
        %rem3A_197 = arith.remui %scan3A_124, %rem3A_196 : i32
        %run_scoped3A_198 = arith.constant 0 : i32
        "tpu.trace_start"() <{level = 10 : i32, message = "ep_run_kernel"}> : () -> ()
        "tpu.region"() ({
          %run_scoped3A_264 = tpu.sem_alloc : memref<!tpu.dma_semaphore, #tpu.memory_space<semaphore_mem>>
          %dma_start3A_265 = arith.constant 0 : i32
          %dma_start3A_266 = arith.constant 0 : i32
          %dma_start3A_267 = tpu.memref_slice %run_scoped3A_8[%rem3A_197, %dma_start3A_265, %dma_start3A_266] : memref<2x128x256xf32, #tpu.memory_space<vmem>> -> memref<1x128x256xf32, #tpu.memory_space<vmem>>
          %dma_start3A_268 = tpu.memref_squeeze %dma_start3A_267 : memref<1x128x256xf32, #tpu.memory_space<vmem>> -> memref<128x256xf32, #tpu.memory_space<vmem>>
          %dma_start3A_269 = arith.constant 0 : i32
          %dma_start3A_270 = arith.constant 0 : i32
          %dma_start3A_271 = tpu.memref_slice %run_scoped3A[%rem3A_195, %dma_start3A_269, %dma_start3A_270] : memref<2x1x128xi32, #tpu.memory_space<vmem>> -> memref<1x1x128xi32, #tpu.memory_space<vmem>>
          %dma_start3A_272 = tpu.memref_squeeze %dma_start3A_271 : memref<1x1x128xi32, #tpu.memory_space<vmem>> -> memref<1x128xi32, #tpu.memory_space<vmem>>
          %dma_start3A_273 = arith.constant 0 : i32
          %dma_start3A_274 = tpu.memref_slice %dma_start3A_272[%run_scoped3A_198, %dma_start3A_273] : memref<1x128xi32, #tpu.memory_space<vmem>> -> memref<1x128xi32, #tpu.memory_space<vmem>>
          %dma_start3A_275 = tpu.memref_squeeze %dma_start3A_274 : memref<1x128xi32, #tpu.memory_space<vmem>> -> memref<128xi32, #tpu.memory_space<vmem>>
          %dma_start3A_276 = arith.constant 0 : i32
          %dma_start3A_277 = arith.constant 0 : i32
          %dma_start3A_278 = tpu.memref_slice %arg2[%dma_start3A_276, %dma_start3A_277] : memref<8192x256xf32, #tpu.memory_space<hbm>> -> memref<8192x256xf32, #tpu.memory_space<hbm>>
          tpu.enqueue_indirect_dma source(%dma_start3A_278 : memref<8192x256xf32, #tpu.memory_space<hbm>>) target(%dma_start3A_268 : memref<128x256xf32, #tpu.memory_space<vmem>>) offsets(%dma_start3A_275 : memref<128xi32, #tpu.memory_space<vmem>>) semaphore(%run_scoped3A_264 : memref<!tpu.dma_semaphore, #tpu.memory_space<semaphore_mem>>)
          %dma_wait3A_279 = arith.constant 0 : i32
          %dma_wait3A_280 = arith.constant 0 : i32
          %dma_wait3A_281 = tpu.memref_slice %run_scoped3A_8[%rem3A_197, %dma_wait3A_279, %dma_wait3A_280] : memref<2x128x256xf32, #tpu.memory_space<vmem>> -> memref<1x128x256xf32, #tpu.memory_space<vmem>>
          %dma_wait3A_282 = tpu.memref_squeeze %dma_wait3A_281 : memref<1x128x256xf32, #tpu.memory_space<vmem>> -> memref<128x256xf32, #tpu.memory_space<vmem>>
          %dma_wait3A_283 = arith.constant 0 : i32
          %dma_wait3A_284 = arith.constant 0 : i32
          %dma_wait3A_285 = tpu.memref_slice %run_scoped3A[%rem3A_195, %dma_wait3A_283, %dma_wait3A_284] : memref<2x1x128xi32, #tpu.memory_space<vmem>> -> memref<1x1x128xi32, #tpu.memory_space<vmem>>
          %dma_wait3A_286 = tpu.memref_squeeze %dma_wait3A_285 : memref<1x1x128xi32, #tpu.memory_space<vmem>> -> memref<1x128xi32, #tpu.memory_space<vmem>>
          %dma_wait3A_287 = arith.constant 0 : i32
          %dma_wait3A_288 = tpu.memref_slice %dma_wait3A_286[%run_scoped3A_198, %dma_wait3A_287] : memref<1x128xi32, #tpu.memory_space<vmem>> -> memref<1x128xi32, #tpu.memory_space<vmem>>
          %dma_wait3A_289 = tpu.memref_squeeze %dma_wait3A_288 : memref<1x128xi32, #tpu.memory_space<vmem>> -> memref<128xi32, #tpu.memory_space<vmem>>
          %dma_wait3A_290 = arith.constant 0 : i32
          %dma_wait3A_291 = arith.constant 0 : i32
          %dma_wait3A_292 = tpu.memref_slice %arg2[%dma_wait3A_290, %dma_wait3A_291] : memref<8192x256xf32, #tpu.memory_space<hbm>> -> memref<8192x256xf32, #tpu.memory_space<hbm>>
          tpu.wait_indirect_dma semaphore(%run_scoped3A_264 : memref<!tpu.dma_semaphore, #tpu.memory_space<semaphore_mem>>) src(%dma_wait3A_292 : memref<8192x256xf32, #tpu.memory_space<hbm>>) dst(%dma_wait3A_282 : memref<128x256xf32, #tpu.memory_space<vmem>>)
          tpu.yield
        }) : () -> ()
        "tpu.trace_stop"() : () -> ()
        %ne3A_199 = arith.cmpi ne, %add3A_131, %add3A_149 : i32
        %or3A_200 = arith.constant false
        %or3A_201 = arith.ori %or3A_200, %ne3A_199 : i1
        %or3A_202 = arith.ori %or3A_201, %eq3A_130 : i1
        %convert_element_type3A_203 = arith.extui %or3A_202 : i1 to i32
        %cond3A_204 = arith.constant 0 : i32
        %cond3A_205 = arith.cmpi ne, %convert_element_type3A_203, %cond3A_204 : i32
        scf.if %cond3A_205 {
        } else {
        }
        %and3A_206 = arith.constant false
        %and3A_207 = arith.andi %or3A_202, %and3A_206 : i1
        %ne3A_208 = arith.cmpi ne, %add3A_131, %add3A_149 : i32
        %or3A_209 = arith.constant false
        %or3A_210 = arith.ori %or3A_209, %ne3A_208 : i1
        %or3A_211 = arith.constant false
        %or3A_212 = arith.ori %or3A_210, %or3A_211 : i1
        %or3A_213 = arith.ori %or3A_212, %eq3A_130 : i1
        %convert_element_type3A_214 = arith.extui %or3A_213 : i1 to i32
        %cond3A_215 = arith.constant 0 : i32
        %cond3A_216 = arith.cmpi ne, %convert_element_type3A_214, %cond3A_215 : i32
        scf.if %cond3A_216 {
          "tpu.trace_start"() <{level = 10 : i32, message = "ep_copy_out"}> : () -> ()
          %rem3A_264 = arith.constant 2 : i32
          %rem3A_265 = arith.remui %scan3A_124, %rem3A_264 : i32
          %mul3A_266 = arith.constant 128 : i32
          %mul3A_267 = arith.muli %mul3A_266, %add3A_131 : i32
          %dma_start3A_268 = arith.constant 0 : i32
          %dma_start3A_269 = arith.constant 0 : i32
          %dma_start3A_270 = tpu.memref_slice %run_scoped3A_8[%rem3A_265, %dma_start3A_268, %dma_start3A_269] : memref<2x128x256xf32, #tpu.memory_space<vmem>> -> memref<1x128x256xf32, #tpu.memory_space<vmem>>
          %dma_start3A_271 = tpu.memref_squeeze %dma_start3A_270 : memref<1x128x256xf32, #tpu.memory_space<vmem>> -> memref<128x256xf32, #tpu.memory_space<vmem>>
          %dma_start3A_272 = arith.constant 0 : i32
          %dma_start3A_273 = tpu.memref_slice %arg4[%mul3A_267, %dma_start3A_272] : memref<65536x256xf32, #tpu.memory_space<hbm>> -> memref<128x256xf32, #tpu.memory_space<hbm>>
          %dma_start3A_274 = tpu.memref_slice %run_scoped3A_9[%rem3A_265] : memref<2x!tpu.dma_semaphore, #tpu.memory_space<semaphore_mem>> -> memref<1x!tpu.dma_semaphore, #tpu.memory_space<semaphore_mem>>
          %dma_start3A_275 = tpu.memref_squeeze %dma_start3A_274 : memref<1x!tpu.dma_semaphore, #tpu.memory_space<semaphore_mem>> -> memref<!tpu.dma_semaphore, #tpu.memory_space<semaphore_mem>>
          %dma_start3A_276 = arith.constant 0 : i32
          %dma_start3A_277 = tpu.memref_slice %arg4[%mul3A_267, %dma_start3A_276] : memref<65536x256xf32, #tpu.memory_space<hbm>> -> memref<128x256xf32, #tpu.memory_space<hbm>>
          %dma_start3A_278 = arith.constant 0 : i32
          %dma_start3A_279 = arith.constant 0 : i32
          %dma_start3A_280 = tpu.memref_slice %run_scoped3A_8[%rem3A_265, %dma_start3A_278, %dma_start3A_279] : memref<2x128x256xf32, #tpu.memory_space<vmem>> -> memref<1x128x256xf32, #tpu.memory_space<vmem>>
          %dma_start3A_281 = tpu.memref_squeeze %dma_start3A_280 : memref<1x128x256xf32, #tpu.memory_space<vmem>> -> memref<128x256xf32, #tpu.memory_space<vmem>>
          tpu.enqueue_dma source(%dma_start3A_281 : memref<128x256xf32, #tpu.memory_space<vmem>>) target(%dma_start3A_277 : memref<128x256xf32, #tpu.memory_space<hbm>>) target_semaphore(%dma_start3A_275 : memref<!tpu.dma_semaphore, #tpu.memory_space<semaphore_mem>>)
          "tpu.trace_stop"() : () -> ()
        } else {
        }
        %and3A_217 = arith.constant true
        %and3A_218 = arith.andi %or3A_213, %and3A_217 : i1
        %add3A_219 = arith.constant 1 : i32
        %add3A_220 = arith.addi %scan3A_124, %add3A_219 : i32
        %select_n3A_221 = arith.select %and3A_218, %add3A_220, %scan3A_124 : i32
        %ne3A_222 = arith.cmpi ne, %add3A_131, %add3A_140 : i32
        %or3A_223 = arith.constant false
        %or3A_224 = arith.ori %or3A_223, %ne3A_222 : i1
        %not3A_225 = arith.constant true
        %not3A_226 = arith.xori %eq3A_128, %not3A_225 : i1
        %and3A_227 = arith.andi %or3A_224, %not3A_226 : i1
        %convert_element_type3A_228 = arith.extui %and3A_227 : i1 to i32
        %cond3A_229 = arith.constant 0 : i32
        %cond3A_230 = arith.cmpi ne, %convert_element_type3A_228, %cond3A_229 : i32
        scf.if %cond3A_230 {
        } else {
        }
        %and3A_231 = arith.constant false
        %and3A_232 = arith.andi %and3A_227, %and3A_231 : i1
        %ne3A_233 = arith.cmpi ne, %add3A_131, %add3A_140 : i32
        %or3A_234 = arith.constant false
        %or3A_235 = arith.ori %or3A_234, %ne3A_233 : i1
        %or3A_236 = arith.constant false
        %or3A_237 = arith.ori %or3A_235, %or3A_236 : i1
        %not3A_238 = arith.constant true
        %not3A_239 = arith.xori %eq3A_128, %not3A_238 : i1
        %and3A_240 = arith.andi %or3A_237, %not3A_239 : i1
        %convert_element_type3A_241 = arith.extui %and3A_240 : i1 to i32
        %cond3A_242 = arith.constant 0 : i32
        %cond3A_243 = arith.cmpi ne, %convert_element_type3A_241, %cond3A_242 : i32
        scf.if %cond3A_243 {
          "tpu.trace_start"() <{level = 10 : i32, message = "ep_wait_out"}> : () -> ()
          %rem3A_264 = arith.constant 2 : i32
          %rem3A_265 = arith.remui %scan3A_125, %rem3A_264 : i32
          %mul3A_266 = arith.constant 128 : i32
          %mul3A_267 = arith.muli %mul3A_266, %add3A_140 : i32
          %dma_wait3A_268 = arith.constant 0 : i32
          %dma_wait3A_269 = arith.constant 0 : i32
          %dma_wait3A_270 = tpu.memref_slice %run_scoped3A_8[%rem3A_265, %dma_wait3A_268, %dma_wait3A_269] : memref<2x128x256xf32, #tpu.memory_space<vmem>> -> memref<1x128x256xf32, #tpu.memory_space<vmem>>
          %dma_wait3A_271 = tpu.memref_squeeze %dma_wait3A_270 : memref<1x128x256xf32, #tpu.memory_space<vmem>> -> memref<128x256xf32, #tpu.memory_space<vmem>>
          %dma_wait3A_272 = arith.constant 0 : i32
          %dma_wait3A_273 = tpu.memref_slice %arg4[%mul3A_267, %dma_wait3A_272] : memref<65536x256xf32, #tpu.memory_space<hbm>> -> memref<128x256xf32, #tpu.memory_space<hbm>>
          %dma_wait3A_274 = tpu.memref_slice %run_scoped3A_9[%rem3A_265] : memref<2x!tpu.dma_semaphore, #tpu.memory_space<semaphore_mem>> -> memref<1x!tpu.dma_semaphore, #tpu.memory_space<semaphore_mem>>
          %dma_wait3A_275 = tpu.memref_squeeze %dma_wait3A_274 : memref<1x!tpu.dma_semaphore, #tpu.memory_space<semaphore_mem>> -> memref<!tpu.dma_semaphore, #tpu.memory_space<semaphore_mem>>
          %dma_wait3A_276 = arith.constant 0 : i32
          %dma_wait3A_277 = tpu.memref_slice %arg4[%mul3A_267, %dma_wait3A_276] : memref<65536x256xf32, #tpu.memory_space<hbm>> -> memref<128x256xf32, #tpu.memory_space<hbm>>
          %dma_wait3A_278 = arith.constant 0 : i32
          %dma_wait3A_279 = arith.constant 0 : i32
          %dma_wait3A_280 = tpu.memref_slice %run_scoped3A_8[%rem3A_265, %dma_wait3A_278, %dma_wait3A_279] : memref<2x128x256xf32, #tpu.memory_space<vmem>> -> memref<1x128x256xf32, #tpu.memory_space<vmem>>
          %dma_wait3A_281 = tpu.memref_squeeze %dma_wait3A_280 : memref<1x128x256xf32, #tpu.memory_space<vmem>> -> memref<128x256xf32, #tpu.memory_space<vmem>>
          tpu.wait_dma2 semaphore(%dma_wait3A_275 : memref<!tpu.dma_semaphore, #tpu.memory_space<semaphore_mem>>) src(%dma_wait3A_281 : memref<128x256xf32, #tpu.memory_space<vmem>>) dst(%dma_wait3A_277 : memref<128x256xf32, #tpu.memory_space<hbm>>)
          "tpu.trace_stop"() : () -> ()
        } else {
        }
        %and3A_244 = arith.constant true
        %and3A_245 = arith.andi %and3A_240, %and3A_244 : i1
        %add3A_246 = arith.constant 1 : i32
        %add3A_247 = arith.addi %scan3A_125, %add3A_246 : i32
        %select_n3A_248 = arith.select %and3A_245, %add3A_247, %scan3A_125 : i32
        %ne3A_249 = arith.cmpi ne, %add3A_131, %add3A_149 : i32
        %or3A_250 = arith.constant false
        %or3A_251 = arith.ori %or3A_250, %ne3A_249 : i1
        %or3A_252 = arith.ori %or3A_251, %eq3A_130 : i1
        %add3A_253 = arith.constant 1 : i32
        %add3A_254 = arith.addi %scan3A_123, %add3A_253 : i32
        %select_n3A_255 = arith.select %or3A_252, %add3A_254, %scan3A_123 : i32
        %add3A_256 = arith.constant 1 : i32
        %add3A_257 = arith.addi %scan3A_126, %add3A_256 : i32
        %select_n3A_258 = arith.constant true
        %select_n3A_259 = arith.select %select_n3A_258, %add3A_257, %scan3A_126 : i32
        %eq3A_260 = arith.constant 16 : i32
        %eq3A_261 = arith.cmpi eq, %select_n3A_259, %eq3A_260 : i32
        %select_n3A_262 = arith.constant 0 : i32
        %select_n3A_263 = arith.select %eq3A_261, %select_n3A_262, %select_n3A_259 : i32
        scf.yield %select_n3A_167, %select_n3A_255, %select_n3A_221, %select_n3A_248, %select_n3A_263 : i32, i32, i32, i32, i32
      }
      %scan3A_68 = arith.constant 16 : i32
      %sub3A = arith.constant 1 : i32
      %sub3A_69 = arith.subi %scan3A_67#4, %sub3A : i32
      %select_n3A_70 = arith.constant true
      %select_n3A_71 = arith.select %select_n3A_70, %sub3A_69, %scan3A_67#4 : i32
      %eq3A_72 = arith.constant -1 : i32
      %eq3A_73 = arith.cmpi eq, %select_n3A_71, %eq3A_72 : i32
      %select_n3A_74 = arith.constant 15 : i32
      %select_n3A_75 = arith.select %eq3A_73, %select_n3A_74, %select_n3A_71 : i32
      %add3A_76 = arith.addi %select_n3A_75, %mul3A_6 : i32
      %sub3A_77 = arith.constant 1 : i32
      %sub3A_78 = arith.subi %select_n3A_75, %sub3A_77 : i32
      %select_n3A_79 = arith.constant true
      %select_n3A_80 = arith.select %select_n3A_79, %sub3A_78, %select_n3A_75 : i32
      %eq3A_81 = arith.constant -1 : i32
      %eq3A_82 = arith.cmpi eq, %select_n3A_80, %eq3A_81 : i32
      %select_n3A_83 = arith.constant 15 : i32
      %select_n3A_84 = arith.select %eq3A_82, %select_n3A_83, %select_n3A_80 : i32
      %add3A_85 = arith.addi %select_n3A_84, %mul3A_6 : i32
      %add3A_86 = arith.constant 1 : i32
      %add3A_87 = arith.addi %select_n3A_75, %add3A_86 : i32
      %select_n3A_88 = arith.constant true
      %select_n3A_89 = arith.select %select_n3A_88, %add3A_87, %select_n3A_75 : i32
      %eq3A_90 = arith.constant 16 : i32
      %eq3A_91 = arith.cmpi eq, %select_n3A_89, %eq3A_90 : i32
      %select_n3A_92 = arith.constant 0 : i32
      %select_n3A_93 = arith.select %eq3A_91, %select_n3A_92, %select_n3A_89 : i32
      %add3A_94 = arith.addi %select_n3A_93, %mul3A_6 : i32
      %add3A_95 = arith.constant 1 : i32
      %add3A_96 = arith.addi %select_n3A_93, %add3A_95 : i32
      %select_n3A_97 = arith.constant true
      %select_n3A_98 = arith.select %select_n3A_97, %add3A_96, %select_n3A_93 : i32
      %eq3A_99 = arith.constant 16 : i32
      %eq3A_100 = arith.cmpi eq, %select_n3A_98, %eq3A_99 : i32
      %select_n3A_101 = arith.constant 0 : i32
      %select_n3A_102 = arith.select %eq3A_100, %select_n3A_101, %select_n3A_98 : i32
      %add3A_103 = arith.addi %select_n3A_102, %mul3A_6 : i32
      "tpu.trace_start"() <{level = 10 : i32, message = "ep_finalize"}> : () -> ()
      %rem3A_104 = arith.constant 2 : i32
      %rem3A_105 = arith.remui %scan3A_67#3, %rem3A_104 : i32
      %mul3A_106 = arith.constant 128 : i32
      %mul3A_107 = arith.muli %mul3A_106, %add3A_76 : i32
      %dma_wait3A = arith.constant 0 : i32
      %dma_wait3A_108 = arith.constant 0 : i32
      %dma_wait3A_109 = tpu.memref_slice %run_scoped3A_8[%rem3A_105, %dma_wait3A, %dma_wait3A_108] : memref<2x128x256xf32, #tpu.memory_space<vmem>> -> memref<1x128x256xf32, #tpu.memory_space<vmem>>
      %dma_wait3A_110 = tpu.memref_squeeze %dma_wait3A_109 : memref<1x128x256xf32, #tpu.memory_space<vmem>> -> memref<128x256xf32, #tpu.memory_space<vmem>>
      %dma_wait3A_111 = arith.constant 0 : i32
      %dma_wait3A_112 = tpu.memref_slice %arg4[%mul3A_107, %dma_wait3A_111] : memref<65536x256xf32, #tpu.memory_space<hbm>> -> memref<128x256xf32, #tpu.memory_space<hbm>>
      %dma_wait3A_113 = tpu.memref_slice %run_scoped3A_9[%rem3A_105] : memref<2x!tpu.dma_semaphore, #tpu.memory_space<semaphore_mem>> -> memref<1x!tpu.dma_semaphore, #tpu.memory_space<semaphore_mem>>
      %dma_wait3A_114 = tpu.memref_squeeze %dma_wait3A_113 : memref<1x!tpu.dma_semaphore, #tpu.memory_space<semaphore_mem>> -> memref<!tpu.dma_semaphore, #tpu.memory_space<semaphore_mem>>
      %dma_wait3A_115 = arith.constant 0 : i32
      %dma_wait3A_116 = tpu.memref_slice %arg4[%mul3A_107, %dma_wait3A_115] : memref<65536x256xf32, #tpu.memory_space<hbm>> -> memref<128x256xf32, #tpu.memory_space<hbm>>
      %dma_wait3A_117 = arith.constant 0 : i32
      %dma_wait3A_118 = arith.constant 0 : i32
      %dma_wait3A_119 = tpu.memref_slice %run_scoped3A_8[%rem3A_105, %dma_wait3A_117, %dma_wait3A_118] : memref<2x128x256xf32, #tpu.memory_space<vmem>> -> memref<1x128x256xf32, #tpu.memory_space<vmem>>
      %dma_wait3A_120 = tpu.memref_squeeze %dma_wait3A_119 : memref<1x128x256xf32, #tpu.memory_space<vmem>> -> memref<128x256xf32, #tpu.memory_space<vmem>>
      tpu.wait_dma2 semaphore(%dma_wait3A_114 : memref<!tpu.dma_semaphore, #tpu.memory_space<semaphore_mem>>) src(%dma_wait3A_120 : memref<128x256xf32, #tpu.memory_space<vmem>>) dst(%dma_wait3A_116 : memref<128x256xf32, #tpu.memory_space<hbm>>)
      "tpu.trace_stop"() : () -> ()
      tpu.yield
    }) : () -> ()
    return
  }
}

module attributes {stable_mosaic.version = 14 : i64} {
  func.func @_topk_proj_body(%arg0: i32, %arg1: i32, %arg2: memref<1x3x2048xf32, #tpu.memory_space<vmem>>, %arg3: memref<1x512x3xf32, #tpu.memory_space<vmem>>, %arg4: memref<1x512x256xf32, #tpu.memory_space<vmem>>, %arg5: memref<256x256xbf16, #tpu.memory_space<vmem>>, %arg6: memref<1x256xf32, #tpu.memory_space<vmem>>, %arg7: memref<256x256xbf16, #tpu.memory_space<vmem>>, %arg8: memref<1x256xf32, #tpu.memory_space<vmem>>, %arg9: memref<1x512x8xi32, #tpu.memory_space<vmem>>, %arg10: memref<1x512x8xf32, #tpu.memory_space<vmem>>, %arg11: memref<1x512x8xf32, #tpu.memory_space<vmem>>, %arg12: memref<1x512x8xf32, #tpu.memory_space<vmem>>, %arg13: memref<1x512x8xf32, #tpu.memory_space<vmem>>, %arg14: memref<1x512x256xf32, #tpu.memory_space<vmem>>, %arg15: memref<1x512x256xf32, #tpu.memory_space<vmem>>, %arg16: memref<512x2048xf32, #tpu.memory_space<vmem>>) attributes {dimension_semantics = [#tpu.dimension_semantics<parallel>, #tpu.dimension_semantics<parallel>], iteration_bounds = array<i64: 4, 4>, scalar_prefetch = 0 : i64, scratch_operands = 1 : i64, tpu.core_type = #tpu.core_type<tc>, window_params = [{transform_indices = @transform_0, window_bounds = array<i64: 1, 3, 2048>}, {transform_indices = @transform_1, window_bounds = array<i64: 1, 512, 3>}, {transform_indices = @transform_2, window_bounds = array<i64: 1, 512, 256>}, {pipeline_mode = #tpu.pipeline_mode<synchronous>, transform_indices = @transform_3, window_bounds = array<i64: 256, 256>}, {pipeline_mode = #tpu.pipeline_mode<synchronous>, transform_indices = @transform_4, window_bounds = array<i64: 1, 256>}, {pipeline_mode = #tpu.pipeline_mode<synchronous>, transform_indices = @transform_5, window_bounds = array<i64: 256, 256>}, {pipeline_mode = #tpu.pipeline_mode<synchronous>, transform_indices = @transform_6, window_bounds = array<i64: 1, 256>}, {transform_indices = @transform_7, window_bounds = array<i64: 1, 512, 8>}, {transform_indices = @transform_8, window_bounds = array<i64: 1, 512, 8>}, {transform_indices = @transform_9, window_bounds = array<i64: 1, 512, 8>}, {transform_indices = @transform_10, window_bounds = array<i64: 1, 512, 8>}, {transform_indices = @transform_11, window_bounds = array<i64: 1, 512, 8>}, {transform_indices = @transform_12, window_bounds = array<i64: 1, 512, 256>}, {transform_indices = @transform_13, window_bounds = array<i64: 1, 512, 256>}]} {
    %get3A = arith.constant 0 : index
    %get3A_0 = arith.constant 0 : index
    %get3A_1 = arith.constant 0 : index
    %get3A_2 = vector.load %arg2[%get3A, %get3A_0, %get3A_1] : memref<1x3x2048xf32, #tpu.memory_space<vmem>>, vector<1x3x2048xf32>
    %get3A_3 = vector.shape_cast %get3A_2 : vector<1x3x2048xf32> to vector<3x2048xf32>
    %slice3A = vector.extract_strided_slice %get3A_3 {offsets = [0, 0], sizes = [1, 2048], strides = [1, 1]} : vector<3x2048xf32> to vector<1x2048xf32>
    %slice3A_4 = vector.extract_strided_slice %get3A_3 {offsets = [1, 0], sizes = [1, 2048], strides = [1, 1]} : vector<3x2048xf32> to vector<1x2048xf32>
    %slice3A_5 = vector.extract_strided_slice %get3A_3 {offsets = [2, 0], sizes = [1, 2048], strides = [1, 1]} : vector<3x2048xf32> to vector<1x2048xf32>
    %mul3A = arith.mulf %slice3A, %slice3A : vector<1x2048xf32>
    %mul3A_6 = arith.mulf %slice3A_4, %slice3A_4 : vector<1x2048xf32>
    %add3A = arith.addf %mul3A, %mul3A_6 : vector<1x2048xf32>
    %mul3A_7 = arith.mulf %slice3A_5, %slice3A_5 : vector<1x2048xf32>
    %add3A_8 = arith.addf %add3A, %mul3A_7 : vector<1x2048xf32>
    %get3A_9 = arith.constant 0 : index
    %get3A_10 = arith.constant 0 : index
    %get3A_11 = arith.constant 0 : index
    %get3A_12 = vector.load %arg3[%get3A_9, %get3A_10, %get3A_11] : memref<1x512x3xf32, #tpu.memory_space<vmem>>, vector<1x512x3xf32>
    %get3A_13 = vector.shape_cast %get3A_12 : vector<1x512x3xf32> to vector<512x3xf32>
    %slice3A_14 = vector.extract_strided_slice %get3A_13 {offsets = [0, 0], sizes = [512, 1], strides = [1, 1]} : vector<512x3xf32> to vector<512x1xf32>
    %slice3A_15 = vector.extract_strided_slice %get3A_13 {offsets = [0, 1], sizes = [512, 1], strides = [1, 1]} : vector<512x3xf32> to vector<512x1xf32>
    %slice3A_16 = vector.extract_strided_slice %get3A_13 {offsets = [0, 2], sizes = [512, 1], strides = [1, 1]} : vector<512x3xf32> to vector<512x1xf32>
    %mul3A_17 = arith.mulf %slice3A_14, %slice3A_14 : vector<512x1xf32>
    %mul3A_18 = arith.mulf %slice3A_15, %slice3A_15 : vector<512x1xf32>
    %add3A_19 = arith.addf %mul3A_17, %mul3A_18 : vector<512x1xf32>
    %mul3A_20 = arith.mulf %slice3A_16, %slice3A_16 : vector<512x1xf32>
    %add3A_21 = arith.addf %add3A_19, %mul3A_20 : vector<512x1xf32>
    %convert_element_type3A = arith.truncf %slice3A_14 : vector<512x1xf32> to vector<512x1xbf16>
    %convert_element_type3A_22 = arith.extf %convert_element_type3A : vector<512x1xbf16> to vector<512x1xf32>
    %convert_element_type3A_23 = arith.truncf %slice3A_15 : vector<512x1xf32> to vector<512x1xbf16>
    %convert_element_type3A_24 = arith.extf %convert_element_type3A_23 : vector<512x1xbf16> to vector<512x1xf32>
    %convert_element_type3A_25 = arith.truncf %slice3A_16 : vector<512x1xf32> to vector<512x1xbf16>
    %convert_element_type3A_26 = arith.extf %convert_element_type3A_25 : vector<512x1xbf16> to vector<512x1xf32>
    %convert_element_type3A_27 = arith.truncf %slice3A : vector<1x2048xf32> to vector<1x2048xbf16>
    %convert_element_type3A_28 = arith.extf %convert_element_type3A_27 : vector<1x2048xbf16> to vector<1x2048xf32>
    %convert_element_type3A_29 = arith.truncf %slice3A_4 : vector<1x2048xf32> to vector<1x2048xbf16>
    %convert_element_type3A_30 = arith.extf %convert_element_type3A_29 : vector<1x2048xbf16> to vector<1x2048xf32>
    %convert_element_type3A_31 = arith.truncf %slice3A_5 : vector<1x2048xf32> to vector<1x2048xbf16>
    %convert_element_type3A_32 = arith.extf %convert_element_type3A_31 : vector<1x2048xbf16> to vector<1x2048xf32>
    %add3A_33 = vector.broadcast %add3A_21 : vector<512x1xf32> to vector<512x2048xf32>
    %add3A_34 = vector.broadcast %add3A_8 : vector<1x2048xf32> to vector<512x2048xf32>
    %add3A_35 = arith.addf %add3A_33, %add3A_34 : vector<512x2048xf32>
    %mul3A_36 = vector.broadcast %convert_element_type3A_22 : vector<512x1xf32> to vector<512x2048xf32>
    %mul3A_37 = vector.broadcast %convert_element_type3A_28 : vector<1x2048xf32> to vector<512x2048xf32>
    %mul3A_38 = arith.mulf %mul3A_36, %mul3A_37 : vector<512x2048xf32>
    %mul3A_39 = vector.broadcast %convert_element_type3A_24 : vector<512x1xf32> to vector<512x2048xf32>
    %mul3A_40 = vector.broadcast %convert_element_type3A_30 : vector<1x2048xf32> to vector<512x2048xf32>
    %mul3A_41 = arith.mulf %mul3A_39, %mul3A_40 : vector<512x2048xf32>
    %add3A_42 = arith.addf %mul3A_38, %mul3A_41 : vector<512x2048xf32>
    %mul3A_43 = vector.broadcast %convert_element_type3A_26 : vector<512x1xf32> to vector<512x2048xf32>
    %mul3A_44 = vector.broadcast %convert_element_type3A_32 : vector<1x2048xf32> to vector<512x2048xf32>
    %mul3A_45 = arith.mulf %mul3A_43, %mul3A_44 : vector<512x2048xf32>
    %add3A_46 = arith.addf %add3A_42, %mul3A_45 : vector<512x2048xf32>
    %mul3A_47 = arith.constant 2.000000e+00 : f32
    %mul3A_48 = vector.broadcast %mul3A_47 : f32 to vector<512x2048xf32>
    %mul3A_49 = arith.mulf %mul3A_48, %add3A_46 : vector<512x2048xf32>
    %sub3A = arith.subf %add3A_35, %mul3A_49 : vector<512x2048xf32>
    %gt3A = arith.constant 9.99999996E-13 : f32
    %gt3A_50 = vector.broadcast %gt3A : f32 to vector<512x2048xf32>
    %gt3A_51 = arith.cmpf ogt, %sub3A, %gt3A_50 : vector<512x2048xf32>
    %max3A = arith.constant 9.99999996E-13 : f32
    %max3A_52 = vector.broadcast %max3A : f32 to vector<512x2048xf32>
    %max3A_53 = arith.maximumf %sub3A, %max3A_52 : vector<512x2048xf32>
    %sqrt3A = math.sqrt %max3A_53 : vector<512x2048xf32>
    %jit3A = arith.constant 0.000000e+00 : f32
    %broadcast_in_dim3A = vector.broadcast %jit3A : f32 to vector<512x2048xf32>
    %select_n3A = arith.select %gt3A_51, %sqrt3A, %broadcast_in_dim3A : vector<512x2048xi1>, vector<512x2048xf32>
    %swap3A = arith.constant 0 : index
    %swap3A_54 = arith.constant 0 : index
    %swap3A_55 = vector.load %arg16[%swap3A, %swap3A_54] : memref<512x2048xf32, #tpu.memory_space<vmem>>, vector<512x2048xf32>
    tpu.vector_store %arg16[%swap3A, %swap3A_54], %select_n3A {strides = array<i32>} : memref<512x2048xf32, #tpu.memory_space<vmem>>, vector<512x2048xf32>,
    %iota3A = tpu.iota {dimensions = array<i32: 1>} : vector<1x2048xi32>
    %get3A_56 = arith.constant 0 : index
    %get3A_57 = arith.constant 0 : index
    %get3A_58 = vector.load %arg16[%get3A_56, %get3A_57] : memref<512x2048xf32, #tpu.memory_space<vmem>>, vector<512x2048xf32>
    %reduce_min3A = arith.constant dense<0x7F800000> : vector<512xf32>
    %reduce_min3A_59 = vector.multi_reduction <minimumf>, %get3A_58, %reduce_min3A [1] : vector<512x2048xf32> to vector<512xf32>
    %broadcast_in_dim3A_60 = vector.shape_cast %reduce_min3A_59 : vector<512xf32> to vector<512x1xf32>
    %eq3A = vector.broadcast %broadcast_in_dim3A_60 : vector<512x1xf32> to vector<512x2048xf32>
    %eq3A_61 = arith.cmpf oeq, %get3A_58, %eq3A : vector<512x2048xf32>
    %jit3A_62 = arith.constant 2048 : i32
    %broadcast_in_dim3A_63 = vector.shape_cast %iota3A : vector<1x2048xi32> to vector<1x2048xi32>
    %broadcast_in_dim3A_64 = vector.broadcast %broadcast_in_dim3A_63 : vector<1x2048xi32> to vector<512x2048xi32>
    %broadcast_in_dim3A_65 = vector.broadcast %jit3A_62 : i32 to vector<512x2048xi32>
    %select_n3A_66 = arith.select %eq3A_61, %broadcast_in_dim3A_64, %broadcast_in_dim3A_65 : vector<512x2048xi1>, vector<512x2048xi32>
    %reduce_min3A_67 = arith.constant dense<2147483647> : vector<512xi32>
    %reduce_min3A_68 = vector.multi_reduction <minsi>, %select_n3A_66, %reduce_min3A_67 [1] : vector<512x2048xi32> to vector<512xi32>
    %broadcast_in_dim3A_69 = vector.shape_cast %reduce_min3A_68 : vector<512xi32> to vector<512x1xi32>
    %eq3A_70 = vector.broadcast %iota3A : vector<1x2048xi32> to vector<512x2048xi32>
    %eq3A_71 = vector.broadcast %broadcast_in_dim3A_69 : vector<512x1xi32> to vector<512x2048xi32>
    %eq3A_72 = arith.cmpi eq, %eq3A_70, %eq3A_71 : vector<512x2048xi32>
    %jit3A_73 = arith.constant 0x7F800000 : f32
    %broadcast_in_dim3A_74 = vector.broadcast %jit3A_73 : f32 to vector<512x2048xf32>
    %select_n3A_75 = arith.select %eq3A_72, %broadcast_in_dim3A_74, %get3A_58 : vector<512x2048xi1>, vector<512x2048xf32>
    %swap3A_76 = arith.constant 0 : index
    %swap3A_77 = arith.constant 0 : index
    %swap3A_78 = vector.load %arg16[%swap3A_76, %swap3A_77] : memref<512x2048xf32, #tpu.memory_space<vmem>>, vector<512x2048xf32>
    tpu.vector_store %arg16[%swap3A_76, %swap3A_77], %select_n3A_75 {strides = array<i32>} : memref<512x2048xf32, #tpu.memory_space<vmem>>, vector<512x2048xf32>,
    %get3A_79 = arith.constant 0 : index
    %get3A_80 = arith.constant 0 : index
    %get3A_81 = vector.load %arg16[%get3A_79, %get3A_80] : memref<512x2048xf32, #tpu.memory_space<vmem>>, vector<512x2048xf32>
    %reduce_min3A_82 = arith.constant dense<0x7F800000> : vector<512xf32>
    %reduce_min3A_83 = vector.multi_reduction <minimumf>, %get3A_81, %reduce_min3A_82 [1] : vector<512x2048xf32> to vector<512xf32>
    %broadcast_in_dim3A_84 = vector.shape_cast %reduce_min3A_83 : vector<512xf32> to vector<512x1xf32>
    %eq3A_85 = vector.broadcast %broadcast_in_dim3A_84 : vector<512x1xf32> to vector<512x2048xf32>
    %eq3A_86 = arith.cmpf oeq, %get3A_81, %eq3A_85 : vector<512x2048xf32>
    %jit3A_87 = arith.constant 2048 : i32
    %broadcast_in_dim3A_88 = vector.shape_cast %iota3A : vector<1x2048xi32> to vector<1x2048xi32>
    %broadcast_in_dim3A_89 = vector.broadcast %broadcast_in_dim3A_88 : vector<1x2048xi32> to vector<512x2048xi32>
    %broadcast_in_dim3A_90 = vector.broadcast %jit3A_87 : i32 to vector<512x2048xi32>
    %select_n3A_91 = arith.select %eq3A_86, %broadcast_in_dim3A_89, %broadcast_in_dim3A_90 : vector<512x2048xi1>, vector<512x2048xi32>
    %reduce_min3A_92 = arith.constant dense<2147483647> : vector<512xi32>
    %reduce_min3A_93 = vector.multi_reduction <minsi>, %select_n3A_91, %reduce_min3A_92 [1] : vector<512x2048xi32> to vector<512xi32>
    %broadcast_in_dim3A_94 = vector.shape_cast %reduce_min3A_93 : vector<512xi32> to vector<512x1xi32>
    %eq3A_95 = vector.broadcast %iota3A : vector<1x2048xi32> to vector<512x2048xi32>
    %eq3A_96 = vector.broadcast %broadcast_in_dim3A_94 : vector<512x1xi32> to vector<512x2048xi32>
    %eq3A_97 = arith.cmpi eq, %eq3A_95, %eq3A_96 : vector<512x2048xi32>
    %jit3A_98 = arith.constant 0x7F800000 : f32
    %broadcast_in_dim3A_99 = vector.broadcast %jit3A_98 : f32 to vector<512x2048xf32>
    %select_n3A_100 = arith.select %eq3A_97, %broadcast_in_dim3A_99, %get3A_81 : vector<512x2048xi1>, vector<512x2048xf32>
    %swap3A_101 = arith.constant 0 : index
    %swap3A_102 = arith.constant 0 : index
    %swap3A_103 = vector.load %arg16[%swap3A_101, %swap3A_102] : memref<512x2048xf32, #tpu.memory_space<vmem>>, vector<512x2048xf32>
    tpu.vector_store %arg16[%swap3A_101, %swap3A_102], %select_n3A_100 {strides = array<i32>} : memref<512x2048xf32, #tpu.memory_space<vmem>>, vector<512x2048xf32>,
    %squeeze3A = vector.shape_cast %broadcast_in_dim3A_94 : vector<512x1xi32> to vector<512xi32>
    %mul3A_104 = arith.constant 2048 : i32
    %mul3A_105 = arith.muli %arg0, %mul3A_104 : i32
    %add3A_106 = vector.broadcast %mul3A_105 : i32 to vector<512xi32>
    %add3A_107 = arith.addi %squeeze3A, %add3A_106 : vector<512xi32>
    %swap3A_108 = arith.constant 0 : index
    %swap3A_109 = arith.constant 0 : index
    %swap3A_110 = arith.constant 0 : index
    %swap3A_111 = vector.load %arg9[%swap3A_108, %swap3A_109, %swap3A_110] : memref<1x512x8xi32, #tpu.memory_space<vmem>>, vector<1x512x1xi32>
    %swap3A_112 = vector.shape_cast %swap3A_111 : vector<1x512x1xi32> to vector<512xi32>
    %swap3A_113 = vector.shape_cast %add3A_107 : vector<512xi32> to vector<1x512x1xi32>
    tpu.vector_store %arg9[%swap3A_108, %swap3A_109, %swap3A_110], %swap3A_113 {strides = array<i32>} : memref<1x512x8xi32, #tpu.memory_space<vmem>>, vector<1x512x1xi32>,
    %squeeze3A_114 = vector.shape_cast %broadcast_in_dim3A_84 : vector<512x1xf32> to vector<512xf32>
    %swap3A_115 = arith.constant 0 : index
    %swap3A_116 = arith.constant 0 : index
    %swap3A_117 = arith.constant 0 : index
    %swap3A_118 = vector.load %arg10[%swap3A_115, %swap3A_116, %swap3A_117] : memref<1x512x8xf32, #tpu.memory_space<vmem>>, vector<1x512x1xf32>
    %swap3A_119 = vector.shape_cast %swap3A_118 : vector<1x512x1xf32> to vector<512xf32>
    %swap3A_120 = vector.shape_cast %squeeze3A_114 : vector<512xf32> to vector<1x512x1xf32>
    tpu.vector_store %arg10[%swap3A_115, %swap3A_116, %swap3A_117], %swap3A_120 {strides = array<i32>} : memref<1x512x8xf32, #tpu.memory_space<vmem>>, vector<1x512x1xf32>,
    %jit3A_121 = arith.constant 0.000000e+00 : f32
    %broadcast_in_dim3A_122 = vector.shape_cast %slice3A : vector<1x2048xf32> to vector<1x2048xf32>
    %broadcast_in_dim3A_123 = vector.broadcast %broadcast_in_dim3A_122 : vector<1x2048xf32> to vector<512x2048xf32>
    %broadcast_in_dim3A_124 = vector.broadcast %jit3A_121 : f32 to vector<512x2048xf32>
    %select_n3A_125 = arith.select %eq3A_97, %broadcast_in_dim3A_123, %broadcast_in_dim3A_124 : vector<512x2048xi1>, vector<512x2048xf32>
    %reduce_sum3A = arith.constant dense<0.000000e+00> : vector<512xf32>
    %reduce_sum3A_126 = vector.multi_reduction <add>, %select_n3A_125, %reduce_sum3A [1] : vector<512x2048xf32> to vector<512xf32>
    %swap3A_127 = arith.constant 0 : index
    %swap3A_128 = arith.constant 0 : index
    %swap3A_129 = arith.constant 0 : index
    %swap3A_130 = vector.load %arg11[%swap3A_127, %swap3A_128, %swap3A_129] : memref<1x512x8xf32, #tpu.memory_space<vmem>>, vector<1x512x1xf32>
    %swap3A_131 = vector.shape_cast %swap3A_130 : vector<1x512x1xf32> to vector<512xf32>
    %swap3A_132 = vector.shape_cast %reduce_sum3A_126 : vector<512xf32> to vector<1x512x1xf32>
    tpu.vector_store %arg11[%swap3A_127, %swap3A_128, %swap3A_129], %swap3A_132 {strides = array<i32>} : memref<1x512x8xf32, #tpu.memory_space<vmem>>, vector<1x512x1xf32>,
    %jit3A_133 = arith.constant 0.000000e+00 : f32
    %broadcast_in_dim3A_134 = vector.shape_cast %slice3A_4 : vector<1x2048xf32> to vector<1x2048xf32>
    %broadcast_in_dim3A_135 = vector.broadcast %broadcast_in_dim3A_134 : vector<1x2048xf32> to vector<512x2048xf32>
    %broadcast_in_dim3A_136 = vector.broadcast %jit3A_133 : f32 to vector<512x2048xf32>
    %select_n3A_137 = arith.select %eq3A_97, %broadcast_in_dim3A_135, %broadcast_in_dim3A_136 : vector<512x2048xi1>, vector<512x2048xf32>
    %reduce_sum3A_138 = arith.constant dense<0.000000e+00> : vector<512xf32>
    %reduce_sum3A_139 = vector.multi_reduction <add>, %select_n3A_137, %reduce_sum3A_138 [1] : vector<512x2048xf32> to vector<512xf32>
    %swap3A_140 = arith.constant 0 : index
    %swap3A_141 = arith.constant 0 : index
    %swap3A_142 = arith.constant 0 : index
    %swap3A_143 = vector.load %arg12[%swap3A_140, %swap3A_141, %swap3A_142] : memref<1x512x8xf32, #tpu.memory_space<vmem>>, vector<1x512x1xf32>
    %swap3A_144 = vector.shape_cast %swap3A_143 : vector<1x512x1xf32> to vector<512xf32>
    %swap3A_145 = vector.shape_cast %reduce_sum3A_139 : vector<512xf32> to vector<1x512x1xf32>
    tpu.vector_store %arg12[%swap3A_140, %swap3A_141, %swap3A_142], %swap3A_145 {strides = array<i32>} : memref<1x512x8xf32, #tpu.memory_space<vmem>>, vector<1x512x1xf32>,
    %jit3A_146 = arith.constant 0.000000e+00 : f32
    %broadcast_in_dim3A_147 = vector.shape_cast %slice3A_5 : vector<1x2048xf32> to vector<1x2048xf32>
    %broadcast_in_dim3A_148 = vector.broadcast %broadcast_in_dim3A_147 : vector<1x2048xf32> to vector<512x2048xf32>
    %broadcast_in_dim3A_149 = vector.broadcast %jit3A_146 : f32 to vector<512x2048xf32>
    %select_n3A_150 = arith.select %eq3A_97, %broadcast_in_dim3A_148, %broadcast_in_dim3A_149 : vector<512x2048xi1>, vector<512x2048xf32>
    %reduce_sum3A_151 = arith.constant dense<0.000000e+00> : vector<512xf32>
    %reduce_sum3A_152 = vector.multi_reduction <add>, %select_n3A_150, %reduce_sum3A_151 [1] : vector<512x2048xf32> to vector<512xf32>
    %swap3A_153 = arith.constant 0 : index
    %swap3A_154 = arith.constant 0 : index
    %swap3A_155 = arith.constant 0 : index
    %swap3A_156 = vector.load %arg13[%swap3A_153, %swap3A_154, %swap3A_155] : memref<1x512x8xf32, #tpu.memory_space<vmem>>, vector<1x512x1xf32>
    %swap3A_157 = vector.shape_cast %swap3A_156 : vector<1x512x1xf32> to vector<512xf32>
    %swap3A_158 = vector.shape_cast %reduce_sum3A_152 : vector<512xf32> to vector<1x512x1xf32>
    tpu.vector_store %arg13[%swap3A_153, %swap3A_154, %swap3A_155], %swap3A_158 {strides = array<i32>} : memref<1x512x8xf32, #tpu.memory_space<vmem>>, vector<1x512x1xf32>,
    %get3A_159 = arith.constant 0 : index
    %get3A_160 = arith.constant 0 : index
    %get3A_161 = vector.load %arg16[%get3A_159, %get3A_160] : memref<512x2048xf32, #tpu.memory_space<vmem>>, vector<512x2048xf32>
    %reduce_min3A_162 = arith.constant dense<0x7F800000> : vector<512xf32>
    %reduce_min3A_163 = vector.multi_reduction <minimumf>, %get3A_161, %reduce_min3A_162 [1] : vector<512x2048xf32> to vector<512xf32>
    %broadcast_in_dim3A_164 = vector.shape_cast %reduce_min3A_163 : vector<512xf32> to vector<512x1xf32>
    %eq3A_165 = vector.broadcast %broadcast_in_dim3A_164 : vector<512x1xf32> to vector<512x2048xf32>
    %eq3A_166 = arith.cmpf oeq, %get3A_161, %eq3A_165 : vector<512x2048xf32>
    %jit3A_167 = arith.constant 2048 : i32
    %broadcast_in_dim3A_168 = vector.shape_cast %iota3A : vector<1x2048xi32> to vector<1x2048xi32>
    %broadcast_in_dim3A_169 = vector.broadcast %broadcast_in_dim3A_168 : vector<1x2048xi32> to vector<512x2048xi32>
    %broadcast_in_dim3A_170 = vector.broadcast %jit3A_167 : i32 to vector<512x2048xi32>
    %select_n3A_171 = arith.select %eq3A_166, %broadcast_in_dim3A_169, %broadcast_in_dim3A_170 : vector<512x2048xi1>, vector<512x2048xi32>
    %reduce_min3A_172 = arith.constant dense<2147483647> : vector<512xi32>
    %reduce_min3A_173 = vector.multi_reduction <minsi>, %select_n3A_171, %reduce_min3A_172 [1] : vector<512x2048xi32> to vector<512xi32>
    %broadcast_in_dim3A_174 = vector.shape_cast %reduce_min3A_173 : vector<512xi32> to vector<512x1xi32>
    %eq3A_175 = vector.broadcast %iota3A : vector<1x2048xi32> to vector<512x2048xi32>
    %eq3A_176 = vector.broadcast %broadcast_in_dim3A_174 : vector<512x1xi32> to vector<512x2048xi32>
    %eq3A_177 = arith.cmpi eq, %eq3A_175, %eq3A_176 : vector<512x2048xi32>
    %jit3A_178 = arith.constant 0x7F800000 : f32
    %broadcast_in_dim3A_179 = vector.broadcast %jit3A_178 : f32 to vector<512x2048xf32>
    %select_n3A_180 = arith.select %eq3A_177, %broadcast_in_dim3A_179, %get3A_161 : vector<512x2048xi1>, vector<512x2048xf32>
    %swap3A_181 = arith.constant 0 : index
    %swap3A_182 = arith.constant 0 : index
    %swap3A_183 = vector.load %arg16[%swap3A_181, %swap3A_182] : memref<512x2048xf32, #tpu.memory_space<vmem>>, vector<512x2048xf32>
    tpu.vector_store %arg16[%swap3A_181, %swap3A_182], %select_n3A_180 {strides = array<i32>} : memref<512x2048xf32, #tpu.memory_space<vmem>>, vector<512x2048xf32>,
    %squeeze3A_184 = vector.shape_cast %broadcast_in_dim3A_174 : vector<512x1xi32> to vector<512xi32>
    %mul3A_185 = arith.constant 2048 : i32
    %mul3A_186 = arith.muli %arg0, %mul3A_185 : i32
    %add3A_187 = vector.broadcast %mul3A_186 : i32 to vector<512xi32>
    %add3A_188 = arith.addi %squeeze3A_184, %add3A_187 : vector<512xi32>
    %swap3A_189 = arith.constant 0 : index
    %swap3A_190 = arith.constant 0 : index
    %swap3A_191 = arith.constant 1 : index
    %swap3A_192 = vector.load %arg9[%swap3A_189, %swap3A_190, %swap3A_191] : memref<1x512x8xi32, #tpu.memory_space<vmem>>, vector<1x512x1xi32>
    %swap3A_193 = vector.shape_cast %swap3A_192 : vector<1x512x1xi32> to vector<512xi32>
    %swap3A_194 = vector.shape_cast %add3A_188 : vector<512xi32> to vector<1x512x1xi32>
    tpu.vector_store %arg9[%swap3A_189, %swap3A_190, %swap3A_191], %swap3A_194 {strides = array<i32>} : memref<1x512x8xi32, #tpu.memory_space<vmem>>, vector<1x512x1xi32>,
    %squeeze3A_195 = vector.shape_cast %broadcast_in_dim3A_164 : vector<512x1xf32> to vector<512xf32>
    %swap3A_196 = arith.constant 0 : index
    %swap3A_197 = arith.constant 0 : index
    %swap3A_198 = arith.constant 1 : index
    %swap3A_199 = vector.load %arg10[%swap3A_196, %swap3A_197, %swap3A_198] : memref<1x512x8xf32, #tpu.memory_space<vmem>>, vector<1x512x1xf32>
    %swap3A_200 = vector.shape_cast %swap3A_199 : vector<1x512x1xf32> to vector<512xf32>
    %swap3A_201 = vector.shape_cast %squeeze3A_195 : vector<512xf32> to vector<1x512x1xf32>
    tpu.vector_store %arg10[%swap3A_196, %swap3A_197, %swap3A_198], %swap3A_201 {strides = array<i32>} : memref<1x512x8xf32, #tpu.memory_space<vmem>>, vector<1x512x1xf32>,
    %jit3A_202 = arith.constant 0.000000e+00 : f32
    %broadcast_in_dim3A_203 = vector.shape_cast %slice3A : vector<1x2048xf32> to vector<1x2048xf32>
    %broadcast_in_dim3A_204 = vector.broadcast %broadcast_in_dim3A_203 : vector<1x2048xf32> to vector<512x2048xf32>
    %broadcast_in_dim3A_205 = vector.broadcast %jit3A_202 : f32 to vector<512x2048xf32>
    %select_n3A_206 = arith.select %eq3A_177, %broadcast_in_dim3A_204, %broadcast_in_dim3A_205 : vector<512x2048xi1>, vector<512x2048xf32>
    %reduce_sum3A_207 = arith.constant dense<0.000000e+00> : vector<512xf32>
    %reduce_sum3A_208 = vector.multi_reduction <add>, %select_n3A_206, %reduce_sum3A_207 [1] : vector<512x2048xf32> to vector<512xf32>
    %swap3A_209 = arith.constant 0 : index
    %swap3A_210 = arith.constant 0 : index
    %swap3A_211 = arith.constant 1 : index
    %swap3A_212 = vector.load %arg11[%swap3A_209, %swap3A_210, %swap3A_211] : memref<1x512x8xf32, #tpu.memory_space<vmem>>, vector<1x512x1xf32>
    %swap3A_213 = vector.shape_cast %swap3A_212 : vector<1x512x1xf32> to vector<512xf32>
    %swap3A_214 = vector.shape_cast %reduce_sum3A_208 : vector<512xf32> to vector<1x512x1xf32>
    tpu.vector_store %arg11[%swap3A_209, %swap3A_210, %swap3A_211], %swap3A_214 {strides = array<i32>} : memref<1x512x8xf32, #tpu.memory_space<vmem>>, vector<1x512x1xf32>,
    %jit3A_215 = arith.constant 0.000000e+00 : f32
    %broadcast_in_dim3A_216 = vector.shape_cast %slice3A_4 : vector<1x2048xf32> to vector<1x2048xf32>
    %broadcast_in_dim3A_217 = vector.broadcast %broadcast_in_dim3A_216 : vector<1x2048xf32> to vector<512x2048xf32>
    %broadcast_in_dim3A_218 = vector.broadcast %jit3A_215 : f32 to vector<512x2048xf32>
    %select_n3A_219 = arith.select %eq3A_177, %broadcast_in_dim3A_217, %broadcast_in_dim3A_218 : vector<512x2048xi1>, vector<512x2048xf32>
    %reduce_sum3A_220 = arith.constant dense<0.000000e+00> : vector<512xf32>
    %reduce_sum3A_221 = vector.multi_reduction <add>, %select_n3A_219, %reduce_sum3A_220 [1] : vector<512x2048xf32> to vector<512xf32>
    %swap3A_222 = arith.constant 0 : index
    %swap3A_223 = arith.constant 0 : index
    %swap3A_224 = arith.constant 1 : index
    %swap3A_225 = vector.load %arg12[%swap3A_222, %swap3A_223, %swap3A_224] : memref<1x512x8xf32, #tpu.memory_space<vmem>>, vector<1x512x1xf32>
    %swap3A_226 = vector.shape_cast %swap3A_225 : vector<1x512x1xf32> to vector<512xf32>
    %swap3A_227 = vector.shape_cast %reduce_sum3A_221 : vector<512xf32> to vector<1x512x1xf32>
    tpu.vector_store %arg12[%swap3A_222, %swap3A_223, %swap3A_224], %swap3A_227 {strides = array<i32>} : memref<1x512x8xf32, #tpu.memory_space<vmem>>, vector<1x512x1xf32>,
    %jit3A_228 = arith.constant 0.000000e+00 : f32
    %broadcast_in_dim3A_229 = vector.shape_cast %slice3A_5 : vector<1x2048xf32> to vector<1x2048xf32>
    %broadcast_in_dim3A_230 = vector.broadcast %broadcast_in_dim3A_229 : vector<1x2048xf32> to vector<512x2048xf32>
    %broadcast_in_dim3A_231 = vector.broadcast %jit3A_228 : f32 to vector<512x2048xf32>
    %select_n3A_232 = arith.select %eq3A_177, %broadcast_in_dim3A_230, %broadcast_in_dim3A_231 : vector<512x2048xi1>, vector<512x2048xf32>
    %reduce_sum3A_233 = arith.constant dense<0.000000e+00> : vector<512xf32>
    %reduce_sum3A_234 = vector.multi_reduction <add>, %select_n3A_232, %reduce_sum3A_233 [1] : vector<512x2048xf32> to vector<512xf32>
    %swap3A_235 = arith.constant 0 : index
    %swap3A_236 = arith.constant 0 : index
    %swap3A_237 = arith.constant 1 : index
    %swap3A_238 = vector.load %arg13[%swap3A_235, %swap3A_236, %swap3A_237] : memref<1x512x8xf32, #tpu.memory_space<vmem>>, vector<1x512x1xf32>
    %swap3A_239 = vector.shape_cast %swap3A_238 : vector<1x512x1xf32> to vector<512xf32>
    %swap3A_240 = vector.shape_cast %reduce_sum3A_234 : vector<512xf32> to vector<1x512x1xf32>
    tpu.vector_store %arg13[%swap3A_235, %swap3A_236, %swap3A_237], %swap3A_240 {strides = array<i32>} : memref<1x512x8xf32, #tpu.memory_space<vmem>>, vector<1x512x1xf32>,
    %get3A_241 = arith.constant 0 : index
    %get3A_242 = arith.constant 0 : index
    %get3A_243 = vector.load %arg16[%get3A_241, %get3A_242] : memref<512x2048xf32, #tpu.memory_space<vmem>>, vector<512x2048xf32>
    %reduce_min3A_244 = arith.constant dense<0x7F800000> : vector<512xf32>
    %reduce_min3A_245 = vector.multi_reduction <minimumf>, %get3A_243, %reduce_min3A_244 [1] : vector<512x2048xf32> to vector<512xf32>
    %broadcast_in_dim3A_246 = vector.shape_cast %reduce_min3A_245 : vector<512xf32> to vector<512x1xf32>
    %eq3A_247 = vector.broadcast %broadcast_in_dim3A_246 : vector<512x1xf32> to vector<512x2048xf32>
    %eq3A_248 = arith.cmpf oeq, %get3A_243, %eq3A_247 : vector<512x2048xf32>
    %jit3A_249 = arith.constant 2048 : i32
    %broadcast_in_dim3A_250 = vector.shape_cast %iota3A : vector<1x2048xi32> to vector<1x2048xi32>
    %broadcast_in_dim3A_251 = vector.broadcast %broadcast_in_dim3A_250 : vector<1x2048xi32> to vector<512x2048xi32>
    %broadcast_in_dim3A_252 = vector.broadcast %jit3A_249 : i32 to vector<512x2048xi32>
    %select_n3A_253 = arith.select %eq3A_248, %broadcast_in_dim3A_251, %broadcast_in_dim3A_252 : vector<512x2048xi1>, vector<512x2048xi32>
    %reduce_min3A_254 = arith.constant dense<2147483647> : vector<512xi32>
    %reduce_min3A_255 = vector.multi_reduction <minsi>, %select_n3A_253, %reduce_min3A_254 [1] : vector<512x2048xi32> to vector<512xi32>
    %broadcast_in_dim3A_256 = vector.shape_cast %reduce_min3A_255 : vector<512xi32> to vector<512x1xi32>
    %eq3A_257 = vector.broadcast %iota3A : vector<1x2048xi32> to vector<512x2048xi32>
    %eq3A_258 = vector.broadcast %broadcast_in_dim3A_256 : vector<512x1xi32> to vector<512x2048xi32>
    %eq3A_259 = arith.cmpi eq, %eq3A_257, %eq3A_258 : vector<512x2048xi32>
    %jit3A_260 = arith.constant 0x7F800000 : f32
    %broadcast_in_dim3A_261 = vector.broadcast %jit3A_260 : f32 to vector<512x2048xf32>
    %select_n3A_262 = arith.select %eq3A_259, %broadcast_in_dim3A_261, %get3A_243 : vector<512x2048xi1>, vector<512x2048xf32>
    %swap3A_263 = arith.constant 0 : index
    %swap3A_264 = arith.constant 0 : index
    %swap3A_265 = vector.load %arg16[%swap3A_263, %swap3A_264] : memref<512x2048xf32, #tpu.memory_space<vmem>>, vector<512x2048xf32>
    tpu.vector_store %arg16[%swap3A_263, %swap3A_264], %select_n3A_262 {strides = array<i32>} : memref<512x2048xf32, #tpu.memory_space<vmem>>, vector<512x2048xf32>,
    %squeeze3A_266 = vector.shape_cast %broadcast_in_dim3A_256 : vector<512x1xi32> to vector<512xi32>
    %mul3A_267 = arith.constant 2048 : i32
    %mul3A_268 = arith.muli %arg0, %mul3A_267 : i32
    %add3A_269 = vector.broadcast %mul3A_268 : i32 to vector<512xi32>
    %add3A_270 = arith.addi %squeeze3A_266, %add3A_269 : vector<512xi32>
    %swap3A_271 = arith.constant 0 : index
    %swap3A_272 = arith.constant 0 : index
    %swap3A_273 = arith.constant 2 : index
    %swap3A_274 = vector.load %arg9[%swap3A_271, %swap3A_272, %swap3A_273] : memref<1x512x8xi32, #tpu.memory_space<vmem>>, vector<1x512x1xi32>
    %swap3A_275 = vector.shape_cast %swap3A_274 : vector<1x512x1xi32> to vector<512xi32>
    %swap3A_276 = vector.shape_cast %add3A_270 : vector<512xi32> to vector<1x512x1xi32>
    tpu.vector_store %arg9[%swap3A_271, %swap3A_272, %swap3A_273], %swap3A_276 {strides = array<i32>} : memref<1x512x8xi32, #tpu.memory_space<vmem>>, vector<1x512x1xi32>,
    %squeeze3A_277 = vector.shape_cast %broadcast_in_dim3A_246 : vector<512x1xf32> to vector<512xf32>
    %swap3A_278 = arith.constant 0 : index
    %swap3A_279 = arith.constant 0 : index
    %swap3A_280 = arith.constant 2 : index
    %swap3A_281 = vector.load %arg10[%swap3A_278, %swap3A_279, %swap3A_280] : memref<1x512x8xf32, #tpu.memory_space<vmem>>, vector<1x512x1xf32>
    %swap3A_282 = vector.shape_cast %swap3A_281 : vector<1x512x1xf32> to vector<512xf32>
    %swap3A_283 = vector.shape_cast %squeeze3A_277 : vector<512xf32> to vector<1x512x1xf32>
    tpu.vector_store %arg10[%swap3A_278, %swap3A_279, %swap3A_280], %swap3A_283 {strides = array<i32>} : memref<1x512x8xf32, #tpu.memory_space<vmem>>, vector<1x512x1xf32>,
    %jit3A_284 = arith.constant 0.000000e+00 : f32
    %broadcast_in_dim3A_285 = vector.shape_cast %slice3A : vector<1x2048xf32> to vector<1x2048xf32>
    %broadcast_in_dim3A_286 = vector.broadcast %broadcast_in_dim3A_285 : vector<1x2048xf32> to vector<512x2048xf32>
    %broadcast_in_dim3A_287 = vector.broadcast %jit3A_284 : f32 to vector<512x2048xf32>
    %select_n3A_288 = arith.select %eq3A_259, %broadcast_in_dim3A_286, %broadcast_in_dim3A_287 : vector<512x2048xi1>, vector<512x2048xf32>
    %reduce_sum3A_289 = arith.constant dense<0.000000e+00> : vector<512xf32>
    %reduce_sum3A_290 = vector.multi_reduction <add>, %select_n3A_288, %reduce_sum3A_289 [1] : vector<512x2048xf32> to vector<512xf32>
    %swap3A_291 = arith.constant 0 : index
    %swap3A_292 = arith.constant 0 : index
    %swap3A_293 = arith.constant 2 : index
    %swap3A_294 = vector.load %arg11[%swap3A_291, %swap3A_292, %swap3A_293] : memref<1x512x8xf32, #tpu.memory_space<vmem>>, vector<1x512x1xf32>
    %swap3A_295 = vector.shape_cast %swap3A_294 : vector<1x512x1xf32> to vector<512xf32>
    %swap3A_296 = vector.shape_cast %reduce_sum3A_290 : vector<512xf32> to vector<1x512x1xf32>
    tpu.vector_store %arg11[%swap3A_291, %swap3A_292, %swap3A_293], %swap3A_296 {strides = array<i32>} : memref<1x512x8xf32, #tpu.memory_space<vmem>>, vector<1x512x1xf32>,
    %jit3A_297 = arith.constant 0.000000e+00 : f32
    %broadcast_in_dim3A_298 = vector.shape_cast %slice3A_4 : vector<1x2048xf32> to vector<1x2048xf32>
    %broadcast_in_dim3A_299 = vector.broadcast %broadcast_in_dim3A_298 : vector<1x2048xf32> to vector<512x2048xf32>
    %broadcast_in_dim3A_300 = vector.broadcast %jit3A_297 : f32 to vector<512x2048xf32>
    %select_n3A_301 = arith.select %eq3A_259, %broadcast_in_dim3A_299, %broadcast_in_dim3A_300 : vector<512x2048xi1>, vector<512x2048xf32>
    %reduce_sum3A_302 = arith.constant dense<0.000000e+00> : vector<512xf32>
    %reduce_sum3A_303 = vector.multi_reduction <add>, %select_n3A_301, %reduce_sum3A_302 [1] : vector<512x2048xf32> to vector<512xf32>
    %swap3A_304 = arith.constant 0 : index
    %swap3A_305 = arith.constant 0 : index
    %swap3A_306 = arith.constant 2 : index
    %swap3A_307 = vector.load %arg12[%swap3A_304, %swap3A_305, %swap3A_306] : memref<1x512x8xf32, #tpu.memory_space<vmem>>, vector<1x512x1xf32>
    %swap3A_308 = vector.shape_cast %swap3A_307 : vector<1x512x1xf32> to vector<512xf32>
    %swap3A_309 = vector.shape_cast %reduce_sum3A_303 : vector<512xf32> to vector<1x512x1xf32>
    tpu.vector_store %arg12[%swap3A_304, %swap3A_305, %swap3A_306], %swap3A_309 {strides = array<i32>} : memref<1x512x8xf32, #tpu.memory_space<vmem>>, vector<1x512x1xf32>,
    %jit3A_310 = arith.constant 0.000000e+00 : f32
    %broadcast_in_dim3A_311 = vector.shape_cast %slice3A_5 : vector<1x2048xf32> to vector<1x2048xf32>
    %broadcast_in_dim3A_312 = vector.broadcast %broadcast_in_dim3A_311 : vector<1x2048xf32> to vector<512x2048xf32>
    %broadcast_in_dim3A_313 = vector.broadcast %jit3A_310 : f32 to vector<512x2048xf32>
    %select_n3A_314 = arith.select %eq3A_259, %broadcast_in_dim3A_312, %broadcast_in_dim3A_313 : vector<512x2048xi1>, vector<512x2048xf32>
    %reduce_sum3A_315 = arith.constant dense<0.000000e+00> : vector<512xf32>
    %reduce_sum3A_316 = vector.multi_reduction <add>, %select_n3A_314, %reduce_sum3A_315 [1] : vector<512x2048xf32> to vector<512xf32>
    %swap3A_317 = arith.constant 0 : index
    %swap3A_318 = arith.constant 0 : index
    %swap3A_319 = arith.constant 2 : index
    %swap3A_320 = vector.load %arg13[%swap3A_317, %swap3A_318, %swap3A_319] : memref<1x512x8xf32, #tpu.memory_space<vmem>>, vector<1x512x1xf32>
    %swap3A_321 = vector.shape_cast %swap3A_320 : vector<1x512x1xf32> to vector<512xf32>
    %swap3A_322 = vector.shape_cast %reduce_sum3A_316 : vector<512xf32> to vector<1x512x1xf32>
    tpu.vector_store %arg13[%swap3A_317, %swap3A_318, %swap3A_319], %swap3A_322 {strides = array<i32>} : memref<1x512x8xf32, #tpu.memory_space<vmem>>, vector<1x512x1xf32>,
    %get3A_323 = arith.constant 0 : index
    %get3A_324 = arith.constant 0 : index
    %get3A_325 = vector.load %arg16[%get3A_323, %get3A_324] : memref<512x2048xf32, #tpu.memory_space<vmem>>, vector<512x2048xf32>
    %reduce_min3A_326 = arith.constant dense<0x7F800000> : vector<512xf32>
    %reduce_min3A_327 = vector.multi_reduction <minimumf>, %get3A_325, %reduce_min3A_326 [1] : vector<512x2048xf32> to vector<512xf32>
    %broadcast_in_dim3A_328 = vector.shape_cast %reduce_min3A_327 : vector<512xf32> to vector<512x1xf32>
    %eq3A_329 = vector.broadcast %broadcast_in_dim3A_328 : vector<512x1xf32> to vector<512x2048xf32>
    %eq3A_330 = arith.cmpf oeq, %get3A_325, %eq3A_329 : vector<512x2048xf32>
    %jit3A_331 = arith.constant 2048 : i32
    %broadcast_in_dim3A_332 = vector.shape_cast %iota3A : vector<1x2048xi32> to vector<1x2048xi32>
    %broadcast_in_dim3A_333 = vector.broadcast %broadcast_in_dim3A_332 : vector<1x2048xi32> to vector<512x2048xi32>
    %broadcast_in_dim3A_334 = vector.broadcast %jit3A_331 : i32 to vector<512x2048xi32>
    %select_n3A_335 = arith.select %eq3A_330, %broadcast_in_dim3A_333, %broadcast_in_dim3A_334 : vector<512x2048xi1>, vector<512x2048xi32>
    %reduce_min3A_336 = arith.constant dense<2147483647> : vector<512xi32>
    %reduce_min3A_337 = vector.multi_reduction <minsi>, %select_n3A_335, %reduce_min3A_336 [1] : vector<512x2048xi32> to vector<512xi32>
    %broadcast_in_dim3A_338 = vector.shape_cast %reduce_min3A_337 : vector<512xi32> to vector<512x1xi32>
    %eq3A_339 = vector.broadcast %iota3A : vector<1x2048xi32> to vector<512x2048xi32>
    %eq3A_340 = vector.broadcast %broadcast_in_dim3A_338 : vector<512x1xi32> to vector<512x2048xi32>
    %eq3A_341 = arith.cmpi eq, %eq3A_339, %eq3A_340 : vector<512x2048xi32>
    %jit3A_342 = arith.constant 0x7F800000 : f32
    %broadcast_in_dim3A_343 = vector.broadcast %jit3A_342 : f32 to vector<512x2048xf32>
    %select_n3A_344 = arith.select %eq3A_341, %broadcast_in_dim3A_343, %get3A_325 : vector<512x2048xi1>, vector<512x2048xf32>
    %swap3A_345 = arith.constant 0 : index
    %swap3A_346 = arith.constant 0 : index
    %swap3A_347 = vector.load %arg16[%swap3A_345, %swap3A_346] : memref<512x2048xf32, #tpu.memory_space<vmem>>, vector<512x2048xf32>
    tpu.vector_store %arg16[%swap3A_345, %swap3A_346], %select_n3A_344 {strides = array<i32>} : memref<512x2048xf32, #tpu.memory_space<vmem>>, vector<512x2048xf32>,
    %squeeze3A_348 = vector.shape_cast %broadcast_in_dim3A_338 : vector<512x1xi32> to vector<512xi32>
    %mul3A_349 = arith.constant 2048 : i32
    %mul3A_350 = arith.muli %arg0, %mul3A_349 : i32
    %add3A_351 = vector.broadcast %mul3A_350 : i32 to vector<512xi32>
    %add3A_352 = arith.addi %squeeze3A_348, %add3A_351 : vector<512xi32>
    %swap3A_353 = arith.constant 0 : index
    %swap3A_354 = arith.constant 0 : index
    %swap3A_355 = arith.constant 3 : index
    %swap3A_356 = vector.load %arg9[%swap3A_353, %swap3A_354, %swap3A_355] : memref<1x512x8xi32, #tpu.memory_space<vmem>>, vector<1x512x1xi32>
    %swap3A_357 = vector.shape_cast %swap3A_356 : vector<1x512x1xi32> to vector<512xi32>
    %swap3A_358 = vector.shape_cast %add3A_352 : vector<512xi32> to vector<1x512x1xi32>
    tpu.vector_store %arg9[%swap3A_353, %swap3A_354, %swap3A_355], %swap3A_358 {strides = array<i32>} : memref<1x512x8xi32, #tpu.memory_space<vmem>>, vector<1x512x1xi32>,
    %squeeze3A_359 = vector.shape_cast %broadcast_in_dim3A_328 : vector<512x1xf32> to vector<512xf32>
    %swap3A_360 = arith.constant 0 : index
    %swap3A_361 = arith.constant 0 : index
    %swap3A_362 = arith.constant 3 : index
    %swap3A_363 = vector.load %arg10[%swap3A_360, %swap3A_361, %swap3A_362] : memref<1x512x8xf32, #tpu.memory_space<vmem>>, vector<1x512x1xf32>
    %swap3A_364 = vector.shape_cast %swap3A_363 : vector<1x512x1xf32> to vector<512xf32>
    %swap3A_365 = vector.shape_cast %squeeze3A_359 : vector<512xf32> to vector<1x512x1xf32>
    tpu.vector_store %arg10[%swap3A_360, %swap3A_361, %swap3A_362], %swap3A_365 {strides = array<i32>} : memref<1x512x8xf32, #tpu.memory_space<vmem>>, vector<1x512x1xf32>,
    %jit3A_366 = arith.constant 0.000000e+00 : f32
    %broadcast_in_dim3A_367 = vector.shape_cast %slice3A : vector<1x2048xf32> to vector<1x2048xf32>
    %broadcast_in_dim3A_368 = vector.broadcast %broadcast_in_dim3A_367 : vector<1x2048xf32> to vector<512x2048xf32>
    %broadcast_in_dim3A_369 = vector.broadcast %jit3A_366 : f32 to vector<512x2048xf32>
    %select_n3A_370 = arith.select %eq3A_341, %broadcast_in_dim3A_368, %broadcast_in_dim3A_369 : vector<512x2048xi1>, vector<512x2048xf32>
    %reduce_sum3A_371 = arith.constant dense<0.000000e+00> : vector<512xf32>
    %reduce_sum3A_372 = vector.multi_reduction <add>, %select_n3A_370, %reduce_sum3A_371 [1] : vector<512x2048xf32> to vector<512xf32>
    %swap3A_373 = arith.constant 0 : index
    %swap3A_374 = arith.constant 0 : index
    %swap3A_375 = arith.constant 3 : index
    %swap3A_376 = vector.load %arg11[%swap3A_373, %swap3A_374, %swap3A_375] : memref<1x512x8xf32, #tpu.memory_space<vmem>>, vector<1x512x1xf32>
    %swap3A_377 = vector.shape_cast %swap3A_376 : vector<1x512x1xf32> to vector<512xf32>
    %swap3A_378 = vector.shape_cast %reduce_sum3A_372 : vector<512xf32> to vector<1x512x1xf32>
    tpu.vector_store %arg11[%swap3A_373, %swap3A_374, %swap3A_375], %swap3A_378 {strides = array<i32>} : memref<1x512x8xf32, #tpu.memory_space<vmem>>, vector<1x512x1xf32>,
    %jit3A_379 = arith.constant 0.000000e+00 : f32
    %broadcast_in_dim3A_380 = vector.shape_cast %slice3A_4 : vector<1x2048xf32> to vector<1x2048xf32>
    %broadcast_in_dim3A_381 = vector.broadcast %broadcast_in_dim3A_380 : vector<1x2048xf32> to vector<512x2048xf32>
    %broadcast_in_dim3A_382 = vector.broadcast %jit3A_379 : f32 to vector<512x2048xf32>
    %select_n3A_383 = arith.select %eq3A_341, %broadcast_in_dim3A_381, %broadcast_in_dim3A_382 : vector<512x2048xi1>, vector<512x2048xf32>
    %reduce_sum3A_384 = arith.constant dense<0.000000e+00> : vector<512xf32>
    %reduce_sum3A_385 = vector.multi_reduction <add>, %select_n3A_383, %reduce_sum3A_384 [1] : vector<512x2048xf32> to vector<512xf32>
    %swap3A_386 = arith.constant 0 : index
    %swap3A_387 = arith.constant 0 : index
    %swap3A_388 = arith.constant 3 : index
    %swap3A_389 = vector.load %arg12[%swap3A_386, %swap3A_387, %swap3A_388] : memref<1x512x8xf32, #tpu.memory_space<vmem>>, vector<1x512x1xf32>
    %swap3A_390 = vector.shape_cast %swap3A_389 : vector<1x512x1xf32> to vector<512xf32>
    %swap3A_391 = vector.shape_cast %reduce_sum3A_385 : vector<512xf32> to vector<1x512x1xf32>
    tpu.vector_store %arg12[%swap3A_386, %swap3A_387, %swap3A_388], %swap3A_391 {strides = array<i32>} : memref<1x512x8xf32, #tpu.memory_space<vmem>>, vector<1x512x1xf32>,
    %jit3A_392 = arith.constant 0.000000e+00 : f32
    %broadcast_in_dim3A_393 = vector.shape_cast %slice3A_5 : vector<1x2048xf32> to vector<1x2048xf32>
    %broadcast_in_dim3A_394 = vector.broadcast %broadcast_in_dim3A_393 : vector<1x2048xf32> to vector<512x2048xf32>
    %broadcast_in_dim3A_395 = vector.broadcast %jit3A_392 : f32 to vector<512x2048xf32>
    %select_n3A_396 = arith.select %eq3A_341, %broadcast_in_dim3A_394, %broadcast_in_dim3A_395 : vector<512x2048xi1>, vector<512x2048xf32>
    %reduce_sum3A_397 = arith.constant dense<0.000000e+00> : vector<512xf32>
    %reduce_sum3A_398 = vector.multi_reduction <add>, %select_n3A_396, %reduce_sum3A_397 [1] : vector<512x2048xf32> to vector<512xf32>
    %swap3A_399 = arith.constant 0 : index
    %swap3A_400 = arith.constant 0 : index
    %swap3A_401 = arith.constant 3 : index
    %swap3A_402 = vector.load %arg13[%swap3A_399, %swap3A_400, %swap3A_401] : memref<1x512x8xf32, #tpu.memory_space<vmem>>, vector<1x512x1xf32>
    %swap3A_403 = vector.shape_cast %swap3A_402 : vector<1x512x1xf32> to vector<512xf32>
    %swap3A_404 = vector.shape_cast %reduce_sum3A_398 : vector<512xf32> to vector<1x512x1xf32>
    tpu.vector_store %arg13[%swap3A_399, %swap3A_400, %swap3A_401], %swap3A_404 {strides = array<i32>} : memref<1x512x8xf32, #tpu.memory_space<vmem>>, vector<1x512x1xf32>,
    %get3A_405 = arith.constant 0 : index
    %get3A_406 = arith.constant 0 : index
    %get3A_407 = vector.load %arg16[%get3A_405, %get3A_406] : memref<512x2048xf32, #tpu.memory_space<vmem>>, vector<512x2048xf32>
    %reduce_min3A_408 = arith.constant dense<0x7F800000> : vector<512xf32>
    %reduce_min3A_409 = vector.multi_reduction <minimumf>, %get3A_407, %reduce_min3A_408 [1] : vector<512x2048xf32> to vector<512xf32>
    %broadcast_in_dim3A_410 = vector.shape_cast %reduce_min3A_409 : vector<512xf32> to vector<512x1xf32>
    %eq3A_411 = vector.broadcast %broadcast_in_dim3A_410 : vector<512x1xf32> to vector<512x2048xf32>
    %eq3A_412 = arith.cmpf oeq, %get3A_407, %eq3A_411 : vector<512x2048xf32>
    %jit3A_413 = arith.constant 2048 : i32
    %broadcast_in_dim3A_414 = vector.shape_cast %iota3A : vector<1x2048xi32> to vector<1x2048xi32>
    %broadcast_in_dim3A_415 = vector.broadcast %broadcast_in_dim3A_414 : vector<1x2048xi32> to vector<512x2048xi32>
    %broadcast_in_dim3A_416 = vector.broadcast %jit3A_413 : i32 to vector<512x2048xi32>
    %select_n3A_417 = arith.select %eq3A_412, %broadcast_in_dim3A_415, %broadcast_in_dim3A_416 : vector<512x2048xi1>, vector<512x2048xi32>
    %reduce_min3A_418 = arith.constant dense<2147483647> : vector<512xi32>
    %reduce_min3A_419 = vector.multi_reduction <minsi>, %select_n3A_417, %reduce_min3A_418 [1] : vector<512x2048xi32> to vector<512xi32>
    %broadcast_in_dim3A_420 = vector.shape_cast %reduce_min3A_419 : vector<512xi32> to vector<512x1xi32>
    %eq3A_421 = vector.broadcast %iota3A : vector<1x2048xi32> to vector<512x2048xi32>
    %eq3A_422 = vector.broadcast %broadcast_in_dim3A_420 : vector<512x1xi32> to vector<512x2048xi32>
    %eq3A_423 = arith.cmpi eq, %eq3A_421, %eq3A_422 : vector<512x2048xi32>
    %jit3A_424 = arith.constant 0x7F800000 : f32
    %broadcast_in_dim3A_425 = vector.broadcast %jit3A_424 : f32 to vector<512x2048xf32>
    %select_n3A_426 = arith.select %eq3A_423, %broadcast_in_dim3A_425, %get3A_407 : vector<512x2048xi1>, vector<512x2048xf32>
    %swap3A_427 = arith.constant 0 : index
    %swap3A_428 = arith.constant 0 : index
    %swap3A_429 = vector.load %arg16[%swap3A_427, %swap3A_428] : memref<512x2048xf32, #tpu.memory_space<vmem>>, vector<512x2048xf32>
    tpu.vector_store %arg16[%swap3A_427, %swap3A_428], %select_n3A_426 {strides = array<i32>} : memref<512x2048xf32, #tpu.memory_space<vmem>>, vector<512x2048xf32>,
    %squeeze3A_430 = vector.shape_cast %broadcast_in_dim3A_420 : vector<512x1xi32> to vector<512xi32>
    %mul3A_431 = arith.constant 2048 : i32
    %mul3A_432 = arith.muli %arg0, %mul3A_431 : i32
    %add3A_433 = vector.broadcast %mul3A_432 : i32 to vector<512xi32>
    %add3A_434 = arith.addi %squeeze3A_430, %add3A_433 : vector<512xi32>
    %swap3A_435 = arith.constant 0 : index
    %swap3A_436 = arith.constant 0 : index
    %swap3A_437 = arith.constant 4 : index
    %swap3A_438 = vector.load %arg9[%swap3A_435, %swap3A_436, %swap3A_437] : memref<1x512x8xi32, #tpu.memory_space<vmem>>, vector<1x512x1xi32>
    %swap3A_439 = vector.shape_cast %swap3A_438 : vector<1x512x1xi32> to vector<512xi32>
    %swap3A_440 = vector.shape_cast %add3A_434 : vector<512xi32> to vector<1x512x1xi32>
    tpu.vector_store %arg9[%swap3A_435, %swap3A_436, %swap3A_437], %swap3A_440 {strides = array<i32>} : memref<1x512x8xi32, #tpu.memory_space<vmem>>, vector<1x512x1xi32>,
    %squeeze3A_441 = vector.shape_cast %broadcast_in_dim3A_410 : vector<512x1xf32> to vector<512xf32>
    %swap3A_442 = arith.constant 0 : index
    %swap3A_443 = arith.constant 0 : index
    %swap3A_444 = arith.constant 4 : index
    %swap3A_445 = vector.load %arg10[%swap3A_442, %swap3A_443, %swap3A_444] : memref<1x512x8xf32, #tpu.memory_space<vmem>>, vector<1x512x1xf32>
    %swap3A_446 = vector.shape_cast %swap3A_445 : vector<1x512x1xf32> to vector<512xf32>
    %swap3A_447 = vector.shape_cast %squeeze3A_441 : vector<512xf32> to vector<1x512x1xf32>
    tpu.vector_store %arg10[%swap3A_442, %swap3A_443, %swap3A_444], %swap3A_447 {strides = array<i32>} : memref<1x512x8xf32, #tpu.memory_space<vmem>>, vector<1x512x1xf32>,
    %jit3A_448 = arith.constant 0.000000e+00 : f32
    %broadcast_in_dim3A_449 = vector.shape_cast %slice3A : vector<1x2048xf32> to vector<1x2048xf32>
    %broadcast_in_dim3A_450 = vector.broadcast %broadcast_in_dim3A_449 : vector<1x2048xf32> to vector<512x2048xf32>
    %broadcast_in_dim3A_451 = vector.broadcast %jit3A_448 : f32 to vector<512x2048xf32>
    %select_n3A_452 = arith.select %eq3A_423, %broadcast_in_dim3A_450, %broadcast_in_dim3A_451 : vector<512x2048xi1>, vector<512x2048xf32>
    %reduce_sum3A_453 = arith.constant dense<0.000000e+00> : vector<512xf32>
    %reduce_sum3A_454 = vector.multi_reduction <add>, %select_n3A_452, %reduce_sum3A_453 [1] : vector<512x2048xf32> to vector<512xf32>
    %swap3A_455 = arith.constant 0 : index
    %swap3A_456 = arith.constant 0 : index
    %swap3A_457 = arith.constant 4 : index
    %swap3A_458 = vector.load %arg11[%swap3A_455, %swap3A_456, %swap3A_457] : memref<1x512x8xf32, #tpu.memory_space<vmem>>, vector<1x512x1xf32>
    %swap3A_459 = vector.shape_cast %swap3A_458 : vector<1x512x1xf32> to vector<512xf32>
    %swap3A_460 = vector.shape_cast %reduce_sum3A_454 : vector<512xf32> to vector<1x512x1xf32>
    tpu.vector_store %arg11[%swap3A_455, %swap3A_456, %swap3A_457], %swap3A_460 {strides = array<i32>} : memref<1x512x8xf32, #tpu.memory_space<vmem>>, vector<1x512x1xf32>,
    %jit3A_461 = arith.constant 0.000000e+00 : f32
    %broadcast_in_dim3A_462 = vector.shape_cast %slice3A_4 : vector<1x2048xf32> to vector<1x2048xf32>
    %broadcast_in_dim3A_463 = vector.broadcast %broadcast_in_dim3A_462 : vector<1x2048xf32> to vector<512x2048xf32>
    %broadcast_in_dim3A_464 = vector.broadcast %jit3A_461 : f32 to vector<512x2048xf32>
    %select_n3A_465 = arith.select %eq3A_423, %broadcast_in_dim3A_463, %broadcast_in_dim3A_464 : vector<512x2048xi1>, vector<512x2048xf32>
    %reduce_sum3A_466 = arith.constant dense<0.000000e+00> : vector<512xf32>
    %reduce_sum3A_467 = vector.multi_reduction <add>, %select_n3A_465, %reduce_sum3A_466 [1] : vector<512x2048xf32> to vector<512xf32>
    %swap3A_468 = arith.constant 0 : index
    %swap3A_469 = arith.constant 0 : index
    %swap3A_470 = arith.constant 4 : index
    %swap3A_471 = vector.load %arg12[%swap3A_468, %swap3A_469, %swap3A_470] : memref<1x512x8xf32, #tpu.memory_space<vmem>>, vector<1x512x1xf32>
    %swap3A_472 = vector.shape_cast %swap3A_471 : vector<1x512x1xf32> to vector<512xf32>
    %swap3A_473 = vector.shape_cast %reduce_sum3A_467 : vector<512xf32> to vector<1x512x1xf32>
    tpu.vector_store %arg12[%swap3A_468, %swap3A_469, %swap3A_470], %swap3A_473 {strides = array<i32>} : memref<1x512x8xf32, #tpu.memory_space<vmem>>, vector<1x512x1xf32>,
    %jit3A_474 = arith.constant 0.000000e+00 : f32
    %broadcast_in_dim3A_475 = vector.shape_cast %slice3A_5 : vector<1x2048xf32> to vector<1x2048xf32>
    %broadcast_in_dim3A_476 = vector.broadcast %broadcast_in_dim3A_475 : vector<1x2048xf32> to vector<512x2048xf32>
    %broadcast_in_dim3A_477 = vector.broadcast %jit3A_474 : f32 to vector<512x2048xf32>
    %select_n3A_478 = arith.select %eq3A_423, %broadcast_in_dim3A_476, %broadcast_in_dim3A_477 : vector<512x2048xi1>, vector<512x2048xf32>
    %reduce_sum3A_479 = arith.constant dense<0.000000e+00> : vector<512xf32>
    %reduce_sum3A_480 = vector.multi_reduction <add>, %select_n3A_478, %reduce_sum3A_479 [1] : vector<512x2048xf32> to vector<512xf32>
    %swap3A_481 = arith.constant 0 : index
    %swap3A_482 = arith.constant 0 : index
    %swap3A_483 = arith.constant 4 : index
    %swap3A_484 = vector.load %arg13[%swap3A_481, %swap3A_482, %swap3A_483] : memref<1x512x8xf32, #tpu.memory_space<vmem>>, vector<1x512x1xf32>
    %swap3A_485 = vector.shape_cast %swap3A_484 : vector<1x512x1xf32> to vector<512xf32>
    %swap3A_486 = vector.shape_cast %reduce_sum3A_480 : vector<512xf32> to vector<1x512x1xf32>
    tpu.vector_store %arg13[%swap3A_481, %swap3A_482, %swap3A_483], %swap3A_486 {strides = array<i32>} : memref<1x512x8xf32, #tpu.memory_space<vmem>>, vector<1x512x1xf32>,
    %get3A_487 = arith.constant 0 : index
    %get3A_488 = arith.constant 0 : index
    %get3A_489 = vector.load %arg16[%get3A_487, %get3A_488] : memref<512x2048xf32, #tpu.memory_space<vmem>>, vector<512x2048xf32>
    %reduce_min3A_490 = arith.constant dense<0x7F800000> : vector<512xf32>
    %reduce_min3A_491 = vector.multi_reduction <minimumf>, %get3A_489, %reduce_min3A_490 [1] : vector<512x2048xf32> to vector<512xf32>
    %broadcast_in_dim3A_492 = vector.shape_cast %reduce_min3A_491 : vector<512xf32> to vector<512x1xf32>
    %eq3A_493 = vector.broadcast %broadcast_in_dim3A_492 : vector<512x1xf32> to vector<512x2048xf32>
    %eq3A_494 = arith.cmpf oeq, %get3A_489, %eq3A_493 : vector<512x2048xf32>
    %jit3A_495 = arith.constant 2048 : i32
    %broadcast_in_dim3A_496 = vector.shape_cast %iota3A : vector<1x2048xi32> to vector<1x2048xi32>
    %broadcast_in_dim3A_497 = vector.broadcast %broadcast_in_dim3A_496 : vector<1x2048xi32> to vector<512x2048xi32>
    %broadcast_in_dim3A_498 = vector.broadcast %jit3A_495 : i32 to vector<512x2048xi32>
    %select_n3A_499 = arith.select %eq3A_494, %broadcast_in_dim3A_497, %broadcast_in_dim3A_498 : vector<512x2048xi1>, vector<512x2048xi32>
    %reduce_min3A_500 = arith.constant dense<2147483647> : vector<512xi32>
    %reduce_min3A_501 = vector.multi_reduction <minsi>, %select_n3A_499, %reduce_min3A_500 [1] : vector<512x2048xi32> to vector<512xi32>
    %broadcast_in_dim3A_502 = vector.shape_cast %reduce_min3A_501 : vector<512xi32> to vector<512x1xi32>
    %eq3A_503 = vector.broadcast %iota3A : vector<1x2048xi32> to vector<512x2048xi32>
    %eq3A_504 = vector.broadcast %broadcast_in_dim3A_502 : vector<512x1xi32> to vector<512x2048xi32>
    %eq3A_505 = arith.cmpi eq, %eq3A_503, %eq3A_504 : vector<512x2048xi32>
    %jit3A_506 = arith.constant 0x7F800000 : f32
    %broadcast_in_dim3A_507 = vector.broadcast %jit3A_506 : f32 to vector<512x2048xf32>
    %select_n3A_508 = arith.select %eq3A_505, %broadcast_in_dim3A_507, %get3A_489 : vector<512x2048xi1>, vector<512x2048xf32>
    %swap3A_509 = arith.constant 0 : index
    %swap3A_510 = arith.constant 0 : index
    %swap3A_511 = vector.load %arg16[%swap3A_509, %swap3A_510] : memref<512x2048xf32, #tpu.memory_space<vmem>>, vector<512x2048xf32>
    tpu.vector_store %arg16[%swap3A_509, %swap3A_510], %select_n3A_508 {strides = array<i32>} : memref<512x2048xf32, #tpu.memory_space<vmem>>, vector<512x2048xf32>,
    %squeeze3A_512 = vector.shape_cast %broadcast_in_dim3A_502 : vector<512x1xi32> to vector<512xi32>
    %mul3A_513 = arith.constant 2048 : i32
    %mul3A_514 = arith.muli %arg0, %mul3A_513 : i32
    %add3A_515 = vector.broadcast %mul3A_514 : i32 to vector<512xi32>
    %add3A_516 = arith.addi %squeeze3A_512, %add3A_515 : vector<512xi32>
    %swap3A_517 = arith.constant 0 : index
    %swap3A_518 = arith.constant 0 : index
    %swap3A_519 = arith.constant 5 : index
    %swap3A_520 = vector.load %arg9[%swap3A_517, %swap3A_518, %swap3A_519] : memref<1x512x8xi32, #tpu.memory_space<vmem>>, vector<1x512x1xi32>
    %swap3A_521 = vector.shape_cast %swap3A_520 : vector<1x512x1xi32> to vector<512xi32>
    %swap3A_522 = vector.shape_cast %add3A_516 : vector<512xi32> to vector<1x512x1xi32>
    tpu.vector_store %arg9[%swap3A_517, %swap3A_518, %swap3A_519], %swap3A_522 {strides = array<i32>} : memref<1x512x8xi32, #tpu.memory_space<vmem>>, vector<1x512x1xi32>,
    %squeeze3A_523 = vector.shape_cast %broadcast_in_dim3A_492 : vector<512x1xf32> to vector<512xf32>
    %swap3A_524 = arith.constant 0 : index
    %swap3A_525 = arith.constant 0 : index
    %swap3A_526 = arith.constant 5 : index
    %swap3A_527 = vector.load %arg10[%swap3A_524, %swap3A_525, %swap3A_526] : memref<1x512x8xf32, #tpu.memory_space<vmem>>, vector<1x512x1xf32>
    %swap3A_528 = vector.shape_cast %swap3A_527 : vector<1x512x1xf32> to vector<512xf32>
    %swap3A_529 = vector.shape_cast %squeeze3A_523 : vector<512xf32> to vector<1x512x1xf32>
    tpu.vector_store %arg10[%swap3A_524, %swap3A_525, %swap3A_526], %swap3A_529 {strides = array<i32>} : memref<1x512x8xf32, #tpu.memory_space<vmem>>, vector<1x512x1xf32>,
    %jit3A_530 = arith.constant 0.000000e+00 : f32
    %broadcast_in_dim3A_531 = vector.shape_cast %slice3A : vector<1x2048xf32> to vector<1x2048xf32>
    %broadcast_in_dim3A_532 = vector.broadcast %broadcast_in_dim3A_531 : vector<1x2048xf32> to vector<512x2048xf32>
    %broadcast_in_dim3A_533 = vector.broadcast %jit3A_530 : f32 to vector<512x2048xf32>
    %select_n3A_534 = arith.select %eq3A_505, %broadcast_in_dim3A_532, %broadcast_in_dim3A_533 : vector<512x2048xi1>, vector<512x2048xf32>
    %reduce_sum3A_535 = arith.constant dense<0.000000e+00> : vector<512xf32>
    %reduce_sum3A_536 = vector.multi_reduction <add>, %select_n3A_534, %reduce_sum3A_535 [1] : vector<512x2048xf32> to vector<512xf32>
    %swap3A_537 = arith.constant 0 : index
    %swap3A_538 = arith.constant 0 : index
    %swap3A_539 = arith.constant 5 : index
    %swap3A_540 = vector.load %arg11[%swap3A_537, %swap3A_538, %swap3A_539] : memref<1x512x8xf32, #tpu.memory_space<vmem>>, vector<1x512x1xf32>
    %swap3A_541 = vector.shape_cast %swap3A_540 : vector<1x512x1xf32> to vector<512xf32>
    %swap3A_542 = vector.shape_cast %reduce_sum3A_536 : vector<512xf32> to vector<1x512x1xf32>
    tpu.vector_store %arg11[%swap3A_537, %swap3A_538, %swap3A_539], %swap3A_542 {strides = array<i32>} : memref<1x512x8xf32, #tpu.memory_space<vmem>>, vector<1x512x1xf32>,
    %jit3A_543 = arith.constant 0.000000e+00 : f32
    %broadcast_in_dim3A_544 = vector.shape_cast %slice3A_4 : vector<1x2048xf32> to vector<1x2048xf32>
    %broadcast_in_dim3A_545 = vector.broadcast %broadcast_in_dim3A_544 : vector<1x2048xf32> to vector<512x2048xf32>
    %broadcast_in_dim3A_546 = vector.broadcast %jit3A_543 : f32 to vector<512x2048xf32>
    %select_n3A_547 = arith.select %eq3A_505, %broadcast_in_dim3A_545, %broadcast_in_dim3A_546 : vector<512x2048xi1>, vector<512x2048xf32>
    %reduce_sum3A_548 = arith.constant dense<0.000000e+00> : vector<512xf32>
    %reduce_sum3A_549 = vector.multi_reduction <add>, %select_n3A_547, %reduce_sum3A_548 [1] : vector<512x2048xf32> to vector<512xf32>
    %swap3A_550 = arith.constant 0 : index
    %swap3A_551 = arith.constant 0 : index
    %swap3A_552 = arith.constant 5 : index
    %swap3A_553 = vector.load %arg12[%swap3A_550, %swap3A_551, %swap3A_552] : memref<1x512x8xf32, #tpu.memory_space<vmem>>, vector<1x512x1xf32>
    %swap3A_554 = vector.shape_cast %swap3A_553 : vector<1x512x1xf32> to vector<512xf32>
    %swap3A_555 = vector.shape_cast %reduce_sum3A_549 : vector<512xf32> to vector<1x512x1xf32>
    tpu.vector_store %arg12[%swap3A_550, %swap3A_551, %swap3A_552], %swap3A_555 {strides = array<i32>} : memref<1x512x8xf32, #tpu.memory_space<vmem>>, vector<1x512x1xf32>,
    %jit3A_556 = arith.constant 0.000000e+00 : f32
    %broadcast_in_dim3A_557 = vector.shape_cast %slice3A_5 : vector<1x2048xf32> to vector<1x2048xf32>
    %broadcast_in_dim3A_558 = vector.broadcast %broadcast_in_dim3A_557 : vector<1x2048xf32> to vector<512x2048xf32>
    %broadcast_in_dim3A_559 = vector.broadcast %jit3A_556 : f32 to vector<512x2048xf32>
    %select_n3A_560 = arith.select %eq3A_505, %broadcast_in_dim3A_558, %broadcast_in_dim3A_559 : vector<512x2048xi1>, vector<512x2048xf32>
    %reduce_sum3A_561 = arith.constant dense<0.000000e+00> : vector<512xf32>
    %reduce_sum3A_562 = vector.multi_reduction <add>, %select_n3A_560, %reduce_sum3A_561 [1] : vector<512x2048xf32> to vector<512xf32>
    %swap3A_563 = arith.constant 0 : index
    %swap3A_564 = arith.constant 0 : index
    %swap3A_565 = arith.constant 5 : index
    %swap3A_566 = vector.load %arg13[%swap3A_563, %swap3A_564, %swap3A_565] : memref<1x512x8xf32, #tpu.memory_space<vmem>>, vector<1x512x1xf32>
    %swap3A_567 = vector.shape_cast %swap3A_566 : vector<1x512x1xf32> to vector<512xf32>
    %swap3A_568 = vector.shape_cast %reduce_sum3A_562 : vector<512xf32> to vector<1x512x1xf32>
    tpu.vector_store %arg13[%swap3A_563, %swap3A_564, %swap3A_565], %swap3A_568 {strides = array<i32>} : memref<1x512x8xf32, #tpu.memory_space<vmem>>, vector<1x512x1xf32>,
    %get3A_569 = arith.constant 0 : index
    %get3A_570 = arith.constant 0 : index
    %get3A_571 = vector.load %arg16[%get3A_569, %get3A_570] : memref<512x2048xf32, #tpu.memory_space<vmem>>, vector<512x2048xf32>
    %reduce_min3A_572 = arith.constant dense<0x7F800000> : vector<512xf32>
    %reduce_min3A_573 = vector.multi_reduction <minimumf>, %get3A_571, %reduce_min3A_572 [1] : vector<512x2048xf32> to vector<512xf32>
    %broadcast_in_dim3A_574 = vector.shape_cast %reduce_min3A_573 : vector<512xf32> to vector<512x1xf32>
    %eq3A_575 = vector.broadcast %broadcast_in_dim3A_574 : vector<512x1xf32> to vector<512x2048xf32>
    %eq3A_576 = arith.cmpf oeq, %get3A_571, %eq3A_575 : vector<512x2048xf32>
    %jit3A_577 = arith.constant 2048 : i32
    %broadcast_in_dim3A_578 = vector.shape_cast %iota3A : vector<1x2048xi32> to vector<1x2048xi32>
    %broadcast_in_dim3A_579 = vector.broadcast %broadcast_in_dim3A_578 : vector<1x2048xi32> to vector<512x2048xi32>
    %broadcast_in_dim3A_580 = vector.broadcast %jit3A_577 : i32 to vector<512x2048xi32>
    %select_n3A_581 = arith.select %eq3A_576, %broadcast_in_dim3A_579, %broadcast_in_dim3A_580 : vector<512x2048xi1>, vector<512x2048xi32>
    %reduce_min3A_582 = arith.constant dense<2147483647> : vector<512xi32>
    %reduce_min3A_583 = vector.multi_reduction <minsi>, %select_n3A_581, %reduce_min3A_582 [1] : vector<512x2048xi32> to vector<512xi32>
    %broadcast_in_dim3A_584 = vector.shape_cast %reduce_min3A_583 : vector<512xi32> to vector<512x1xi32>
    %eq3A_585 = vector.broadcast %iota3A : vector<1x2048xi32> to vector<512x2048xi32>
    %eq3A_586 = vector.broadcast %broadcast_in_dim3A_584 : vector<512x1xi32> to vector<512x2048xi32>
    %eq3A_587 = arith.cmpi eq, %eq3A_585, %eq3A_586 : vector<512x2048xi32>
    %jit3A_588 = arith.constant 0x7F800000 : f32
    %broadcast_in_dim3A_589 = vector.broadcast %jit3A_588 : f32 to vector<512x2048xf32>
    %select_n3A_590 = arith.select %eq3A_587, %broadcast_in_dim3A_589, %get3A_571 : vector<512x2048xi1>, vector<512x2048xf32>
    %swap3A_591 = arith.constant 0 : index
    %swap3A_592 = arith.constant 0 : index
    %swap3A_593 = vector.load %arg16[%swap3A_591, %swap3A_592] : memref<512x2048xf32, #tpu.memory_space<vmem>>, vector<512x2048xf32>
    tpu.vector_store %arg16[%swap3A_591, %swap3A_592], %select_n3A_590 {strides = array<i32>} : memref<512x2048xf32, #tpu.memory_space<vmem>>, vector<512x2048xf32>,
    %squeeze3A_594 = vector.shape_cast %broadcast_in_dim3A_584 : vector<512x1xi32> to vector<512xi32>
    %mul3A_595 = arith.constant 2048 : i32
    %mul3A_596 = arith.muli %arg0, %mul3A_595 : i32
    %add3A_597 = vector.broadcast %mul3A_596 : i32 to vector<512xi32>
    %add3A_598 = arith.addi %squeeze3A_594, %add3A_597 : vector<512xi32>
    %swap3A_599 = arith.constant 0 : index
    %swap3A_600 = arith.constant 0 : index
    %swap3A_601 = arith.constant 6 : index
    %swap3A_602 = vector.load %arg9[%swap3A_599, %swap3A_600, %swap3A_601] : memref<1x512x8xi32, #tpu.memory_space<vmem>>, vector<1x512x1xi32>
    %swap3A_603 = vector.shape_cast %swap3A_602 : vector<1x512x1xi32> to vector<512xi32>
    %swap3A_604 = vector.shape_cast %add3A_598 : vector<512xi32> to vector<1x512x1xi32>
    tpu.vector_store %arg9[%swap3A_599, %swap3A_600, %swap3A_601], %swap3A_604 {strides = array<i32>} : memref<1x512x8xi32, #tpu.memory_space<vmem>>, vector<1x512x1xi32>,
    %squeeze3A_605 = vector.shape_cast %broadcast_in_dim3A_574 : vector<512x1xf32> to vector<512xf32>
    %swap3A_606 = arith.constant 0 : index
    %swap3A_607 = arith.constant 0 : index
    %swap3A_608 = arith.constant 6 : index
    %swap3A_609 = vector.load %arg10[%swap3A_606, %swap3A_607, %swap3A_608] : memref<1x512x8xf32, #tpu.memory_space<vmem>>, vector<1x512x1xf32>
    %swap3A_610 = vector.shape_cast %swap3A_609 : vector<1x512x1xf32> to vector<512xf32>
    %swap3A_611 = vector.shape_cast %squeeze3A_605 : vector<512xf32> to vector<1x512x1xf32>
    tpu.vector_store %arg10[%swap3A_606, %swap3A_607, %swap3A_608], %swap3A_611 {strides = array<i32>} : memref<1x512x8xf32, #tpu.memory_space<vmem>>, vector<1x512x1xf32>,
    %jit3A_612 = arith.constant 0.000000e+00 : f32
    %broadcast_in_dim3A_613 = vector.shape_cast %slice3A : vector<1x2048xf32> to vector<1x2048xf32>
    %broadcast_in_dim3A_614 = vector.broadcast %broadcast_in_dim3A_613 : vector<1x2048xf32> to vector<512x2048xf32>
    %broadcast_in_dim3A_615 = vector.broadcast %jit3A_612 : f32 to vector<512x2048xf32>
    %select_n3A_616 = arith.select %eq3A_587, %broadcast_in_dim3A_614, %broadcast_in_dim3A_615 : vector<512x2048xi1>, vector<512x2048xf32>
    %reduce_sum3A_617 = arith.constant dense<0.000000e+00> : vector<512xf32>
    %reduce_sum3A_618 = vector.multi_reduction <add>, %select_n3A_616, %reduce_sum3A_617 [1] : vector<512x2048xf32> to vector<512xf32>
    %swap3A_619 = arith.constant 0 : index
    %swap3A_620 = arith.constant 0 : index
    %swap3A_621 = arith.constant 6 : index
    %swap3A_622 = vector.load %arg11[%swap3A_619, %swap3A_620, %swap3A_621] : memref<1x512x8xf32, #tpu.memory_space<vmem>>, vector<1x512x1xf32>
    %swap3A_623 = vector.shape_cast %swap3A_622 : vector<1x512x1xf32> to vector<512xf32>
    %swap3A_624 = vector.shape_cast %reduce_sum3A_618 : vector<512xf32> to vector<1x512x1xf32>
    tpu.vector_store %arg11[%swap3A_619, %swap3A_620, %swap3A_621], %swap3A_624 {strides = array<i32>} : memref<1x512x8xf32, #tpu.memory_space<vmem>>, vector<1x512x1xf32>,
    %jit3A_625 = arith.constant 0.000000e+00 : f32
    %broadcast_in_dim3A_626 = vector.shape_cast %slice3A_4 : vector<1x2048xf32> to vector<1x2048xf32>
    %broadcast_in_dim3A_627 = vector.broadcast %broadcast_in_dim3A_626 : vector<1x2048xf32> to vector<512x2048xf32>
    %broadcast_in_dim3A_628 = vector.broadcast %jit3A_625 : f32 to vector<512x2048xf32>
    %select_n3A_629 = arith.select %eq3A_587, %broadcast_in_dim3A_627, %broadcast_in_dim3A_628 : vector<512x2048xi1>, vector<512x2048xf32>
    %reduce_sum3A_630 = arith.constant dense<0.000000e+00> : vector<512xf32>
    %reduce_sum3A_631 = vector.multi_reduction <add>, %select_n3A_629, %reduce_sum3A_630 [1] : vector<512x2048xf32> to vector<512xf32>
    %swap3A_632 = arith.constant 0 : index
    %swap3A_633 = arith.constant 0 : index
    %swap3A_634 = arith.constant 6 : index
    %swap3A_635 = vector.load %arg12[%swap3A_632, %swap3A_633, %swap3A_634] : memref<1x512x8xf32, #tpu.memory_space<vmem>>, vector<1x512x1xf32>
    %swap3A_636 = vector.shape_cast %swap3A_635 : vector<1x512x1xf32> to vector<512xf32>
    %swap3A_637 = vector.shape_cast %reduce_sum3A_631 : vector<512xf32> to vector<1x512x1xf32>
    tpu.vector_store %arg12[%swap3A_632, %swap3A_633, %swap3A_634], %swap3A_637 {strides = array<i32>} : memref<1x512x8xf32, #tpu.memory_space<vmem>>, vector<1x512x1xf32>,
    %jit3A_638 = arith.constant 0.000000e+00 : f32
    %broadcast_in_dim3A_639 = vector.shape_cast %slice3A_5 : vector<1x2048xf32> to vector<1x2048xf32>
    %broadcast_in_dim3A_640 = vector.broadcast %broadcast_in_dim3A_639 : vector<1x2048xf32> to vector<512x2048xf32>
    %broadcast_in_dim3A_641 = vector.broadcast %jit3A_638 : f32 to vector<512x2048xf32>
    %select_n3A_642 = arith.select %eq3A_587, %broadcast_in_dim3A_640, %broadcast_in_dim3A_641 : vector<512x2048xi1>, vector<512x2048xf32>
    %reduce_sum3A_643 = arith.constant dense<0.000000e+00> : vector<512xf32>
    %reduce_sum3A_644 = vector.multi_reduction <add>, %select_n3A_642, %reduce_sum3A_643 [1] : vector<512x2048xf32> to vector<512xf32>
    %swap3A_645 = arith.constant 0 : index
    %swap3A_646 = arith.constant 0 : index
    %swap3A_647 = arith.constant 6 : index
    %swap3A_648 = vector.load %arg13[%swap3A_645, %swap3A_646, %swap3A_647] : memref<1x512x8xf32, #tpu.memory_space<vmem>>, vector<1x512x1xf32>
    %swap3A_649 = vector.shape_cast %swap3A_648 : vector<1x512x1xf32> to vector<512xf32>
    %swap3A_650 = vector.shape_cast %reduce_sum3A_644 : vector<512xf32> to vector<1x512x1xf32>
    tpu.vector_store %arg13[%swap3A_645, %swap3A_646, %swap3A_647], %swap3A_650 {strides = array<i32>} : memref<1x512x8xf32, #tpu.memory_space<vmem>>, vector<1x512x1xf32>,
    %get3A_651 = arith.constant 0 : index
    %get3A_652 = arith.constant 0 : index
    %get3A_653 = vector.load %arg16[%get3A_651, %get3A_652] : memref<512x2048xf32, #tpu.memory_space<vmem>>, vector<512x2048xf32>
    %reduce_min3A_654 = arith.constant dense<0x7F800000> : vector<512xf32>
    %reduce_min3A_655 = vector.multi_reduction <minimumf>, %get3A_653, %reduce_min3A_654 [1] : vector<512x2048xf32> to vector<512xf32>
    %broadcast_in_dim3A_656 = vector.shape_cast %reduce_min3A_655 : vector<512xf32> to vector<512x1xf32>
    %eq3A_657 = vector.broadcast %broadcast_in_dim3A_656 : vector<512x1xf32> to vector<512x2048xf32>
    %eq3A_658 = arith.cmpf oeq, %get3A_653, %eq3A_657 : vector<512x2048xf32>
    %jit3A_659 = arith.constant 2048 : i32
    %broadcast_in_dim3A_660 = vector.shape_cast %iota3A : vector<1x2048xi32> to vector<1x2048xi32>
    %broadcast_in_dim3A_661 = vector.broadcast %broadcast_in_dim3A_660 : vector<1x2048xi32> to vector<512x2048xi32>
    %broadcast_in_dim3A_662 = vector.broadcast %jit3A_659 : i32 to vector<512x2048xi32>
    %select_n3A_663 = arith.select %eq3A_658, %broadcast_in_dim3A_661, %broadcast_in_dim3A_662 : vector<512x2048xi1>, vector<512x2048xi32>
    %reduce_min3A_664 = arith.constant dense<2147483647> : vector<512xi32>
    %reduce_min3A_665 = vector.multi_reduction <minsi>, %select_n3A_663, %reduce_min3A_664 [1] : vector<512x2048xi32> to vector<512xi32>
    %broadcast_in_dim3A_666 = vector.shape_cast %reduce_min3A_665 : vector<512xi32> to vector<512x1xi32>
    %eq3A_667 = vector.broadcast %iota3A : vector<1x2048xi32> to vector<512x2048xi32>
    %eq3A_668 = vector.broadcast %broadcast_in_dim3A_666 : vector<512x1xi32> to vector<512x2048xi32>
    %eq3A_669 = arith.cmpi eq, %eq3A_667, %eq3A_668 : vector<512x2048xi32>
    %jit3A_670 = arith.constant 0x7F800000 : f32
    %broadcast_in_dim3A_671 = vector.broadcast %jit3A_670 : f32 to vector<512x2048xf32>
    %select_n3A_672 = arith.select %eq3A_669, %broadcast_in_dim3A_671, %get3A_653 : vector<512x2048xi1>, vector<512x2048xf32>
    %swap3A_673 = arith.constant 0 : index
    %swap3A_674 = arith.constant 0 : index
    %swap3A_675 = vector.load %arg16[%swap3A_673, %swap3A_674] : memref<512x2048xf32, #tpu.memory_space<vmem>>, vector<512x2048xf32>
    tpu.vector_store %arg16[%swap3A_673, %swap3A_674], %select_n3A_672 {strides = array<i32>} : memref<512x2048xf32, #tpu.memory_space<vmem>>, vector<512x2048xf32>,
    %squeeze3A_676 = vector.shape_cast %broadcast_in_dim3A_666 : vector<512x1xi32> to vector<512xi32>
    %mul3A_677 = arith.constant 2048 : i32
    %mul3A_678 = arith.muli %arg0, %mul3A_677 : i32
    %add3A_679 = vector.broadcast %mul3A_678 : i32 to vector<512xi32>
    %add3A_680 = arith.addi %squeeze3A_676, %add3A_679 : vector<512xi32>
    %swap3A_681 = arith.constant 0 : index
    %swap3A_682 = arith.constant 0 : index
    %swap3A_683 = arith.constant 7 : index
    %swap3A_684 = vector.load %arg9[%swap3A_681, %swap3A_682, %swap3A_683] : memref<1x512x8xi32, #tpu.memory_space<vmem>>, vector<1x512x1xi32>
    %swap3A_685 = vector.shape_cast %swap3A_684 : vector<1x512x1xi32> to vector<512xi32>
    %swap3A_686 = vector.shape_cast %add3A_680 : vector<512xi32> to vector<1x512x1xi32>
    tpu.vector_store %arg9[%swap3A_681, %swap3A_682, %swap3A_683], %swap3A_686 {strides = array<i32>} : memref<1x512x8xi32, #tpu.memory_space<vmem>>, vector<1x512x1xi32>,
    %squeeze3A_687 = vector.shape_cast %broadcast_in_dim3A_656 : vector<512x1xf32> to vector<512xf32>
    %swap3A_688 = arith.constant 0 : index
    %swap3A_689 = arith.constant 0 : index
    %swap3A_690 = arith.constant 7 : index
    %swap3A_691 = vector.load %arg10[%swap3A_688, %swap3A_689, %swap3A_690] : memref<1x512x8xf32, #tpu.memory_space<vmem>>, vector<1x512x1xf32>
    %swap3A_692 = vector.shape_cast %swap3A_691 : vector<1x512x1xf32> to vector<512xf32>
    %swap3A_693 = vector.shape_cast %squeeze3A_687 : vector<512xf32> to vector<1x512x1xf32>
    tpu.vector_store %arg10[%swap3A_688, %swap3A_689, %swap3A_690], %swap3A_693 {strides = array<i32>} : memref<1x512x8xf32, #tpu.memory_space<vmem>>, vector<1x512x1xf32>,
    %jit3A_694 = arith.constant 0.000000e+00 : f32
    %broadcast_in_dim3A_695 = vector.shape_cast %slice3A : vector<1x2048xf32> to vector<1x2048xf32>
    %broadcast_in_dim3A_696 = vector.broadcast %broadcast_in_dim3A_695 : vector<1x2048xf32> to vector<512x2048xf32>
    %broadcast_in_dim3A_697 = vector.broadcast %jit3A_694 : f32 to vector<512x2048xf32>
    %select_n3A_698 = arith.select %eq3A_669, %broadcast_in_dim3A_696, %broadcast_in_dim3A_697 : vector<512x2048xi1>, vector<512x2048xf32>
    %reduce_sum3A_699 = arith.constant dense<0.000000e+00> : vector<512xf32>
    %reduce_sum3A_700 = vector.multi_reduction <add>, %select_n3A_698, %reduce_sum3A_699 [1] : vector<512x2048xf32> to vector<512xf32>
    %swap3A_701 = arith.constant 0 : index
    %swap3A_702 = arith.constant 0 : index
    %swap3A_703 = arith.constant 7 : index
    %swap3A_704 = vector.load %arg11[%swap3A_701, %swap3A_702, %swap3A_703] : memref<1x512x8xf32, #tpu.memory_space<vmem>>, vector<1x512x1xf32>
    %swap3A_705 = vector.shape_cast %swap3A_704 : vector<1x512x1xf32> to vector<512xf32>
    %swap3A_706 = vector.shape_cast %reduce_sum3A_700 : vector<512xf32> to vector<1x512x1xf32>
    tpu.vector_store %arg11[%swap3A_701, %swap3A_702, %swap3A_703], %swap3A_706 {strides = array<i32>} : memref<1x512x8xf32, #tpu.memory_space<vmem>>, vector<1x512x1xf32>,
    %jit3A_707 = arith.constant 0.000000e+00 : f32
    %broadcast_in_dim3A_708 = vector.shape_cast %slice3A_4 : vector<1x2048xf32> to vector<1x2048xf32>
    %broadcast_in_dim3A_709 = vector.broadcast %broadcast_in_dim3A_708 : vector<1x2048xf32> to vector<512x2048xf32>
    %broadcast_in_dim3A_710 = vector.broadcast %jit3A_707 : f32 to vector<512x2048xf32>
    %select_n3A_711 = arith.select %eq3A_669, %broadcast_in_dim3A_709, %broadcast_in_dim3A_710 : vector<512x2048xi1>, vector<512x2048xf32>
    %reduce_sum3A_712 = arith.constant dense<0.000000e+00> : vector<512xf32>
    %reduce_sum3A_713 = vector.multi_reduction <add>, %select_n3A_711, %reduce_sum3A_712 [1] : vector<512x2048xf32> to vector<512xf32>
    %swap3A_714 = arith.constant 0 : index
    %swap3A_715 = arith.constant 0 : index
    %swap3A_716 = arith.constant 7 : index
    %swap3A_717 = vector.load %arg12[%swap3A_714, %swap3A_715, %swap3A_716] : memref<1x512x8xf32, #tpu.memory_space<vmem>>, vector<1x512x1xf32>
    %swap3A_718 = vector.shape_cast %swap3A_717 : vector<1x512x1xf32> to vector<512xf32>
    %swap3A_719 = vector.shape_cast %reduce_sum3A_713 : vector<512xf32> to vector<1x512x1xf32>
    tpu.vector_store %arg12[%swap3A_714, %swap3A_715, %swap3A_716], %swap3A_719 {strides = array<i32>} : memref<1x512x8xf32, #tpu.memory_space<vmem>>, vector<1x512x1xf32>,
    %jit3A_720 = arith.constant 0.000000e+00 : f32
    %broadcast_in_dim3A_721 = vector.shape_cast %slice3A_5 : vector<1x2048xf32> to vector<1x2048xf32>
    %broadcast_in_dim3A_722 = vector.broadcast %broadcast_in_dim3A_721 : vector<1x2048xf32> to vector<512x2048xf32>
    %broadcast_in_dim3A_723 = vector.broadcast %jit3A_720 : f32 to vector<512x2048xf32>
    %select_n3A_724 = arith.select %eq3A_669, %broadcast_in_dim3A_722, %broadcast_in_dim3A_723 : vector<512x2048xi1>, vector<512x2048xf32>
    %reduce_sum3A_725 = arith.constant dense<0.000000e+00> : vector<512xf32>
    %reduce_sum3A_726 = vector.multi_reduction <add>, %select_n3A_724, %reduce_sum3A_725 [1] : vector<512x2048xf32> to vector<512xf32>
    %swap3A_727 = arith.constant 0 : index
    %swap3A_728 = arith.constant 0 : index
    %swap3A_729 = arith.constant 7 : index
    %swap3A_730 = vector.load %arg13[%swap3A_727, %swap3A_728, %swap3A_729] : memref<1x512x8xf32, #tpu.memory_space<vmem>>, vector<1x512x1xf32>
    %swap3A_731 = vector.shape_cast %swap3A_730 : vector<1x512x1xf32> to vector<512xf32>
    %swap3A_732 = vector.shape_cast %reduce_sum3A_726 : vector<512xf32> to vector<1x512x1xf32>
    tpu.vector_store %arg13[%swap3A_727, %swap3A_728, %swap3A_729], %swap3A_732 {strides = array<i32>} : memref<1x512x8xf32, #tpu.memory_space<vmem>>, vector<1x512x1xf32>,
    %get3A_733 = arith.constant 0 : index
    %get3A_734 = arith.constant 0 : index
    %get3A_735 = arith.constant 0 : index
    %get3A_736 = vector.load %arg4[%get3A_733, %get3A_734, %get3A_735] : memref<1x512x256xf32, #tpu.memory_space<vmem>>, vector<1x512x256xf32>
    %get3A_737 = vector.shape_cast %get3A_736 : vector<1x512x256xf32> to vector<512x256xf32>
    %convert_element_type3A_738 = arith.truncf %get3A_737 : vector<512x256xf32> to vector<512x256xbf16>
    %get3A_739 = arith.constant 0 : index
    %get3A_740 = arith.constant 0 : index
    %get3A_741 = vector.load %arg5[%get3A_739, %get3A_740] : memref<256x256xbf16, #tpu.memory_space<vmem>>, vector<256x256xbf16>
    %dot_general3A = arith.constant dense<0.000000e+00> : vector<512x256xf32>
    %dot_general3A_742 = tpu.matmul %convert_element_type3A_738, %get3A_741, %dot_general3A {dimension_numbers = #tpu.dot_dimension_numbers<[1], [0], [0], [1], [0, 0, 1, 1], [], []>, transpose_lhs_hint = false} : vector<512x256xbf16>, vector<256x256xbf16>, vector<512x256xf32> -> vector<512x256xf32>
    %get3A_743 = arith.constant 0 : index
    %get3A_744 = arith.constant 0 : index
    %get3A_745 = vector.load %arg6[%get3A_743, %get3A_744] : memref<1x256xf32, #tpu.memory_space<vmem>>, vector<1x256xf32>
    %add3A_746 = vector.broadcast %get3A_745 : vector<1x256xf32> to vector<512x256xf32>
    %add3A_747 = arith.addf %dot_general3A_742, %add3A_746 : vector<512x256xf32>
    %swap3A_748 = arith.constant 0 : index
    %swap3A_749 = arith.constant 0 : index
    %swap3A_750 = arith.constant 0 : index
    %swap3A_751 = vector.load %arg14[%swap3A_748, %swap3A_749, %swap3A_750] : memref<1x512x256xf32, #tpu.memory_space<vmem>>, vector<1x512x256xf32>
    %swap3A_752 = vector.shape_cast %swap3A_751 : vector<1x512x256xf32> to vector<512x256xf32>
    %swap3A_753 = vector.shape_cast %add3A_747 : vector<512x256xf32> to vector<1x512x256xf32>
    tpu.vector_store %arg14[%swap3A_748, %swap3A_749, %swap3A_750], %swap3A_753 {strides = array<i32>} : memref<1x512x256xf32, #tpu.memory_space<vmem>>, vector<1x512x256xf32>,
    %get3A_754 = arith.constant 0 : index
    %get3A_755 = arith.constant 0 : index
    %get3A_756 = vector.load %arg7[%get3A_754, %get3A_755] : memref<256x256xbf16, #tpu.memory_space<vmem>>, vector<256x256xbf16>
    %dot_general3A_757 = arith.constant dense<0.000000e+00> : vector<512x256xf32>
    %dot_general3A_758 = tpu.matmul %convert_element_type3A_738, %get3A_756, %dot_general3A_757 {dimension_numbers = #tpu.dot_dimension_numbers<[1], [0], [0], [1], [0, 0, 1, 1], [], []>, transpose_lhs_hint = false} : vector<512x256xbf16>, vector<256x256xbf16>, vector<512x256xf32> -> vector<512x256xf32>
    %get3A_759 = arith.constant 0 : index
    %get3A_760 = arith.constant 0 : index
    %get3A_761 = vector.load %arg8[%get3A_759, %get3A_760] : memref<1x256xf32, #tpu.memory_space<vmem>>, vector<1x256xf32>
    %add3A_762 = vector.broadcast %get3A_761 : vector<1x256xf32> to vector<512x256xf32>
    %add3A_763 = arith.addf %dot_general3A_758, %add3A_762 : vector<512x256xf32>
    %swap3A_764 = arith.constant 0 : index
    %swap3A_765 = arith.constant 0 : index
    %swap3A_766 = arith.constant 0 : index
    %swap3A_767 = vector.load %arg15[%swap3A_764, %swap3A_765, %swap3A_766] : memref<1x512x256xf32, #tpu.memory_space<vmem>>, vector<1x512x256xf32>
    %swap3A_768 = vector.shape_cast %swap3A_767 : vector<1x512x256xf32> to vector<512x256xf32>
    %swap3A_769 = vector.shape_cast %add3A_763 : vector<512x256xf32> to vector<1x512x256xf32>
    tpu.vector_store %arg15[%swap3A_764, %swap3A_765, %swap3A_766], %swap3A_769 {strides = array<i32>} : memref<1x512x256xf32, #tpu.memory_space<vmem>>, vector<1x512x256xf32>,
    return
  }
  func.func @transform_0(%arg0: i32, %arg1: i32) -> (i32, i32, i32) {
    %c0_i32 = arith.constant 0 : i32
    %c0_i32_0 = arith.constant 0 : i32
    %c0_i32_1 = arith.constant 0 : i32
    return %arg0, %c0_i32, %c0_i32_0 : i32, i32, i32
  }
  func.func @transform_1(%arg0: i32, %arg1: i32) -> (i32, i32, i32) {
    %c0_i32 = arith.constant 0 : i32
    %c0_i32_0 = arith.constant 0 : i32
    return %arg0, %arg1, %c0_i32 : i32, i32, i32
  }
  func.func @transform_2(%arg0: i32, %arg1: i32) -> (i32, i32, i32) {
    %c0_i32 = arith.constant 0 : i32
    %c0_i32_0 = arith.constant 0 : i32
    return %arg0, %arg1, %c0_i32 : i32, i32, i32
  }
  func.func @transform_3(%arg0: i32, %arg1: i32) -> (i32, i32) {
    %c0_i32 = arith.constant 0 : i32
    %c0_i32_0 = arith.constant 0 : i32
    %c0_i32_1 = arith.constant 0 : i32
    return %c0_i32, %c0_i32_0 : i32, i32
  }
  func.func @transform_4(%arg0: i32, %arg1: i32) -> (i32, i32) {
    %c0_i32 = arith.constant 0 : i32
    %c0_i32_0 = arith.constant 0 : i32
    %c0_i32_1 = arith.constant 0 : i32
    return %c0_i32, %c0_i32_0 : i32, i32
  }
  func.func @transform_5(%arg0: i32, %arg1: i32) -> (i32, i32) {
    %c0_i32 = arith.constant 0 : i32
    %c0_i32_0 = arith.constant 0 : i32
    %c0_i32_1 = arith.constant 0 : i32
    return %c0_i32, %c0_i32_0 : i32, i32
  }
  func.func @transform_6(%arg0: i32, %arg1: i32) -> (i32, i32) {
    %c0_i32 = arith.constant 0 : i32
    %c0_i32_0 = arith.constant 0 : i32
    %c0_i32_1 = arith.constant 0 : i32
    return %c0_i32, %c0_i32_0 : i32, i32
  }
  func.func @transform_7(%arg0: i32, %arg1: i32) -> (i32, i32, i32) {
    %c0_i32 = arith.constant 0 : i32
    %c0_i32_0 = arith.constant 0 : i32
    return %arg0, %arg1, %c0_i32 : i32, i32, i32
  }
  func.func @transform_8(%arg0: i32, %arg1: i32) -> (i32, i32, i32) {
    %c0_i32 = arith.constant 0 : i32
    %c0_i32_0 = arith.constant 0 : i32
    return %arg0, %arg1, %c0_i32 : i32, i32, i32
  }
  func.func @transform_9(%arg0: i32, %arg1: i32) -> (i32, i32, i32) {
    %c0_i32 = arith.constant 0 : i32
    %c0_i32_0 = arith.constant 0 : i32
    return %arg0, %arg1, %c0_i32 : i32, i32, i32
  }
  func.func @transform_10(%arg0: i32, %arg1: i32) -> (i32, i32, i32) {
    %c0_i32 = arith.constant 0 : i32
    %c0_i32_0 = arith.constant 0 : i32
    return %arg0, %arg1, %c0_i32 : i32, i32, i32
  }
  func.func @transform_11(%arg0: i32, %arg1: i32) -> (i32, i32, i32) {
    %c0_i32 = arith.constant 0 : i32
    %c0_i32_0 = arith.constant 0 : i32
    return %arg0, %arg1, %c0_i32 : i32, i32, i32
  }
  func.func @transform_12(%arg0: i32, %arg1: i32) -> (i32, i32, i32) {
    %c0_i32 = arith.constant 0 : i32
    %c0_i32_0 = arith.constant 0 : i32
    return %arg0, %arg1, %c0_i32 : i32, i32, i32
  }
  func.func @transform_13(%arg0: i32, %arg1: i32) -> (i32, i32, i32) {
    %c0_i32 = arith.constant 0 : i32
    %c0_i32_0 = arith.constant 0 : i32
    return %arg0, %arg1, %c0_i32 : i32, i32, i32
  }
}

module attributes {stable_mosaic.version = 14 : i64} {
  func.func @_attn_geo_body(%arg0: i32, %arg1: i32, %arg2: memref<1x512x256xf32, #tpu.memory_space<vmem>>, %arg3: memref<256x256xbf16, #tpu.memory_space<vmem>>, %arg4: memref<1x256xf32, #tpu.memory_space<vmem>>, %arg5: memref<1x512x3xf32, #tpu.memory_space<vmem>>, %arg6: memref<1x512x8xf32, #tpu.memory_space<vmem>>, %arg7: memref<1x512x8xf32, #tpu.memory_space<vmem>>, %arg8: memref<1x512x8xf32, #tpu.memory_space<vmem>>, %arg9: memref<1x512x8xf32, #tpu.memory_space<vmem>>, %arg10: memref<1x512x2048xf32, #tpu.memory_space<vmem>>, %arg11: memref<1x512x2048xf32, #tpu.memory_space<vmem>>, %arg12: memref<7x64xbf16, #tpu.memory_space<vmem>>, %arg13: memref<1x64xf32, #tpu.memory_space<vmem>>, %arg14: memref<64x256xbf16, #tpu.memory_space<vmem>>, %arg15: memref<1x256xf32, #tpu.memory_space<vmem>>, %arg16: memref<7x4xbf16, #tpu.memory_space<vmem>>, %arg17: memref<1x4xf32, #tpu.memory_space<vmem>>, %arg18: memref<256x256xbf16, #tpu.memory_space<vmem>>, %arg19: memref<1x256xf32, #tpu.memory_space<vmem>>, %arg20: memref<1x512x256xf32, #tpu.memory_space<vmem>>) attributes {dimension_semantics = [#tpu.dimension_semantics<parallel>, #tpu.dimension_semantics<parallel>], iteration_bounds = array<i64: 4, 4>, scalar_prefetch = 0 : i64, scratch_operands = 0 : i64, tpu.core_type = #tpu.core_type<tc>, window_params = [{transform_indices = @transform_0, window_bounds = array<i64: 1, 512, 256>}, {pipeline_mode = #tpu.pipeline_mode<synchronous>, transform_indices = @transform_1, window_bounds = array<i64: 256, 256>}, {pipeline_mode = #tpu.pipeline_mode<synchronous>, transform_indices = @transform_2, window_bounds = array<i64: 1, 256>}, {transform_indices = @transform_3, window_bounds = array<i64: 1, 512, 3>}, {transform_indices = @transform_4, window_bounds = array<i64: 1, 512, 8>}, {transform_indices = @transform_5, window_bounds = array<i64: 1, 512, 8>}, {transform_indices = @transform_6, window_bounds = array<i64: 1, 512, 8>}, {transform_indices = @transform_7, window_bounds = array<i64: 1, 512, 8>}, {transform_indices = @transform_8, window_bounds = array<i64: 1, 512, 2048>}, {transform_indices = @transform_9, window_bounds = array<i64: 1, 512, 2048>}, {pipeline_mode = #tpu.pipeline_mode<synchronous>, transform_indices = @transform_10, window_bounds = array<i64: 7, 64>}, {pipeline_mode = #tpu.pipeline_mode<synchronous>, transform_indices = @transform_11, window_bounds = array<i64: 1, 64>}, {pipeline_mode = #tpu.pipeline_mode<synchronous>, transform_indices = @transform_12, window_bounds = array<i64: 64, 256>}, {pipeline_mode = #tpu.pipeline_mode<synchronous>, transform_indices = @transform_13, window_bounds = array<i64: 1, 256>}, {pipeline_mode = #tpu.pipeline_mode<synchronous>, transform_indices = @transform_14, window_bounds = array<i64: 7, 4>}, {pipeline_mode = #tpu.pipeline_mode<synchronous>, transform_indices = @transform_15, window_bounds = array<i64: 1, 4>}, {pipeline_mode = #tpu.pipeline_mode<synchronous>, transform_indices = @transform_16, window_bounds = array<i64: 256, 256>}, {pipeline_mode = #tpu.pipeline_mode<synchronous>, transform_indices = @transform_17, window_bounds = array<i64: 1, 256>}, {transform_indices = @transform_18, window_bounds = array<i64: 1, 512, 256>}]} {
    %get3A = arith.constant 0 : index
    %get3A_0 = arith.constant 0 : index
    %get3A_1 = arith.constant 0 : index
    %get3A_2 = vector.load %arg6[%get3A, %get3A_0, %get3A_1] : memref<1x512x8xf32, #tpu.memory_space<vmem>>, vector<1x512x8xf32>
    %get3A_3 = vector.shape_cast %get3A_2 : vector<1x512x8xf32> to vector<512x8xf32>
    %reduce_sum3A = arith.constant dense<0.000000e+00> : vector<512xf32>
    %reduce_sum3A_4 = vector.multi_reduction <add>, %get3A_3, %reduce_sum3A [1] : vector<512x8xf32> to vector<512xf32>
    %broadcast_in_dim3A = vector.shape_cast %reduce_sum3A_4 : vector<512xf32> to vector<512x1xf32>
    %div3A = arith.constant 8.000000e+00 : f32
    %div3A_5 = vector.broadcast %div3A : f32 to vector<512x1xf32>
    %div3A_6 = arith.divf %broadcast_in_dim3A, %div3A_5 : vector<512x1xf32>
    %sub3A = vector.broadcast %div3A_6 : vector<512x1xf32> to vector<512x8xf32>
    %sub3A_7 = arith.subf %get3A_3, %sub3A : vector<512x8xf32>
    %mul3A = arith.mulf %sub3A_7, %sub3A_7 : vector<512x8xf32>
    %reduce_sum3A_8 = arith.constant dense<0.000000e+00> : vector<512xf32>
    %reduce_sum3A_9 = vector.multi_reduction <add>, %mul3A, %reduce_sum3A_8 [1] : vector<512x8xf32> to vector<512xf32>
    %broadcast_in_dim3A_10 = vector.shape_cast %reduce_sum3A_9 : vector<512xf32> to vector<512x1xf32>
    %div3A_11 = arith.constant 7.000000e+00 : f32
    %div3A_12 = vector.broadcast %div3A_11 : f32 to vector<512x1xf32>
    %div3A_13 = arith.divf %broadcast_in_dim3A_10, %div3A_12 : vector<512x1xf32>
    %sqrt3A = math.sqrt %div3A_13 : vector<512x1xf32>
    %get3A_14 = arith.constant 0 : index
    %get3A_15 = arith.constant 0 : index
    %get3A_16 = arith.constant 0 : index
    %get3A_17 = vector.load %arg7[%get3A_14, %get3A_15, %get3A_16] : memref<1x512x8xf32, #tpu.memory_space<vmem>>, vector<1x512x8xf32>
    %get3A_18 = vector.shape_cast %get3A_17 : vector<1x512x8xf32> to vector<512x8xf32>
    %get3A_19 = arith.constant 0 : index
    %get3A_20 = arith.constant 0 : index
    %get3A_21 = arith.constant 0 : index
    %get3A_22 = vector.load %arg8[%get3A_19, %get3A_20, %get3A_21] : memref<1x512x8xf32, #tpu.memory_space<vmem>>, vector<1x512x8xf32>
    %get3A_23 = vector.shape_cast %get3A_22 : vector<1x512x8xf32> to vector<512x8xf32>
    %get3A_24 = arith.constant 0 : index
    %get3A_25 = arith.constant 0 : index
    %get3A_26 = arith.constant 0 : index
    %get3A_27 = vector.load %arg9[%get3A_24, %get3A_25, %get3A_26] : memref<1x512x8xf32, #tpu.memory_space<vmem>>, vector<1x512x8xf32>
    %get3A_28 = vector.shape_cast %get3A_27 : vector<1x512x8xf32> to vector<512x8xf32>
    %slice3A = vector.extract_strided_slice %get3A_18 {offsets = [0, 0], sizes = [512, 1], strides = [1, 1]} : vector<512x8xf32> to vector<512x1xf32>
    %slice3A_29 = vector.extract_strided_slice %get3A_18 {offsets = [0, 1], sizes = [512, 1], strides = [1, 1]} : vector<512x8xf32> to vector<512x1xf32>
    %slice3A_30 = vector.extract_strided_slice %get3A_18 {offsets = [0, 2], sizes = [512, 1], strides = [1, 1]} : vector<512x8xf32> to vector<512x1xf32>
    %slice3A_31 = vector.extract_strided_slice %get3A_18 {offsets = [0, 3], sizes = [512, 1], strides = [1, 1]} : vector<512x8xf32> to vector<512x1xf32>
    %slice3A_32 = vector.extract_strided_slice %get3A_18 {offsets = [0, 4], sizes = [512, 1], strides = [1, 1]} : vector<512x8xf32> to vector<512x1xf32>
    %slice3A_33 = vector.extract_strided_slice %get3A_18 {offsets = [0, 5], sizes = [512, 1], strides = [1, 1]} : vector<512x8xf32> to vector<512x1xf32>
    %slice3A_34 = vector.extract_strided_slice %get3A_18 {offsets = [0, 6], sizes = [512, 1], strides = [1, 1]} : vector<512x8xf32> to vector<512x1xf32>
    %slice3A_35 = vector.extract_strided_slice %get3A_18 {offsets = [0, 7], sizes = [512, 1], strides = [1, 1]} : vector<512x8xf32> to vector<512x1xf32>
    %slice3A_36 = vector.extract_strided_slice %get3A_23 {offsets = [0, 0], sizes = [512, 1], strides = [1, 1]} : vector<512x8xf32> to vector<512x1xf32>
    %slice3A_37 = vector.extract_strided_slice %get3A_23 {offsets = [0, 1], sizes = [512, 1], strides = [1, 1]} : vector<512x8xf32> to vector<512x1xf32>
    %slice3A_38 = vector.extract_strided_slice %get3A_23 {offsets = [0, 2], sizes = [512, 1], strides = [1, 1]} : vector<512x8xf32> to vector<512x1xf32>
    %slice3A_39 = vector.extract_strided_slice %get3A_23 {offsets = [0, 3], sizes = [512, 1], strides = [1, 1]} : vector<512x8xf32> to vector<512x1xf32>
    %slice3A_40 = vector.extract_strided_slice %get3A_23 {offsets = [0, 4], sizes = [512, 1], strides = [1, 1]} : vector<512x8xf32> to vector<512x1xf32>
    %slice3A_41 = vector.extract_strided_slice %get3A_23 {offsets = [0, 5], sizes = [512, 1], strides = [1, 1]} : vector<512x8xf32> to vector<512x1xf32>
    %slice3A_42 = vector.extract_strided_slice %get3A_23 {offsets = [0, 6], sizes = [512, 1], strides = [1, 1]} : vector<512x8xf32> to vector<512x1xf32>
    %slice3A_43 = vector.extract_strided_slice %get3A_23 {offsets = [0, 7], sizes = [512, 1], strides = [1, 1]} : vector<512x8xf32> to vector<512x1xf32>
    %slice3A_44 = vector.extract_strided_slice %get3A_28 {offsets = [0, 0], sizes = [512, 1], strides = [1, 1]} : vector<512x8xf32> to vector<512x1xf32>
    %slice3A_45 = vector.extract_strided_slice %get3A_28 {offsets = [0, 1], sizes = [512, 1], strides = [1, 1]} : vector<512x8xf32> to vector<512x1xf32>
    %slice3A_46 = vector.extract_strided_slice %get3A_28 {offsets = [0, 2], sizes = [512, 1], strides = [1, 1]} : vector<512x8xf32> to vector<512x1xf32>
    %slice3A_47 = vector.extract_strided_slice %get3A_28 {offsets = [0, 3], sizes = [512, 1], strides = [1, 1]} : vector<512x8xf32> to vector<512x1xf32>
    %slice3A_48 = vector.extract_strided_slice %get3A_28 {offsets = [0, 4], sizes = [512, 1], strides = [1, 1]} : vector<512x8xf32> to vector<512x1xf32>
    %slice3A_49 = vector.extract_strided_slice %get3A_28 {offsets = [0, 5], sizes = [512, 1], strides = [1, 1]} : vector<512x8xf32> to vector<512x1xf32>
    %slice3A_50 = vector.extract_strided_slice %get3A_28 {offsets = [0, 6], sizes = [512, 1], strides = [1, 1]} : vector<512x8xf32> to vector<512x1xf32>
    %slice3A_51 = vector.extract_strided_slice %get3A_28 {offsets = [0, 7], sizes = [512, 1], strides = [1, 1]} : vector<512x8xf32> to vector<512x1xf32>
    %add3A = arith.constant 0.000000e+00 : f32
    %add3A_52 = vector.broadcast %add3A : f32 to vector<512x1xf32>
    %add3A_53 = arith.addf %add3A_52, %slice3A : vector<512x1xf32>
    %add3A_54 = arith.addf %add3A_53, %slice3A_29 : vector<512x1xf32>
    %add3A_55 = arith.addf %add3A_54, %slice3A_30 : vector<512x1xf32>
    %add3A_56 = arith.addf %add3A_55, %slice3A_31 : vector<512x1xf32>
    %add3A_57 = arith.addf %add3A_56, %slice3A_32 : vector<512x1xf32>
    %add3A_58 = arith.addf %add3A_57, %slice3A_33 : vector<512x1xf32>
    %add3A_59 = arith.addf %add3A_58, %slice3A_34 : vector<512x1xf32>
    %add3A_60 = arith.addf %add3A_59, %slice3A_35 : vector<512x1xf32>
    %div3A_61 = arith.constant 8.000000e+00 : f32
    %div3A_62 = vector.broadcast %div3A_61 : f32 to vector<512x1xf32>
    %div3A_63 = arith.divf %add3A_60, %div3A_62 : vector<512x1xf32>
    %add3A_64 = arith.constant 0.000000e+00 : f32
    %add3A_65 = vector.broadcast %add3A_64 : f32 to vector<512x1xf32>
    %add3A_66 = arith.addf %add3A_65, %slice3A_36 : vector<512x1xf32>
    %add3A_67 = arith.addf %add3A_66, %slice3A_37 : vector<512x1xf32>
    %add3A_68 = arith.addf %add3A_67, %slice3A_38 : vector<512x1xf32>
    %add3A_69 = arith.addf %add3A_68, %slice3A_39 : vector<512x1xf32>
    %add3A_70 = arith.addf %add3A_69, %slice3A_40 : vector<512x1xf32>
    %add3A_71 = arith.addf %add3A_70, %slice3A_41 : vector<512x1xf32>
    %add3A_72 = arith.addf %add3A_71, %slice3A_42 : vector<512x1xf32>
    %add3A_73 = arith.addf %add3A_72, %slice3A_43 : vector<512x1xf32>
    %div3A_74 = arith.constant 8.000000e+00 : f32
    %div3A_75 = vector.broadcast %div3A_74 : f32 to vector<512x1xf32>
    %div3A_76 = arith.divf %add3A_73, %div3A_75 : vector<512x1xf32>
    %add3A_77 = arith.constant 0.000000e+00 : f32
    %add3A_78 = vector.broadcast %add3A_77 : f32 to vector<512x1xf32>
    %add3A_79 = arith.addf %add3A_78, %slice3A_44 : vector<512x1xf32>
    %add3A_80 = arith.addf %add3A_79, %slice3A_45 : vector<512x1xf32>
    %add3A_81 = arith.addf %add3A_80, %slice3A_46 : vector<512x1xf32>
    %add3A_82 = arith.addf %add3A_81, %slice3A_47 : vector<512x1xf32>
    %add3A_83 = arith.addf %add3A_82, %slice3A_48 : vector<512x1xf32>
    %add3A_84 = arith.addf %add3A_83, %slice3A_49 : vector<512x1xf32>
    %add3A_85 = arith.addf %add3A_84, %slice3A_50 : vector<512x1xf32>
    %add3A_86 = arith.addf %add3A_85, %slice3A_51 : vector<512x1xf32>
    %div3A_87 = arith.constant 8.000000e+00 : f32
    %div3A_88 = vector.broadcast %div3A_87 : f32 to vector<512x1xf32>
    %div3A_89 = arith.divf %add3A_86, %div3A_88 : vector<512x1xf32>
    %get3A_90 = arith.constant 0 : index
    %get3A_91 = arith.constant 0 : index
    %get3A_92 = arith.constant 0 : index
    %get3A_93 = vector.load %arg5[%get3A_90, %get3A_91, %get3A_92] : memref<1x512x3xf32, #tpu.memory_space<vmem>>, vector<1x512x3xf32>
    %get3A_94 = vector.shape_cast %get3A_93 : vector<1x512x3xf32> to vector<512x3xf32>
    %slice3A_95 = vector.extract_strided_slice %get3A_94 {offsets = [0, 0], sizes = [512, 1], strides = [1, 1]} : vector<512x3xf32> to vector<512x1xf32>
    %sub3A_96 = arith.subf %slice3A_95, %div3A_63 : vector<512x1xf32>
    %slice3A_97 = vector.extract_strided_slice %get3A_94 {offsets = [0, 1], sizes = [512, 1], strides = [1, 1]} : vector<512x3xf32> to vector<512x1xf32>
    %sub3A_98 = arith.subf %slice3A_97, %div3A_76 : vector<512x1xf32>
    %slice3A_99 = vector.extract_strided_slice %get3A_94 {offsets = [0, 2], sizes = [512, 1], strides = [1, 1]} : vector<512x3xf32> to vector<512x1xf32>
    %sub3A_100 = arith.subf %slice3A_99, %div3A_89 : vector<512x1xf32>
    %sub3A_101 = arith.subf %slice3A, %div3A_63 : vector<512x1xf32>
    %convert_element_type3A = arith.truncf %sub3A_101 : vector<512x1xf32> to vector<512x1xbf16>
    %convert_element_type3A_102 = arith.extf %convert_element_type3A : vector<512x1xbf16> to vector<512x1xf32>
    %sub3A_103 = arith.subf %slice3A_36, %div3A_76 : vector<512x1xf32>
    %convert_element_type3A_104 = arith.truncf %sub3A_103 : vector<512x1xf32> to vector<512x1xbf16>
    %convert_element_type3A_105 = arith.extf %convert_element_type3A_104 : vector<512x1xbf16> to vector<512x1xf32>
    %sub3A_106 = arith.subf %slice3A_44, %div3A_89 : vector<512x1xf32>
    %convert_element_type3A_107 = arith.truncf %sub3A_106 : vector<512x1xf32> to vector<512x1xbf16>
    %convert_element_type3A_108 = arith.extf %convert_element_type3A_107 : vector<512x1xbf16> to vector<512x1xf32>
    %mul3A_109 = arith.mulf %convert_element_type3A_102, %convert_element_type3A_102 : vector<512x1xf32>
    %add3A_110 = arith.constant 0.000000e+00 : f32
    %add3A_111 = vector.broadcast %add3A_110 : f32 to vector<512x1xf32>
    %add3A_112 = arith.addf %add3A_111, %mul3A_109 : vector<512x1xf32>
    %mul3A_113 = arith.mulf %convert_element_type3A_102, %convert_element_type3A_105 : vector<512x1xf32>
    %add3A_114 = arith.constant 0.000000e+00 : f32
    %add3A_115 = vector.broadcast %add3A_114 : f32 to vector<512x1xf32>
    %add3A_116 = arith.addf %add3A_115, %mul3A_113 : vector<512x1xf32>
    %mul3A_117 = arith.mulf %convert_element_type3A_102, %convert_element_type3A_108 : vector<512x1xf32>
    %add3A_118 = arith.constant 0.000000e+00 : f32
    %add3A_119 = vector.broadcast %add3A_118 : f32 to vector<512x1xf32>
    %add3A_120 = arith.addf %add3A_119, %mul3A_117 : vector<512x1xf32>
    %mul3A_121 = arith.mulf %convert_element_type3A_105, %convert_element_type3A_105 : vector<512x1xf32>
    %add3A_122 = arith.constant 0.000000e+00 : f32
    %add3A_123 = vector.broadcast %add3A_122 : f32 to vector<512x1xf32>
    %add3A_124 = arith.addf %add3A_123, %mul3A_121 : vector<512x1xf32>
    %mul3A_125 = arith.mulf %convert_element_type3A_105, %convert_element_type3A_108 : vector<512x1xf32>
    %add3A_126 = arith.constant 0.000000e+00 : f32
    %add3A_127 = vector.broadcast %add3A_126 : f32 to vector<512x1xf32>
    %add3A_128 = arith.addf %add3A_127, %mul3A_125 : vector<512x1xf32>
    %mul3A_129 = arith.mulf %convert_element_type3A_108, %convert_element_type3A_108 : vector<512x1xf32>
    %add3A_130 = arith.constant 0.000000e+00 : f32
    %add3A_131 = vector.broadcast %add3A_130 : f32 to vector<512x1xf32>
    %add3A_132 = arith.addf %add3A_131, %mul3A_129 : vector<512x1xf32>
    %sub3A_133 = arith.subf %slice3A_29, %div3A_63 : vector<512x1xf32>
    %convert_element_type3A_134 = arith.truncf %sub3A_133 : vector<512x1xf32> to vector<512x1xbf16>
    %convert_element_type3A_135 = arith.extf %convert_element_type3A_134 : vector<512x1xbf16> to vector<512x1xf32>
    %sub3A_136 = arith.subf %slice3A_37, %div3A_76 : vector<512x1xf32>
    %convert_element_type3A_137 = arith.truncf %sub3A_136 : vector<512x1xf32> to vector<512x1xbf16>
    %convert_element_type3A_138 = arith.extf %convert_element_type3A_137 : vector<512x1xbf16> to vector<512x1xf32>
    %sub3A_139 = arith.subf %slice3A_45, %div3A_89 : vector<512x1xf32>
    %convert_element_type3A_140 = arith.truncf %sub3A_139 : vector<512x1xf32> to vector<512x1xbf16>
    %convert_element_type3A_141 = arith.extf %convert_element_type3A_140 : vector<512x1xbf16> to vector<512x1xf32>
    %mul3A_142 = arith.mulf %convert_element_type3A_135, %convert_element_type3A_135 : vector<512x1xf32>
    %add3A_143 = arith.addf %add3A_112, %mul3A_142 : vector<512x1xf32>
    %mul3A_144 = arith.mulf %convert_element_type3A_135, %convert_element_type3A_138 : vector<512x1xf32>
    %add3A_145 = arith.addf %add3A_116, %mul3A_144 : vector<512x1xf32>
    %mul3A_146 = arith.mulf %convert_element_type3A_135, %convert_element_type3A_141 : vector<512x1xf32>
    %add3A_147 = arith.addf %add3A_120, %mul3A_146 : vector<512x1xf32>
    %mul3A_148 = arith.mulf %convert_element_type3A_138, %convert_element_type3A_138 : vector<512x1xf32>
    %add3A_149 = arith.addf %add3A_124, %mul3A_148 : vector<512x1xf32>
    %mul3A_150 = arith.mulf %convert_element_type3A_138, %convert_element_type3A_141 : vector<512x1xf32>
    %add3A_151 = arith.addf %add3A_128, %mul3A_150 : vector<512x1xf32>
    %mul3A_152 = arith.mulf %convert_element_type3A_141, %convert_element_type3A_141 : vector<512x1xf32>
    %add3A_153 = arith.addf %add3A_132, %mul3A_152 : vector<512x1xf32>
    %sub3A_154 = arith.subf %slice3A_30, %div3A_63 : vector<512x1xf32>
    %convert_element_type3A_155 = arith.truncf %sub3A_154 : vector<512x1xf32> to vector<512x1xbf16>
    %convert_element_type3A_156 = arith.extf %convert_element_type3A_155 : vector<512x1xbf16> to vector<512x1xf32>
    %sub3A_157 = arith.subf %slice3A_38, %div3A_76 : vector<512x1xf32>
    %convert_element_type3A_158 = arith.truncf %sub3A_157 : vector<512x1xf32> to vector<512x1xbf16>
    %convert_element_type3A_159 = arith.extf %convert_element_type3A_158 : vector<512x1xbf16> to vector<512x1xf32>
    %sub3A_160 = arith.subf %slice3A_46, %div3A_89 : vector<512x1xf32>
    %convert_element_type3A_161 = arith.truncf %sub3A_160 : vector<512x1xf32> to vector<512x1xbf16>
    %convert_element_type3A_162 = arith.extf %convert_element_type3A_161 : vector<512x1xbf16> to vector<512x1xf32>
    %mul3A_163 = arith.mulf %convert_element_type3A_156, %convert_element_type3A_156 : vector<512x1xf32>
    %add3A_164 = arith.addf %add3A_143, %mul3A_163 : vector<512x1xf32>
    %mul3A_165 = arith.mulf %convert_element_type3A_156, %convert_element_type3A_159 : vector<512x1xf32>
    %add3A_166 = arith.addf %add3A_145, %mul3A_165 : vector<512x1xf32>
    %mul3A_167 = arith.mulf %convert_element_type3A_156, %convert_element_type3A_162 : vector<512x1xf32>
    %add3A_168 = arith.addf %add3A_147, %mul3A_167 : vector<512x1xf32>
    %mul3A_169 = arith.mulf %convert_element_type3A_159, %convert_element_type3A_159 : vector<512x1xf32>
    %add3A_170 = arith.addf %add3A_149, %mul3A_169 : vector<512x1xf32>
    %mul3A_171 = arith.mulf %convert_element_type3A_159, %convert_element_type3A_162 : vector<512x1xf32>
    %add3A_172 = arith.addf %add3A_151, %mul3A_171 : vector<512x1xf32>
    %mul3A_173 = arith.mulf %convert_element_type3A_162, %convert_element_type3A_162 : vector<512x1xf32>
    %add3A_174 = arith.addf %add3A_153, %mul3A_173 : vector<512x1xf32>
    %sub3A_175 = arith.subf %slice3A_31, %div3A_63 : vector<512x1xf32>
    %convert_element_type3A_176 = arith.truncf %sub3A_175 : vector<512x1xf32> to vector<512x1xbf16>
    %convert_element_type3A_177 = arith.extf %convert_element_type3A_176 : vector<512x1xbf16> to vector<512x1xf32>
    %sub3A_178 = arith.subf %slice3A_39, %div3A_76 : vector<512x1xf32>
    %convert_element_type3A_179 = arith.truncf %sub3A_178 : vector<512x1xf32> to vector<512x1xbf16>
    %convert_element_type3A_180 = arith.extf %convert_element_type3A_179 : vector<512x1xbf16> to vector<512x1xf32>
    %sub3A_181 = arith.subf %slice3A_47, %div3A_89 : vector<512x1xf32>
    %convert_element_type3A_182 = arith.truncf %sub3A_181 : vector<512x1xf32> to vector<512x1xbf16>
    %convert_element_type3A_183 = arith.extf %convert_element_type3A_182 : vector<512x1xbf16> to vector<512x1xf32>
    %mul3A_184 = arith.mulf %convert_element_type3A_177, %convert_element_type3A_177 : vector<512x1xf32>
    %add3A_185 = arith.addf %add3A_164, %mul3A_184 : vector<512x1xf32>
    %mul3A_186 = arith.mulf %convert_element_type3A_177, %convert_element_type3A_180 : vector<512x1xf32>
    %add3A_187 = arith.addf %add3A_166, %mul3A_186 : vector<512x1xf32>
    %mul3A_188 = arith.mulf %convert_element_type3A_177, %convert_element_type3A_183 : vector<512x1xf32>
    %add3A_189 = arith.addf %add3A_168, %mul3A_188 : vector<512x1xf32>
    %mul3A_190 = arith.mulf %convert_element_type3A_180, %convert_element_type3A_180 : vector<512x1xf32>
    %add3A_191 = arith.addf %add3A_170, %mul3A_190 : vector<512x1xf32>
    %mul3A_192 = arith.mulf %convert_element_type3A_180, %convert_element_type3A_183 : vector<512x1xf32>
    %add3A_193 = arith.addf %add3A_172, %mul3A_192 : vector<512x1xf32>
    %mul3A_194 = arith.mulf %convert_element_type3A_183, %convert_element_type3A_183 : vector<512x1xf32>
    %add3A_195 = arith.addf %add3A_174, %mul3A_194 : vector<512x1xf32>
    %sub3A_196 = arith.subf %slice3A_32, %div3A_63 : vector<512x1xf32>
    %convert_element_type3A_197 = arith.truncf %sub3A_196 : vector<512x1xf32> to vector<512x1xbf16>
    %convert_element_type3A_198 = arith.extf %convert_element_type3A_197 : vector<512x1xbf16> to vector<512x1xf32>
    %sub3A_199 = arith.subf %slice3A_40, %div3A_76 : vector<512x1xf32>
    %convert_element_type3A_200 = arith.truncf %sub3A_199 : vector<512x1xf32> to vector<512x1xbf16>
    %convert_element_type3A_201 = arith.extf %convert_element_type3A_200 : vector<512x1xbf16> to vector<512x1xf32>
    %sub3A_202 = arith.subf %slice3A_48, %div3A_89 : vector<512x1xf32>
    %convert_element_type3A_203 = arith.truncf %sub3A_202 : vector<512x1xf32> to vector<512x1xbf16>
    %convert_element_type3A_204 = arith.extf %convert_element_type3A_203 : vector<512x1xbf16> to vector<512x1xf32>
    %mul3A_205 = arith.mulf %convert_element_type3A_198, %convert_element_type3A_198 : vector<512x1xf32>
    %add3A_206 = arith.addf %add3A_185, %mul3A_205 : vector<512x1xf32>
    %mul3A_207 = arith.mulf %convert_element_type3A_198, %convert_element_type3A_201 : vector<512x1xf32>
    %add3A_208 = arith.addf %add3A_187, %mul3A_207 : vector<512x1xf32>
    %mul3A_209 = arith.mulf %convert_element_type3A_198, %convert_element_type3A_204 : vector<512x1xf32>
    %add3A_210 = arith.addf %add3A_189, %mul3A_209 : vector<512x1xf32>
    %mul3A_211 = arith.mulf %convert_element_type3A_201, %convert_element_type3A_201 : vector<512x1xf32>
    %add3A_212 = arith.addf %add3A_191, %mul3A_211 : vector<512x1xf32>
    %mul3A_213 = arith.mulf %convert_element_type3A_201, %convert_element_type3A_204 : vector<512x1xf32>
    %add3A_214 = arith.addf %add3A_193, %mul3A_213 : vector<512x1xf32>
    %mul3A_215 = arith.mulf %convert_element_type3A_204, %convert_element_type3A_204 : vector<512x1xf32>
    %add3A_216 = arith.addf %add3A_195, %mul3A_215 : vector<512x1xf32>
    %sub3A_217 = arith.subf %slice3A_33, %div3A_63 : vector<512x1xf32>
    %convert_element_type3A_218 = arith.truncf %sub3A_217 : vector<512x1xf32> to vector<512x1xbf16>
    %convert_element_type3A_219 = arith.extf %convert_element_type3A_218 : vector<512x1xbf16> to vector<512x1xf32>
    %sub3A_220 = arith.subf %slice3A_41, %div3A_76 : vector<512x1xf32>
    %convert_element_type3A_221 = arith.truncf %sub3A_220 : vector<512x1xf32> to vector<512x1xbf16>
    %convert_element_type3A_222 = arith.extf %convert_element_type3A_221 : vector<512x1xbf16> to vector<512x1xf32>
    %sub3A_223 = arith.subf %slice3A_49, %div3A_89 : vector<512x1xf32>
    %convert_element_type3A_224 = arith.truncf %sub3A_223 : vector<512x1xf32> to vector<512x1xbf16>
    %convert_element_type3A_225 = arith.extf %convert_element_type3A_224 : vector<512x1xbf16> to vector<512x1xf32>
    %mul3A_226 = arith.mulf %convert_element_type3A_219, %convert_element_type3A_219 : vector<512x1xf32>
    %add3A_227 = arith.addf %add3A_206, %mul3A_226 : vector<512x1xf32>
    %mul3A_228 = arith.mulf %convert_element_type3A_219, %convert_element_type3A_222 : vector<512x1xf32>
    %add3A_229 = arith.addf %add3A_208, %mul3A_228 : vector<512x1xf32>
    %mul3A_230 = arith.mulf %convert_element_type3A_219, %convert_element_type3A_225 : vector<512x1xf32>
    %add3A_231 = arith.addf %add3A_210, %mul3A_230 : vector<512x1xf32>
    %mul3A_232 = arith.mulf %convert_element_type3A_222, %convert_element_type3A_222 : vector<512x1xf32>
    %add3A_233 = arith.addf %add3A_212, %mul3A_232 : vector<512x1xf32>
    %mul3A_234 = arith.mulf %convert_element_type3A_222, %convert_element_type3A_225 : vector<512x1xf32>
    %add3A_235 = arith.addf %add3A_214, %mul3A_234 : vector<512x1xf32>
    %mul3A_236 = arith.mulf %convert_element_type3A_225, %convert_element_type3A_225 : vector<512x1xf32>
    %add3A_237 = arith.addf %add3A_216, %mul3A_236 : vector<512x1xf32>
    %sub3A_238 = arith.subf %slice3A_34, %div3A_63 : vector<512x1xf32>
    %convert_element_type3A_239 = arith.truncf %sub3A_238 : vector<512x1xf32> to vector<512x1xbf16>
    %convert_element_type3A_240 = arith.extf %convert_element_type3A_239 : vector<512x1xbf16> to vector<512x1xf32>
    %sub3A_241 = arith.subf %slice3A_42, %div3A_76 : vector<512x1xf32>
    %convert_element_type3A_242 = arith.truncf %sub3A_241 : vector<512x1xf32> to vector<512x1xbf16>
    %convert_element_type3A_243 = arith.extf %convert_element_type3A_242 : vector<512x1xbf16> to vector<512x1xf32>
    %sub3A_244 = arith.subf %slice3A_50, %div3A_89 : vector<512x1xf32>
    %convert_element_type3A_245 = arith.truncf %sub3A_244 : vector<512x1xf32> to vector<512x1xbf16>
    %convert_element_type3A_246 = arith.extf %convert_element_type3A_245 : vector<512x1xbf16> to vector<512x1xf32>
    %mul3A_247 = arith.mulf %convert_element_type3A_240, %convert_element_type3A_240 : vector<512x1xf32>
    %add3A_248 = arith.addf %add3A_227, %mul3A_247 : vector<512x1xf32>
    %mul3A_249 = arith.mulf %convert_element_type3A_240, %convert_element_type3A_243 : vector<512x1xf32>
    %add3A_250 = arith.addf %add3A_229, %mul3A_249 : vector<512x1xf32>
    %mul3A_251 = arith.mulf %convert_element_type3A_240, %convert_element_type3A_246 : vector<512x1xf32>
    %add3A_252 = arith.addf %add3A_231, %mul3A_251 : vector<512x1xf32>
    %mul3A_253 = arith.mulf %convert_element_type3A_243, %convert_element_type3A_243 : vector<512x1xf32>
    %add3A_254 = arith.addf %add3A_233, %mul3A_253 : vector<512x1xf32>
    %mul3A_255 = arith.mulf %convert_element_type3A_243, %convert_element_type3A_246 : vector<512x1xf32>
    %add3A_256 = arith.addf %add3A_235, %mul3A_255 : vector<512x1xf32>
    %mul3A_257 = arith.mulf %convert_element_type3A_246, %convert_element_type3A_246 : vector<512x1xf32>
    %add3A_258 = arith.addf %add3A_237, %mul3A_257 : vector<512x1xf32>
    %sub3A_259 = arith.subf %slice3A_35, %div3A_63 : vector<512x1xf32>
    %convert_element_type3A_260 = arith.truncf %sub3A_259 : vector<512x1xf32> to vector<512x1xbf16>
    %convert_element_type3A_261 = arith.extf %convert_element_type3A_260 : vector<512x1xbf16> to vector<512x1xf32>
    %sub3A_262 = arith.subf %slice3A_43, %div3A_76 : vector<512x1xf32>
    %convert_element_type3A_263 = arith.truncf %sub3A_262 : vector<512x1xf32> to vector<512x1xbf16>
    %convert_element_type3A_264 = arith.extf %convert_element_type3A_263 : vector<512x1xbf16> to vector<512x1xf32>
    %sub3A_265 = arith.subf %slice3A_51, %div3A_89 : vector<512x1xf32>
    %convert_element_type3A_266 = arith.truncf %sub3A_265 : vector<512x1xf32> to vector<512x1xbf16>
    %convert_element_type3A_267 = arith.extf %convert_element_type3A_266 : vector<512x1xbf16> to vector<512x1xf32>
    %mul3A_268 = arith.mulf %convert_element_type3A_261, %convert_element_type3A_261 : vector<512x1xf32>
    %add3A_269 = arith.addf %add3A_248, %mul3A_268 : vector<512x1xf32>
    %mul3A_270 = arith.mulf %convert_element_type3A_261, %convert_element_type3A_264 : vector<512x1xf32>
    %add3A_271 = arith.addf %add3A_250, %mul3A_270 : vector<512x1xf32>
    %mul3A_272 = arith.mulf %convert_element_type3A_261, %convert_element_type3A_267 : vector<512x1xf32>
    %add3A_273 = arith.addf %add3A_252, %mul3A_272 : vector<512x1xf32>
    %mul3A_274 = arith.mulf %convert_element_type3A_264, %convert_element_type3A_264 : vector<512x1xf32>
    %add3A_275 = arith.addf %add3A_254, %mul3A_274 : vector<512x1xf32>
    %mul3A_276 = arith.mulf %convert_element_type3A_264, %convert_element_type3A_267 : vector<512x1xf32>
    %add3A_277 = arith.addf %add3A_256, %mul3A_276 : vector<512x1xf32>
    %mul3A_278 = arith.mulf %convert_element_type3A_267, %convert_element_type3A_267 : vector<512x1xf32>
    %add3A_279 = arith.addf %add3A_258, %mul3A_278 : vector<512x1xf32>
    %div3A_280 = arith.constant 8.000000e+00 : f32
    %div3A_281 = vector.broadcast %div3A_280 : f32 to vector<512x1xf32>
    %div3A_282 = arith.divf %add3A_269, %div3A_281 : vector<512x1xf32>
    %div3A_283 = arith.constant 8.000000e+00 : f32
    %div3A_284 = vector.broadcast %div3A_283 : f32 to vector<512x1xf32>
    %div3A_285 = arith.divf %add3A_271, %div3A_284 : vector<512x1xf32>
    %div3A_286 = arith.constant 8.000000e+00 : f32
    %div3A_287 = vector.broadcast %div3A_286 : f32 to vector<512x1xf32>
    %div3A_288 = arith.divf %add3A_273, %div3A_287 : vector<512x1xf32>
    %div3A_289 = arith.constant 8.000000e+00 : f32
    %div3A_290 = vector.broadcast %div3A_289 : f32 to vector<512x1xf32>
    %div3A_291 = arith.divf %add3A_275, %div3A_290 : vector<512x1xf32>
    %div3A_292 = arith.constant 8.000000e+00 : f32
    %div3A_293 = vector.broadcast %div3A_292 : f32 to vector<512x1xf32>
    %div3A_294 = arith.divf %add3A_277, %div3A_293 : vector<512x1xf32>
    %div3A_295 = arith.constant 8.000000e+00 : f32
    %div3A_296 = vector.broadcast %div3A_295 : f32 to vector<512x1xf32>
    %div3A_297 = arith.divf %add3A_279, %div3A_296 : vector<512x1xf32>
    %add3A_298 = arith.addf %div3A_282, %div3A_291 : vector<512x1xf32>
    %add3A_299 = arith.addf %add3A_298, %div3A_297 : vector<512x1xf32>
    %div3A_300 = arith.constant 3.000000e+00 : f32
    %div3A_301 = vector.broadcast %div3A_300 : f32 to vector<512x1xf32>
    %div3A_302 = arith.divf %add3A_299, %div3A_301 : vector<512x1xf32>
    %mul3A_303 = arith.mulf %div3A_285, %div3A_285 : vector<512x1xf32>
    %mul3A_304 = arith.mulf %div3A_288, %div3A_288 : vector<512x1xf32>
    %add3A_305 = arith.addf %mul3A_303, %mul3A_304 : vector<512x1xf32>
    %mul3A_306 = arith.mulf %div3A_294, %div3A_294 : vector<512x1xf32>
    %add3A_307 = arith.addf %add3A_305, %mul3A_306 : vector<512x1xf32>
    %sub3A_308 = arith.subf %div3A_282, %div3A_302 : vector<512x1xf32>
    %sub3A_309 = arith.subf %div3A_291, %div3A_302 : vector<512x1xf32>
    %sub3A_310 = arith.subf %div3A_297, %div3A_302 : vector<512x1xf32>
    %mul3A_311 = arith.mulf %sub3A_308, %sub3A_308 : vector<512x1xf32>
    %mul3A_312 = arith.mulf %sub3A_309, %sub3A_309 : vector<512x1xf32>
    %add3A_313 = arith.addf %mul3A_311, %mul3A_312 : vector<512x1xf32>
    %mul3A_314 = arith.mulf %sub3A_310, %sub3A_310 : vector<512x1xf32>
    %add3A_315 = arith.addf %add3A_313, %mul3A_314 : vector<512x1xf32>
    %mul3A_316 = arith.constant 2.000000e+00 : f32
    %mul3A_317 = vector.broadcast %mul3A_316 : f32 to vector<512x1xf32>
    %mul3A_318 = arith.mulf %mul3A_317, %add3A_307 : vector<512x1xf32>
    %add3A_319 = arith.addf %add3A_315, %mul3A_318 : vector<512x1xf32>
    %max3A = arith.constant 0.000000e+00 : f32
    %max3A_320 = vector.broadcast %max3A : f32 to vector<512x1xf32>
    %max3A_321 = arith.maximumf %add3A_319, %max3A_320 : vector<512x1xf32>
    %div3A_322 = arith.constant 6.000000e+00 : f32
    %div3A_323 = vector.broadcast %div3A_322 : f32 to vector<512x1xf32>
    %div3A_324 = arith.divf %max3A_321, %div3A_323 : vector<512x1xf32>
    %sqrt3A_325 = math.sqrt %div3A_324 : vector<512x1xf32>
    %max3A_326 = arith.constant 9.99999968E-21 : f32
    %max3A_327 = vector.broadcast %max3A_326 : f32 to vector<512x1xf32>
    %max3A_328 = arith.maximumf %sqrt3A_325, %max3A_327 : vector<512x1xf32>
    %div3A_329 = arith.divf %sub3A_308, %max3A_328 : vector<512x1xf32>
    %div3A_330 = arith.divf %sub3A_309, %max3A_328 : vector<512x1xf32>
    %div3A_331 = arith.divf %sub3A_310, %max3A_328 : vector<512x1xf32>
    %div3A_332 = arith.divf %div3A_285, %max3A_328 : vector<512x1xf32>
    %div3A_333 = arith.divf %div3A_288, %max3A_328 : vector<512x1xf32>
    %div3A_334 = arith.divf %div3A_294, %max3A_328 : vector<512x1xf32>
    %mul3A_335 = arith.mulf %div3A_330, %div3A_331 : vector<512x1xf32>
    %mul3A_336 = arith.mulf %div3A_334, %div3A_334 : vector<512x1xf32>
    %sub3A_337 = arith.subf %mul3A_335, %mul3A_336 : vector<512x1xf32>
    %mul3A_338 = arith.mulf %div3A_329, %sub3A_337 : vector<512x1xf32>
    %mul3A_339 = arith.mulf %div3A_332, %div3A_331 : vector<512x1xf32>
    %mul3A_340 = arith.mulf %div3A_334, %div3A_333 : vector<512x1xf32>
    %sub3A_341 = arith.subf %mul3A_339, %mul3A_340 : vector<512x1xf32>
    %mul3A_342 = arith.mulf %div3A_332, %sub3A_341 : vector<512x1xf32>
    %sub3A_343 = arith.subf %mul3A_338, %mul3A_342 : vector<512x1xf32>
    %mul3A_344 = arith.mulf %div3A_332, %div3A_334 : vector<512x1xf32>
    %mul3A_345 = arith.mulf %div3A_330, %div3A_333 : vector<512x1xf32>
    %sub3A_346 = arith.subf %mul3A_344, %mul3A_345 : vector<512x1xf32>
    %mul3A_347 = arith.mulf %div3A_333, %sub3A_346 : vector<512x1xf32>
    %add3A_348 = arith.addf %sub3A_343, %mul3A_347 : vector<512x1xf32>
    %div3A_349 = arith.constant 2.000000e+00 : f32
    %div3A_350 = vector.broadcast %div3A_349 : f32 to vector<512x1xf32>
    %div3A_351 = arith.divf %add3A_348, %div3A_350 : vector<512x1xf32>
    %jit3A = arith.constant -1.000000e+00 : f32
    %jit3A_352 = arith.constant 1.000000e+00 : f32
    %max3A_353 = vector.broadcast %jit3A : f32 to vector<512x1xf32>
    %max3A_354 = arith.maximumf %max3A_353, %div3A_351 : vector<512x1xf32>
    %min3A = vector.broadcast %jit3A_352 : f32 to vector<512x1xf32>
    %min3A_355 = arith.minimumf %min3A, %max3A_354 : vector<512x1xf32>
    %abs3A = math.absf %min3A_355 : vector<512x1xf32>
    %mul3A_356 = arith.constant 6.670090e-03 : f32
    %mul3A_357 = vector.broadcast %mul3A_356 : f32 to vector<512x1xf32>
    %mul3A_358 = arith.mulf %mul3A_357, %abs3A : vector<512x1xf32>
    %add3A_359 = arith.constant -0.0012624911 : f32
    %add3A_360 = vector.broadcast %add3A_359 : f32 to vector<512x1xf32>
    %add3A_361 = arith.addf %add3A_360, %mul3A_358 : vector<512x1xf32>
    %mul3A_362 = arith.mulf %abs3A, %add3A_361 : vector<512x1xf32>
    %add3A_363 = arith.constant -0.0170881264 : f32
    %add3A_364 = vector.broadcast %add3A_363 : f32 to vector<512x1xf32>
    %add3A_365 = arith.addf %add3A_364, %mul3A_362 : vector<512x1xf32>
    %mul3A_366 = arith.mulf %abs3A, %add3A_365 : vector<512x1xf32>
    %add3A_367 = arith.constant 0.0308918804 : f32
    %add3A_368 = vector.broadcast %add3A_367 : f32 to vector<512x1xf32>
    %add3A_369 = arith.addf %add3A_368, %mul3A_366 : vector<512x1xf32>
    %mul3A_370 = arith.mulf %abs3A, %add3A_369 : vector<512x1xf32>
    %add3A_371 = arith.constant -0.0501743034 : f32
    %add3A_372 = vector.broadcast %add3A_371 : f32 to vector<512x1xf32>
    %add3A_373 = arith.addf %add3A_372, %mul3A_370 : vector<512x1xf32>
    %mul3A_374 = arith.mulf %abs3A, %add3A_373 : vector<512x1xf32>
    %add3A_375 = arith.constant 0.0889789909 : f32
    %add3A_376 = vector.broadcast %add3A_375 : f32 to vector<512x1xf32>
    %add3A_377 = arith.addf %add3A_376, %mul3A_374 : vector<512x1xf32>
    %mul3A_378 = arith.mulf %abs3A, %add3A_377 : vector<512x1xf32>
    %add3A_379 = arith.constant -0.214598805 : f32
    %add3A_380 = vector.broadcast %add3A_379 : f32 to vector<512x1xf32>
    %add3A_381 = arith.addf %add3A_380, %mul3A_378 : vector<512x1xf32>
    %mul3A_382 = arith.mulf %abs3A, %add3A_381 : vector<512x1xf32>
    %add3A_383 = arith.constant 1.57079625 : f32
    %add3A_384 = vector.broadcast %add3A_383 : f32 to vector<512x1xf32>
    %add3A_385 = arith.addf %add3A_384, %mul3A_382 : vector<512x1xf32>
    %sub3A_386 = arith.constant 1.000000e+00 : f32
    %sub3A_387 = vector.broadcast %sub3A_386 : f32 to vector<512x1xf32>
    %sub3A_388 = arith.subf %sub3A_387, %abs3A : vector<512x1xf32>
    %max3A_389 = arith.constant 0.000000e+00 : f32
    %max3A_390 = vector.broadcast %max3A_389 : f32 to vector<512x1xf32>
    %max3A_391 = arith.maximumf %sub3A_388, %max3A_390 : vector<512x1xf32>
    %sqrt3A_392 = math.sqrt %max3A_391 : vector<512x1xf32>
    %mul3A_393 = arith.mulf %sqrt3A_392, %add3A_385 : vector<512x1xf32>
    %ge3A = arith.constant 0.000000e+00 : f32
    %ge3A_394 = vector.broadcast %ge3A : f32 to vector<512x1xf32>
    %ge3A_395 = arith.cmpf oge, %min3A_355, %ge3A_394 : vector<512x1xf32>
    %sub3A_396 = arith.constant 3.14159274 : f32
    %sub3A_397 = vector.broadcast %sub3A_396 : f32 to vector<512x1xf32>
    %sub3A_398 = arith.subf %sub3A_397, %mul3A_393 : vector<512x1xf32>
    %select_n3A = arith.select %ge3A_395, %mul3A_393, %sub3A_398 : vector<512x1xi1>, vector<512x1xf32>
    %div3A_399 = arith.constant 3.000000e+00 : f32
    %div3A_400 = vector.broadcast %div3A_399 : f32 to vector<512x1xf32>
    %div3A_401 = arith.divf %select_n3A, %div3A_400 : vector<512x1xf32>
    %mul3A_402 = arith.mulf %div3A_401, %div3A_401 : vector<512x1xf32>
    %mul3A_403 = arith.constant 2.755732E-7 : f32
    %mul3A_404 = vector.broadcast %mul3A_403 : f32 to vector<512x1xf32>
    %mul3A_405 = arith.mulf %mul3A_402, %mul3A_404 : vector<512x1xf32>
    %sub3A_406 = arith.constant 2.48015876E-5 : f32
    %sub3A_407 = vector.broadcast %sub3A_406 : f32 to vector<512x1xf32>
    %sub3A_408 = arith.subf %sub3A_407, %mul3A_405 : vector<512x1xf32>
    %mul3A_409 = arith.mulf %mul3A_402, %sub3A_408 : vector<512x1xf32>
    %add3A_410 = arith.constant -0.00138888892 : f32
    %add3A_411 = vector.broadcast %add3A_410 : f32 to vector<512x1xf32>
    %add3A_412 = arith.addf %add3A_411, %mul3A_409 : vector<512x1xf32>
    %mul3A_413 = arith.mulf %mul3A_402, %add3A_412 : vector<512x1xf32>
    %add3A_414 = arith.constant 0.0416666679 : f32
    %add3A_415 = vector.broadcast %add3A_414 : f32 to vector<512x1xf32>
    %add3A_416 = arith.addf %add3A_415, %mul3A_413 : vector<512x1xf32>
    %mul3A_417 = arith.mulf %mul3A_402, %add3A_416 : vector<512x1xf32>
    %add3A_418 = arith.constant -5.000000e-01 : f32
    %add3A_419 = vector.broadcast %add3A_418 : f32 to vector<512x1xf32>
    %add3A_420 = arith.addf %add3A_419, %mul3A_417 : vector<512x1xf32>
    %mul3A_421 = arith.mulf %mul3A_402, %add3A_420 : vector<512x1xf32>
    %add3A_422 = arith.constant 1.000000e+00 : f32
    %add3A_423 = vector.broadcast %add3A_422 : f32 to vector<512x1xf32>
    %add3A_424 = arith.addf %add3A_423, %mul3A_421 : vector<512x1xf32>
    %mul3A_425 = arith.constant 2.75573188E-6 : f32
    %mul3A_426 = vector.broadcast %mul3A_425 : f32 to vector<512x1xf32>
    %mul3A_427 = arith.mulf %mul3A_402, %mul3A_426 : vector<512x1xf32>
    %add3A_428 = arith.constant -1.98412701E-4 : f32
    %add3A_429 = vector.broadcast %add3A_428 : f32 to vector<512x1xf32>
    %add3A_430 = arith.addf %add3A_429, %mul3A_427 : vector<512x1xf32>
    %mul3A_431 = arith.mulf %mul3A_402, %add3A_430 : vector<512x1xf32>
    %add3A_432 = arith.constant 0.00833333377 : f32
    %add3A_433 = vector.broadcast %add3A_432 : f32 to vector<512x1xf32>
    %add3A_434 = arith.addf %add3A_433, %mul3A_431 : vector<512x1xf32>
    %mul3A_435 = arith.mulf %mul3A_402, %add3A_434 : vector<512x1xf32>
    %add3A_436 = arith.constant -0.166666672 : f32
    %add3A_437 = vector.broadcast %add3A_436 : f32 to vector<512x1xf32>
    %add3A_438 = arith.addf %add3A_437, %mul3A_435 : vector<512x1xf32>
    %mul3A_439 = arith.mulf %mul3A_402, %add3A_438 : vector<512x1xf32>
    %add3A_440 = arith.constant 1.000000e+00 : f32
    %add3A_441 = vector.broadcast %add3A_440 : f32 to vector<512x1xf32>
    %add3A_442 = arith.addf %add3A_441, %mul3A_439 : vector<512x1xf32>
    %mul3A_443 = arith.mulf %div3A_401, %add3A_442 : vector<512x1xf32>
    %mul3A_444 = arith.constant 2.000000e+00 : f32
    %mul3A_445 = vector.broadcast %mul3A_444 : f32 to vector<512x1xf32>
    %mul3A_446 = arith.mulf %mul3A_445, %sqrt3A_325 : vector<512x1xf32>
    %mul3A_447 = arith.mulf %mul3A_446, %add3A_424 : vector<512x1xf32>
    %add3A_448 = arith.addf %div3A_302, %mul3A_447 : vector<512x1xf32>
    %mul3A_449 = arith.constant 1.73205078 : f32
    %mul3A_450 = vector.broadcast %mul3A_449 : f32 to vector<512x1xf32>
    %mul3A_451 = arith.mulf %mul3A_450, %mul3A_443 : vector<512x1xf32>
    %add3A_452 = arith.addf %add3A_424, %mul3A_451 : vector<512x1xf32>
    %mul3A_453 = arith.mulf %sqrt3A_325, %add3A_452 : vector<512x1xf32>
    %sub3A_454 = arith.subf %div3A_302, %mul3A_453 : vector<512x1xf32>
    %lt3A = arith.constant 1.000000e-30 : f32
    %lt3A_455 = vector.broadcast %lt3A : f32 to vector<512x1xf32>
    %lt3A_456 = arith.cmpf olt, %add3A_319, %lt3A_455 : vector<512x1xf32>
    %select_n3A_457 = arith.select %lt3A_456, %div3A_302, %add3A_448 : vector<512x1xi1>, vector<512x1xf32>
    %select_n3A_458 = arith.select %lt3A_456, %div3A_302, %sub3A_454 : vector<512x1xi1>, vector<512x1xf32>
    %add3A_459 = arith.constant 9.99999993E-9 : f32
    %add3A_460 = vector.broadcast %add3A_459 : f32 to vector<512x1xf32>
    %add3A_461 = arith.addf %select_n3A_458, %add3A_460 : vector<512x1xf32>
    %div3A_462 = arith.divf %select_n3A_457, %add3A_461 : vector<512x1xf32>
    %concatenate3A = tpu.concatenate %div3A_6, %div3A_6, %sqrt3A, %sub3A_96, %sub3A_98, %sub3A_100, %div3A_462 in 1 : vector<512x1xf32>, vector<512x1xf32>, vector<512x1xf32>, vector<512x1xf32>, vector<512x1xf32>, vector<512x1xf32>, vector<512x1xf32> -> vector<512x7xf32>
    %convert_element_type3A_463 = arith.truncf %concatenate3A : vector<512x7xf32> to vector<512x7xbf16>
    %get3A_464 = arith.constant 0 : index
    %get3A_465 = arith.constant 0 : index
    %get3A_466 = vector.load %arg12[%get3A_464, %get3A_465] : memref<7x64xbf16, #tpu.memory_space<vmem>>, vector<7x64xbf16>
    %dot_general3A = arith.constant dense<0.000000e+00> : vector<512x64xf32>
    %dot_general3A_467 = tpu.matmul %convert_element_type3A_463, %get3A_466, %dot_general3A {dimension_numbers = #tpu.dot_dimension_numbers<[1], [0], [0], [1], [0, 0, 1, 1], [], []>, transpose_lhs_hint = false} : vector<512x7xbf16>, vector<7x64xbf16>, vector<512x64xf32> -> vector<512x64xf32>
    %get3A_468 = arith.constant 0 : index
    %get3A_469 = arith.constant 0 : index
    %get3A_470 = vector.load %arg13[%get3A_468, %get3A_469] : memref<1x64xf32, #tpu.memory_space<vmem>>, vector<1x64xf32>
    %add3A_471 = vector.broadcast %get3A_470 : vector<1x64xf32> to vector<512x64xf32>
    %add3A_472 = arith.addf %dot_general3A_467, %add3A_471 : vector<512x64xf32>
    %max3A_473 = arith.constant 0.000000e+00 : f32
    %max3A_474 = vector.broadcast %max3A_473 : f32 to vector<512x64xf32>
    %max3A_475 = arith.maximumf %add3A_472, %max3A_474 : vector<512x64xf32>
    %convert_element_type3A_476 = arith.truncf %max3A_475 : vector<512x64xf32> to vector<512x64xbf16>
    %get3A_477 = arith.constant 0 : index
    %get3A_478 = arith.constant 0 : index
    %get3A_479 = vector.load %arg14[%get3A_477, %get3A_478] : memref<64x256xbf16, #tpu.memory_space<vmem>>, vector<64x256xbf16>
    %dot_general3A_480 = arith.constant dense<0.000000e+00> : vector<512x256xf32>
    %dot_general3A_481 = tpu.matmul %convert_element_type3A_476, %get3A_479, %dot_general3A_480 {dimension_numbers = #tpu.dot_dimension_numbers<[1], [0], [0], [1], [0, 0, 1, 1], [], []>, transpose_lhs_hint = false} : vector<512x64xbf16>, vector<64x256xbf16>, vector<512x256xf32> -> vector<512x256xf32>
    %get3A_482 = arith.constant 0 : index
    %get3A_483 = arith.constant 0 : index
    %get3A_484 = vector.load %arg15[%get3A_482, %get3A_483] : memref<1x256xf32, #tpu.memory_space<vmem>>, vector<1x256xf32>
    %add3A_485 = vector.broadcast %get3A_484 : vector<1x256xf32> to vector<512x256xf32>
    %add3A_486 = arith.addf %dot_general3A_481, %add3A_485 : vector<512x256xf32>
    %get3A_487 = arith.constant 0 : index
    %get3A_488 = arith.constant 0 : index
    %get3A_489 = arith.constant 0 : index
    %get3A_490 = vector.load %arg2[%get3A_487, %get3A_488, %get3A_489] : memref<1x512x256xf32, #tpu.memory_space<vmem>>, vector<1x512x256xf32>
    %get3A_491 = vector.shape_cast %get3A_490 : vector<1x512x256xf32> to vector<512x256xf32>
    %convert_element_type3A_492 = arith.truncf %get3A_491 : vector<512x256xf32> to vector<512x256xbf16>
    %get3A_493 = arith.constant 0 : index
    %get3A_494 = arith.constant 0 : index
    %get3A_495 = vector.load %arg3[%get3A_493, %get3A_494] : memref<256x256xbf16, #tpu.memory_space<vmem>>, vector<256x256xbf16>
    %dot_general3A_496 = arith.constant dense<0.000000e+00> : vector<512x256xf32>
    %dot_general3A_497 = tpu.matmul %convert_element_type3A_492, %get3A_495, %dot_general3A_496 {dimension_numbers = #tpu.dot_dimension_numbers<[1], [0], [0], [1], [0, 0, 1, 1], [], []>, transpose_lhs_hint = false} : vector<512x256xbf16>, vector<256x256xbf16>, vector<512x256xf32> -> vector<512x256xf32>
    %get3A_498 = arith.constant 0 : index
    %get3A_499 = arith.constant 0 : index
    %get3A_500 = vector.load %arg4[%get3A_498, %get3A_499] : memref<1x256xf32, #tpu.memory_space<vmem>>, vector<1x256xf32>
    %add3A_501 = vector.broadcast %get3A_500 : vector<1x256xf32> to vector<512x256xf32>
    %add3A_502 = arith.addf %dot_general3A_497, %add3A_501 : vector<512x256xf32>
    %get3A_503 = arith.constant 0 : index
    %get3A_504 = arith.constant 0 : index
    %get3A_505 = arith.constant 0 : index
    %get3A_506 = vector.load %arg10[%get3A_503, %get3A_504, %get3A_505] : memref<1x512x2048xf32, #tpu.memory_space<vmem>>, vector<1x512x2048xf32>
    %get3A_507 = vector.shape_cast %get3A_506 : vector<1x512x2048xf32> to vector<512x2048xf32>
    %get3A_508 = arith.constant 0 : index
    %get3A_509 = arith.constant 0 : index
    %get3A_510 = arith.constant 0 : index
    %get3A_511 = vector.load %arg11[%get3A_508, %get3A_509, %get3A_510] : memref<1x512x2048xf32, #tpu.memory_space<vmem>>, vector<1x512x2048xf32>
    %get3A_512 = vector.shape_cast %get3A_511 : vector<1x512x2048xf32> to vector<512x2048xf32>
    %get3A_513 = arith.constant 0 : index
    %get3A_514 = arith.constant 0 : index
    %get3A_515 = vector.load %arg16[%get3A_513, %get3A_514] : memref<7x4xbf16, #tpu.memory_space<vmem>>, vector<7x4xbf16>
    %get3A_516 = arith.constant 0 : index
    %get3A_517 = arith.constant 0 : index
    %get3A_518 = vector.load %arg17[%get3A_516, %get3A_517] : memref<1x4xf32, #tpu.memory_space<vmem>>, vector<1x4xf32>
    %slice3A_519 = vector.extract_strided_slice %get3A_507 {offsets = [0, 0], sizes = [512, 256], strides = [1, 1]} : vector<512x2048xf32> to vector<512x256xf32>
    %mul3A_520 = arith.mulf %add3A_502, %slice3A_519 : vector<512x256xf32>
    %slice3A_521 = vector.extract_strided_slice %mul3A_520 {offsets = [0, 0], sizes = [512, 64], strides = [1, 1]} : vector<512x256xf32> to vector<512x64xf32>
    %reduce_sum3A_522 = arith.constant dense<0.000000e+00> : vector<512xf32>
    %reduce_sum3A_523 = vector.multi_reduction <add>, %slice3A_521, %reduce_sum3A_522 [1] : vector<512x64xf32> to vector<512xf32>
    %broadcast_in_dim3A_524 = vector.shape_cast %reduce_sum3A_523 : vector<512xf32> to vector<512x1xf32>
    %slice3A_525 = vector.extract_strided_slice %mul3A_520 {offsets = [0, 64], sizes = [512, 64], strides = [1, 1]} : vector<512x256xf32> to vector<512x64xf32>
    %reduce_sum3A_526 = arith.constant dense<0.000000e+00> : vector<512xf32>
    %reduce_sum3A_527 = vector.multi_reduction <add>, %slice3A_525, %reduce_sum3A_526 [1] : vector<512x64xf32> to vector<512xf32>
    %broadcast_in_dim3A_528 = vector.shape_cast %reduce_sum3A_527 : vector<512xf32> to vector<512x1xf32>
    %slice3A_529 = vector.extract_strided_slice %mul3A_520 {offsets = [0, 128], sizes = [512, 64], strides = [1, 1]} : vector<512x256xf32> to vector<512x64xf32>
    %reduce_sum3A_530 = arith.constant dense<0.000000e+00> : vector<512xf32>
    %reduce_sum3A_531 = vector.multi_reduction <add>, %slice3A_529, %reduce_sum3A_530 [1] : vector<512x64xf32> to vector<512xf32>
    %broadcast_in_dim3A_532 = vector.shape_cast %reduce_sum3A_531 : vector<512xf32> to vector<512x1xf32>
    %slice3A_533 = vector.extract_strided_slice %mul3A_520 {offsets = [0, 192], sizes = [512, 64], strides = [1, 1]} : vector<512x256xf32> to vector<512x64xf32>
    %reduce_sum3A_534 = arith.constant dense<0.000000e+00> : vector<512xf32>
    %reduce_sum3A_535 = vector.multi_reduction <add>, %slice3A_533, %reduce_sum3A_534 [1] : vector<512x64xf32> to vector<512xf32>
    %broadcast_in_dim3A_536 = vector.shape_cast %reduce_sum3A_535 : vector<512xf32> to vector<512x1xf32>
    %concatenate3A_537 = tpu.concatenate %broadcast_in_dim3A_524, %broadcast_in_dim3A_528, %broadcast_in_dim3A_532, %broadcast_in_dim3A_536 in 1 : vector<512x1xf32>, vector<512x1xf32>, vector<512x1xf32>, vector<512x1xf32> -> vector<512x4xf32>
    %mul3A_538 = arith.constant 1.250000e-01 : f32
    %mul3A_539 = vector.broadcast %mul3A_538 : f32 to vector<512x4xf32>
    %mul3A_540 = arith.mulf %concatenate3A_537, %mul3A_539 : vector<512x4xf32>
    %slice3A_541 = vector.extract_strided_slice %get3A_3 {offsets = [0, 0], sizes = [512, 1], strides = [1, 1]} : vector<512x8xf32> to vector<512x1xf32>
    %concatenate3A_542 = tpu.concatenate %slice3A_541, %div3A_6, %sqrt3A, %sub3A_96, %sub3A_98, %sub3A_100, %div3A_462 in 1 : vector<512x1xf32>, vector<512x1xf32>, vector<512x1xf32>, vector<512x1xf32>, vector<512x1xf32>, vector<512x1xf32>, vector<512x1xf32> -> vector<512x7xf32>
    %convert_element_type3A_543 = arith.truncf %concatenate3A_542 : vector<512x7xf32> to vector<512x7xbf16>
    %dot_general3A_544 = arith.constant dense<0.000000e+00> : vector<512x4xf32>
    %dot_general3A_545 = tpu.matmul %convert_element_type3A_543, %get3A_515, %dot_general3A_544 {dimension_numbers = #tpu.dot_dimension_numbers<[1], [0], [0], [1], [0, 0, 1, 1], [], []>, transpose_lhs_hint = false} : vector<512x7xbf16>, vector<7x4xbf16>, vector<512x4xf32> -> vector<512x4xf32>
    %add3A_546 = vector.broadcast %get3A_518 : vector<1x4xf32> to vector<512x4xf32>
    %add3A_547 = arith.addf %dot_general3A_545, %add3A_546 : vector<512x4xf32>
    %add3A_548 = arith.addf %mul3A_540, %add3A_547 : vector<512x4xf32>
    %slice3A_549 = vector.extract_strided_slice %get3A_507 {offsets = [0, 256], sizes = [512, 256], strides = [1, 1]} : vector<512x2048xf32> to vector<512x256xf32>
    %mul3A_550 = arith.mulf %add3A_502, %slice3A_549 : vector<512x256xf32>
    %slice3A_551 = vector.extract_strided_slice %mul3A_550 {offsets = [0, 0], sizes = [512, 64], strides = [1, 1]} : vector<512x256xf32> to vector<512x64xf32>
    %reduce_sum3A_552 = arith.constant dense<0.000000e+00> : vector<512xf32>
    %reduce_sum3A_553 = vector.multi_reduction <add>, %slice3A_551, %reduce_sum3A_552 [1] : vector<512x64xf32> to vector<512xf32>
    %broadcast_in_dim3A_554 = vector.shape_cast %reduce_sum3A_553 : vector<512xf32> to vector<512x1xf32>
    %slice3A_555 = vector.extract_strided_slice %mul3A_550 {offsets = [0, 64], sizes = [512, 64], strides = [1, 1]} : vector<512x256xf32> to vector<512x64xf32>
    %reduce_sum3A_556 = arith.constant dense<0.000000e+00> : vector<512xf32>
    %reduce_sum3A_557 = vector.multi_reduction <add>, %slice3A_555, %reduce_sum3A_556 [1] : vector<512x64xf32> to vector<512xf32>
    %broadcast_in_dim3A_558 = vector.shape_cast %reduce_sum3A_557 : vector<512xf32> to vector<512x1xf32>
    %slice3A_559 = vector.extract_strided_slice %mul3A_550 {offsets = [0, 128], sizes = [512, 64], strides = [1, 1]} : vector<512x256xf32> to vector<512x64xf32>
    %reduce_sum3A_560 = arith.constant dense<0.000000e+00> : vector<512xf32>
    %reduce_sum3A_561 = vector.multi_reduction <add>, %slice3A_559, %reduce_sum3A_560 [1] : vector<512x64xf32> to vector<512xf32>
    %broadcast_in_dim3A_562 = vector.shape_cast %reduce_sum3A_561 : vector<512xf32> to vector<512x1xf32>
    %slice3A_563 = vector.extract_strided_slice %mul3A_550 {offsets = [0, 192], sizes = [512, 64], strides = [1, 1]} : vector<512x256xf32> to vector<512x64xf32>
    %reduce_sum3A_564 = arith.constant dense<0.000000e+00> : vector<512xf32>
    %reduce_sum3A_565 = vector.multi_reduction <add>, %slice3A_563, %reduce_sum3A_564 [1] : vector<512x64xf32> to vector<512xf32>
    %broadcast_in_dim3A_566 = vector.shape_cast %reduce_sum3A_565 : vector<512xf32> to vector<512x1xf32>
    %concatenate3A_567 = tpu.concatenate %broadcast_in_dim3A_554, %broadcast_in_dim3A_558, %broadcast_in_dim3A_562, %broadcast_in_dim3A_566 in 1 : vector<512x1xf32>, vector<512x1xf32>, vector<512x1xf32>, vector<512x1xf32> -> vector<512x4xf32>
    %mul3A_568 = arith.constant 1.250000e-01 : f32
    %mul3A_569 = vector.broadcast %mul3A_568 : f32 to vector<512x4xf32>
    %mul3A_570 = arith.mulf %concatenate3A_567, %mul3A_569 : vector<512x4xf32>
    %slice3A_571 = vector.extract_strided_slice %get3A_3 {offsets = [0, 1], sizes = [512, 1], strides = [1, 1]} : vector<512x8xf32> to vector<512x1xf32>
    %concatenate3A_572 = tpu.concatenate %slice3A_571, %div3A_6, %sqrt3A, %sub3A_96, %sub3A_98, %sub3A_100, %div3A_462 in 1 : vector<512x1xf32>, vector<512x1xf32>, vector<512x1xf32>, vector<512x1xf32>, vector<512x1xf32>, vector<512x1xf32>, vector<512x1xf32> -> vector<512x7xf32>
    %convert_element_type3A_573 = arith.truncf %concatenate3A_572 : vector<512x7xf32> to vector<512x7xbf16>
    %dot_general3A_574 = arith.constant dense<0.000000e+00> : vector<512x4xf32>
    %dot_general3A_575 = tpu.matmul %convert_element_type3A_573, %get3A_515, %dot_general3A_574 {dimension_numbers = #tpu.dot_dimension_numbers<[1], [0], [0], [1], [0, 0, 1, 1], [], []>, transpose_lhs_hint = false} : vector<512x7xbf16>, vector<7x4xbf16>, vector<512x4xf32> -> vector<512x4xf32>
    %add3A_576 = vector.broadcast %get3A_518 : vector<1x4xf32> to vector<512x4xf32>
    %add3A_577 = arith.addf %dot_general3A_575, %add3A_576 : vector<512x4xf32>
    %add3A_578 = arith.addf %mul3A_570, %add3A_577 : vector<512x4xf32>
    %slice3A_579 = vector.extract_strided_slice %get3A_507 {offsets = [0, 512], sizes = [512, 256], strides = [1, 1]} : vector<512x2048xf32> to vector<512x256xf32>
    %mul3A_580 = arith.mulf %add3A_502, %slice3A_579 : vector<512x256xf32>
    %slice3A_581 = vector.extract_strided_slice %mul3A_580 {offsets = [0, 0], sizes = [512, 64], strides = [1, 1]} : vector<512x256xf32> to vector<512x64xf32>
    %reduce_sum3A_582 = arith.constant dense<0.000000e+00> : vector<512xf32>
    %reduce_sum3A_583 = vector.multi_reduction <add>, %slice3A_581, %reduce_sum3A_582 [1] : vector<512x64xf32> to vector<512xf32>
    %broadcast_in_dim3A_584 = vector.shape_cast %reduce_sum3A_583 : vector<512xf32> to vector<512x1xf32>
    %slice3A_585 = vector.extract_strided_slice %mul3A_580 {offsets = [0, 64], sizes = [512, 64], strides = [1, 1]} : vector<512x256xf32> to vector<512x64xf32>
    %reduce_sum3A_586 = arith.constant dense<0.000000e+00> : vector<512xf32>
    %reduce_sum3A_587 = vector.multi_reduction <add>, %slice3A_585, %reduce_sum3A_586 [1] : vector<512x64xf32> to vector<512xf32>
    %broadcast_in_dim3A_588 = vector.shape_cast %reduce_sum3A_587 : vector<512xf32> to vector<512x1xf32>
    %slice3A_589 = vector.extract_strided_slice %mul3A_580 {offsets = [0, 128], sizes = [512, 64], strides = [1, 1]} : vector<512x256xf32> to vector<512x64xf32>
    %reduce_sum3A_590 = arith.constant dense<0.000000e+00> : vector<512xf32>
    %reduce_sum3A_591 = vector.multi_reduction <add>, %slice3A_589, %reduce_sum3A_590 [1] : vector<512x64xf32> to vector<512xf32>
    %broadcast_in_dim3A_592 = vector.shape_cast %reduce_sum3A_591 : vector<512xf32> to vector<512x1xf32>
    %slice3A_593 = vector.extract_strided_slice %mul3A_580 {offsets = [0, 192], sizes = [512, 64], strides = [1, 1]} : vector<512x256xf32> to vector<512x64xf32>
    %reduce_sum3A_594 = arith.constant dense<0.000000e+00> : vector<512xf32>
    %reduce_sum3A_595 = vector.multi_reduction <add>, %slice3A_593, %reduce_sum3A_594 [1] : vector<512x64xf32> to vector<512xf32>
    %broadcast_in_dim3A_596 = vector.shape_cast %reduce_sum3A_595 : vector<512xf32> to vector<512x1xf32>
    %concatenate3A_597 = tpu.concatenate %broadcast_in_dim3A_584, %broadcast_in_dim3A_588, %broadcast_in_dim3A_592, %broadcast_in_dim3A_596 in 1 : vector<512x1xf32>, vector<512x1xf32>, vector<512x1xf32>, vector<512x1xf32> -> vector<512x4xf32>
    %mul3A_598 = arith.constant 1.250000e-01 : f32
    %mul3A_599 = vector.broadcast %mul3A_598 : f32 to vector<512x4xf32>
    %mul3A_600 = arith.mulf %concatenate3A_597, %mul3A_599 : vector<512x4xf32>
    %slice3A_601 = vector.extract_strided_slice %get3A_3 {offsets = [0, 2], sizes = [512, 1], strides = [1, 1]} : vector<512x8xf32> to vector<512x1xf32>
    %concatenate3A_602 = tpu.concatenate %slice3A_601, %div3A_6, %sqrt3A, %sub3A_96, %sub3A_98, %sub3A_100, %div3A_462 in 1 : vector<512x1xf32>, vector<512x1xf32>, vector<512x1xf32>, vector<512x1xf32>, vector<512x1xf32>, vector<512x1xf32>, vector<512x1xf32> -> vector<512x7xf32>
    %convert_element_type3A_603 = arith.truncf %concatenate3A_602 : vector<512x7xf32> to vector<512x7xbf16>
    %dot_general3A_604 = arith.constant dense<0.000000e+00> : vector<512x4xf32>
    %dot_general3A_605 = tpu.matmul %convert_element_type3A_603, %get3A_515, %dot_general3A_604 {dimension_numbers = #tpu.dot_dimension_numbers<[1], [0], [0], [1], [0, 0, 1, 1], [], []>, transpose_lhs_hint = false} : vector<512x7xbf16>, vector<7x4xbf16>, vector<512x4xf32> -> vector<512x4xf32>
    %add3A_606 = vector.broadcast %get3A_518 : vector<1x4xf32> to vector<512x4xf32>
    %add3A_607 = arith.addf %dot_general3A_605, %add3A_606 : vector<512x4xf32>
    %add3A_608 = arith.addf %mul3A_600, %add3A_607 : vector<512x4xf32>
    %slice3A_609 = vector.extract_strided_slice %get3A_507 {offsets = [0, 768], sizes = [512, 256], strides = [1, 1]} : vector<512x2048xf32> to vector<512x256xf32>
    %mul3A_610 = arith.mulf %add3A_502, %slice3A_609 : vector<512x256xf32>
    %slice3A_611 = vector.extract_strided_slice %mul3A_610 {offsets = [0, 0], sizes = [512, 64], strides = [1, 1]} : vector<512x256xf32> to vector<512x64xf32>
    %reduce_sum3A_612 = arith.constant dense<0.000000e+00> : vector<512xf32>
    %reduce_sum3A_613 = vector.multi_reduction <add>, %slice3A_611, %reduce_sum3A_612 [1] : vector<512x64xf32> to vector<512xf32>
    %broadcast_in_dim3A_614 = vector.shape_cast %reduce_sum3A_613 : vector<512xf32> to vector<512x1xf32>
    %slice3A_615 = vector.extract_strided_slice %mul3A_610 {offsets = [0, 64], sizes = [512, 64], strides = [1, 1]} : vector<512x256xf32> to vector<512x64xf32>
    %reduce_sum3A_616 = arith.constant dense<0.000000e+00> : vector<512xf32>
    %reduce_sum3A_617 = vector.multi_reduction <add>, %slice3A_615, %reduce_sum3A_616 [1] : vector<512x64xf32> to vector<512xf32>
    %broadcast_in_dim3A_618 = vector.shape_cast %reduce_sum3A_617 : vector<512xf32> to vector<512x1xf32>
    %slice3A_619 = vector.extract_strided_slice %mul3A_610 {offsets = [0, 128], sizes = [512, 64], strides = [1, 1]} : vector<512x256xf32> to vector<512x64xf32>
    %reduce_sum3A_620 = arith.constant dense<0.000000e+00> : vector<512xf32>
    %reduce_sum3A_621 = vector.multi_reduction <add>, %slice3A_619, %reduce_sum3A_620 [1] : vector<512x64xf32> to vector<512xf32>
    %broadcast_in_dim3A_622 = vector.shape_cast %reduce_sum3A_621 : vector<512xf32> to vector<512x1xf32>
    %slice3A_623 = vector.extract_strided_slice %mul3A_610 {offsets = [0, 192], sizes = [512, 64], strides = [1, 1]} : vector<512x256xf32> to vector<512x64xf32>
    %reduce_sum3A_624 = arith.constant dense<0.000000e+00> : vector<512xf32>
    %reduce_sum3A_625 = vector.multi_reduction <add>, %slice3A_623, %reduce_sum3A_624 [1] : vector<512x64xf32> to vector<512xf32>
    %broadcast_in_dim3A_626 = vector.shape_cast %reduce_sum3A_625 : vector<512xf32> to vector<512x1xf32>
    %concatenate3A_627 = tpu.concatenate %broadcast_in_dim3A_614, %broadcast_in_dim3A_618, %broadcast_in_dim3A_622, %broadcast_in_dim3A_626 in 1 : vector<512x1xf32>, vector<512x1xf32>, vector<512x1xf32>, vector<512x1xf32> -> vector<512x4xf32>
    %mul3A_628 = arith.constant 1.250000e-01 : f32
    %mul3A_629 = vector.broadcast %mul3A_628 : f32 to vector<512x4xf32>
    %mul3A_630 = arith.mulf %concatenate3A_627, %mul3A_629 : vector<512x4xf32>
    %slice3A_631 = vector.extract_strided_slice %get3A_3 {offsets = [0, 3], sizes = [512, 1], strides = [1, 1]} : vector<512x8xf32> to vector<512x1xf32>
    %concatenate3A_632 = tpu.concatenate %slice3A_631, %div3A_6, %sqrt3A, %sub3A_96, %sub3A_98, %sub3A_100, %div3A_462 in 1 : vector<512x1xf32>, vector<512x1xf32>, vector<512x1xf32>, vector<512x1xf32>, vector<512x1xf32>, vector<512x1xf32>, vector<512x1xf32> -> vector<512x7xf32>
    %convert_element_type3A_633 = arith.truncf %concatenate3A_632 : vector<512x7xf32> to vector<512x7xbf16>
    %dot_general3A_634 = arith.constant dense<0.000000e+00> : vector<512x4xf32>
    %dot_general3A_635 = tpu.matmul %convert_element_type3A_633, %get3A_515, %dot_general3A_634 {dimension_numbers = #tpu.dot_dimension_numbers<[1], [0], [0], [1], [0, 0, 1, 1], [], []>, transpose_lhs_hint = false} : vector<512x7xbf16>, vector<7x4xbf16>, vector<512x4xf32> -> vector<512x4xf32>
    %add3A_636 = vector.broadcast %get3A_518 : vector<1x4xf32> to vector<512x4xf32>
    %add3A_637 = arith.addf %dot_general3A_635, %add3A_636 : vector<512x4xf32>
    %add3A_638 = arith.addf %mul3A_630, %add3A_637 : vector<512x4xf32>
    %slice3A_639 = vector.extract_strided_slice %get3A_507 {offsets = [0, 1024], sizes = [512, 256], strides = [1, 1]} : vector<512x2048xf32> to vector<512x256xf32>
    %mul3A_640 = arith.mulf %add3A_502, %slice3A_639 : vector<512x256xf32>
    %slice3A_641 = vector.extract_strided_slice %mul3A_640 {offsets = [0, 0], sizes = [512, 64], strides = [1, 1]} : vector<512x256xf32> to vector<512x64xf32>
    %reduce_sum3A_642 = arith.constant dense<0.000000e+00> : vector<512xf32>
    %reduce_sum3A_643 = vector.multi_reduction <add>, %slice3A_641, %reduce_sum3A_642 [1] : vector<512x64xf32> to vector<512xf32>
    %broadcast_in_dim3A_644 = vector.shape_cast %reduce_sum3A_643 : vector<512xf32> to vector<512x1xf32>
    %slice3A_645 = vector.extract_strided_slice %mul3A_640 {offsets = [0, 64], sizes = [512, 64], strides = [1, 1]} : vector<512x256xf32> to vector<512x64xf32>
    %reduce_sum3A_646 = arith.constant dense<0.000000e+00> : vector<512xf32>
    %reduce_sum3A_647 = vector.multi_reduction <add>, %slice3A_645, %reduce_sum3A_646 [1] : vector<512x64xf32> to vector<512xf32>
    %broadcast_in_dim3A_648 = vector.shape_cast %reduce_sum3A_647 : vector<512xf32> to vector<512x1xf32>
    %slice3A_649 = vector.extract_strided_slice %mul3A_640 {offsets = [0, 128], sizes = [512, 64], strides = [1, 1]} : vector<512x256xf32> to vector<512x64xf32>
    %reduce_sum3A_650 = arith.constant dense<0.000000e+00> : vector<512xf32>
    %reduce_sum3A_651 = vector.multi_reduction <add>, %slice3A_649, %reduce_sum3A_650 [1] : vector<512x64xf32> to vector<512xf32>
    %broadcast_in_dim3A_652 = vector.shape_cast %reduce_sum3A_651 : vector<512xf32> to vector<512x1xf32>
    %slice3A_653 = vector.extract_strided_slice %mul3A_640 {offsets = [0, 192], sizes = [512, 64], strides = [1, 1]} : vector<512x256xf32> to vector<512x64xf32>
    %reduce_sum3A_654 = arith.constant dense<0.000000e+00> : vector<512xf32>
    %reduce_sum3A_655 = vector.multi_reduction <add>, %slice3A_653, %reduce_sum3A_654 [1] : vector<512x64xf32> to vector<512xf32>
    %broadcast_in_dim3A_656 = vector.shape_cast %reduce_sum3A_655 : vector<512xf32> to vector<512x1xf32>
    %concatenate3A_657 = tpu.concatenate %broadcast_in_dim3A_644, %broadcast_in_dim3A_648, %broadcast_in_dim3A_652, %broadcast_in_dim3A_656 in 1 : vector<512x1xf32>, vector<512x1xf32>, vector<512x1xf32>, vector<512x1xf32> -> vector<512x4xf32>
    %mul3A_658 = arith.constant 1.250000e-01 : f32
    %mul3A_659 = vector.broadcast %mul3A_658 : f32 to vector<512x4xf32>
    %mul3A_660 = arith.mulf %concatenate3A_657, %mul3A_659 : vector<512x4xf32>
    %slice3A_661 = vector.extract_strided_slice %get3A_3 {offsets = [0, 4], sizes = [512, 1], strides = [1, 1]} : vector<512x8xf32> to vector<512x1xf32>
    %concatenate3A_662 = tpu.concatenate %slice3A_661, %div3A_6, %sqrt3A, %sub3A_96, %sub3A_98, %sub3A_100, %div3A_462 in 1 : vector<512x1xf32>, vector<512x1xf32>, vector<512x1xf32>, vector<512x1xf32>, vector<512x1xf32>, vector<512x1xf32>, vector<512x1xf32> -> vector<512x7xf32>
    %convert_element_type3A_663 = arith.truncf %concatenate3A_662 : vector<512x7xf32> to vector<512x7xbf16>
    %dot_general3A_664 = arith.constant dense<0.000000e+00> : vector<512x4xf32>
    %dot_general3A_665 = tpu.matmul %convert_element_type3A_663, %get3A_515, %dot_general3A_664 {dimension_numbers = #tpu.dot_dimension_numbers<[1], [0], [0], [1], [0, 0, 1, 1], [], []>, transpose_lhs_hint = false} : vector<512x7xbf16>, vector<7x4xbf16>, vector<512x4xf32> -> vector<512x4xf32>
    %add3A_666 = vector.broadcast %get3A_518 : vector<1x4xf32> to vector<512x4xf32>
    %add3A_667 = arith.addf %dot_general3A_665, %add3A_666 : vector<512x4xf32>
    %add3A_668 = arith.addf %mul3A_660, %add3A_667 : vector<512x4xf32>
    %slice3A_669 = vector.extract_strided_slice %get3A_507 {offsets = [0, 1280], sizes = [512, 256], strides = [1, 1]} : vector<512x2048xf32> to vector<512x256xf32>
    %mul3A_670 = arith.mulf %add3A_502, %slice3A_669 : vector<512x256xf32>
    %slice3A_671 = vector.extract_strided_slice %mul3A_670 {offsets = [0, 0], sizes = [512, 64], strides = [1, 1]} : vector<512x256xf32> to vector<512x64xf32>
    %reduce_sum3A_672 = arith.constant dense<0.000000e+00> : vector<512xf32>
    %reduce_sum3A_673 = vector.multi_reduction <add>, %slice3A_671, %reduce_sum3A_672 [1] : vector<512x64xf32> to vector<512xf32>
    %broadcast_in_dim3A_674 = vector.shape_cast %reduce_sum3A_673 : vector<512xf32> to vector<512x1xf32>
    %slice3A_675 = vector.extract_strided_slice %mul3A_670 {offsets = [0, 64], sizes = [512, 64], strides = [1, 1]} : vector<512x256xf32> to vector<512x64xf32>
    %reduce_sum3A_676 = arith.constant dense<0.000000e+00> : vector<512xf32>
    %reduce_sum3A_677 = vector.multi_reduction <add>, %slice3A_675, %reduce_sum3A_676 [1] : vector<512x64xf32> to vector<512xf32>
    %broadcast_in_dim3A_678 = vector.shape_cast %reduce_sum3A_677 : vector<512xf32> to vector<512x1xf32>
    %slice3A_679 = vector.extract_strided_slice %mul3A_670 {offsets = [0, 128], sizes = [512, 64], strides = [1, 1]} : vector<512x256xf32> to vector<512x64xf32>
    %reduce_sum3A_680 = arith.constant dense<0.000000e+00> : vector<512xf32>
    %reduce_sum3A_681 = vector.multi_reduction <add>, %slice3A_679, %reduce_sum3A_680 [1] : vector<512x64xf32> to vector<512xf32>
    %broadcast_in_dim3A_682 = vector.shape_cast %reduce_sum3A_681 : vector<512xf32> to vector<512x1xf32>
    %slice3A_683 = vector.extract_strided_slice %mul3A_670 {offsets = [0, 192], sizes = [512, 64], strides = [1, 1]} : vector<512x256xf32> to vector<512x64xf32>
    %reduce_sum3A_684 = arith.constant dense<0.000000e+00> : vector<512xf32>
    %reduce_sum3A_685 = vector.multi_reduction <add>, %slice3A_683, %reduce_sum3A_684 [1] : vector<512x64xf32> to vector<512xf32>
    %broadcast_in_dim3A_686 = vector.shape_cast %reduce_sum3A_685 : vector<512xf32> to vector<512x1xf32>
    %concatenate3A_687 = tpu.concatenate %broadcast_in_dim3A_674, %broadcast_in_dim3A_678, %broadcast_in_dim3A_682, %broadcast_in_dim3A_686 in 1 : vector<512x1xf32>, vector<512x1xf32>, vector<512x1xf32>, vector<512x1xf32> -> vector<512x4xf32>
    %mul3A_688 = arith.constant 1.250000e-01 : f32
    %mul3A_689 = vector.broadcast %mul3A_688 : f32 to vector<512x4xf32>
    %mul3A_690 = arith.mulf %concatenate3A_687, %mul3A_689 : vector<512x4xf32>
    %slice3A_691 = vector.extract_strided_slice %get3A_3 {offsets = [0, 5], sizes = [512, 1], strides = [1, 1]} : vector<512x8xf32> to vector<512x1xf32>
    %concatenate3A_692 = tpu.concatenate %slice3A_691, %div3A_6, %sqrt3A, %sub3A_96, %sub3A_98, %sub3A_100, %div3A_462 in 1 : vector<512x1xf32>, vector<512x1xf32>, vector<512x1xf32>, vector<512x1xf32>, vector<512x1xf32>, vector<512x1xf32>, vector<512x1xf32> -> vector<512x7xf32>
    %convert_element_type3A_693 = arith.truncf %concatenate3A_692 : vector<512x7xf32> to vector<512x7xbf16>
    %dot_general3A_694 = arith.constant dense<0.000000e+00> : vector<512x4xf32>
    %dot_general3A_695 = tpu.matmul %convert_element_type3A_693, %get3A_515, %dot_general3A_694 {dimension_numbers = #tpu.dot_dimension_numbers<[1], [0], [0], [1], [0, 0, 1, 1], [], []>, transpose_lhs_hint = false} : vector<512x7xbf16>, vector<7x4xbf16>, vector<512x4xf32> -> vector<512x4xf32>
    %add3A_696 = vector.broadcast %get3A_518 : vector<1x4xf32> to vector<512x4xf32>
    %add3A_697 = arith.addf %dot_general3A_695, %add3A_696 : vector<512x4xf32>
    %add3A_698 = arith.addf %mul3A_690, %add3A_697 : vector<512x4xf32>
    %slice3A_699 = vector.extract_strided_slice %get3A_507 {offsets = [0, 1536], sizes = [512, 256], strides = [1, 1]} : vector<512x2048xf32> to vector<512x256xf32>
    %mul3A_700 = arith.mulf %add3A_502, %slice3A_699 : vector<512x256xf32>
    %slice3A_701 = vector.extract_strided_slice %mul3A_700 {offsets = [0, 0], sizes = [512, 64], strides = [1, 1]} : vector<512x256xf32> to vector<512x64xf32>
    %reduce_sum3A_702 = arith.constant dense<0.000000e+00> : vector<512xf32>
    %reduce_sum3A_703 = vector.multi_reduction <add>, %slice3A_701, %reduce_sum3A_702 [1] : vector<512x64xf32> to vector<512xf32>
    %broadcast_in_dim3A_704 = vector.shape_cast %reduce_sum3A_703 : vector<512xf32> to vector<512x1xf32>
    %slice3A_705 = vector.extract_strided_slice %mul3A_700 {offsets = [0, 64], sizes = [512, 64], strides = [1, 1]} : vector<512x256xf32> to vector<512x64xf32>
    %reduce_sum3A_706 = arith.constant dense<0.000000e+00> : vector<512xf32>
    %reduce_sum3A_707 = vector.multi_reduction <add>, %slice3A_705, %reduce_sum3A_706 [1] : vector<512x64xf32> to vector<512xf32>
    %broadcast_in_dim3A_708 = vector.shape_cast %reduce_sum3A_707 : vector<512xf32> to vector<512x1xf32>
    %slice3A_709 = vector.extract_strided_slice %mul3A_700 {offsets = [0, 128], sizes = [512, 64], strides = [1, 1]} : vector<512x256xf32> to vector<512x64xf32>
    %reduce_sum3A_710 = arith.constant dense<0.000000e+00> : vector<512xf32>
    %reduce_sum3A_711 = vector.multi_reduction <add>, %slice3A_709, %reduce_sum3A_710 [1] : vector<512x64xf32> to vector<512xf32>
    %broadcast_in_dim3A_712 = vector.shape_cast %reduce_sum3A_711 : vector<512xf32> to vector<512x1xf32>
    %slice3A_713 = vector.extract_strided_slice %mul3A_700 {offsets = [0, 192], sizes = [512, 64], strides = [1, 1]} : vector<512x256xf32> to vector<512x64xf32>
    %reduce_sum3A_714 = arith.constant dense<0.000000e+00> : vector<512xf32>
    %reduce_sum3A_715 = vector.multi_reduction <add>, %slice3A_713, %reduce_sum3A_714 [1] : vector<512x64xf32> to vector<512xf32>
    %broadcast_in_dim3A_716 = vector.shape_cast %reduce_sum3A_715 : vector<512xf32> to vector<512x1xf32>
    %concatenate3A_717 = tpu.concatenate %broadcast_in_dim3A_704, %broadcast_in_dim3A_708, %broadcast_in_dim3A_712, %broadcast_in_dim3A_716 in 1 : vector<512x1xf32>, vector<512x1xf32>, vector<512x1xf32>, vector<512x1xf32> -> vector<512x4xf32>
    %mul3A_718 = arith.constant 1.250000e-01 : f32
    %mul3A_719 = vector.broadcast %mul3A_718 : f32 to vector<512x4xf32>
    %mul3A_720 = arith.mulf %concatenate3A_717, %mul3A_719 : vector<512x4xf32>
    %slice3A_721 = vector.extract_strided_slice %get3A_3 {offsets = [0, 6], sizes = [512, 1], strides = [1, 1]} : vector<512x8xf32> to vector<512x1xf32>
    %concatenate3A_722 = tpu.concatenate %slice3A_721, %div3A_6, %sqrt3A, %sub3A_96, %sub3A_98, %sub3A_100, %div3A_462 in 1 : vector<512x1xf32>, vector<512x1xf32>, vector<512x1xf32>, vector<512x1xf32>, vector<512x1xf32>, vector<512x1xf32>, vector<512x1xf32> -> vector<512x7xf32>
    %convert_element_type3A_723 = arith.truncf %concatenate3A_722 : vector<512x7xf32> to vector<512x7xbf16>
    %dot_general3A_724 = arith.constant dense<0.000000e+00> : vector<512x4xf32>
    %dot_general3A_725 = tpu.matmul %convert_element_type3A_723, %get3A_515, %dot_general3A_724 {dimension_numbers = #tpu.dot_dimension_numbers<[1], [0], [0], [1], [0, 0, 1, 1], [], []>, transpose_lhs_hint = false} : vector<512x7xbf16>, vector<7x4xbf16>, vector<512x4xf32> -> vector<512x4xf32>
    %add3A_726 = vector.broadcast %get3A_518 : vector<1x4xf32> to vector<512x4xf32>
    %add3A_727 = arith.addf %dot_general3A_725, %add3A_726 : vector<512x4xf32>
    %add3A_728 = arith.addf %mul3A_720, %add3A_727 : vector<512x4xf32>
    %slice3A_729 = vector.extract_strided_slice %get3A_507 {offsets = [0, 1792], sizes = [512, 256], strides = [1, 1]} : vector<512x2048xf32> to vector<512x256xf32>
    %mul3A_730 = arith.mulf %add3A_502, %slice3A_729 : vector<512x256xf32>
    %slice3A_731 = vector.extract_strided_slice %mul3A_730 {offsets = [0, 0], sizes = [512, 64], strides = [1, 1]} : vector<512x256xf32> to vector<512x64xf32>
    %reduce_sum3A_732 = arith.constant dense<0.000000e+00> : vector<512xf32>
    %reduce_sum3A_733 = vector.multi_reduction <add>, %slice3A_731, %reduce_sum3A_732 [1] : vector<512x64xf32> to vector<512xf32>
    %broadcast_in_dim3A_734 = vector.shape_cast %reduce_sum3A_733 : vector<512xf32> to vector<512x1xf32>
    %slice3A_735 = vector.extract_strided_slice %mul3A_730 {offsets = [0, 64], sizes = [512, 64], strides = [1, 1]} : vector<512x256xf32> to vector<512x64xf32>
    %reduce_sum3A_736 = arith.constant dense<0.000000e+00> : vector<512xf32>
    %reduce_sum3A_737 = vector.multi_reduction <add>, %slice3A_735, %reduce_sum3A_736 [1] : vector<512x64xf32> to vector<512xf32>
    %broadcast_in_dim3A_738 = vector.shape_cast %reduce_sum3A_737 : vector<512xf32> to vector<512x1xf32>
    %slice3A_739 = vector.extract_strided_slice %mul3A_730 {offsets = [0, 128], sizes = [512, 64], strides = [1, 1]} : vector<512x256xf32> to vector<512x64xf32>
    %reduce_sum3A_740 = arith.constant dense<0.000000e+00> : vector<512xf32>
    %reduce_sum3A_741 = vector.multi_reduction <add>, %slice3A_739, %reduce_sum3A_740 [1] : vector<512x64xf32> to vector<512xf32>
    %broadcast_in_dim3A_742 = vector.shape_cast %reduce_sum3A_741 : vector<512xf32> to vector<512x1xf32>
    %slice3A_743 = vector.extract_strided_slice %mul3A_730 {offsets = [0, 192], sizes = [512, 64], strides = [1, 1]} : vector<512x256xf32> to vector<512x64xf32>
    %reduce_sum3A_744 = arith.constant dense<0.000000e+00> : vector<512xf32>
    %reduce_sum3A_745 = vector.multi_reduction <add>, %slice3A_743, %reduce_sum3A_744 [1] : vector<512x64xf32> to vector<512xf32>
    %broadcast_in_dim3A_746 = vector.shape_cast %reduce_sum3A_745 : vector<512xf32> to vector<512x1xf32>
    %concatenate3A_747 = tpu.concatenate %broadcast_in_dim3A_734, %broadcast_in_dim3A_738, %broadcast_in_dim3A_742, %broadcast_in_dim3A_746 in 1 : vector<512x1xf32>, vector<512x1xf32>, vector<512x1xf32>, vector<512x1xf32> -> vector<512x4xf32>
    %mul3A_748 = arith.constant 1.250000e-01 : f32
    %mul3A_749 = vector.broadcast %mul3A_748 : f32 to vector<512x4xf32>
    %mul3A_750 = arith.mulf %concatenate3A_747, %mul3A_749 : vector<512x4xf32>
    %slice3A_751 = vector.extract_strided_slice %get3A_3 {offsets = [0, 7], sizes = [512, 1], strides = [1, 1]} : vector<512x8xf32> to vector<512x1xf32>
    %concatenate3A_752 = tpu.concatenate %slice3A_751, %div3A_6, %sqrt3A, %sub3A_96, %sub3A_98, %sub3A_100, %div3A_462 in 1 : vector<512x1xf32>, vector<512x1xf32>, vector<512x1xf32>, vector<512x1xf32>, vector<512x1xf32>, vector<512x1xf32>, vector<512x1xf32> -> vector<512x7xf32>
    %convert_element_type3A_753 = arith.truncf %concatenate3A_752 : vector<512x7xf32> to vector<512x7xbf16>
    %dot_general3A_754 = arith.constant dense<0.000000e+00> : vector<512x4xf32>
    %dot_general3A_755 = tpu.matmul %convert_element_type3A_753, %get3A_515, %dot_general3A_754 {dimension_numbers = #tpu.dot_dimension_numbers<[1], [0], [0], [1], [0, 0, 1, 1], [], []>, transpose_lhs_hint = false} : vector<512x7xbf16>, vector<7x4xbf16>, vector<512x4xf32> -> vector<512x4xf32>
    %add3A_756 = vector.broadcast %get3A_518 : vector<1x4xf32> to vector<512x4xf32>
    %add3A_757 = arith.addf %dot_general3A_755, %add3A_756 : vector<512x4xf32>
    %add3A_758 = arith.addf %mul3A_750, %add3A_757 : vector<512x4xf32>
    %broadcast_in_dim3A_759 = arith.constant 0.000000e+00 : f32
    %broadcast_in_dim3A_760 = vector.broadcast %broadcast_in_dim3A_759 : f32 to vector<512x256xf32>
    %slice3A_761 = vector.extract_strided_slice %add3A_548 {offsets = [0, 0], sizes = [512, 1], strides = [1, 1]} : vector<512x4xf32> to vector<512x1xf32>
    %slice3A_762 = vector.extract_strided_slice %add3A_578 {offsets = [0, 0], sizes = [512, 1], strides = [1, 1]} : vector<512x4xf32> to vector<512x1xf32>
    %slice3A_763 = vector.extract_strided_slice %add3A_608 {offsets = [0, 0], sizes = [512, 1], strides = [1, 1]} : vector<512x4xf32> to vector<512x1xf32>
    %slice3A_764 = vector.extract_strided_slice %add3A_638 {offsets = [0, 0], sizes = [512, 1], strides = [1, 1]} : vector<512x4xf32> to vector<512x1xf32>
    %slice3A_765 = vector.extract_strided_slice %add3A_668 {offsets = [0, 0], sizes = [512, 1], strides = [1, 1]} : vector<512x4xf32> to vector<512x1xf32>
    %slice3A_766 = vector.extract_strided_slice %add3A_698 {offsets = [0, 0], sizes = [512, 1], strides = [1, 1]} : vector<512x4xf32> to vector<512x1xf32>
    %slice3A_767 = vector.extract_strided_slice %add3A_728 {offsets = [0, 0], sizes = [512, 1], strides = [1, 1]} : vector<512x4xf32> to vector<512x1xf32>
    %slice3A_768 = vector.extract_strided_slice %add3A_758 {offsets = [0, 0], sizes = [512, 1], strides = [1, 1]} : vector<512x4xf32> to vector<512x1xf32>
    %concatenate3A_769 = tpu.concatenate %slice3A_761, %slice3A_762, %slice3A_763, %slice3A_764, %slice3A_765, %slice3A_766, %slice3A_767, %slice3A_768 in 1 : vector<512x1xf32>, vector<512x1xf32>, vector<512x1xf32>, vector<512x1xf32>, vector<512x1xf32>, vector<512x1xf32>, vector<512x1xf32>, vector<512x1xf32> -> vector<512x8xf32>
    %reduce_max3A = arith.constant dense<0xFF800000> : vector<512xf32>
    %reduce_max3A_770 = vector.multi_reduction <maximumf>, %concatenate3A_769, %reduce_max3A [1] : vector<512x8xf32> to vector<512xf32>
    %broadcast_in_dim3A_771 = vector.shape_cast %reduce_max3A_770 : vector<512xf32> to vector<512x1xf32>
    %sub3A_772 = vector.broadcast %broadcast_in_dim3A_771 : vector<512x1xf32> to vector<512x8xf32>
    %sub3A_773 = arith.subf %concatenate3A_769, %sub3A_772 : vector<512x8xf32>
    %exp3A = math.exp %sub3A_773 : vector<512x8xf32>
    %reduce_sum3A_774 = arith.constant dense<0.000000e+00> : vector<512xf32>
    %reduce_sum3A_775 = vector.multi_reduction <add>, %exp3A, %reduce_sum3A_774 [1] : vector<512x8xf32> to vector<512xf32>
    %broadcast_in_dim3A_776 = vector.shape_cast %reduce_sum3A_775 : vector<512xf32> to vector<512x1xf32>
    %div3A_777 = vector.broadcast %broadcast_in_dim3A_776 : vector<512x1xf32> to vector<512x8xf32>
    %div3A_778 = arith.divf %exp3A, %div3A_777 : vector<512x8xf32>
    %slice3A_779 = vector.extract_strided_slice %div3A_778 {offsets = [0, 0], sizes = [512, 1], strides = [1, 1]} : vector<512x8xf32> to vector<512x1xf32>
    %slice3A_780 = vector.extract_strided_slice %div3A_778 {offsets = [0, 1], sizes = [512, 1], strides = [1, 1]} : vector<512x8xf32> to vector<512x1xf32>
    %slice3A_781 = vector.extract_strided_slice %div3A_778 {offsets = [0, 2], sizes = [512, 1], strides = [1, 1]} : vector<512x8xf32> to vector<512x1xf32>
    %slice3A_782 = vector.extract_strided_slice %div3A_778 {offsets = [0, 3], sizes = [512, 1], strides = [1, 1]} : vector<512x8xf32> to vector<512x1xf32>
    %slice3A_783 = vector.extract_strided_slice %div3A_778 {offsets = [0, 4], sizes = [512, 1], strides = [1, 1]} : vector<512x8xf32> to vector<512x1xf32>
    %slice3A_784 = vector.extract_strided_slice %div3A_778 {offsets = [0, 5], sizes = [512, 1], strides = [1, 1]} : vector<512x8xf32> to vector<512x1xf32>
    %slice3A_785 = vector.extract_strided_slice %div3A_778 {offsets = [0, 6], sizes = [512, 1], strides = [1, 1]} : vector<512x8xf32> to vector<512x1xf32>
    %slice3A_786 = vector.extract_strided_slice %div3A_778 {offsets = [0, 7], sizes = [512, 1], strides = [1, 1]} : vector<512x8xf32> to vector<512x1xf32>
    %slice3A_787 = vector.extract_strided_slice %add3A_548 {offsets = [0, 1], sizes = [512, 1], strides = [1, 1]} : vector<512x4xf32> to vector<512x1xf32>
    %slice3A_788 = vector.extract_strided_slice %add3A_578 {offsets = [0, 1], sizes = [512, 1], strides = [1, 1]} : vector<512x4xf32> to vector<512x1xf32>
    %slice3A_789 = vector.extract_strided_slice %add3A_608 {offsets = [0, 1], sizes = [512, 1], strides = [1, 1]} : vector<512x4xf32> to vector<512x1xf32>
    %slice3A_790 = vector.extract_strided_slice %add3A_638 {offsets = [0, 1], sizes = [512, 1], strides = [1, 1]} : vector<512x4xf32> to vector<512x1xf32>
    %slice3A_791 = vector.extract_strided_slice %add3A_668 {offsets = [0, 1], sizes = [512, 1], strides = [1, 1]} : vector<512x4xf32> to vector<512x1xf32>
    %slice3A_792 = vector.extract_strided_slice %add3A_698 {offsets = [0, 1], sizes = [512, 1], strides = [1, 1]} : vector<512x4xf32> to vector<512x1xf32>
    %slice3A_793 = vector.extract_strided_slice %add3A_728 {offsets = [0, 1], sizes = [512, 1], strides = [1, 1]} : vector<512x4xf32> to vector<512x1xf32>
    %slice3A_794 = vector.extract_strided_slice %add3A_758 {offsets = [0, 1], sizes = [512, 1], strides = [1, 1]} : vector<512x4xf32> to vector<512x1xf32>
    %concatenate3A_795 = tpu.concatenate %slice3A_787, %slice3A_788, %slice3A_789, %slice3A_790, %slice3A_791, %slice3A_792, %slice3A_793, %slice3A_794 in 1 : vector<512x1xf32>, vector<512x1xf32>, vector<512x1xf32>, vector<512x1xf32>, vector<512x1xf32>, vector<512x1xf32>, vector<512x1xf32>, vector<512x1xf32> -> vector<512x8xf32>
    %reduce_max3A_796 = arith.constant dense<0xFF800000> : vector<512xf32>
    %reduce_max3A_797 = vector.multi_reduction <maximumf>, %concatenate3A_795, %reduce_max3A_796 [1] : vector<512x8xf32> to vector<512xf32>
    %broadcast_in_dim3A_798 = vector.shape_cast %reduce_max3A_797 : vector<512xf32> to vector<512x1xf32>
    %sub3A_799 = vector.broadcast %broadcast_in_dim3A_798 : vector<512x1xf32> to vector<512x8xf32>
    %sub3A_800 = arith.subf %concatenate3A_795, %sub3A_799 : vector<512x8xf32>
    %exp3A_801 = math.exp %sub3A_800 : vector<512x8xf32>
    %reduce_sum3A_802 = arith.constant dense<0.000000e+00> : vector<512xf32>
    %reduce_sum3A_803 = vector.multi_reduction <add>, %exp3A_801, %reduce_sum3A_802 [1] : vector<512x8xf32> to vector<512xf32>
    %broadcast_in_dim3A_804 = vector.shape_cast %reduce_sum3A_803 : vector<512xf32> to vector<512x1xf32>
    %div3A_805 = vector.broadcast %broadcast_in_dim3A_804 : vector<512x1xf32> to vector<512x8xf32>
    %div3A_806 = arith.divf %exp3A_801, %div3A_805 : vector<512x8xf32>
    %slice3A_807 = vector.extract_strided_slice %div3A_806 {offsets = [0, 0], sizes = [512, 1], strides = [1, 1]} : vector<512x8xf32> to vector<512x1xf32>
    %slice3A_808 = vector.extract_strided_slice %div3A_806 {offsets = [0, 1], sizes = [512, 1], strides = [1, 1]} : vector<512x8xf32> to vector<512x1xf32>
    %slice3A_809 = vector.extract_strided_slice %div3A_806 {offsets = [0, 2], sizes = [512, 1], strides = [1, 1]} : vector<512x8xf32> to vector<512x1xf32>
    %slice3A_810 = vector.extract_strided_slice %div3A_806 {offsets = [0, 3], sizes = [512, 1], strides = [1, 1]} : vector<512x8xf32> to vector<512x1xf32>
    %slice3A_811 = vector.extract_strided_slice %div3A_806 {offsets = [0, 4], sizes = [512, 1], strides = [1, 1]} : vector<512x8xf32> to vector<512x1xf32>
    %slice3A_812 = vector.extract_strided_slice %div3A_806 {offsets = [0, 5], sizes = [512, 1], strides = [1, 1]} : vector<512x8xf32> to vector<512x1xf32>
    %slice3A_813 = vector.extract_strided_slice %div3A_806 {offsets = [0, 6], sizes = [512, 1], strides = [1, 1]} : vector<512x8xf32> to vector<512x1xf32>
    %slice3A_814 = vector.extract_strided_slice %div3A_806 {offsets = [0, 7], sizes = [512, 1], strides = [1, 1]} : vector<512x8xf32> to vector<512x1xf32>
    %slice3A_815 = vector.extract_strided_slice %add3A_548 {offsets = [0, 2], sizes = [512, 1], strides = [1, 1]} : vector<512x4xf32> to vector<512x1xf32>
    %slice3A_816 = vector.extract_strided_slice %add3A_578 {offsets = [0, 2], sizes = [512, 1], strides = [1, 1]} : vector<512x4xf32> to vector<512x1xf32>
    %slice3A_817 = vector.extract_strided_slice %add3A_608 {offsets = [0, 2], sizes = [512, 1], strides = [1, 1]} : vector<512x4xf32> to vector<512x1xf32>
    %slice3A_818 = vector.extract_strided_slice %add3A_638 {offsets = [0, 2], sizes = [512, 1], strides = [1, 1]} : vector<512x4xf32> to vector<512x1xf32>
    %slice3A_819 = vector.extract_strided_slice %add3A_668 {offsets = [0, 2], sizes = [512, 1], strides = [1, 1]} : vector<512x4xf32> to vector<512x1xf32>
    %slice3A_820 = vector.extract_strided_slice %add3A_698 {offsets = [0, 2], sizes = [512, 1], strides = [1, 1]} : vector<512x4xf32> to vector<512x1xf32>
    %slice3A_821 = vector.extract_strided_slice %add3A_728 {offsets = [0, 2], sizes = [512, 1], strides = [1, 1]} : vector<512x4xf32> to vector<512x1xf32>
    %slice3A_822 = vector.extract_strided_slice %add3A_758 {offsets = [0, 2], sizes = [512, 1], strides = [1, 1]} : vector<512x4xf32> to vector<512x1xf32>
    %concatenate3A_823 = tpu.concatenate %slice3A_815, %slice3A_816, %slice3A_817, %slice3A_818, %slice3A_819, %slice3A_820, %slice3A_821, %slice3A_822 in 1 : vector<512x1xf32>, vector<512x1xf32>, vector<512x1xf32>, vector<512x1xf32>, vector<512x1xf32>, vector<512x1xf32>, vector<512x1xf32>, vector<512x1xf32> -> vector<512x8xf32>
    %reduce_max3A_824 = arith.constant dense<0xFF800000> : vector<512xf32>
    %reduce_max3A_825 = vector.multi_reduction <maximumf>, %concatenate3A_823, %reduce_max3A_824 [1] : vector<512x8xf32> to vector<512xf32>
    %broadcast_in_dim3A_826 = vector.shape_cast %reduce_max3A_825 : vector<512xf32> to vector<512x1xf32>
    %sub3A_827 = vector.broadcast %broadcast_in_dim3A_826 : vector<512x1xf32> to vector<512x8xf32>
    %sub3A_828 = arith.subf %concatenate3A_823, %sub3A_827 : vector<512x8xf32>
    %exp3A_829 = math.exp %sub3A_828 : vector<512x8xf32>
    %reduce_sum3A_830 = arith.constant dense<0.000000e+00> : vector<512xf32>
    %reduce_sum3A_831 = vector.multi_reduction <add>, %exp3A_829, %reduce_sum3A_830 [1] : vector<512x8xf32> to vector<512xf32>
    %broadcast_in_dim3A_832 = vector.shape_cast %reduce_sum3A_831 : vector<512xf32> to vector<512x1xf32>
    %div3A_833 = vector.broadcast %broadcast_in_dim3A_832 : vector<512x1xf32> to vector<512x8xf32>
    %div3A_834 = arith.divf %exp3A_829, %div3A_833 : vector<512x8xf32>
    %slice3A_835 = vector.extract_strided_slice %div3A_834 {offsets = [0, 0], sizes = [512, 1], strides = [1, 1]} : vector<512x8xf32> to vector<512x1xf32>
    %slice3A_836 = vector.extract_strided_slice %div3A_834 {offsets = [0, 1], sizes = [512, 1], strides = [1, 1]} : vector<512x8xf32> to vector<512x1xf32>
    %slice3A_837 = vector.extract_strided_slice %div3A_834 {offsets = [0, 2], sizes = [512, 1], strides = [1, 1]} : vector<512x8xf32> to vector<512x1xf32>
    %slice3A_838 = vector.extract_strided_slice %div3A_834 {offsets = [0, 3], sizes = [512, 1], strides = [1, 1]} : vector<512x8xf32> to vector<512x1xf32>
    %slice3A_839 = vector.extract_strided_slice %div3A_834 {offsets = [0, 4], sizes = [512, 1], strides = [1, 1]} : vector<512x8xf32> to vector<512x1xf32>
    %slice3A_840 = vector.extract_strided_slice %div3A_834 {offsets = [0, 5], sizes = [512, 1], strides = [1, 1]} : vector<512x8xf32> to vector<512x1xf32>
    %slice3A_841 = vector.extract_strided_slice %div3A_834 {offsets = [0, 6], sizes = [512, 1], strides = [1, 1]} : vector<512x8xf32> to vector<512x1xf32>
    %slice3A_842 = vector.extract_strided_slice %div3A_834 {offsets = [0, 7], sizes = [512, 1], strides = [1, 1]} : vector<512x8xf32> to vector<512x1xf32>
    %slice3A_843 = vector.extract_strided_slice %add3A_548 {offsets = [0, 3], sizes = [512, 1], strides = [1, 1]} : vector<512x4xf32> to vector<512x1xf32>
    %slice3A_844 = vector.extract_strided_slice %add3A_578 {offsets = [0, 3], sizes = [512, 1], strides = [1, 1]} : vector<512x4xf32> to vector<512x1xf32>
    %slice3A_845 = vector.extract_strided_slice %add3A_608 {offsets = [0, 3], sizes = [512, 1], strides = [1, 1]} : vector<512x4xf32> to vector<512x1xf32>
    %slice3A_846 = vector.extract_strided_slice %add3A_638 {offsets = [0, 3], sizes = [512, 1], strides = [1, 1]} : vector<512x4xf32> to vector<512x1xf32>
    %slice3A_847 = vector.extract_strided_slice %add3A_668 {offsets = [0, 3], sizes = [512, 1], strides = [1, 1]} : vector<512x4xf32> to vector<512x1xf32>
    %slice3A_848 = vector.extract_strided_slice %add3A_698 {offsets = [0, 3], sizes = [512, 1], strides = [1, 1]} : vector<512x4xf32> to vector<512x1xf32>
    %slice3A_849 = vector.extract_strided_slice %add3A_728 {offsets = [0, 3], sizes = [512, 1], strides = [1, 1]} : vector<512x4xf32> to vector<512x1xf32>
    %slice3A_850 = vector.extract_strided_slice %add3A_758 {offsets = [0, 3], sizes = [512, 1], strides = [1, 1]} : vector<512x4xf32> to vector<512x1xf32>
    %concatenate3A_851 = tpu.concatenate %slice3A_843, %slice3A_844, %slice3A_845, %slice3A_846, %slice3A_847, %slice3A_848, %slice3A_849, %slice3A_850 in 1 : vector<512x1xf32>, vector<512x1xf32>, vector<512x1xf32>, vector<512x1xf32>, vector<512x1xf32>, vector<512x1xf32>, vector<512x1xf32>, vector<512x1xf32> -> vector<512x8xf32>
    %reduce_max3A_852 = arith.constant dense<0xFF800000> : vector<512xf32>
    %reduce_max3A_853 = vector.multi_reduction <maximumf>, %concatenate3A_851, %reduce_max3A_852 [1] : vector<512x8xf32> to vector<512xf32>
    %broadcast_in_dim3A_854 = vector.shape_cast %reduce_max3A_853 : vector<512xf32> to vector<512x1xf32>
    %sub3A_855 = vector.broadcast %broadcast_in_dim3A_854 : vector<512x1xf32> to vector<512x8xf32>
    %sub3A_856 = arith.subf %concatenate3A_851, %sub3A_855 : vector<512x8xf32>
    %exp3A_857 = math.exp %sub3A_856 : vector<512x8xf32>
    %reduce_sum3A_858 = arith.constant dense<0.000000e+00> : vector<512xf32>
    %reduce_sum3A_859 = vector.multi_reduction <add>, %exp3A_857, %reduce_sum3A_858 [1] : vector<512x8xf32> to vector<512xf32>
    %broadcast_in_dim3A_860 = vector.shape_cast %reduce_sum3A_859 : vector<512xf32> to vector<512x1xf32>
    %div3A_861 = vector.broadcast %broadcast_in_dim3A_860 : vector<512x1xf32> to vector<512x8xf32>
    %div3A_862 = arith.divf %exp3A_857, %div3A_861 : vector<512x8xf32>
    %slice3A_863 = vector.extract_strided_slice %div3A_862 {offsets = [0, 0], sizes = [512, 1], strides = [1, 1]} : vector<512x8xf32> to vector<512x1xf32>
    %slice3A_864 = vector.extract_strided_slice %div3A_862 {offsets = [0, 1], sizes = [512, 1], strides = [1, 1]} : vector<512x8xf32> to vector<512x1xf32>
    %slice3A_865 = vector.extract_strided_slice %div3A_862 {offsets = [0, 2], sizes = [512, 1], strides = [1, 1]} : vector<512x8xf32> to vector<512x1xf32>
    %slice3A_866 = vector.extract_strided_slice %div3A_862 {offsets = [0, 3], sizes = [512, 1], strides = [1, 1]} : vector<512x8xf32> to vector<512x1xf32>
    %slice3A_867 = vector.extract_strided_slice %div3A_862 {offsets = [0, 4], sizes = [512, 1], strides = [1, 1]} : vector<512x8xf32> to vector<512x1xf32>
    %slice3A_868 = vector.extract_strided_slice %div3A_862 {offsets = [0, 5], sizes = [512, 1], strides = [1, 1]} : vector<512x8xf32> to vector<512x1xf32>
    %slice3A_869 = vector.extract_strided_slice %div3A_862 {offsets = [0, 6], sizes = [512, 1], strides = [1, 1]} : vector<512x8xf32> to vector<512x1xf32>
    %slice3A_870 = vector.extract_strided_slice %div3A_862 {offsets = [0, 7], sizes = [512, 1], strides = [1, 1]} : vector<512x8xf32> to vector<512x1xf32>
    %broadcast_in_dim3A_871 = vector.shape_cast %slice3A_779 : vector<512x1xf32> to vector<512x1xf32>
    %broadcast_in_dim3A_872 = vector.broadcast %broadcast_in_dim3A_871 : vector<512x1xf32> to vector<512x64xf32>
    %broadcast_in_dim3A_873 = vector.shape_cast %slice3A_807 : vector<512x1xf32> to vector<512x1xf32>
    %broadcast_in_dim3A_874 = vector.broadcast %broadcast_in_dim3A_873 : vector<512x1xf32> to vector<512x64xf32>
    %broadcast_in_dim3A_875 = vector.shape_cast %slice3A_835 : vector<512x1xf32> to vector<512x1xf32>
    %broadcast_in_dim3A_876 = vector.broadcast %broadcast_in_dim3A_875 : vector<512x1xf32> to vector<512x64xf32>
    %broadcast_in_dim3A_877 = vector.shape_cast %slice3A_863 : vector<512x1xf32> to vector<512x1xf32>
    %broadcast_in_dim3A_878 = vector.broadcast %broadcast_in_dim3A_877 : vector<512x1xf32> to vector<512x64xf32>
    %concatenate3A_879 = tpu.concatenate %broadcast_in_dim3A_872, %broadcast_in_dim3A_874, %broadcast_in_dim3A_876, %broadcast_in_dim3A_878 in 1 : vector<512x64xf32>, vector<512x64xf32>, vector<512x64xf32>, vector<512x64xf32> -> vector<512x256xf32>
    %slice3A_880 = vector.extract_strided_slice %get3A_512 {offsets = [0, 0], sizes = [512, 256], strides = [1, 1]} : vector<512x2048xf32> to vector<512x256xf32>
    %mul3A_881 = arith.mulf %concatenate3A_879, %slice3A_880 : vector<512x256xf32>
    %add3A_882 = arith.addf %broadcast_in_dim3A_760, %mul3A_881 : vector<512x256xf32>
    %broadcast_in_dim3A_883 = vector.shape_cast %slice3A_780 : vector<512x1xf32> to vector<512x1xf32>
    %broadcast_in_dim3A_884 = vector.broadcast %broadcast_in_dim3A_883 : vector<512x1xf32> to vector<512x64xf32>
    %broadcast_in_dim3A_885 = vector.shape_cast %slice3A_808 : vector<512x1xf32> to vector<512x1xf32>
    %broadcast_in_dim3A_886 = vector.broadcast %broadcast_in_dim3A_885 : vector<512x1xf32> to vector<512x64xf32>
    %broadcast_in_dim3A_887 = vector.shape_cast %slice3A_836 : vector<512x1xf32> to vector<512x1xf32>
    %broadcast_in_dim3A_888 = vector.broadcast %broadcast_in_dim3A_887 : vector<512x1xf32> to vector<512x64xf32>
    %broadcast_in_dim3A_889 = vector.shape_cast %slice3A_864 : vector<512x1xf32> to vector<512x1xf32>
    %broadcast_in_dim3A_890 = vector.broadcast %broadcast_in_dim3A_889 : vector<512x1xf32> to vector<512x64xf32>
    %concatenate3A_891 = tpu.concatenate %broadcast_in_dim3A_884, %broadcast_in_dim3A_886, %broadcast_in_dim3A_888, %broadcast_in_dim3A_890 in 1 : vector<512x64xf32>, vector<512x64xf32>, vector<512x64xf32>, vector<512x64xf32> -> vector<512x256xf32>
    %slice3A_892 = vector.extract_strided_slice %get3A_512 {offsets = [0, 256], sizes = [512, 256], strides = [1, 1]} : vector<512x2048xf32> to vector<512x256xf32>
    %mul3A_893 = arith.mulf %concatenate3A_891, %slice3A_892 : vector<512x256xf32>
    %add3A_894 = arith.addf %add3A_882, %mul3A_893 : vector<512x256xf32>
    %broadcast_in_dim3A_895 = vector.shape_cast %slice3A_781 : vector<512x1xf32> to vector<512x1xf32>
    %broadcast_in_dim3A_896 = vector.broadcast %broadcast_in_dim3A_895 : vector<512x1xf32> to vector<512x64xf32>
    %broadcast_in_dim3A_897 = vector.shape_cast %slice3A_809 : vector<512x1xf32> to vector<512x1xf32>
    %broadcast_in_dim3A_898 = vector.broadcast %broadcast_in_dim3A_897 : vector<512x1xf32> to vector<512x64xf32>
    %broadcast_in_dim3A_899 = vector.shape_cast %slice3A_837 : vector<512x1xf32> to vector<512x1xf32>
    %broadcast_in_dim3A_900 = vector.broadcast %broadcast_in_dim3A_899 : vector<512x1xf32> to vector<512x64xf32>
    %broadcast_in_dim3A_901 = vector.shape_cast %slice3A_865 : vector<512x1xf32> to vector<512x1xf32>
    %broadcast_in_dim3A_902 = vector.broadcast %broadcast_in_dim3A_901 : vector<512x1xf32> to vector<512x64xf32>
    %concatenate3A_903 = tpu.concatenate %broadcast_in_dim3A_896, %broadcast_in_dim3A_898, %broadcast_in_dim3A_900, %broadcast_in_dim3A_902 in 1 : vector<512x64xf32>, vector<512x64xf32>, vector<512x64xf32>, vector<512x64xf32> -> vector<512x256xf32>
    %slice3A_904 = vector.extract_strided_slice %get3A_512 {offsets = [0, 512], sizes = [512, 256], strides = [1, 1]} : vector<512x2048xf32> to vector<512x256xf32>
    %mul3A_905 = arith.mulf %concatenate3A_903, %slice3A_904 : vector<512x256xf32>
    %add3A_906 = arith.addf %add3A_894, %mul3A_905 : vector<512x256xf32>
    %broadcast_in_dim3A_907 = vector.shape_cast %slice3A_782 : vector<512x1xf32> to vector<512x1xf32>
    %broadcast_in_dim3A_908 = vector.broadcast %broadcast_in_dim3A_907 : vector<512x1xf32> to vector<512x64xf32>
    %broadcast_in_dim3A_909 = vector.shape_cast %slice3A_810 : vector<512x1xf32> to vector<512x1xf32>
    %broadcast_in_dim3A_910 = vector.broadcast %broadcast_in_dim3A_909 : vector<512x1xf32> to vector<512x64xf32>
    %broadcast_in_dim3A_911 = vector.shape_cast %slice3A_838 : vector<512x1xf32> to vector<512x1xf32>
    %broadcast_in_dim3A_912 = vector.broadcast %broadcast_in_dim3A_911 : vector<512x1xf32> to vector<512x64xf32>
    %broadcast_in_dim3A_913 = vector.shape_cast %slice3A_866 : vector<512x1xf32> to vector<512x1xf32>
    %broadcast_in_dim3A_914 = vector.broadcast %broadcast_in_dim3A_913 : vector<512x1xf32> to vector<512x64xf32>
    %concatenate3A_915 = tpu.concatenate %broadcast_in_dim3A_908, %broadcast_in_dim3A_910, %broadcast_in_dim3A_912, %broadcast_in_dim3A_914 in 1 : vector<512x64xf32>, vector<512x64xf32>, vector<512x64xf32>, vector<512x64xf32> -> vector<512x256xf32>
    %slice3A_916 = vector.extract_strided_slice %get3A_512 {offsets = [0, 768], sizes = [512, 256], strides = [1, 1]} : vector<512x2048xf32> to vector<512x256xf32>
    %mul3A_917 = arith.mulf %concatenate3A_915, %slice3A_916 : vector<512x256xf32>
    %add3A_918 = arith.addf %add3A_906, %mul3A_917 : vector<512x256xf32>
    %broadcast_in_dim3A_919 = vector.shape_cast %slice3A_783 : vector<512x1xf32> to vector<512x1xf32>
    %broadcast_in_dim3A_920 = vector.broadcast %broadcast_in_dim3A_919 : vector<512x1xf32> to vector<512x64xf32>
    %broadcast_in_dim3A_921 = vector.shape_cast %slice3A_811 : vector<512x1xf32> to vector<512x1xf32>
    %broadcast_in_dim3A_922 = vector.broadcast %broadcast_in_dim3A_921 : vector<512x1xf32> to vector<512x64xf32>
    %broadcast_in_dim3A_923 = vector.shape_cast %slice3A_839 : vector<512x1xf32> to vector<512x1xf32>
    %broadcast_in_dim3A_924 = vector.broadcast %broadcast_in_dim3A_923 : vector<512x1xf32> to vector<512x64xf32>
    %broadcast_in_dim3A_925 = vector.shape_cast %slice3A_867 : vector<512x1xf32> to vector<512x1xf32>
    %broadcast_in_dim3A_926 = vector.broadcast %broadcast_in_dim3A_925 : vector<512x1xf32> to vector<512x64xf32>
    %concatenate3A_927 = tpu.concatenate %broadcast_in_dim3A_920, %broadcast_in_dim3A_922, %broadcast_in_dim3A_924, %broadcast_in_dim3A_926 in 1 : vector<512x64xf32>, vector<512x64xf32>, vector<512x64xf32>, vector<512x64xf32> -> vector<512x256xf32>
    %slice3A_928 = vector.extract_strided_slice %get3A_512 {offsets = [0, 1024], sizes = [512, 256], strides = [1, 1]} : vector<512x2048xf32> to vector<512x256xf32>
    %mul3A_929 = arith.mulf %concatenate3A_927, %slice3A_928 : vector<512x256xf32>
    %add3A_930 = arith.addf %add3A_918, %mul3A_929 : vector<512x256xf32>
    %broadcast_in_dim3A_931 = vector.shape_cast %slice3A_784 : vector<512x1xf32> to vector<512x1xf32>
    %broadcast_in_dim3A_932 = vector.broadcast %broadcast_in_dim3A_931 : vector<512x1xf32> to vector<512x64xf32>
    %broadcast_in_dim3A_933 = vector.shape_cast %slice3A_812 : vector<512x1xf32> to vector<512x1xf32>
    %broadcast_in_dim3A_934 = vector.broadcast %broadcast_in_dim3A_933 : vector<512x1xf32> to vector<512x64xf32>
    %broadcast_in_dim3A_935 = vector.shape_cast %slice3A_840 : vector<512x1xf32> to vector<512x1xf32>
    %broadcast_in_dim3A_936 = vector.broadcast %broadcast_in_dim3A_935 : vector<512x1xf32> to vector<512x64xf32>
    %broadcast_in_dim3A_937 = vector.shape_cast %slice3A_868 : vector<512x1xf32> to vector<512x1xf32>
    %broadcast_in_dim3A_938 = vector.broadcast %broadcast_in_dim3A_937 : vector<512x1xf32> to vector<512x64xf32>
    %concatenate3A_939 = tpu.concatenate %broadcast_in_dim3A_932, %broadcast_in_dim3A_934, %broadcast_in_dim3A_936, %broadcast_in_dim3A_938 in 1 : vector<512x64xf32>, vector<512x64xf32>, vector<512x64xf32>, vector<512x64xf32> -> vector<512x256xf32>
    %slice3A_940 = vector.extract_strided_slice %get3A_512 {offsets = [0, 1280], sizes = [512, 256], strides = [1, 1]} : vector<512x2048xf32> to vector<512x256xf32>
    %mul3A_941 = arith.mulf %concatenate3A_939, %slice3A_940 : vector<512x256xf32>
    %add3A_942 = arith.addf %add3A_930, %mul3A_941 : vector<512x256xf32>
    %broadcast_in_dim3A_943 = vector.shape_cast %slice3A_785 : vector<512x1xf32> to vector<512x1xf32>
    %broadcast_in_dim3A_944 = vector.broadcast %broadcast_in_dim3A_943 : vector<512x1xf32> to vector<512x64xf32>
    %broadcast_in_dim3A_945 = vector.shape_cast %slice3A_813 : vector<512x1xf32> to vector<512x1xf32>
    %broadcast_in_dim3A_946 = vector.broadcast %broadcast_in_dim3A_945 : vector<512x1xf32> to vector<512x64xf32>
    %broadcast_in_dim3A_947 = vector.shape_cast %slice3A_841 : vector<512x1xf32> to vector<512x1xf32>
    %broadcast_in_dim3A_948 = vector.broadcast %broadcast_in_dim3A_947 : vector<512x1xf32> to vector<512x64xf32>
    %broadcast_in_dim3A_949 = vector.shape_cast %slice3A_869 : vector<512x1xf32> to vector<512x1xf32>
    %broadcast_in_dim3A_950 = vector.broadcast %broadcast_in_dim3A_949 : vector<512x1xf32> to vector<512x64xf32>
    %concatenate3A_951 = tpu.concatenate %broadcast_in_dim3A_944, %broadcast_in_dim3A_946, %broadcast_in_dim3A_948, %broadcast_in_dim3A_950 in 1 : vector<512x64xf32>, vector<512x64xf32>, vector<512x64xf32>, vector<512x64xf32> -> vector<512x256xf32>
    %slice3A_952 = vector.extract_strided_slice %get3A_512 {offsets = [0, 1536], sizes = [512, 256], strides = [1, 1]} : vector<512x2048xf32> to vector<512x256xf32>
    %mul3A_953 = arith.mulf %concatenate3A_951, %slice3A_952 : vector<512x256xf32>
    %add3A_954 = arith.addf %add3A_942, %mul3A_953 : vector<512x256xf32>
    %broadcast_in_dim3A_955 = vector.shape_cast %slice3A_786 : vector<512x1xf32> to vector<512x1xf32>
    %broadcast_in_dim3A_956 = vector.broadcast %broadcast_in_dim3A_955 : vector<512x1xf32> to vector<512x64xf32>
    %broadcast_in_dim3A_957 = vector.shape_cast %slice3A_814 : vector<512x1xf32> to vector<512x1xf32>
    %broadcast_in_dim3A_958 = vector.broadcast %broadcast_in_dim3A_957 : vector<512x1xf32> to vector<512x64xf32>
    %broadcast_in_dim3A_959 = vector.shape_cast %slice3A_842 : vector<512x1xf32> to vector<512x1xf32>
    %broadcast_in_dim3A_960 = vector.broadcast %broadcast_in_dim3A_959 : vector<512x1xf32> to vector<512x64xf32>
    %broadcast_in_dim3A_961 = vector.shape_cast %slice3A_870 : vector<512x1xf32> to vector<512x1xf32>
    %broadcast_in_dim3A_962 = vector.broadcast %broadcast_in_dim3A_961 : vector<512x1xf32> to vector<512x64xf32>
    %concatenate3A_963 = tpu.concatenate %broadcast_in_dim3A_956, %broadcast_in_dim3A_958, %broadcast_in_dim3A_960, %broadcast_in_dim3A_962 in 1 : vector<512x64xf32>, vector<512x64xf32>, vector<512x64xf32>, vector<512x64xf32> -> vector<512x256xf32>
    %slice3A_964 = vector.extract_strided_slice %get3A_512 {offsets = [0, 1792], sizes = [512, 256], strides = [1, 1]} : vector<512x2048xf32> to vector<512x256xf32>
    %mul3A_965 = arith.mulf %concatenate3A_963, %slice3A_964 : vector<512x256xf32>
    %add3A_966 = arith.addf %add3A_954, %mul3A_965 : vector<512x256xf32>
    %convert_element_type3A_967 = arith.truncf %add3A_966 : vector<512x256xf32> to vector<512x256xbf16>
    %get3A_968 = arith.constant 0 : index
    %get3A_969 = arith.constant 0 : index
    %get3A_970 = vector.load %arg18[%get3A_968, %get3A_969] : memref<256x256xbf16, #tpu.memory_space<vmem>>, vector<256x256xbf16>
    %dot_general3A_971 = arith.constant dense<0.000000e+00> : vector<512x256xf32>
    %dot_general3A_972 = tpu.matmul %convert_element_type3A_967, %get3A_970, %dot_general3A_971 {dimension_numbers = #tpu.dot_dimension_numbers<[1], [0], [0], [1], [0, 0, 1, 1], [], []>, transpose_lhs_hint = false} : vector<512x256xbf16>, vector<256x256xbf16>, vector<512x256xf32> -> vector<512x256xf32>
    %add3A_973 = arith.addf %add3A_486, %dot_general3A_972 : vector<512x256xf32>
    %get3A_974 = arith.constant 0 : index
    %get3A_975 = arith.constant 0 : index
    %get3A_976 = vector.load %arg19[%get3A_974, %get3A_975] : memref<1x256xf32, #tpu.memory_space<vmem>>, vector<1x256xf32>
    %add3A_977 = vector.broadcast %get3A_976 : vector<1x256xf32> to vector<512x256xf32>
    %add3A_978 = arith.addf %add3A_973, %add3A_977 : vector<512x256xf32>
    %swap3A = arith.constant 0 : index
    %swap3A_979 = arith.constant 0 : index
    %swap3A_980 = arith.constant 0 : index
    %swap3A_981 = vector.load %arg20[%swap3A, %swap3A_979, %swap3A_980] : memref<1x512x256xf32, #tpu.memory_space<vmem>>, vector<1x512x256xf32>
    %swap3A_982 = vector.shape_cast %swap3A_981 : vector<1x512x256xf32> to vector<512x256xf32>
    %swap3A_983 = vector.shape_cast %add3A_978 : vector<512x256xf32> to vector<1x512x256xf32>
    tpu.vector_store %arg20[%swap3A, %swap3A_979, %swap3A_980], %swap3A_983 {strides = array<i32>} : memref<1x512x256xf32, #tpu.memory_space<vmem>>, vector<1x512x256xf32>,
    return
  }
  func.func @transform_0(%arg0: i32, %arg1: i32) -> (i32, i32, i32) {
    %c0_i32 = arith.constant 0 : i32
    %c0_i32_0 = arith.constant 0 : i32
    return %arg0, %arg1, %c0_i32 : i32, i32, i32
  }
  func.func @transform_1(%arg0: i32, %arg1: i32) -> (i32, i32) {
    %c0_i32 = arith.constant 0 : i32
    %c0_i32_0 = arith.constant 0 : i32
    %c0_i32_1 = arith.constant 0 : i32
    return %c0_i32, %c0_i32_0 : i32, i32
  }
  func.func @transform_2(%arg0: i32, %arg1: i32) -> (i32, i32) {
    %c0_i32 = arith.constant 0 : i32
    %c0_i32_0 = arith.constant 0 : i32
    %c0_i32_1 = arith.constant 0 : i32
    return %c0_i32, %c0_i32_0 : i32, i32
  }
  func.func @transform_3(%arg0: i32, %arg1: i32) -> (i32, i32, i32) {
    %c0_i32 = arith.constant 0 : i32
    %c0_i32_0 = arith.constant 0 : i32
    return %arg0, %arg1, %c0_i32 : i32, i32, i32
  }
  func.func @transform_4(%arg0: i32, %arg1: i32) -> (i32, i32, i32) {
    %c0_i32 = arith.constant 0 : i32
    %c0_i32_0 = arith.constant 0 : i32
    return %arg0, %arg1, %c0_i32 : i32, i32, i32
  }
  func.func @transform_5(%arg0: i32, %arg1: i32) -> (i32, i32, i32) {
    %c0_i32 = arith.constant 0 : i32
    %c0_i32_0 = arith.constant 0 : i32
    return %arg0, %arg1, %c0_i32 : i32, i32, i32
  }
  func.func @transform_6(%arg0: i32, %arg1: i32) -> (i32, i32, i32) {
    %c0_i32 = arith.constant 0 : i32
    %c0_i32_0 = arith.constant 0 : i32
    return %arg0, %arg1, %c0_i32 : i32, i32, i32
  }
  func.func @transform_7(%arg0: i32, %arg1: i32) -> (i32, i32, i32) {
    %c0_i32 = arith.constant 0 : i32
    %c0_i32_0 = arith.constant 0 : i32
    return %arg0, %arg1, %c0_i32 : i32, i32, i32
  }
  func.func @transform_8(%arg0: i32, %arg1: i32) -> (i32, i32, i32) {
    %c0_i32 = arith.constant 0 : i32
    %c0_i32_0 = arith.constant 0 : i32
    return %arg0, %arg1, %c0_i32 : i32, i32, i32
  }
  func.func @transform_9(%arg0: i32, %arg1: i32) -> (i32, i32, i32) {
    %c0_i32 = arith.constant 0 : i32
    %c0_i32_0 = arith.constant 0 : i32
    return %arg0, %arg1, %c0_i32 : i32, i32, i32
  }
  func.func @transform_10(%arg0: i32, %arg1: i32) -> (i32, i32) {
    %c0_i32 = arith.constant 0 : i32
    %c0_i32_0 = arith.constant 0 : i32
    %c0_i32_1 = arith.constant 0 : i32
    return %c0_i32, %c0_i32_0 : i32, i32
  }
  func.func @transform_11(%arg0: i32, %arg1: i32) -> (i32, i32) {
    %c0_i32 = arith.constant 0 : i32
    %c0_i32_0 = arith.constant 0 : i32
    %c0_i32_1 = arith.constant 0 : i32
    return %c0_i32, %c0_i32_0 : i32, i32
  }
  func.func @transform_12(%arg0: i32, %arg1: i32) -> (i32, i32) {
    %c0_i32 = arith.constant 0 : i32
    %c0_i32_0 = arith.constant 0 : i32
    %c0_i32_1 = arith.constant 0 : i32
    return %c0_i32, %c0_i32_0 : i32, i32
  }
  func.func @transform_13(%arg0: i32, %arg1: i32) -> (i32, i32) {
    %c0_i32 = arith.constant 0 : i32
    %c0_i32_0 = arith.constant 0 : i32
    %c0_i32_1 = arith.constant 0 : i32
    return %c0_i32, %c0_i32_0 : i32, i32
  }
  func.func @transform_14(%arg0: i32, %arg1: i32) -> (i32, i32) {
    %c0_i32 = arith.constant 0 : i32
    %c0_i32_0 = arith.constant 0 : i32
    %c0_i32_1 = arith.constant 0 : i32
    return %c0_i32, %c0_i32_0 : i32, i32
  }
  func.func @transform_15(%arg0: i32, %arg1: i32) -> (i32, i32) {
    %c0_i32 = arith.constant 0 : i32
    %c0_i32_0 = arith.constant 0 : i32
    %c0_i32_1 = arith.constant 0 : i32
    return %c0_i32, %c0_i32_0 : i32, i32
  }
  func.func @transform_16(%arg0: i32, %arg1: i32) -> (i32, i32) {
    %c0_i32 = arith.constant 0 : i32
    %c0_i32_0 = arith.constant 0 : i32
    %c0_i32_1 = arith.constant 0 : i32
    return %c0_i32, %c0_i32_0 : i32, i32
  }
  func.func @transform_17(%arg0: i32, %arg1: i32) -> (i32, i32) {
    %c0_i32 = arith.constant 0 : i32
    %c0_i32_0 = arith.constant 0 : i32
    %c0_i32_1 = arith.constant 0 : i32
    return %c0_i32, %c0_i32_0 : i32, i32
  }
  func.func @transform_18(%arg0: i32, %arg1: i32) -> (i32, i32, i32) {
    %c0_i32 = arith.constant 0 : i32
    %c0_i32_0 = arith.constant 0 : i32
    return %arg0, %arg1, %c0_i32 : i32, i32, i32
  }
}

</mosaic_0001>

<sc_bundles>
// kernel: kernel.10.cloned.1.call-start
scs
__scs_entry_jumppad:
0x0: {  	(pc) =	sbr.rel $0x88, $3  }
0x1: {  	(tag) =	ssettag $0x0;
	lr =	simm.s32 $0x1  }
0x2: {  	[smem:$0x3F91] =	sst lr;
	_ =	strace $0xD0000000  }
0x3: {  	_ = 	snop  }
0x4: {  	_ = 	snop  }
0x5: {  	_ = 	snop  }
0x6: {  	_ = 	snop  }
0x7: {  	_ = 	snop  }
__scs_overlays_trampoline_lowered:
0x8: {  	[smem:$0x3FA0] =	sst s0  }
0x9: {  	[smem:$0x3FA1] =	sst s1  }
0xa: {  	[smem:$0x3FA2] =	sst s2  }
0xb: {  	[smem:$0x3FA3] =	sst s3  }
0xc: {  	[smem:$0x3FA4] =	sst s4  }
0xd: {  	[smem:$0x3FA5] =	sst s5  }
0xe: {  	[smem:$0x3FA6] =	sst s6  }
0xf: {  	[smem:$0x3FA7] =	sst s7  }
0x10: {  	[smem:$0x3FA8] =	sst s8  }
0x11: {  	[smem:$0x3FA9] =	sst s9;
	s0 =	simm.s32 @!p0 $0x0  }
0x12: {  	s1 =	sld [smem:$0x3F8F];
	s0 =	simm.s32 @p0 $0x1  }
0x13: {  	[smem:$0x3FAA] =	sst s0;
	s0 =	simm.s32 @!p1 $0x0  }
0x14: {  	s2 =	sld [smem:$0x3F8E];
	s0 =	simm.s32 @p1 $0x1  }
0x15: {  	[smem:$0x3FAB] =	sst s0;
	s0 =	simm.s32 @!p2 $0x0  }
0x16: {  	s3 =	sld [smem:$0x3FDB];
	s0 =	simm.s32 @p2 $0x1  }
0x17: {  	s4 =	simm.s32 $0x1BF5;
	[smem:$0x3FAD] =	sst s0  }
0x18: {  	s0 =	sld [smem:$0x3F90];
	_ =	swait.ge [sflag:s4], $0x0  }
0x19: {  	s7 =	sld [smem:$0x3F91]  }
0x1a: {  	s8 =	sadd.s32 $0xFFFFE003, lr  }
0x1b: {  	s9 =	sadd.s32 $0xFFFFFEF7, lr;
	s5 =	simm.s32 $0xFFFFFFFF;
	p2 =	slt.u32 s8, $0xFFFFF086  }
0x1c: {  	p1 =	slt.u32 s9, $0xF7A;
	s5 =	simm.s32 @!p2 $0x0  }
0x1d: {  	s5 =	simm.s32 @p1 $0x1;
	p0 =	seq.s32 s7, s2  }
0x1e: {  	s7 =	smul.u32 @!p0 $0xF7A, s2;
	p2 =	seq.s32 @!p0 s5, $0x0  }
0x1f: {  	s9 =	smul.u32 $0xF7A, s1;
	s8 =	simm.s32 @!p0 $0x1BF5;
	p2 =	por !p2, p0  }
0x20: {  	[sflag:s8] =	ssyncset.s32 @!p0 $0xFFFFF086;
	s6 =	sadd.s32 @!p0 s3, s7;
	s7 =	simm.s32 @!p0 $0x108  }
0x21: {  	s3 =	sadd.s32 s3, s9;
	s6 =	sadd.s32 @!p0 $0x88, s6;
	s7 =	simm.s32 @p2 $0x1082  }
0x22: {  	[simem:s7], [sflag:s8] =	dma.local @!p0 [hbm:s6], $0xF7A  }
0x23: {  	s9 =	sor.u32 $0xD0000000, s2;
	s6 =	simm.s32 $0x108;
	_ =	swait.ge @!p0 [sflag:s8], $0x0  }
0x24: {  	s3 =	sadd.s32 $0x88, s3;
	s6 =	simm.s32 @!p1 $0x1082;
	[sflag:s4] =	ssyncset.s32 $0xFFFFF086  }
0x25: {  	[simem:s6], [sflag:s4] =	dma.local [hbm:s3], $0xF7A  }
0x26: {  	[smem:$0x3F91] =	sst s1;
	(tag) =	ssettag s2;
	_ =	strace s9  }
0x27: {  	s1 =	sld [smem:$0x3FA1]  }
0x28: {  	s2 =	sld [smem:$0x3FA2]  }
0x29: {  	s4 =	sld [smem:$0x3FA4]  }
0x2a: {  	p0 =	seq.s32 s5, $0x0;
	s5 =	sld [smem:$0x3FA5]  }
0x2b: {  	s6 =	sld [smem:$0x3FA6]  }
0x2c: {  	s7 =	sld [smem:$0x3FA7]  }
0x2d: {  	s3 =	simm.s32 $0x108;
	s8 =	sld [smem:$0x3FA8]  }
0x2e: {  	s3 =	simm.s32 @!p0 $0x1082;
	s9 =	sld [smem:$0x3FA9]  }
0x2f: {  	lr =	sadd.s32 s0, s3;
	s0 =	sld [smem:$0x3FA0]  }
0x30: {  	s3 =	sld [smem:$0x3FA3]  }
0x31: {  	[smem:$0x3FAC] =	sst s10  }
0x32: {  	s10 =	sld [smem:$0x3FAA];
	_ =	sdelay $0x3  }
0x33: {  	p0 =	seq.s32 s10, $0x1;
	s10 =	sld [smem:$0x3FAC];
	_ =	sdelay $0x3  }
0x34: {  	[smem:$0x3FAC] =	sst s10  }
0x35: {  	s10 =	sld [smem:$0x3FAB];
	_ =	sdelay $0x3  }
0x36: {  	p1 =	seq.s32 s10, $0x1;
	s10 =	sld [smem:$0x3FAC];
	_ =	sdelay $0x3  }
0x37: {  	[smem:$0x3FAC] =	sst s10  }
0x38: {  	s10 =	sld [smem:$0x3FAD]  }
0x39: {  	_ = 	snop;
	(pc) =	sbr.ind lr, $3  }
0x3a: {  	_ = 	snop  }
0x3b: {  	_ = 	snop  }
0x3c: {  	p2 =	seq.s32 s10, $0x1;
	s10 =	sld [smem:$0x3FAC]  }
0x3d: {  	_ =	shalt  }
0x3e: {  	_ =	shalt  }
0x3f: {  	_ =	shalt  }
0x40: {  	_ =	shalt  }
0x41: {  	_ =	shalt  }
0x42: {  	_ =	shalt  }
0x43: {  	_ =	shalt  }
0x44: {  	_ =	shalt  }
0x45: {  	_ =	shalt  }
0x46: {  	_ =	shalt  }
0x47: {  	_ =	shalt  }
0x48: {  	_ =	shalt  }
0x49: {  	_ =	shalt  }
0x4a: {  	_ =	shalt  }
0x4b: {  	_ =	shalt  }
0x4c: {  	_ =	shalt  }
0x4d: {  	_ =	shalt  }
0x4e: {  	_ =	shalt  }
0x4f: {  	_ =	shalt  }
0x50: {  	_ =	shalt  }
0x51: {  	_ =	shalt  }
0x52: {  	_ =	shalt  }
0x53: {  	_ =	shalt  }
0x54: {  	_ =	shalt  }
0x55: {  	_ =	shalt  }
0x56: {  	_ =	shalt  }
0x57: {  	_ =	shalt  }
0x58: {  	_ =	shalt  }
0x59: {  	_ =	shalt  }
0x5a: {  	_ =	shalt  }
0x5b: {  	_ =	shalt  }
0x5c: {  	_ =	shalt  }
0x5d: {  	_ =	shalt  }
0x5e: {  	_ =	shalt  }
0x5f: {  	_ =	shalt  }
0x60: {  	_ =	shalt  }
0x61: {  	_ =	shalt  }
0x62: {  	_ =	shalt  }
0x63: {  	_ =	shalt  }
0x64: {  	_ =	shalt  }
0x65: {  	_ =	shalt  }
0x66: {  	_ =	shalt  }
0x67: {  	_ =	shalt  }
0x68: {  	_ =	shalt  }
0x69: {  	_ =	shalt  }
0x6a: {  	_ =	shalt  }
0x6b: {  	_ =	shalt  }
0x6c: {  	_ =	shalt  }
0x6d: {  	_ =	shalt  }
0x6e: {  	_ =	shalt  }
0x6f: {  	_ =	shalt  }
0x70: {  	_ =	shalt  }
0x71: {  	_ =	shalt  }
0x72: {  	_ =	shalt  }
0x73: {  	_ =	shalt  }
0x74: {  	_ =	shalt  }
0x75: {  	_ =	shalt  }
0x76: {  	_ =	shalt  }
0x77: {  	_ =	shalt  }
0x78: {  	_ =	shalt  }
0x79: {  	_ =	shalt  }
0x7a: {  	_ =	shalt  }
0x7b: {  	_ =	shalt  }
0x7c: {  	_ =	shalt  }
0x7d: {  	_ =	shalt  }
0x7e: {  	_ =	shalt  }
0x7f: {  	_ =	shalt  }
0x80: {  	_ =	shalt  }
0x81: {  	_ =	shalt  }
0x82: {  	_ =	shalt  }
0x83: {  	_ =	shalt  }
0x84: {  	_ =	shalt  }
0x85: {  	_ =	shalt  }
0x86: {  	_ =	shalt  }
0x87: {  	_ =	shalt  }
.Lfunc_end0:
.L_simem_size_0:
called_computation_lowered:
.L_overlay_start_0:
0x88: {  	s2 =	sld [smem:$0x3FD9]  }
0x89: {  	s3 =	sld [smem:$0x3FFE];
	_ =	sdelay $0x1  }
0x8a: {  	s1 =	srdreg.scid  }
0x8b: {  	s0 =	sand.u32 $0x1, s1  }
0x8c: {  	s16 =	sshll.u32 s0, $0xA;
	s2 =	sadd.s32 s3, s2  }
0x8d: {  	s2 =	sadd.s32 s2, s16  }
0x8e: {  	[smem:$0x3FB8] =	sst s2  }
0x8f: {  	_ = 	snop  }
0x90: {  	(tm) =	ssettm $0x1  }
0x91: {  	s17 =	sld [smem:$0x3FFB];
	_ =	sdelay $0x3  }
0x92: {  	_ =	strace s17  }
0x93: {  	s2 =	sld [smem:$0x3FFC];
	_ =	sdelay $0x3  }
0x94: {  	_ =	strace s2  }
0x95: {  	s2 =	sld [smem:$0x3FFD];
	_ =	sdelay $0x3  }
0x96: {  	_ =	strace s2  }
0x97: {  	_ =	strace $0x8FFFFFFF  }
0x98: {  	s18 =	sld [smem:$0x3FDB];
	_ =	sdelay $0x1  }
0x99: {  	s19 =	simm.s32 $_scs_section_size  }
0x9a: {  	s4 =	simm.s32 $_size__tile_overlayer_lowered;
	s5 =	simm.s32 $_tile_overlayer_lowered  }
0x9b: {  	s22 =	simm.s32 $0x1BFF;
	s21 =	sshll.u32 s5, $0x1;
	s2 =	sadd.s32 s19, s18  }
0x9c: {  	s6 =	simm.s32 $0x0;
	s20 =	sshll.u32 s4, $0x1;
	s4 =	sadd.s32 s21, s2  }
0x9d: {  	[timem:s6], [sflag:s22] =	dma.local [hbm:s4], s20  }
0x9e: {  	_ =	swait.ge [sflag:s22], s20  }
0x9f: {  	s3 =	ssub.s32 $0x0, s20;
	[sflag:s22] =	ssyncset.done $0x0  }
0xa0: {  	[sflag:s22] =	ssyncadd.s32 s3;
	_ =	sdelay $0x1  }
0xa1: {  	s23 =	simm.s32 $0x1B8B  }
0xa2: {  	_ =	swait.ge [sflag:s23], $0x1  }
0xa3: {  	[sflag:s23] =	ssyncset.done $0x0  }
0xa4: {  	s25 =	simm.s32 $0x1B8E;
	s24 =	sld [smem:$0x3FFE];
	[sflag:s23] =	ssyncadd.s32 $0xFFFFFFFF  }
0xa5: {  	s26 =	simm.s32 $execute0_lowered;
	[smem:$0x3FD2] =	sst s25  }
0xa6: {  	s4 =	sshll.u32 s26, $0x1;
	_ =	strace $0x80000046;
	[dreg:$0x1] =	wrdreg $0xFFFFFFFF  }
0xa7: {  	s28 =	simm.s32 $_size_execute0_lowered;
	s2 =	sadd.s32 s2, s4;
	[dreg:$0x0] =	wrdreg $0x0  }
0xa8: {  	s4 =	sshll.u32 s28, $0x1;
	[dreg:$0x2] =	wrdreg s2  }
0xa9: {  	[dreg:$0x3] =	wrdreg s4  }
0xaa: {  	[dreg:$0x4] =	wrdreg $0xC0  }
0xab: {  	_ =	task [dreg:s6], $0x5FFFF  }
0xac: {  	[dreg:$0x1] =	wrdreg $0xFFFFFFFF  }
0xad: {  	[dreg:$0x0] =	wrdreg $0x60  }
0xae: {  	[dreg:$0x2] =	wrdreg s24  }
0xaf: {  	[dreg:$0x3] =	wrdreg $0x9  }
0xb0: {  	_ =	task.clear_ibuf [dreg:s6], $0x4FFFF;
	_ =	strace $0x90000046  }
0xb1: {  	s29 =	simm.s32 $0x9;
	_ =	strace $0x8000004F  }
0xb2: {  	_ =	swait.ge [sflag:s29], $0x1  }
0xb3: {  	[sflag:s29] =	ssyncadd.s32 $0xFFFFFFFF  }
0xb4: {  	_ =	strace $0x9000004F  }
0xb5: {  	_ =	sfence  }
0xb6: {  	s30 =	sld [smem:$0x0];
	_ =	sdelay $0x2  }
0xb7: {  	s31 =	sshll.u32 s1, $0xD;
	s1 =	sshrl.u32 s1, $0x2  }
0xb8: {  	s3 =	sand.u32 $0x4000, s31;
	s1 =	sadd.s32 s1, s30  }
0xb9: {  	s0 =	sor.u32 s3, s0;
	s1 =	sshll.u32 s1, $0x11  }
0xba: {  	s0 =	sor.u32 s1, s0  }
0xbb: {  	s0 =	sadd.s32 $0x8F2B, s0  }
0xbc: {  	[sflag:s0] =	ssyncadd.remote.s32 $0x1  }
0xbd: {  	_ =	sfence.sel $0xFFFF  }
0xbe: {  	[dreg:$0x0] =	wrdreg $0xFFFFFFFF;
	(pc) =	sbr.abs _section_cstart, $3  }
0xbf: {  	[dreg:$0x1] =	wrdreg $0xFFFFFFFF  }
0xc0: {  	_ =	task.clear_ibuf [dreg:s6], $0x2FFFF;
	_ =	strace $0x9FFFFFFF  }
0xc1: {  	(tm) =	ssettm $0x7FFFFFFF  }
tec
execute0_lowered:
.L_overlay_start_1:
0x0: {  	(tag) =	ssettag $0x1  }
0x1: {  	s5 =	rddreg [dreg:$0x0]  }
0x2: {  	s0 =	rddreg [dreg:$0x1];
	s1 =	simm.s32 $0x0  }
0x3: {  	s2 =	srdreg.scid;
	s9 =	simm.s32 $0x4;
	s10 =	simm.s32 $0x0  }
0x4: {  	[smem:$0x7FF] =	sst s1;
	s3 =	sadd.s32 $0x69E00, s5;
	s4 =	sadd.s32 $0x169E00, s5  }
0x5: {  	s6 =	sand.u32 $0x1, s2;
	s2 =	stileid.u32;
	s5 =	sadd.s32 $0x16BE00, s5  }
0x6: {  	_ =	strace $0x80000047;
	s7 =	ssub.s32 $0x2, s6;
	s6 =	sshll.u32 s6, $0x4  }
0x7: {  	v2 =	vlaneseq.u32;
	[dreg:$0x2] =	wrdreg s5;
	s8 =	sshrl.u32 s7, $0x1;
	s6 =	sor.u32 s2, s6  }
0x8: {  	vm0 =	vmmov $0xffff;
	v1 =	vshrl.u32 v2, $0x3;
	s7 =	ssub.s32 s7, s8;
	s31 =	sshll.u32 s6, $0x8;
	s5 =	sshll.u32 s6, $0x4  }
0x9: {  	v0 =	vand.u32 $0x7, v2;
	v2 =	vor.u32 $0x8, v2;
	v1 =	vmul.u32 $0x8, v1;
	s8 =	simm.s32 $0x5;
	s6 =	sadd.s32 s4, s31;
	s7 =	smax.u32 s7, $0x1  }
.LBB2_1:
0xa: {  	_ =	strace $0x80000048;
	s11 =	simm.s32 $0x10  }
0xb: {  	s12 =	simm.s32 $0x0;
	s13 =	simm.s32 $0x0;
	s14 =	simm.s32 $0x0  }
0xc: {  	[tilespmem:s1], [sflag:$0x1] =	stream.linear.gather [hbm4b:s6+s1], $0x80, $0x200038;
	[tilespmem:$0x10100] =	vst v63  }
0xd: {  	s15 =	simm.s32 $0x0;
	s16 =	simm.s32 $0x1;
	_ =	strace $0x90000048  }
.LBB2_2:
0xe: {  	s17 =	smov.u32 s12;
	s12 =	sadd.s32 $0x1, s12  }
0xf: {  	p0 =	seq.s32 s12, $0x10  }
0x10: {  	s12 =	simm.s32 @p0 $0x0  }
0x11: {  	p6 =	sne.s32 s11, $0x1;
	p1 =	sne.s32 s17, s12  }
0x12: {  	p0 =	por !p6, !p1  }
0x13: {  	p0 =	por !p0, !p0  }
0x14: {  	s18 =	sadd.s32 @p0 s5, s12  }
0x15: {  	s19 =	sand.u32 @p0 $0x1, s16;
	s18 =	sshll.u32 @p0 s18, $0x4  }
0x16: {  	_ =	strace @p0 $0x80000049;
	s21 =	simm.s32 @p0 $0x0;
	s18 =	sand.u32 @p0 $0x1FFFFFF0, s18  }
0x17: {  	s20 =	sshll.u32 @p0 s19, $0x7;
	s19 =	sadd.s32 @p0 $0x1, s19;
	s18 =	sadd.s32 @p0 s4, s18  }
0x18: {  	[tilespmem:s20], [sflag:s19] =	stream.linear.gather @p0 [hbm4b:s18+s21], $0x80, $0x200038;
	[tilespmem:$0x10100] =	vst v63  }
0x19: {  	s24 =	sand.u32 $0x1, s15;
	_ =	strace @p0 $0x90000049  }
0x1a: {  	s18 =	sadd.s32 $0x1, s24;
	_ =	strace $0x8000004A  }
0x1b: {  	_ =	swait.ge [sflag:s18], $0x80  }
0x1c: {  	[sflag:s18] =	ssyncset.done $0x0  }
0x1d: {  	[sflag:s18] =	ssyncadd.s32 $0xFFFFFF80  }
0x1e: {  	s25 =	sshll.u32 s15, $0x7;
	_ =	strace $0x9000004A  }
0x1f: {  	s21 =	sand.u32 $0x80, s25;
	_ =	strace $0x8000004B  }
0x20: {  	v3 =	vld [tilespmem:s21+$0x0];
	_ =	sdelay $0x4  }
0x21: {  	v4 =	vshll.u32 v3, $0x1  }
0x22: {  	v3 =	vand.u32 $0x7, v3;
	v4 =	vand.u32 $0xFFFFFFF0, v4  }
0x23: {  	v3 =	vor.u32 v3, v4  }
0x24: {  	v4 =	vperm.xlane v3, v0;
	_ =	sdelay $0x1  }
0x25: {  	v3 =	vperm.xlane v3, v2;
	v4 =	vadd.s32 v1, v4;
	_ =	sdelay $0x1  }
0x26: {  	s18 =	sand.u32 $0x1, s14;
	v3 =	vadd.s32 v1, v3  }
0x27: {  	s20 =	sshll.u32 s18, $0xF  }
0x28: {  	s19 =	sor.u32 $0x100, s20  }
0x29: {  	[tilespmem:s19], [sflag:$0x5] =	stream.indirect_vreg.gather [hbm4b:s3+s1], $0x80, v4, vm0, $0x2000b8;
	[tilespmem:$0x10100] =	vst v63  }
0x2a: {  	s22 =	sor.u32 $0x900, s20  }
0x2b: {  	[tilespmem:s22], [sflag:$0x5] =	stream.indirect_vreg.gather [hbm4b:s3+s1], $0x80, v3, vm0, $0x2000b8;
	[tilespmem:$0x10100] =	vst v63  }
0x2c: {  	v3 =	vld [tilespmem:s21+$0x10];
	_ =	sdelay $0x4  }
0x2d: {  	v57 =	vshll.u32 v3, $0x1  }
0x2e: {  	v3 =	vand.u32 $0x7, v3;
	v4 =	vand.u32 $0xFFFFFFF0, v57  }
0x2f: {  	v3 =	vor.u32 v3, v4  }
0x30: {  	v4 =	vperm.xlane v3, v0;
	_ =	sdelay $0x1  }
0x31: {  	v3 =	vperm.xlane v3, v2;
	v4 =	vadd.s32 v1, v4;
	_ =	sdelay $0x1  }
0x32: {  	v3 =	vadd.s32 v1, v3;
	_ =	sdelay $0x1  }
0x33: {  	s26 =	sor.u32 $0x1100, s20  }
0x34: {  	[tilespmem:s26], [sflag:$0x5] =	stream.indirect_vreg.gather [hbm4b:s3+s1], $0x80, v4, vm0, $0x2000b8;
	[tilespmem:$0x10100] =	vst v63  }
0x35: {  	s28 =	sor.u32 $0x1900, s20  }
0x36: {  	[tilespmem:s28], [sflag:$0x5] =	stream.indirect_vreg.gather [hbm4b:s3+s1], $0x80, v3, vm0, $0x2000b8;
	[tilespmem:$0x10100] =	vst v63  }
0x37: {  	v3 =	vld [tilespmem:s21+$0x20];
	_ =	sdelay $0x4  }
0x38: {  	v58 =	vshll.u32 v3, $0x1  }
0x39: {  	v3 =	vand.u32 $0x7, v3;
	v4 =	vand.u32 $0xFFFFFFF0, v58  }
0x3a: {  	v3 =	vor.u32 v3, v4  }
0x3b: {  	v4 =	vperm.xlane v3, v0;
	_ =	sdelay $0x1  }
0x3c: {  	v3 =	vperm.xlane v3, v2;
	v4 =	vadd.s32 v1, v4;
	_ =	sdelay $0x1  }
0x3d: {  	v3 =	vadd.s32 v1, v3;
	_ =	sdelay $0x1  }
0x3e: {  	s29 =	sor.u32 $0x2100, s20  }
0x3f: {  	[tilespmem:s29], [sflag:$0x5] =	stream.indirect_vreg.gather [hbm4b:s3+s1], $0x80, v4, vm0, $0x2000b8;
	[tilespmem:$0x10100] =	vst v63  }
0x40: {  	s30 =	sor.u32 $0x2900, s20  }
0x41: {  	[tilespmem:s30], [sflag:$0x5] =	stream.indirect_vreg.gather [hbm4b:s3+s1], $0x80, v3, vm0, $0x2000b8;
	[tilespmem:$0x10100] =	vst v63  }
0x42: {  	v3 =	vld [tilespmem:s21+$0x30];
	_ =	sdelay $0x4  }
0x43: {  	v59 =	vshll.u32 v3, $0x1  }
0x44: {  	v3 =	vand.u32 $0x7, v3;
	v4 =	vand.u32 $0xFFFFFFF0, v59  }
0x45: {  	v3 =	vor.u32 v3, v4  }
0x46: {  	v4 =	vperm.xlane v3, v0;
	_ =	sdelay $0x1  }
0x47: {  	v3 =	vperm.xlane v3, v2;
	v4 =	vadd.s32 v1, v4;
	_ =	sdelay $0x1  }
0x48: {  	v3 =	vadd.s32 v1, v3;
	_ =	sdelay $0x1  }
0x49: {  	s31 =	sor.u32 $0x3100, s20  }
0x4a: {  	[tilespmem:s31], [sflag:$0x5] =	stream.indirect_vreg.gather [hbm4b:s3+s1], $0x80, v4, vm0, $0x2000b8;
	[tilespmem:$0x10100] =	vst v63  }
0x4b: {  	s23 =	sor.u32 $0x3900, s20  }
0x4c: {  	[tilespmem:s23], [sflag:$0x5] =	stream.indirect_vreg.gather [hbm4b:s3+s1], $0x80, v3, vm0, $0x2000b8;
	[tilespmem:$0x10100] =	vst v63  }
0x4d: {  	v3 =	vld [tilespmem:s21+$0x40];
	_ =	sdelay $0x4  }
0x4e: {  	v60 =	vshll.u32 v3, $0x1  }
0x4f: {  	v3 =	vand.u32 $0x7, v3;
	v4 =	vand.u32 $0xFFFFFFF0, v60  }
0x50: {  	v3 =	vor.u32 v3, v4  }
0x51: {  	v4 =	vperm.xlane v3, v0;
	_ =	sdelay $0x1  }
0x52: {  	v3 =	vperm.xlane v3, v2;
	v4 =	vadd.s32 v1, v4;
	_ =	sdelay $0x1  }
0x53: {  	v3 =	vadd.s32 v1, v3;
	_ =	sdelay $0x1  }
0x54: {  	s24 =	sor.u32 $0x4100, s20  }
0x55: {  	[tilespmem:s24], [sflag:$0x5] =	stream.indirect_vreg.gather [hbm4b:s3+s1], $0x80, v4, vm0, $0x2000b8;
	[tilespmem:$0x10100] =	vst v63  }
0x56: {  	s25 =	sor.u32 $0x4900, s20  }
0x57: {  	[tilespmem:s25], [sflag:$0x5] =	stream.indirect_vreg.gather [hbm4b:s3+s1], $0x80, v3, vm0, $0x2000b8;
	[tilespmem:$0x10100] =	vst v63  }
0x58: {  	v3 =	vld [tilespmem:s21+$0x50];
	_ =	sdelay $0x4  }
0x59: {  	v61 =	vshll.u32 v3, $0x1  }
0x5a: {  	v3 =	vand.u32 $0x7, v3;
	v4 =	vand.u32 $0xFFFFFFF0, v61  }
0x5b: {  	v3 =	vor.u32 v3, v4  }
0x5c: {  	v4 =	vperm.xlane v3, v0;
	_ =	sdelay $0x1  }
0x5d: {  	v3 =	vperm.xlane v3, v2;
	v4 =	vadd.s32 v1, v4;
	_ =	sdelay $0x1  }
0x5e: {  	v3 =	vadd.s32 v1, v3;
	_ =	sdelay $0x1  }
0x5f: {  	s26 =	sor.u32 $0x5100, s20  }
0x60: {  	[tilespmem:s26], [sflag:$0x5] =	stream.indirect_vreg.gather [hbm4b:s3+s1], $0x80, v4, vm0, $0x2000b8;
	[tilespmem:$0x10100] =	vst v63  }
0x61: {  	s28 =	sor.u32 $0x5900, s20  }
0x62: {  	[tilespmem:s28], [sflag:$0x5] =	stream.indirect_vreg.gather [hbm4b:s3+s1], $0x80, v3, vm0, $0x2000b8;
	[tilespmem:$0x10100] =	vst v63  }
0x63: {  	v3 =	vld [tilespmem:s21+$0x60];
	_ =	sdelay $0x4  }
0x64: {  	v62 =	vshll.u32 v3, $0x1  }
0x65: {  	v3 =	vand.u32 $0x7, v3;
	v4 =	vand.u32 $0xFFFFFFF0, v62  }
0x66: {  	v3 =	vor.u32 v3, v4  }
0x67: {  	v4 =	vperm.xlane v3, v0;
	_ =	sdelay $0x1  }
0x68: {  	v3 =	vperm.xlane v3, v2;
	v4 =	vadd.s32 v1, v4;
	_ =	sdelay $0x1  }
0x69: {  	v3 =	vadd.s32 v1, v3;
	_ =	sdelay $0x1  }
0x6a: {  	s29 =	sor.u32 $0x6100, s20  }
0x6b: {  	[tilespmem:s29], [sflag:$0x5] =	stream.indirect_vreg.gather [hbm4b:s3+s1], $0x80, v4, vm0, $0x2000b8;
	[tilespmem:$0x10100] =	vst v63  }
0x6c: {  	s30 =	sor.u32 $0x6900, s20  }
0x6d: {  	[tilespmem:s30], [sflag:$0x5] =	stream.indirect_vreg.gather [hbm4b:s3+s1], $0x80, v3, vm0, $0x2000b8;
	[tilespmem:$0x10100] =	vst v63  }
0x6e: {  	v3 =	vld [tilespmem:s21+$0x70];
	_ =	sdelay $0x4  }
0x6f: {  	v63 =	vshll.u32 v3, $0x1  }
0x70: {  	v3 =	vand.u32 $0x7, v3;
	v4 =	vand.u32 $0xFFFFFFF0, v63  }
0x71: {  	v3 =	vor.u32 v3, v4  }
0x72: {  	v4 =	vperm.xlane v3, v0;
	_ =	sdelay $0x1  }
0x73: {  	v3 =	vperm.xlane v3, v2;
	v4 =	vadd.s32 v1, v4;
	_ =	sdelay $0x1  }
0x74: {  	v3 =	vadd.s32 v1, v3;
	_ =	sdelay $0x1  }
0x75: {  	s31 =	sor.u32 $0x7100, s20  }
0x76: {  	[tilespmem:s31], [sflag:$0x5] =	stream.indirect_vreg.gather [hbm4b:s3+s1], $0x80, v4, vm0, $0x2000b8;
	[tilespmem:$0x10100] =	vst v63  }
0x77: {  	s20 =	sor.u32 $0x7900, s20  }
0x78: {  	[tilespmem:s20], [sflag:$0x5] =	stream.indirect_vreg.gather [hbm4b:s3+s1], $0x80, v3, vm0, $0x2000b8;
	[tilespmem:$0x10100] =	vst v63  }
0x79: {  	_ =	swait.ge [sflag:s8], $0x8000  }
0x7a: {  	p2 =	seq.s32 s11, $0x1;
	[sflag:s8] =	ssyncset.done $0x0  }
0x7b: {  	s17 =	sadd.s32 s5, s17;
	p1 =	por p2, p1;
	[sflag:s8] =	ssyncadd.s32 $0xFFFF8000  }
0x7c: {  	s17 =	sshll.u32 @p1 s17, $0xC;
	_ =	strace $0x9000004B  }
0x7d: {  	s17 =	sand.u32 @p1 $0x1FFFF000, s17;
	s21 =	simm.s32 $0x1;
	_ =	strace @p1 $0x8000004C  }
0x7e: {  	s18 =	sadd.s32 @p1 $0x3, s18;
	s21 =	simm.s32 @!p0 $0x0;
	s20 =	rddreg [dreg:$0x2]  }
0x7f: {  	p0 =	seq.s32 s11, $0x10;
	s17 =	sadd.s32 @p1 s20, s17;
	s20 =	simm.s32 @p1 $0x0  }
0x80: {  	[hbm4b:s17+s20] =	stream.linear.scatter @p1 [tilespmem:s19], [sflag:s18], $0x8000, $0x200038;
	[tilespmem:$0x10100] =	vst v63  }
0x81: {  	s17 =	simm.s32 $0x1;
	s19 =	simm.s32 $0x1;
	_ =	strace @p1 $0x9000004C  }
0x82: {  	s17 =	simm.s32 @!p1 $0x0;
	p1 =	sne.s32 s11, $0x10;
	s11 =	sadd.s32 $0xFFFFFFFF, s11  }
0x83: {  	s18 =	sand.u32 @!p0 $0x1, s13;
	s19 =	simm.s32 @!p1 $0x0;
	p1 =	sne.s32 s11, $0x0  }
.Ltmp0:
0x84: {  	s18 =	sadd.s32 @!p0 $0x3, s18;
	_ =	strace @!p0 $0x8000004D;
	(pc) =	sbr.rel @p1 .LBB2_2-.Ltmp0, $4  }
0x85: {  	_ =	swait.ge @!p0 [sflag:s18], $0x8000  }
0x86: {  	[sflag:s18] =	ssyncset.done @!p0 $0x0  }
0x87: {  	s16 =	sadd.s32 s21, s16;
	s14 =	sadd.s32 s17, s14;
	[sflag:s18] =	ssyncadd.s32 @!p0 $0xFFFF8000  }
0x88: {  	s15 =	sadd.s32 s17, s15;
	s13 =	sadd.s32 s19, s13;
	_ =	strace @!p0 $0x9000004D  }
0x89: {  	s10 =	sadd.s32 $0x1, s10  }
0x8a: {  	p0 =	sne.s32 s10, s7  }
.Ltmp1:
0x8b: {  	_ =	strace $0x8000004E;
	(pc) =	sbr.rel @p0 .LBB2_1-.Ltmp1, $4  }
0x8c: {  	_ =	swait.ge [sflag:s9], $0x8000  }
0x8d: {  	[sflag:s9] =	ssyncset.done $0x0  }
0x8e: {  	[sflag:s9] =	ssyncadd.s32 $0xFFFF8000  }
0x8f: {  	_ =	strace $0x9000004E  }
0x90: {  	_ =	sfence.sel $0x180000  }
0x91: {  	[bflag:$0x0] =	sbarrier.arrive $0xFFFF  }
0x92: {  	p0 =	sne.s32 s2, $0x0;
	_ =	strace $0x90000047  }
0x93: {  	s0 =	sadd.s32 @!p0 $0x100000, s0;
	[bflag:$0x2] =	sbarrier.arrive $0xFFFF  }
0x94: {  	[sflag:s0] =	ssyncadd.tile.s32 @!p0 $0x1;
	_ =	shalt  }
.Lfunc_end2:
_tile_overlayer_lowered:
.L_overlay_start_2:
0x95: {  	(tag) =	ssettag $0x2  }
0x96: {  	s0 =	rddreg [dreg:$0x0];
	s2 =	stileid.u32  }
0x97: {  	s1 =	rddreg [dreg:$0x1];
	p0 =	sne.s32 s2, $0x0  }
0x98: {  	s3 =	rddreg [dreg:$0x2];
	[bflag:$0x3] =	sbarrier.arrive $0xFFFF;
	s2 =	simm.s32 @!p0 $0x1C01  }
0x99: {  	[timem:s3], [sflag:s2] =	dma.local @!p0 [hbm:s0], s1  }
0x9a: {  	s0 =	simm.s32 @!p0 $0x1  }
0x9b: {  	_ =	swait.ge @!p0 [sflag:s0], s1  }
0x9c: {  	s1 =	ssub.s32 @!p0 $0x0, s1;
	[sflag:s0] =	ssyncset.done @!p0 $0x0  }
0x9d: {  	[sflag:s0] =	ssyncadd.s32 @!p0 s1  }
0x9e: {  	[bflag:$0x3] =	sbarrier.arrive $0xFFFF  }
0x9f: {  	_ =	shalt  }

// kernel: kernel.13.cloned.1.call-start
scs
__scs_entry_jumppad:
0x0: {  	(pc) =	sbr.rel $0x88, $3  }
0x1: {  	(tag) =	ssettag $0x0;
	lr =	simm.s32 $0x1  }
0x2: {  	[smem:$0x3F91] =	sst lr;
	_ =	strace $0xD0000000  }
0x3: {  	_ = 	snop  }
0x4: {  	_ = 	snop  }
0x5: {  	_ = 	snop  }
0x6: {  	_ = 	snop  }
0x7: {  	_ = 	snop  }
__scs_overlays_trampoline_lowered:
0x8: {  	[smem:$0x3FA0] =	sst s0  }
0x9: {  	[smem:$0x3FA1] =	sst s1  }
0xa: {  	[smem:$0x3FA2] =	sst s2  }
0xb: {  	[smem:$0x3FA3] =	sst s3  }
0xc: {  	[smem:$0x3FA4] =	sst s4  }
0xd: {  	[smem:$0x3FA5] =	sst s5  }
0xe: {  	[smem:$0x3FA6] =	sst s6  }
0xf: {  	[smem:$0x3FA7] =	sst s7  }
0x10: {  	[smem:$0x3FA8] =	sst s8  }
0x11: {  	[smem:$0x3FA9] =	sst s9;
	s0 =	simm.s32 @!p0 $0x0  }
0x12: {  	s1 =	sld [smem:$0x3F8F];
	s0 =	simm.s32 @p0 $0x1  }
0x13: {  	[smem:$0x3FAA] =	sst s0;
	s0 =	simm.s32 @!p1 $0x0  }
0x14: {  	s2 =	sld [smem:$0x3F8E];
	s0 =	simm.s32 @p1 $0x1  }
0x15: {  	[smem:$0x3FAB] =	sst s0;
	s0 =	simm.s32 @!p2 $0x0  }
0x16: {  	s3 =	sld [smem:$0x3FDB];
	s0 =	simm.s32 @p2 $0x1  }
0x17: {  	s4 =	simm.s32 $0x1BF5;
	[smem:$0x3FAD] =	sst s0  }
0x18: {  	s0 =	sld [smem:$0x3F90];
	_ =	swait.ge [sflag:s4], $0x0  }
0x19: {  	s7 =	sld [smem:$0x3F91]  }
0x1a: {  	s8 =	sadd.s32 $0xFFFFE003, lr  }
0x1b: {  	s9 =	sadd.s32 $0xFFFFFEF7, lr;
	s5 =	simm.s32 $0xFFFFFFFF;
	p2 =	slt.u32 s8, $0xFFFFF086  }
0x1c: {  	p1 =	slt.u32 s9, $0xF7A;
	s5 =	simm.s32 @!p2 $0x0  }
0x1d: {  	s5 =	simm.s32 @p1 $0x1;
	p0 =	seq.s32 s7, s2  }
0x1e: {  	s7 =	smul.u32 @!p0 $0xF7A, s2;
	p2 =	seq.s32 @!p0 s5, $0x0  }
0x1f: {  	s9 =	smul.u32 $0xF7A, s1;
	s8 =	simm.s32 @!p0 $0x1BF5;
	p2 =	por !p2, p0  }
0x20: {  	[sflag:s8] =	ssyncset.s32 @!p0 $0xFFFFF086;
	s6 =	sadd.s32 @!p0 s3, s7;
	s7 =	simm.s32 @!p0 $0x108  }
0x21: {  	s3 =	sadd.s32 s3, s9;
	s6 =	sadd.s32 @!p0 $0x88, s6;
	s7 =	simm.s32 @p2 $0x1082  }
0x22: {  	[simem:s7], [sflag:s8] =	dma.local @!p0 [hbm:s6], $0xF7A  }
0x23: {  	s9 =	sor.u32 $0xD0000000, s2;
	s6 =	simm.s32 $0x108;
	_ =	swait.ge @!p0 [sflag:s8], $0x0  }
0x24: {  	s3 =	sadd.s32 $0x88, s3;
	s6 =	simm.s32 @!p1 $0x1082;
	[sflag:s4] =	ssyncset.s32 $0xFFFFF086  }
0x25: {  	[simem:s6], [sflag:s4] =	dma.local [hbm:s3], $0xF7A  }
0x26: {  	[smem:$0x3F91] =	sst s1;
	(tag) =	ssettag s2;
	_ =	strace s9  }
0x27: {  	s1 =	sld [smem:$0x3FA1]  }
0x28: {  	s2 =	sld [smem:$0x3FA2]  }
0x29: {  	s4 =	sld [smem:$0x3FA4]  }
0x2a: {  	p0 =	seq.s32 s5, $0x0;
	s5 =	sld [smem:$0x3FA5]  }
0x2b: {  	s6 =	sld [smem:$0x3FA6]  }
0x2c: {  	s7 =	sld [smem:$0x3FA7]  }
0x2d: {  	s3 =	simm.s32 $0x108;
	s8 =	sld [smem:$0x3FA8]  }
0x2e: {  	s3 =	simm.s32 @!p0 $0x1082;
	s9 =	sld [smem:$0x3FA9]  }
0x2f: {  	lr =	sadd.s32 s0, s3;
	s0 =	sld [smem:$0x3FA0]  }
0x30: {  	s3 =	sld [smem:$0x3FA3]  }
0x31: {  	[smem:$0x3FAC] =	sst s10  }
0x32: {  	s10 =	sld [smem:$0x3FAA];
	_ =	sdelay $0x3  }
0x33: {  	p0 =	seq.s32 s10, $0x1;
	s10 =	sld [smem:$0x3FAC];
	_ =	sdelay $0x3  }
0x34: {  	[smem:$0x3FAC] =	sst s10  }
0x35: {  	s10 =	sld [smem:$0x3FAB];
	_ =	sdelay $0x3  }
0x36: {  	p1 =	seq.s32 s10, $0x1;
	s10 =	sld [smem:$0x3FAC];
	_ =	sdelay $0x3  }
0x37: {  	[smem:$0x3FAC] =	sst s10  }
0x38: {  	s10 =	sld [smem:$0x3FAD]  }
0x39: {  	_ = 	snop;
	(pc) =	sbr.ind lr, $3  }
0x3a: {  	_ = 	snop  }
0x3b: {  	_ = 	snop  }
0x3c: {  	p2 =	seq.s32 s10, $0x1;
	s10 =	sld [smem:$0x3FAC]  }
0x3d: {  	_ =	shalt  }
0x3e: {  	_ =	shalt  }
0x3f: {  	_ =	shalt  }
0x40: {  	_ =	shalt  }
0x41: {  	_ =	shalt  }
0x42: {  	_ =	shalt  }
0x43: {  	_ =	shalt  }
0x44: {  	_ =	shalt  }
0x45: {  	_ =	shalt  }
0x46: {  	_ =	shalt  }
0x47: {  	_ =	shalt  }
0x48: {  	_ =	shalt  }
0x49: {  	_ =	shalt  }
0x4a: {  	_ =	shalt  }
0x4b: {  	_ =	shalt  }
0x4c: {  	_ =	shalt  }
0x4d: {  	_ =	shalt  }
0x4e: {  	_ =	shalt  }
0x4f: {  	_ =	shalt  }
0x50: {  	_ =	shalt  }
0x51: {  	_ =	shalt  }
0x52: {  	_ =	shalt  }
0x53: {  	_ =	shalt  }
0x54: {  	_ =	shalt  }
0x55: {  	_ =	shalt  }
0x56: {  	_ =	shalt  }
0x57: {  	_ =	shalt  }
0x58: {  	_ =	shalt  }
0x59: {  	_ =	shalt  }
0x5a: {  	_ =	shalt  }
0x5b: {  	_ =	shalt  }
0x5c: {  	_ =	shalt  }
0x5d: {  	_ =	shalt  }
0x5e: {  	_ =	shalt  }
0x5f: {  	_ =	shalt  }
0x60: {  	_ =	shalt  }
0x61: {  	_ =	shalt  }
0x62: {  	_ =	shalt  }
0x63: {  	_ =	shalt  }
0x64: {  	_ =	shalt  }
0x65: {  	_ =	shalt  }
0x66: {  	_ =	shalt  }
0x67: {  	_ =	shalt  }
0x68: {  	_ =	shalt  }
0x69: {  	_ =	shalt  }
0x6a: {  	_ =	shalt  }
0x6b: {  	_ =	shalt  }
0x6c: {  	_ =	shalt  }
0x6d: {  	_ =	shalt  }
0x6e: {  	_ =	shalt  }
0x6f: {  	_ =	shalt  }
0x70: {  	_ =	shalt  }
0x71: {  	_ =	shalt  }
0x72: {  	_ =	shalt  }
0x73: {  	_ =	shalt  }
0x74: {  	_ =	shalt  }
0x75: {  	_ =	shalt  }
0x76: {  	_ =	shalt  }
0x77: {  	_ =	shalt  }
0x78: {  	_ =	shalt  }
0x79: {  	_ =	shalt  }
0x7a: {  	_ =	shalt  }
0x7b: {  	_ =	shalt  }
0x7c: {  	_ =	shalt  }
0x7d: {  	_ =	shalt  }
0x7e: {  	_ =	shalt  }
0x7f: {  	_ =	shalt  }
0x80: {  	_ =	shalt  }
0x81: {  	_ =	shalt  }
0x82: {  	_ =	shalt  }
0x83: {  	_ =	shalt  }
0x84: {  	_ =	shalt  }
0x85: {  	_ =	shalt  }
0x86: {  	_ =	shalt  }
0x87: {  	_ =	shalt  }
.Lfunc_end0:
.L_simem_size_0:
called_computation.1_lowered:
.L_overlay_start_0:
0x88: {  	s2 =	sld [smem:$0x3FD9]  }
0x89: {  	s3 =	sld [smem:$0x3FFE];
	_ =	sdelay $0x1  }
0x8a: {  	s1 =	srdreg.scid  }
0x8b: {  	s0 =	sand.u32 $0x1, s1  }
0x8c: {  	s17 =	sshll.u32 s0, $0xA;
	s2 =	sadd.s32 s3, s2  }
0x8d: {  	s2 =	sadd.s32 s2, s17  }
0x8e: {  	[smem:$0x3FB8] =	sst s2  }
0x8f: {  	_ = 	snop  }
0x90: {  	(tm) =	ssettm $0x1  }
0x91: {  	s18 =	sld [smem:$0x3FFB];
	_ =	sdelay $0x3  }
0x92: {  	_ =	strace s18  }
0x93: {  	s2 =	sld [smem:$0x3FFC];
	_ =	sdelay $0x3  }
0x94: {  	_ =	strace s2  }
0x95: {  	s2 =	sld [smem:$0x3FFD];
	_ =	sdelay $0x3  }
0x96: {  	_ =	strace s2  }
0x97: {  	_ =	strace $0x8FFFFFFF  }
0x98: {  	s19 =	sld [smem:$0x3FDB];
	_ =	sdelay $0x1  }
0x99: {  	s20 =	simm.s32 $_scs_section_size  }
0x9a: {  	s4 =	simm.s32 $_size__tile_overlayer_lowered;
	s5 =	simm.s32 $_tile_overlayer_lowered  }
0x9b: {  	s6 =	simm.s32 $0x1BFF;
	s21 =	sshll.u32 s5, $0x1;
	s3 =	sadd.s32 s20, s19  }
0x9c: {  	s22 =	simm.s32 $0x0;
	s4 =	sshll.u32 s4, $0x1;
	s5 =	sadd.s32 s21, s3  }
0x9d: {  	[timem:s22], [sflag:s6] =	dma.local [hbm:s5], s4  }
0x9e: {  	_ =	swait.ge [sflag:s6], s4  }
0x9f: {  	s4 =	ssub.s32 $0x0, s4;
	[sflag:s6] =	ssyncset.done $0x0  }
0xa0: {  	[sflag:s6] =	ssyncadd.s32 s4;
	_ =	sdelay $0x1  }
0xa1: {  	s23 =	simm.s32 $0x1B8B  }
0xa2: {  	_ =	swait.ge [sflag:s23], $0x1  }
0xa3: {  	[sflag:s23] =	ssyncset.done $0x0  }
0xa4: {  	[sflag:s23] =	ssyncadd.s32 $0xFFFFFFFF  }
0xa5: {  	s4 =	sld [smem:$0x0]  }
0xa6: {  	s5 =	sand.u32 $0xFFFFFFFE, s1  }
0xa7: {  	p0 =	sne.s32 s1, s5  }
0xa8: {  	s5 =	sshll.u32 @p0 s5, $0xE  }
0xa9: {  	s5 =	sadd.s32 @p0 $0x11B8D, s5;
	s6 =	sshll.u32 @p0 s4, $0x11  }
0xaa: {  	s5 =	sor.u32 @p0 s6, s5  }
0xab: {  	[sflag:s5] =	ssyncadd.remote.s32 @p0 $0x1;
	_ =	sdelay $0x1  }
0xac: {  	s5 =	simm.s32 @p0 $0x1B8D  }
0xad: {  	_ =	swait.eq @p0 [sflag:s5], $0x1  }
0xae: {  	[sflag:s5] =	ssyncadd.s32 @p0 $0xFFFFFFFF  }
0xaf: {  	s6 =	sshll.u32 @!p0 s1, $0xE  }
0xb0: {  	s6 =	sor.u32 @!p0 $0x4000, s6;
	s5 =	simm.s32 @!p0 $0x1B8D  }
0xb1: {  	s4 =	sshll.u32 @!p0 s4, $0x11;
	s6 =	sadd.s32 @!p0 $0x11B8D, s6;
	_ =	swait.eq @!p0 [sflag:s5], $0x1  }
0xb2: {  	s4 =	sor.u32 @!p0 s4, s6;
	[sflag:s5] =	ssyncadd.s32 @!p0 $0xFFFFFFFF  }
0xb3: {  	s25 =	simm.s32 $0x1B8E;
	s24 =	sld [smem:$0x3FFE];
	[sflag:s4] =	ssyncadd.remote.s32 @!p0 $0x1  }
0xb4: {  	s26 =	simm.s32 $execute0_lowered;
	[smem:$0x3FD2] =	sst s25  }
0xb5: {  	s5 =	sshll.u32 s26, $0x1;
	_ =	strace $0x80000050;
	[dreg:$0x1] =	wrdreg $0xFFFFFFFF  }
0xb6: {  	s28 =	simm.s32 $_size_execute0_lowered;
	s3 =	sadd.s32 s3, s5;
	[dreg:$0x0] =	wrdreg $0x0  }
0xb7: {  	s5 =	sshll.u32 s28, $0x1;
	[dreg:$0x2] =	wrdreg s3  }
0xb8: {  	[dreg:$0x3] =	wrdreg s5  }
0xb9: {  	[dreg:$0x4] =	wrdreg $0xC0  }
0xba: {  	_ =	task [dreg:s22], $0x5FFFF  }
0xbb: {  	[dreg:$0x1] =	wrdreg $0xFFFFFFFF  }
0xbc: {  	[dreg:$0x0] =	wrdreg $0x60  }
0xbd: {  	[dreg:$0x2] =	wrdreg s24  }
0xbe: {  	[dreg:$0x3] =	wrdreg $0xA  }
0xbf: {  	_ =	task.clear_ibuf [dreg:s22], $0x4FFFF;
	_ =	strace $0x90000050  }
0xc0: {  	s29 =	simm.s32 $0xA;
	_ =	strace $0x80000059  }
0xc1: {  	_ =	swait.ge [sflag:s29], $0x1  }
0xc2: {  	[sflag:s29] =	ssyncadd.s32 $0xFFFFFFFF  }
0xc3: {  	_ =	strace $0x90000059  }
0xc4: {  	_ =	sfence  }
0xc5: {  	s30 =	sld [smem:$0x0];
	_ =	sdelay $0x2  }
0xc6: {  	s31 =	sshll.u32 s1, $0xD;
	s1 =	sshrl.u32 s1, $0x2  }
0xc7: {  	s4 =	sand.u32 $0x4000, s31;
	s1 =	sadd.s32 s1, s30  }
0xc8: {  	s0 =	sor.u32 s4, s0;
	s1 =	sshll.u32 s1, $0x11  }
0xc9: {  	s0 =	sor.u32 s1, s0  }
0xca: {  	s0 =	sadd.s32 $0x8F2B, s0  }
0xcb: {  	[sflag:s0] =	ssyncadd.remote.s32 $0x1  }
0xcc: {  	_ =	sfence.sel $0xFFFF  }
0xcd: {  	[dreg:$0x0] =	wrdreg $0xFFFFFFFF;
	(pc) =	sbr.abs _section_cstart, $3  }
0xce: {  	[dreg:$0x1] =	wrdreg $0xFFFFFFFF  }
0xcf: {  	_ =	task.clear_ibuf [dreg:s22], $0x2FFFF;
	_ =	strace $0x9FFFFFFF  }
0xd0: {  	(tm) =	ssettm $0x7FFFFFFF  }
0xd1: {  	_ =	shalt  }
tec
execute0_lowered:
.L_overlay_start_1:
0x0: {  	(tag) =	ssettag $0x1  }
0x1: {  	s5 =	rddreg [dreg:$0x0]  }
0x2: {  	s0 =	rddreg [dreg:$0x1];
	s1 =	simm.s32 $0x0  }
0x3: {  	s2 =	srdreg.scid;
	s9 =	simm.s32 $0x4;
	s10 =	simm.s32 $0x0  }
0x4: {  	[smem:$0x7FF] =	sst s1;
	s3 =	sadd.s32 $0xA9E00, s5;
	s4 =	sadd.s32 $0x169E00, s5  }
0x5: {  	s6 =	sand.u32 $0x1, s2;
	s2 =	stileid.u32;
	s5 =	sadd.s32 $0x36BE00, s5  }
0x6: {  	_ =	strace $0x80000051;
	s7 =	ssub.s32 $0x2, s6;
	s6 =	sshll.u32 s6, $0x4  }
0x7: {  	v2 =	vlaneseq.u32;
	[dreg:$0x2] =	wrdreg s5;
	s8 =	sshrl.u32 s7, $0x1;
	s6 =	sor.u32 s2, s6  }
0x8: {  	vm0 =	vmmov $0xffff;
	v1 =	vshrl.u32 v2, $0x3;
	s7 =	ssub.s32 s7, s8;
	s31 =	sshll.u32 s6, $0x8;
	s5 =	sshll.u32 s6, $0x4  }
0x9: {  	v0 =	vand.u32 $0x7, v2;
	v2 =	vor.u32 $0x8, v2;
	v1 =	vmul.u32 $0x8, v1;
	s8 =	simm.s32 $0x5;
	s6 =	sadd.s32 s4, s31;
	s7 =	smax.u32 s7, $0x1  }
.LBB2_1:
0xa: {  	_ =	strace $0x80000052;
	s11 =	simm.s32 $0x10  }
0xb: {  	s12 =	simm.s32 $0x0;
	s13 =	simm.s32 $0x0;
	s14 =	simm.s32 $0x0  }
0xc: {  	[tilespmem:s1], [sflag:$0x1] =	stream.linear.gather [hbm4b:s6+s1], $0x80, $0x200038;
	[tilespmem:$0x10100] =	vst v63  }
0xd: {  	s15 =	simm.s32 $0x0;
	s16 =	simm.s32 $0x1;
	_ =	strace $0x90000052  }
.LBB2_2:
0xe: {  	s17 =	smov.u32 s12;
	s12 =	sadd.s32 $0x1, s12  }
0xf: {  	p0 =	seq.s32 s12, $0x10  }
0x10: {  	s12 =	simm.s32 @p0 $0x0  }
0x11: {  	p6 =	sne.s32 s11, $0x1;
	p1 =	sne.s32 s17, s12  }
0x12: {  	p0 =	por !p6, !p1  }
0x13: {  	p0 =	por !p0, !p0  }
0x14: {  	s18 =	sadd.s32 @p0 s5, s12  }
0x15: {  	s19 =	sand.u32 @p0 $0x1, s16;
	s18 =	sshll.u32 @p0 s18, $0x4  }
0x16: {  	_ =	strace @p0 $0x80000053;
	s21 =	simm.s32 @p0 $0x0;
	s18 =	sand.u32 @p0 $0x1FFFFFF0, s18  }
0x17: {  	s20 =	sshll.u32 @p0 s19, $0x7;
	s19 =	sadd.s32 @p0 $0x1, s19;
	s18 =	sadd.s32 @p0 s4, s18  }
0x18: {  	[tilespmem:s20], [sflag:s19] =	stream.linear.gather @p0 [hbm4b:s18+s21], $0x80, $0x200038;
	[tilespmem:$0x10100] =	vst v63  }
0x19: {  	s24 =	sand.u32 $0x1, s15;
	_ =	strace @p0 $0x90000053  }
0x1a: {  	s18 =	sadd.s32 $0x1, s24;
	_ =	strace $0x80000054  }
0x1b: {  	_ =	swait.ge [sflag:s18], $0x80  }
0x1c: {  	[sflag:s18] =	ssyncset.done $0x0  }
0x1d: {  	[sflag:s18] =	ssyncadd.s32 $0xFFFFFF80  }
0x1e: {  	s25 =	sshll.u32 s15, $0x7;
	_ =	strace $0x90000054  }
0x1f: {  	s21 =	sand.u32 $0x80, s25;
	_ =	strace $0x80000055  }
0x20: {  	v3 =	vld [tilespmem:s21+$0x0];
	_ =	sdelay $0x4  }
0x21: {  	v4 =	vshll.u32 v3, $0x1  }
0x22: {  	v3 =	vand.u32 $0x7, v3;
	v4 =	vand.u32 $0xFFFFFFF0, v4  }
0x23: {  	v3 =	vor.u32 v3, v4  }
0x24: {  	v4 =	vperm.xlane v3, v0;
	_ =	sdelay $0x1  }
0x25: {  	v3 =	vperm.xlane v3, v2;
	v4 =	vadd.s32 v1, v4;
	_ =	sdelay $0x1  }
0x26: {  	s18 =	sand.u32 $0x1, s14;
	v3 =	vadd.s32 v1, v3  }
0x27: {  	s20 =	sshll.u32 s18, $0xF  }
0x28: {  	s19 =	sor.u32 $0x100, s20  }
0x29: {  	[tilespmem:s19], [sflag:$0x5] =	stream.indirect_vreg.gather [hbm4b:s3+s1], $0x80, v4, vm0, $0x2000b8;
	[tilespmem:$0x10100] =	vst v63  }
0x2a: {  	s22 =	sor.u32 $0x900, s20  }
0x2b: {  	[tilespmem:s22], [sflag:$0x5] =	stream.indirect_vreg.gather [hbm4b:s3+s1], $0x80, v3, vm0, $0x2000b8;
	[tilespmem:$0x10100] =	vst v63  }
0x2c: {  	v3 =	vld [tilespmem:s21+$0x10];
	_ =	sdelay $0x4  }
0x2d: {  	v57 =	vshll.u32 v3, $0x1  }
0x2e: {  	v3 =	vand.u32 $0x7, v3;
	v4 =	vand.u32 $0xFFFFFFF0, v57  }
0x2f: {  	v3 =	vor.u32 v3, v4  }
0x30: {  	v4 =	vperm.xlane v3, v0;
	_ =	sdelay $0x1  }
0x31: {  	v3 =	vperm.xlane v3, v2;
	v4 =	vadd.s32 v1, v4;
	_ =	sdelay $0x1  }
0x32: {  	v3 =	vadd.s32 v1, v3;
	_ =	sdelay $0x1  }
0x33: {  	s26 =	sor.u32 $0x1100, s20  }
0x34: {  	[tilespmem:s26], [sflag:$0x5] =	stream.indirect_vreg.gather [hbm4b:s3+s1], $0x80, v4, vm0, $0x2000b8;
	[tilespmem:$0x10100] =	vst v63  }
0x35: {  	s28 =	sor.u32 $0x1900, s20  }
0x36: {  	[tilespmem:s28], [sflag:$0x5] =	stream.indirect_vreg.gather [hbm4b:s3+s1], $0x80, v3, vm0, $0x2000b8;
	[tilespmem:$0x10100] =	vst v63  }
0x37: {  	v3 =	vld [tilespmem:s21+$0x20];
	_ =	sdelay $0x4  }
0x38: {  	v58 =	vshll.u32 v3, $0x1  }
0x39: {  	v3 =	vand.u32 $0x7, v3;
	v4 =	vand.u32 $0xFFFFFFF0, v58  }
0x3a: {  	v3 =	vor.u32 v3, v4  }
0x3b: {  	v4 =	vperm.xlane v3, v0;
	_ =	sdelay $0x1  }
0x3c: {  	v3 =	vperm.xlane v3, v2;
	v4 =	vadd.s32 v1, v4;
	_ =	sdelay $0x1  }
0x3d: {  	v3 =	vadd.s32 v1, v3;
	_ =	sdelay $0x1  }
0x3e: {  	s29 =	sor.u32 $0x2100, s20  }
0x3f: {  	[tilespmem:s29], [sflag:$0x5] =	stream.indirect_vreg.gather [hbm4b:s3+s1], $0x80, v4, vm0, $0x2000b8;
	[tilespmem:$0x10100] =	vst v63  }
0x40: {  	s30 =	sor.u32 $0x2900, s20  }
0x41: {  	[tilespmem:s30], [sflag:$0x5] =	stream.indirect_vreg.gather [hbm4b:s3+s1], $0x80, v3, vm0, $0x2000b8;
	[tilespmem:$0x10100] =	vst v63  }
0x42: {  	v3 =	vld [tilespmem:s21+$0x30];
	_ =	sdelay $0x4  }
0x43: {  	v59 =	vshll.u32 v3, $0x1  }
0x44: {  	v3 =	vand.u32 $0x7, v3;
	v4 =	vand.u32 $0xFFFFFFF0, v59  }
0x45: {  	v3 =	vor.u32 v3, v4  }
0x46: {  	v4 =	vperm.xlane v3, v0;
	_ =	sdelay $0x1  }
0x47: {  	v3 =	vperm.xlane v3, v2;
	v4 =	vadd.s32 v1, v4;
	_ =	sdelay $0x1  }
0x48: {  	v3 =	vadd.s32 v1, v3;
	_ =	sdelay $0x1  }
0x49: {  	s31 =	sor.u32 $0x3100, s20  }
0x4a: {  	[tilespmem:s31], [sflag:$0x5] =	stream.indirect_vreg.gather [hbm4b:s3+s1], $0x80, v4, vm0, $0x2000b8;
	[tilespmem:$0x10100] =	vst v63  }
0x4b: {  	s23 =	sor.u32 $0x3900, s20  }
0x4c: {  	[tilespmem:s23], [sflag:$0x5] =	stream.indirect_vreg.gather [hbm4b:s3+s1], $0x80, v3, vm0, $0x2000b8;
	[tilespmem:$0x10100] =	vst v63  }
0x4d: {  	v3 =	vld [tilespmem:s21+$0x40];
	_ =	sdelay $0x4  }
0x4e: {  	v60 =	vshll.u32 v3, $0x1  }
0x4f: {  	v3 =	vand.u32 $0x7, v3;
	v4 =	vand.u32 $0xFFFFFFF0, v60  }
0x50: {  	v3 =	vor.u32 v3, v4  }
0x51: {  	v4 =	vperm.xlane v3, v0;
	_ =	sdelay $0x1  }
0x52: {  	v3 =	vperm.xlane v3, v2;
	v4 =	vadd.s32 v1, v4;
	_ =	sdelay $0x1  }
0x53: {  	v3 =	vadd.s32 v1, v3;
	_ =	sdelay $0x1  }
0x54: {  	s24 =	sor.u32 $0x4100, s20  }
0x55: {  	[tilespmem:s24], [sflag:$0x5] =	stream.indirect_vreg.gather [hbm4b:s3+s1], $0x80, v4, vm0, $0x2000b8;
	[tilespmem:$0x10100] =	vst v63  }
0x56: {  	s25 =	sor.u32 $0x4900, s20  }
0x57: {  	[tilespmem:s25], [sflag:$0x5] =	stream.indirect_vreg.gather [hbm4b:s3+s1], $0x80, v3, vm0, $0x2000b8;
	[tilespmem:$0x10100] =	vst v63  }
0x58: {  	v3 =	vld [tilespmem:s21+$0x50];
	_ =	sdelay $0x4  }
0x59: {  	v61 =	vshll.u32 v3, $0x1  }
0x5a: {  	v3 =	vand.u32 $0x7, v3;
	v4 =	vand.u32 $0xFFFFFFF0, v61  }
0x5b: {  	v3 =	vor.u32 v3, v4  }
0x5c: {  	v4 =	vperm.xlane v3, v0;
	_ =	sdelay $0x1  }
0x5d: {  	v3 =	vperm.xlane v3, v2;
	v4 =	vadd.s32 v1, v4;
	_ =	sdelay $0x1  }
0x5e: {  	v3 =	vadd.s32 v1, v3;
	_ =	sdelay $0x1  }
0x5f: {  	s26 =	sor.u32 $0x5100, s20  }
0x60: {  	[tilespmem:s26], [sflag:$0x5] =	stream.indirect_vreg.gather [hbm4b:s3+s1], $0x80, v4, vm0, $0x2000b8;
	[tilespmem:$0x10100] =	vst v63  }
0x61: {  	s28 =	sor.u32 $0x5900, s20  }
0x62: {  	[tilespmem:s28], [sflag:$0x5] =	stream.indirect_vreg.gather [hbm4b:s3+s1], $0x80, v3, vm0, $0x2000b8;
	[tilespmem:$0x10100] =	vst v63  }
0x63: {  	v3 =	vld [tilespmem:s21+$0x60];
	_ =	sdelay $0x4  }
0x64: {  	v62 =	vshll.u32 v3, $0x1  }
0x65: {  	v3 =	vand.u32 $0x7, v3;
	v4 =	vand.u32 $0xFFFFFFF0, v62  }
0x66: {  	v3 =	vor.u32 v3, v4  }
0x67: {  	v4 =	vperm.xlane v3, v0;
	_ =	sdelay $0x1  }
0x68: {  	v3 =	vperm.xlane v3, v2;
	v4 =	vadd.s32 v1, v4;
	_ =	sdelay $0x1  }
0x69: {  	v3 =	vadd.s32 v1, v3;
	_ =	sdelay $0x1  }
0x6a: {  	s29 =	sor.u32 $0x6100, s20  }
0x6b: {  	[tilespmem:s29], [sflag:$0x5] =	stream.indirect_vreg.gather [hbm4b:s3+s1], $0x80, v4, vm0, $0x2000b8;
	[tilespmem:$0x10100] =	vst v63  }
0x6c: {  	s30 =	sor.u32 $0x6900, s20  }
0x6d: {  	[tilespmem:s30], [sflag:$0x5] =	stream.indirect_vreg.gather [hbm4b:s3+s1], $0x80, v3, vm0, $0x2000b8;
	[tilespmem:$0x10100] =	vst v63  }
0x6e: {  	v3 =	vld [tilespmem:s21+$0x70];
	_ =	sdelay $0x4  }
0x6f: {  	v63 =	vshll.u32 v3, $0x1  }
0x70: {  	v3 =	vand.u32 $0x7, v3;
	v4 =	vand.u32 $0xFFFFFFF0, v63  }
0x71: {  	v3 =	vor.u32 v3, v4  }
0x72: {  	v4 =	vperm.xlane v3, v0;
	_ =	sdelay $0x1  }
0x73: {  	v3 =	vperm.xlane v3, v2;
	v4 =	vadd.s32 v1, v4;
	_ =	sdelay $0x1  }
0x74: {  	v3 =	vadd.s32 v1, v3;
	_ =	sdelay $0x1  }
0x75: {  	s31 =	sor.u32 $0x7100, s20  }
0x76: {  	[tilespmem:s31], [sflag:$0x5] =	stream.indirect_vreg.gather [hbm4b:s3+s1], $0x80, v4, vm0, $0x2000b8;
	[tilespmem:$0x10100] =	vst v63  }
0x77: {  	s20 =	sor.u32 $0x7900, s20  }
0x78: {  	[tilespmem:s20], [sflag:$0x5] =	stream.indirect_vreg.gather [hbm4b:s3+s1], $0x80, v3, vm0, $0x2000b8;
	[tilespmem:$0x10100] =	vst v63  }
0x79: {  	_ =	swait.ge [sflag:s8], $0x8000  }
0x7a: {  	p2 =	seq.s32 s11, $0x1;
	[sflag:s8] =	ssyncset.done $0x0  }
0x7b: {  	s17 =	sadd.s32 s5, s17;
	p1 =	por p2, p1;
	[sflag:s8] =	ssyncadd.s32 $0xFFFF8000  }
0x7c: {  	s17 =	sshll.u32 @p1 s17, $0xC;
	_ =	strace $0x90000055  }
0x7d: {  	s17 =	sand.u32 @p1 $0x1FFFF000, s17;
	s21 =	simm.s32 $0x1;
	_ =	strace @p1 $0x80000056  }
0x7e: {  	s18 =	sadd.s32 @p1 $0x3, s18;
	s21 =	simm.s32 @!p0 $0x0;
	s20 =	rddreg [dreg:$0x2]  }
0x7f: {  	p0 =	seq.s32 s11, $0x10;
	s17 =	sadd.s32 @p1 s20, s17;
	s20 =	simm.s32 @p1 $0x0  }
0x80: {  	[hbm4b:s17+s20] =	stream.linear.scatter @p1 [tilespmem:s19], [sflag:s18], $0x8000, $0x200038;
	[tilespmem:$0x10100] =	vst v63  }
0x81: {  	s17 =	simm.s32 $0x1;
	s19 =	simm.s32 $0x1;
	_ =	strace @p1 $0x90000056  }
0x82: {  	s17 =	simm.s32 @!p1 $0x0;
	p1 =	sne.s32 s11, $0x10;
	s11 =	sadd.s32 $0xFFFFFFFF, s11  }
0x83: {  	s18 =	sand.u32 @!p0 $0x1, s13;
	s19 =	simm.s32 @!p1 $0x0;
	p1 =	sne.s32 s11, $0x0  }
.Ltmp0:
0x84: {  	s18 =	sadd.s32 @!p0 $0x3, s18;
	_ =	strace @!p0 $0x80000057;
	(pc) =	sbr.rel @p1 .LBB2_2-.Ltmp0, $4  }
0x85: {  	_ =	swait.ge @!p0 [sflag:s18], $0x8000  }
0x86: {  	[sflag:s18] =	ssyncset.done @!p0 $0x0  }
0x87: {  	s16 =	sadd.s32 s21, s16;
	s14 =	sadd.s32 s17, s14;
	[sflag:s18] =	ssyncadd.s32 @!p0 $0xFFFF8000  }
0x88: {  	s15 =	sadd.s32 s17, s15;
	s13 =	sadd.s32 s19, s13;
	_ =	strace @!p0 $0x90000057  }
0x89: {  	s10 =	sadd.s32 $0x1, s10  }
0x8a: {  	p0 =	sne.s32 s10, s7  }
.Ltmp1:
0x8b: {  	_ =	strace $0x80000058;
	(pc) =	sbr.rel @p0 .LBB2_1-.Ltmp1, $4  }
0x8c: {  	_ =	swait.ge [sflag:s9], $0x8000  }
0x8d: {  	[sflag:s9] =	ssyncset.done $0x0  }
0x8e: {  	[sflag:s9] =	ssyncadd.s32 $0xFFFF8000  }
0x8f: {  	_ =	strace $0x90000058  }
0x90: {  	_ =	sfence.sel $0x180000  }
0x91: {  	[bflag:$0x0] =	sbarrier.arrive $0xFFFF  }
0x92: {  	p0 =	sne.s32 s2, $0x0;
	_ =	strace $0x90000051  }
0x93: {  	s0 =	sadd.s32 @!p0 $0x100000, s0;
	[bflag:$0x2] =	sbarrier.arrive $0xFFFF  }
0x94: {  	[sflag:s0] =	ssyncadd.tile.s32 @!p0 $0x1;
	_ =	shalt  }
.Lfunc_end2:
_tile_overlayer_lowered:
.L_overlay_start_2:
0x95: {  	(tag) =	ssettag $0x2  }
0x96: {  	s0 =	rddreg [dreg:$0x0];
	s2 =	stileid.u32  }
0x97: {  	s1 =	rddreg [dreg:$0x1];
	p0 =	sne.s32 s2, $0x0  }
0x98: {  	s3 =	rddreg [dreg:$0x2];
	[bflag:$0x3] =	sbarrier.arrive $0xFFFF;
	s2 =	simm.s32 @!p0 $0x1C01  }
0x99: {  	[timem:s3], [sflag:s2] =	dma.local @!p0 [hbm:s0], s1  }
0x9a: {  	s0 =	simm.s32 @!p0 $0x1  }
0x9b: {  	_ =	swait.ge @!p0 [sflag:s0], s1  }
0x9c: {  	s1 =	ssub.s32 @!p0 $0x0, s1;
	[sflag:s0] =	ssyncset.done @!p0 $0x0  }
0x9d: {  	[sflag:s0] =	ssyncadd.s32 @!p0 s1  }
0x9e: {  	[bflag:$0x3] =	sbarrier.arrive $0xFFFF  }
0x9f: {  	_ =	shalt  }

// kernel: kernel.16.cloned.1.call-start
scs
__scs_entry_jumppad:
0x0: {  	(pc) =	sbr.rel $0x88, $3  }
0x1: {  	(tag) =	ssettag $0x0;
	lr =	simm.s32 $0x1  }
0x2: {  	[smem:$0x3F91] =	sst lr;
	_ =	strace $0xD0000000  }
0x3: {  	_ = 	snop  }
0x4: {  	_ = 	snop  }
0x5: {  	_ = 	snop  }
0x6: {  	_ = 	snop  }
0x7: {  	_ = 	snop  }
__scs_overlays_trampoline_lowered:
0x8: {  	[smem:$0x3FA0] =	sst s0  }
0x9: {  	[smem:$0x3FA1] =	sst s1  }
0xa: {  	[smem:$0x3FA2] =	sst s2  }
0xb: {  	[smem:$0x3FA3] =	sst s3  }
0xc: {  	[smem:$0x3FA4] =	sst s4  }
0xd: {  	[smem:$0x3FA5] =	sst s5  }
0xe: {  	[smem:$0x3FA6] =	sst s6  }
0xf: {  	[smem:$0x3FA7] =	sst s7  }
0x10: {  	[smem:$0x3FA8] =	sst s8  }
0x11: {  	[smem:$0x3FA9] =	sst s9;
	s0 =	simm.s32 @!p0 $0x0  }
0x12: {  	s1 =	sld [smem:$0x3F8F];
	s0 =	simm.s32 @p0 $0x1  }
0x13: {  	[smem:$0x3FAA] =	sst s0;
	s0 =	simm.s32 @!p1 $0x0  }
0x14: {  	s2 =	sld [smem:$0x3F8E];
	s0 =	simm.s32 @p1 $0x1  }
0x15: {  	[smem:$0x3FAB] =	sst s0;
	s0 =	simm.s32 @!p2 $0x0  }
0x16: {  	s3 =	sld [smem:$0x3FDB];
	s0 =	simm.s32 @p2 $0x1  }
0x17: {  	s4 =	simm.s32 $0x1BF5;
	[smem:$0x3FAD] =	sst s0  }
0x18: {  	s0 =	sld [smem:$0x3F90];
	_ =	swait.ge [sflag:s4], $0x0  }
0x19: {  	s7 =	sld [smem:$0x3F91]  }
0x1a: {  	s8 =	sadd.s32 $0xFFFFE003, lr  }
0x1b: {  	s9 =	sadd.s32 $0xFFFFFEF7, lr;
	s5 =	simm.s32 $0xFFFFFFFF;
	p2 =	slt.u32 s8, $0xFFFFF086  }
0x1c: {  	p1 =	slt.u32 s9, $0xF7A;
	s5 =	simm.s32 @!p2 $0x0  }
0x1d: {  	s5 =	simm.s32 @p1 $0x1;
	p0 =	seq.s32 s7, s2  }
0x1e: {  	s7 =	smul.u32 @!p0 $0xF7A, s2;
	p2 =	seq.s32 @!p0 s5, $0x0  }
0x1f: {  	s9 =	smul.u32 $0xF7A, s1;
	s8 =	simm.s32 @!p0 $0x1BF5;
	p2 =	por !p2, p0  }
0x20: {  	[sflag:s8] =	ssyncset.s32 @!p0 $0xFFFFF086;
	s6 =	sadd.s32 @!p0 s3, s7;
	s7 =	simm.s32 @!p0 $0x108  }
0x21: {  	s3 =	sadd.s32 s3, s9;
	s6 =	sadd.s32 @!p0 $0x88, s6;
	s7 =	simm.s32 @p2 $0x1082  }
0x22: {  	[simem:s7], [sflag:s8] =	dma.local @!p0 [hbm:s6], $0xF7A  }
0x23: {  	s9 =	sor.u32 $0xD0000000, s2;
	s6 =	simm.s32 $0x108;
	_ =	swait.ge @!p0 [sflag:s8], $0x0  }
0x24: {  	s3 =	sadd.s32 $0x88, s3;
	s6 =	simm.s32 @!p1 $0x1082;
	[sflag:s4] =	ssyncset.s32 $0xFFFFF086  }
0x25: {  	[simem:s6], [sflag:s4] =	dma.local [hbm:s3], $0xF7A  }
0x26: {  	[smem:$0x3F91] =	sst s1;
	(tag) =	ssettag s2;
	_ =	strace s9  }
0x27: {  	s1 =	sld [smem:$0x3FA1]  }
0x28: {  	s2 =	sld [smem:$0x3FA2]  }
0x29: {  	s4 =	sld [smem:$0x3FA4]  }
0x2a: {  	p0 =	seq.s32 s5, $0x0;
	s5 =	sld [smem:$0x3FA5]  }
0x2b: {  	s6 =	sld [smem:$0x3FA6]  }
0x2c: {  	s7 =	sld [smem:$0x3FA7]  }
0x2d: {  	s3 =	simm.s32 $0x108;
	s8 =	sld [smem:$0x3FA8]  }
0x2e: {  	s3 =	simm.s32 @!p0 $0x1082;
	s9 =	sld [smem:$0x3FA9]  }
0x2f: {  	lr =	sadd.s32 s0, s3;
	s0 =	sld [smem:$0x3FA0]  }
0x30: {  	s3 =	sld [smem:$0x3FA3]  }
0x31: {  	[smem:$0x3FAC] =	sst s10  }
0x32: {  	s10 =	sld [smem:$0x3FAA];
	_ =	sdelay $0x3  }
0x33: {  	p0 =	seq.s32 s10, $0x1;
	s10 =	sld [smem:$0x3FAC];
	_ =	sdelay $0x3  }
0x34: {  	[smem:$0x3FAC] =	sst s10  }
0x35: {  	s10 =	sld [smem:$0x3FAB];
	_ =	sdelay $0x3  }
0x36: {  	p1 =	seq.s32 s10, $0x1;
	s10 =	sld [smem:$0x3FAC];
	_ =	sdelay $0x3  }
0x37: {  	[smem:$0x3FAC] =	sst s10  }
0x38: {  	s10 =	sld [smem:$0x3FAD]  }
0x39: {  	_ = 	snop;
	(pc) =	sbr.ind lr, $3  }
0x3a: {  	_ = 	snop  }
0x3b: {  	_ = 	snop  }
0x3c: {  	p2 =	seq.s32 s10, $0x1;
	s10 =	sld [smem:$0x3FAC]  }
0x3d: {  	_ =	shalt  }
0x3e: {  	_ =	shalt  }
0x3f: {  	_ =	shalt  }
0x40: {  	_ =	shalt  }
0x41: {  	_ =	shalt  }
0x42: {  	_ =	shalt  }
0x43: {  	_ =	shalt  }
0x44: {  	_ =	shalt  }
0x45: {  	_ =	shalt  }
0x46: {  	_ =	shalt  }
0x47: {  	_ =	shalt  }
0x48: {  	_ =	shalt  }
0x49: {  	_ =	shalt  }
0x4a: {  	_ =	shalt  }
0x4b: {  	_ =	shalt  }
0x4c: {  	_ =	shalt  }
0x4d: {  	_ =	shalt  }
0x4e: {  	_ =	shalt  }
0x4f: {  	_ =	shalt  }
0x50: {  	_ =	shalt  }
0x51: {  	_ =	shalt  }
0x52: {  	_ =	shalt  }
0x53: {  	_ =	shalt  }
0x54: {  	_ =	shalt  }
0x55: {  	_ =	shalt  }
0x56: {  	_ =	shalt  }
0x57: {  	_ =	shalt  }
0x58: {  	_ =	shalt  }
0x59: {  	_ =	shalt  }
0x5a: {  	_ =	shalt  }
0x5b: {  	_ =	shalt  }
0x5c: {  	_ =	shalt  }
0x5d: {  	_ =	shalt  }
0x5e: {  	_ =	shalt  }
0x5f: {  	_ =	shalt  }
0x60: {  	_ =	shalt  }
0x61: {  	_ =	shalt  }
0x62: {  	_ =	shalt  }
0x63: {  	_ =	shalt  }
0x64: {  	_ =	shalt  }
0x65: {  	_ =	shalt  }
0x66: {  	_ =	shalt  }
0x67: {  	_ =	shalt  }
0x68: {  	_ =	shalt  }
0x69: {  	_ =	shalt  }
0x6a: {  	_ =	shalt  }
0x6b: {  	_ =	shalt  }
0x6c: {  	_ =	shalt  }
0x6d: {  	_ =	shalt  }
0x6e: {  	_ =	shalt  }
0x6f: {  	_ =	shalt  }
0x70: {  	_ =	shalt  }
0x71: {  	_ =	shalt  }
0x72: {  	_ =	shalt  }
0x73: {  	_ =	shalt  }
0x74: {  	_ =	shalt  }
0x75: {  	_ =	shalt  }
0x76: {  	_ =	shalt  }
0x77: {  	_ =	shalt  }
0x78: {  	_ =	shalt  }
0x79: {  	_ =	shalt  }
0x7a: {  	_ =	shalt  }
0x7b: {  	_ =	shalt  }
0x7c: {  	_ =	shalt  }
0x7d: {  	_ =	shalt  }
0x7e: {  	_ =	shalt  }
0x7f: {  	_ =	shalt  }
0x80: {  	_ =	shalt  }
0x81: {  	_ =	shalt  }
0x82: {  	_ =	shalt  }
0x83: {  	_ =	shalt  }
0x84: {  	_ =	shalt  }
0x85: {  	_ =	shalt  }
0x86: {  	_ =	shalt  }
0x87: {  	_ =	shalt  }
.Lfunc_end0:
.L_simem_size_0:
called_computation.2_lowered:
.L_overlay_start_0:
0x88: {  	s2 =	sld [smem:$0x3FD9]  }
0x89: {  	s3 =	sld [smem:$0x3FFE];
	_ =	sdelay $0x1  }
0x8a: {  	s1 =	srdreg.scid  }
0x8b: {  	s0 =	sand.u32 $0x1, s1  }
0x8c: {  	s17 =	sshll.u32 s0, $0xA;
	s2 =	sadd.s32 s3, s2  }
0x8d: {  	s2 =	sadd.s32 s2, s17  }
0x8e: {  	[smem:$0x3FB8] =	sst s2  }
0x8f: {  	_ = 	snop  }
0x90: {  	(tm) =	ssettm $0x1  }
0x91: {  	s18 =	sld [smem:$0x3FFB];
	_ =	sdelay $0x3  }
0x92: {  	_ =	strace s18  }
0x93: {  	s2 =	sld [smem:$0x3FFC];
	_ =	sdelay $0x3  }
0x94: {  	_ =	strace s2  }
0x95: {  	s2 =	sld [smem:$0x3FFD];
	_ =	sdelay $0x3  }
0x96: {  	_ =	strace s2  }
0x97: {  	_ =	strace $0x8FFFFFFF  }
0x98: {  	s19 =	sld [smem:$0x3FDB];
	_ =	sdelay $0x1  }
0x99: {  	s20 =	simm.s32 $_scs_section_size  }
0x9a: {  	s4 =	simm.s32 $_size__tile_overlayer_lowered;
	s5 =	simm.s32 $_tile_overlayer_lowered  }
0x9b: {  	s6 =	simm.s32 $0x1BFF;
	s21 =	sshll.u32 s5, $0x1;
	s3 =	sadd.s32 s20, s19  }
0x9c: {  	s22 =	simm.s32 $0x0;
	s4 =	sshll.u32 s4, $0x1;
	s5 =	sadd.s32 s21, s3  }
0x9d: {  	[timem:s22], [sflag:s6] =	dma.local [hbm:s5], s4  }
0x9e: {  	_ =	swait.ge [sflag:s6], s4  }
0x9f: {  	s4 =	ssub.s32 $0x0, s4;
	[sflag:s6] =	ssyncset.done $0x0  }
0xa0: {  	[sflag:s6] =	ssyncadd.s32 s4;
	_ =	sdelay $0x1  }
0xa1: {  	s23 =	simm.s32 $0x1B8B  }
0xa2: {  	_ =	swait.ge [sflag:s23], $0x1  }
0xa3: {  	[sflag:s23] =	ssyncset.done $0x0  }
0xa4: {  	[sflag:s23] =	ssyncadd.s32 $0xFFFFFFFF  }
0xa5: {  	s4 =	sld [smem:$0x0]  }
0xa6: {  	s5 =	sand.u32 $0xFFFFFFFE, s1  }
0xa7: {  	p0 =	sne.s32 s1, s5  }
0xa8: {  	s5 =	sshll.u32 @p0 s5, $0xE  }
0xa9: {  	s5 =	sadd.s32 @p0 $0x11B8D, s5;
	s6 =	sshll.u32 @p0 s4, $0x11  }
0xaa: {  	s5 =	sor.u32 @p0 s6, s5  }
0xab: {  	[sflag:s5] =	ssyncadd.remote.s32 @p0 $0x1;
	_ =	sdelay $0x1  }
0xac: {  	s5 =	simm.s32 @p0 $0x1B8D  }
0xad: {  	_ =	swait.eq @p0 [sflag:s5], $0x1  }
0xae: {  	[sflag:s5] =	ssyncadd.s32 @p0 $0xFFFFFFFF  }
0xaf: {  	s6 =	sshll.u32 @!p0 s1, $0xE  }
0xb0: {  	s6 =	sor.u32 @!p0 $0x4000, s6;
	s5 =	simm.s32 @!p0 $0x1B8D  }
0xb1: {  	s4 =	sshll.u32 @!p0 s4, $0x11;
	s6 =	sadd.s32 @!p0 $0x11B8D, s6;
	_ =	swait.eq @!p0 [sflag:s5], $0x1  }
0xb2: {  	s4 =	sor.u32 @!p0 s4, s6;
	[sflag:s5] =	ssyncadd.s32 @!p0 $0xFFFFFFFF  }
0xb3: {  	s25 =	simm.s32 $0x1B8E;
	s24 =	sld [smem:$0x3FFE];
	[sflag:s4] =	ssyncadd.remote.s32 @!p0 $0x1  }
0xb4: {  	s26 =	simm.s32 $execute0_lowered;
	[smem:$0x3FD2] =	sst s25  }
0xb5: {  	s5 =	sshll.u32 s26, $0x1;
	_ =	strace $0x80000064;
	[dreg:$0x1] =	wrdreg $0xFFFFFFFF  }
0xb6: {  	s28 =	simm.s32 $_size_execute0_lowered;
	s3 =	sadd.s32 s3, s5;
	[dreg:$0x0] =	wrdreg $0x0  }
0xb7: {  	s5 =	sshll.u32 s28, $0x1;
	[dreg:$0x2] =	wrdreg s3  }
0xb8: {  	[dreg:$0x3] =	wrdreg s5  }
0xb9: {  	[dreg:$0x4] =	wrdreg $0xC0  }
0xba: {  	_ =	task [dreg:s22], $0x5FFFF  }
0xbb: {  	[dreg:$0x1] =	wrdreg $0xFFFFFFFF  }
0xbc: {  	[dreg:$0x0] =	wrdreg $0x60  }
0xbd: {  	[dreg:$0x2] =	wrdreg s24  }
0xbe: {  	[dreg:$0x3] =	wrdreg $0xB  }
0xbf: {  	_ =	task.clear_ibuf [dreg:s22], $0x4FFFF;
	_ =	strace $0x90000064  }
0xc0: {  	s29 =	simm.s32 $0xB;
	_ =	strace $0x8000006D  }
0xc1: {  	_ =	swait.ge [sflag:s29], $0x1  }
0xc2: {  	[sflag:s29] =	ssyncadd.s32 $0xFFFFFFFF  }
0xc3: {  	_ =	strace $0x9000006D  }
0xc4: {  	_ =	sfence  }
0xc5: {  	s30 =	sld [smem:$0x0];
	_ =	sdelay $0x2  }
0xc6: {  	s31 =	sshll.u32 s1, $0xD;
	s1 =	sshrl.u32 s1, $0x2  }
0xc7: {  	s4 =	sand.u32 $0x4000, s31;
	s1 =	sadd.s32 s1, s30  }
0xc8: {  	s0 =	sor.u32 s4, s0;
	s1 =	sshll.u32 s1, $0x11  }
0xc9: {  	s0 =	sor.u32 s1, s0  }
0xca: {  	s0 =	sadd.s32 $0x8F2B, s0  }
0xcb: {  	[sflag:s0] =	ssyncadd.remote.s32 $0x1  }
0xcc: {  	_ =	sfence.sel $0xFFFF  }
0xcd: {  	[dreg:$0x0] =	wrdreg $0xFFFFFFFF;
	(pc) =	sbr.abs _section_cstart, $3  }
0xce: {  	[dreg:$0x1] =	wrdreg $0xFFFFFFFF  }
0xcf: {  	_ =	task.clear_ibuf [dreg:s22], $0x2FFFF;
	_ =	strace $0x9FFFFFFF  }
0xd0: {  	(tm) =	ssettm $0x7FFFFFFF  }
0xd1: {  	_ =	shalt  }
tec
execute0_lowered:
.L_overlay_start_1:
0x0: {  	(tag) =	ssettag $0x1  }
0x1: {  	s5 =	rddreg [dreg:$0x0]  }
0x2: {  	s0 =	rddreg [dreg:$0x1];
	s1 =	simm.s32 $0x0  }
0x3: {  	s2 =	srdreg.scid;
	s9 =	simm.s32 $0x4;
	s10 =	simm.s32 $0x0  }
0x4: {  	[smem:$0x7FF] =	sst s1;
	s3 =	sadd.s32 $0x5CBE00, s5;
	s4 =	sadd.s32 $0x67E00, s5  }
0x5: {  	s6 =	sand.u32 $0x1, s2;
	s2 =	stileid.u32;
	s5 =	sadd.s32 $0x88BE00, s5  }
0x6: {  	_ =	strace $0x80000065;
	s7 =	ssub.s32 $0x2, s6;
	s6 =	sshll.u32 s6, $0x4  }
0x7: {  	v2 =	vlaneseq.u32;
	[dreg:$0x2] =	wrdreg s5;
	s8 =	sshrl.u32 s7, $0x1;
	s6 =	sor.u32 s2, s6  }
0x8: {  	vm0 =	vmmov $0xffff;
	v1 =	vshrl.u32 v2, $0x3;
	s7 =	ssub.s32 s7, s8;
	s31 =	sshll.u32 s6, $0x8;
	s5 =	sshll.u32 s6, $0x4  }
0x9: {  	v0 =	vand.u32 $0x7, v2;
	v2 =	vor.u32 $0x8, v2;
	v1 =	vmul.u32 $0x8, v1;
	s8 =	simm.s32 $0x5;
	s6 =	sadd.s32 s4, s31;
	s7 =	smax.u32 s7, $0x1  }
.LBB2_1:
0xa: {  	_ =	strace $0x80000066;
	s11 =	simm.s32 $0x10  }
0xb: {  	s12 =	simm.s32 $0x0;
	s13 =	simm.s32 $0x0;
	s14 =	simm.s32 $0x0  }
0xc: {  	[tilespmem:s1], [sflag:$0x1] =	stream.linear.gather [hbm4b:s6+s1], $0x80, $0x200038;
	[tilespmem:$0x10100] =	vst v63  }
0xd: {  	s15 =	simm.s32 $0x0;
	s16 =	simm.s32 $0x1;
	_ =	strace $0x90000066  }
.LBB2_2:
0xe: {  	s17 =	smov.u32 s12;
	s12 =	sadd.s32 $0x1, s12  }
0xf: {  	p0 =	seq.s32 s12, $0x10  }
0x10: {  	s12 =	simm.s32 @p0 $0x0  }
0x11: {  	p6 =	sne.s32 s11, $0x1;
	p1 =	sne.s32 s17, s12  }
0x12: {  	p0 =	por !p6, !p1  }
0x13: {  	p0 =	por !p0, !p0  }
0x14: {  	s18 =	sadd.s32 @p0 s5, s12  }
0x15: {  	s19 =	sand.u32 @p0 $0x1, s16;
	s18 =	sshll.u32 @p0 s18, $0x4  }
0x16: {  	_ =	strace @p0 $0x80000067;
	s21 =	simm.s32 @p0 $0x0;
	s18 =	sand.u32 @p0 $0x1FFFFFF0, s18  }
0x17: {  	s20 =	sshll.u32 @p0 s19, $0x7;
	s19 =	sadd.s32 @p0 $0x1, s19;
	s18 =	sadd.s32 @p0 s4, s18  }
0x18: {  	[tilespmem:s20], [sflag:s19] =	stream.linear.gather @p0 [hbm4b:s18+s21], $0x80, $0x200038;
	[tilespmem:$0x10100] =	vst v63  }
0x19: {  	s24 =	sand.u32 $0x1, s15;
	_ =	strace @p0 $0x90000067  }
0x1a: {  	s18 =	sadd.s32 $0x1, s24;
	_ =	strace $0x80000068  }
0x1b: {  	_ =	swait.ge [sflag:s18], $0x80  }
0x1c: {  	[sflag:s18] =	ssyncset.done $0x0  }
0x1d: {  	[sflag:s18] =	ssyncadd.s32 $0xFFFFFF80  }
0x1e: {  	s25 =	sshll.u32 s15, $0x7;
	_ =	strace $0x90000068  }
0x1f: {  	s21 =	sand.u32 $0x80, s25;
	_ =	strace $0x80000069  }
0x20: {  	v3 =	vld [tilespmem:s21+$0x0];
	_ =	sdelay $0x4  }
0x21: {  	v4 =	vshll.u32 v3, $0x1  }
0x22: {  	v3 =	vand.u32 $0x7, v3;
	v4 =	vand.u32 $0xFFFFFFF0, v4  }
0x23: {  	v3 =	vor.u32 v3, v4  }
0x24: {  	v4 =	vperm.xlane v3, v0;
	_ =	sdelay $0x1  }
0x25: {  	v3 =	vperm.xlane v3, v2;
	v4 =	vadd.s32 v1, v4;
	_ =	sdelay $0x1  }
0x26: {  	s18 =	sand.u32 $0x1, s14;
	v3 =	vadd.s32 v1, v3  }
0x27: {  	s20 =	sshll.u32 s18, $0xF  }
0x28: {  	s19 =	sor.u32 $0x100, s20  }
0x29: {  	[tilespmem:s19], [sflag:$0x5] =	stream.indirect_vreg.gather [hbm4b:s3+s1], $0x80, v4, vm0, $0x2000b8;
	[tilespmem:$0x10100] =	vst v63  }
0x2a: {  	s22 =	sor.u32 $0x900, s20  }
0x2b: {  	[tilespmem:s22], [sflag:$0x5] =	stream.indirect_vreg.gather [hbm4b:s3+s1], $0x80, v3, vm0, $0x2000b8;
	[tilespmem:$0x10100] =	vst v63  }
0x2c: {  	v3 =	vld [tilespmem:s21+$0x10];
	_ =	sdelay $0x4  }
0x2d: {  	v57 =	vshll.u32 v3, $0x1  }
0x2e: {  	v3 =	vand.u32 $0x7, v3;
	v4 =	vand.u32 $0xFFFFFFF0, v57  }
0x2f: {  	v3 =	vor.u32 v3, v4  }
0x30: {  	v4 =	vperm.xlane v3, v0;
	_ =	sdelay $0x1  }
0x31: {  	v3 =	vperm.xlane v3, v2;
	v4 =	vadd.s32 v1, v4;
	_ =	sdelay $0x1  }
0x32: {  	v3 =	vadd.s32 v1, v3;
	_ =	sdelay $0x1  }
0x33: {  	s26 =	sor.u32 $0x1100, s20  }
0x34: {  	[tilespmem:s26], [sflag:$0x5] =	stream.indirect_vreg.gather [hbm4b:s3+s1], $0x80, v4, vm0, $0x2000b8;
	[tilespmem:$0x10100] =	vst v63  }
0x35: {  	s28 =	sor.u32 $0x1900, s20  }
0x36: {  	[tilespmem:s28], [sflag:$0x5] =	stream.indirect_vreg.gather [hbm4b:s3+s1], $0x80, v3, vm0, $0x2000b8;
	[tilespmem:$0x10100] =	vst v63  }
0x37: {  	v3 =	vld [tilespmem:s21+$0x20];
	_ =	sdelay $0x4  }
0x38: {  	v58 =	vshll.u32 v3, $0x1  }
0x39: {  	v3 =	vand.u32 $0x7, v3;
	v4 =	vand.u32 $0xFFFFFFF0, v58  }
0x3a: {  	v3 =	vor.u32 v3, v4  }
0x3b: {  	v4 =	vperm.xlane v3, v0;
	_ =	sdelay $0x1  }
0x3c: {  	v3 =	vperm.xlane v3, v2;
	v4 =	vadd.s32 v1, v4;
	_ =	sdelay $0x1  }
0x3d: {  	v3 =	vadd.s32 v1, v3;
	_ =	sdelay $0x1  }
0x3e: {  	s29 =	sor.u32 $0x2100, s20  }
0x3f: {  	[tilespmem:s29], [sflag:$0x5] =	stream.indirect_vreg.gather [hbm4b:s3+s1], $0x80, v4, vm0, $0x2000b8;
	[tilespmem:$0x10100] =	vst v63  }
0x40: {  	s30 =	sor.u32 $0x2900, s20  }
0x41: {  	[tilespmem:s30], [sflag:$0x5] =	stream.indirect_vreg.gather [hbm4b:s3+s1], $0x80, v3, vm0, $0x2000b8;
	[tilespmem:$0x10100] =	vst v63  }
0x42: {  	v3 =	vld [tilespmem:s21+$0x30];
	_ =	sdelay $0x4  }
0x43: {  	v59 =	vshll.u32 v3, $0x1  }
0x44: {  	v3 =	vand.u32 $0x7, v3;
	v4 =	vand.u32 $0xFFFFFFF0, v59  }
0x45: {  	v3 =	vor.u32 v3, v4  }
0x46: {  	v4 =	vperm.xlane v3, v0;
	_ =	sdelay $0x1  }
0x47: {  	v3 =	vperm.xlane v3, v2;
	v4 =	vadd.s32 v1, v4;
	_ =	sdelay $0x1  }
0x48: {  	v3 =	vadd.s32 v1, v3;
	_ =	sdelay $0x1  }
0x49: {  	s31 =	sor.u32 $0x3100, s20  }
0x4a: {  	[tilespmem:s31], [sflag:$0x5] =	stream.indirect_vreg.gather [hbm4b:s3+s1], $0x80, v4, vm0, $0x2000b8;
	[tilespmem:$0x10100] =	vst v63  }
0x4b: {  	s23 =	sor.u32 $0x3900, s20  }
0x4c: {  	[tilespmem:s23], [sflag:$0x5] =	stream.indirect_vreg.gather [hbm4b:s3+s1], $0x80, v3, vm0, $0x2000b8;
	[tilespmem:$0x10100] =	vst v63  }
0x4d: {  	v3 =	vld [tilespmem:s21+$0x40];
	_ =	sdelay $0x4  }
0x4e: {  	v60 =	vshll.u32 v3, $0x1  }
0x4f: {  	v3 =	vand.u32 $0x7, v3;
	v4 =	vand.u32 $0xFFFFFFF0, v60  }
0x50: {  	v3 =	vor.u32 v3, v4  }
0x51: {  	v4 =	vperm.xlane v3, v0;
	_ =	sdelay $0x1  }
0x52: {  	v3 =	vperm.xlane v3, v2;
	v4 =	vadd.s32 v1, v4;
	_ =	sdelay $0x1  }
0x53: {  	v3 =	vadd.s32 v1, v3;
	_ =	sdelay $0x1  }
0x54: {  	s24 =	sor.u32 $0x4100, s20  }
0x55: {  	[tilespmem:s24], [sflag:$0x5] =	stream.indirect_vreg.gather [hbm4b:s3+s1], $0x80, v4, vm0, $0x2000b8;
	[tilespmem:$0x10100] =	vst v63  }
0x56: {  	s25 =	sor.u32 $0x4900, s20  }
0x57: {  	[tilespmem:s25], [sflag:$0x5] =	stream.indirect_vreg.gather [hbm4b:s3+s1], $0x80, v3, vm0, $0x2000b8;
	[tilespmem:$0x10100] =	vst v63  }
0x58: {  	v3 =	vld [tilespmem:s21+$0x50];
	_ =	sdelay $0x4  }
0x59: {  	v61 =	vshll.u32 v3, $0x1  }
0x5a: {  	v3 =	vand.u32 $0x7, v3;
	v4 =	vand.u32 $0xFFFFFFF0, v61  }
0x5b: {  	v3 =	vor.u32 v3, v4  }
0x5c: {  	v4 =	vperm.xlane v3, v0;
	_ =	sdelay $0x1  }
0x5d: {  	v3 =	vperm.xlane v3, v2;
	v4 =	vadd.s32 v1, v4;
	_ =	sdelay $0x1  }
0x5e: {  	v3 =	vadd.s32 v1, v3;
	_ =	sdelay $0x1  }
0x5f: {  	s26 =	sor.u32 $0x5100, s20  }
0x60: {  	[tilespmem:s26], [sflag:$0x5] =	stream.indirect_vreg.gather [hbm4b:s3+s1], $0x80, v4, vm0, $0x2000b8;
	[tilespmem:$0x10100] =	vst v63  }
0x61: {  	s28 =	sor.u32 $0x5900, s20  }
0x62: {  	[tilespmem:s28], [sflag:$0x5] =	stream.indirect_vreg.gather [hbm4b:s3+s1], $0x80, v3, vm0, $0x2000b8;
	[tilespmem:$0x10100] =	vst v63  }
0x63: {  	v3 =	vld [tilespmem:s21+$0x60];
	_ =	sdelay $0x4  }
0x64: {  	v62 =	vshll.u32 v3, $0x1  }
0x65: {  	v3 =	vand.u32 $0x7, v3;
	v4 =	vand.u32 $0xFFFFFFF0, v62  }
0x66: {  	v3 =	vor.u32 v3, v4  }
0x67: {  	v4 =	vperm.xlane v3, v0;
	_ =	sdelay $0x1  }
0x68: {  	v3 =	vperm.xlane v3, v2;
	v4 =	vadd.s32 v1, v4;
	_ =	sdelay $0x1  }
0x69: {  	v3 =	vadd.s32 v1, v3;
	_ =	sdelay $0x1  }
0x6a: {  	s29 =	sor.u32 $0x6100, s20  }
0x6b: {  	[tilespmem:s29], [sflag:$0x5] =	stream.indirect_vreg.gather [hbm4b:s3+s1], $0x80, v4, vm0, $0x2000b8;
	[tilespmem:$0x10100] =	vst v63  }
0x6c: {  	s30 =	sor.u32 $0x6900, s20  }
0x6d: {  	[tilespmem:s30], [sflag:$0x5] =	stream.indirect_vreg.gather [hbm4b:s3+s1], $0x80, v3, vm0, $0x2000b8;
	[tilespmem:$0x10100] =	vst v63  }
0x6e: {  	v3 =	vld [tilespmem:s21+$0x70];
	_ =	sdelay $0x4  }
0x6f: {  	v63 =	vshll.u32 v3, $0x1  }
0x70: {  	v3 =	vand.u32 $0x7, v3;
	v4 =	vand.u32 $0xFFFFFFF0, v63  }
0x71: {  	v3 =	vor.u32 v3, v4  }
0x72: {  	v4 =	vperm.xlane v3, v0;
	_ =	sdelay $0x1  }
0x73: {  	v3 =	vperm.xlane v3, v2;
	v4 =	vadd.s32 v1, v4;
	_ =	sdelay $0x1  }
0x74: {  	v3 =	vadd.s32 v1, v3;
	_ =	sdelay $0x1  }
0x75: {  	s31 =	sor.u32 $0x7100, s20  }
0x76: {  	[tilespmem:s31], [sflag:$0x5] =	stream.indirect_vreg.gather [hbm4b:s3+s1], $0x80, v4, vm0, $0x2000b8;
	[tilespmem:$0x10100] =	vst v63  }
0x77: {  	s20 =	sor.u32 $0x7900, s20  }
0x78: {  	[tilespmem:s20], [sflag:$0x5] =	stream.indirect_vreg.gather [hbm4b:s3+s1], $0x80, v3, vm0, $0x2000b8;
	[tilespmem:$0x10100] =	vst v63  }
0x79: {  	_ =	swait.ge [sflag:s8], $0x8000  }
0x7a: {  	p2 =	seq.s32 s11, $0x1;
	[sflag:s8] =	ssyncset.done $0x0  }
0x7b: {  	s17 =	sadd.s32 s5, s17;
	p1 =	por p2, p1;
	[sflag:s8] =	ssyncadd.s32 $0xFFFF8000  }
0x7c: {  	s17 =	sshll.u32 @p1 s17, $0xC;
	_ =	strace $0x90000069  }
0x7d: {  	s17 =	sand.u32 @p1 $0x1FFFF000, s17;
	s21 =	simm.s32 $0x1;
	_ =	strace @p1 $0x8000006A  }
0x7e: {  	s18 =	sadd.s32 @p1 $0x3, s18;
	s21 =	simm.s32 @!p0 $0x0;
	s20 =	rddreg [dreg:$0x2]  }
0x7f: {  	p0 =	seq.s32 s11, $0x10;
	s17 =	sadd.s32 @p1 s20, s17;
	s20 =	simm.s32 @p1 $0x0  }
0x80: {  	[hbm4b:s17+s20] =	stream.linear.scatter @p1 [tilespmem:s19], [sflag:s18], $0x8000, $0x200038;
	[tilespmem:$0x10100] =	vst v63  }
0x81: {  	s17 =	simm.s32 $0x1;
	s19 =	simm.s32 $0x1;
	_ =	strace @p1 $0x9000006A  }
0x82: {  	s17 =	simm.s32 @!p1 $0x0;
	p1 =	sne.s32 s11, $0x10;
	s11 =	sadd.s32 $0xFFFFFFFF, s11  }
0x83: {  	s18 =	sand.u32 @!p0 $0x1, s13;
	s19 =	simm.s32 @!p1 $0x0;
	p1 =	sne.s32 s11, $0x0  }
.Ltmp0:
0x84: {  	s18 =	sadd.s32 @!p0 $0x3, s18;
	_ =	strace @!p0 $0x8000006B;
	(pc) =	sbr.rel @p1 .LBB2_2-.Ltmp0, $4  }
0x85: {  	_ =	swait.ge @!p0 [sflag:s18], $0x8000  }
0x86: {  	[sflag:s18] =	ssyncset.done @!p0 $0x0  }
0x87: {  	s16 =	sadd.s32 s21, s16;
	s14 =	sadd.s32 s17, s14;
	[sflag:s18] =	ssyncadd.s32 @!p0 $0xFFFF8000  }
0x88: {  	s15 =	sadd.s32 s17, s15;
	s13 =	sadd.s32 s19, s13;
	_ =	strace @!p0 $0x9000006B  }
0x89: {  	s10 =	sadd.s32 $0x1, s10  }
0x8a: {  	p0 =	sne.s32 s10, s7  }
.Ltmp1:
0x8b: {  	_ =	strace $0x8000006C;
	(pc) =	sbr.rel @p0 .LBB2_1-.Ltmp1, $4  }
0x8c: {  	_ =	swait.ge [sflag:s9], $0x8000  }
0x8d: {  	[sflag:s9] =	ssyncset.done $0x0  }
0x8e: {  	[sflag:s9] =	ssyncadd.s32 $0xFFFF8000  }
0x8f: {  	_ =	strace $0x9000006C  }
0x90: {  	_ =	sfence.sel $0x180000  }
0x91: {  	[bflag:$0x0] =	sbarrier.arrive $0xFFFF  }
0x92: {  	p0 =	sne.s32 s2, $0x0;
	_ =	strace $0x90000065  }
0x93: {  	s0 =	sadd.s32 @!p0 $0x100000, s0;
	[bflag:$0x2] =	sbarrier.arrive $0xFFFF  }
0x94: {  	[sflag:s0] =	ssyncadd.tile.s32 @!p0 $0x1;
	_ =	shalt  }
.Lfunc_end2:
_tile_overlayer_lowered:
.L_overlay_start_2:
0x95: {  	(tag) =	ssettag $0x2  }
0x96: {  	s0 =	rddreg [dreg:$0x0];
	s2 =	stileid.u32  }
0x97: {  	s1 =	rddreg [dreg:$0x1];
	p0 =	sne.s32 s2, $0x0  }
0x98: {  	s3 =	rddreg [dreg:$0x2];
	[bflag:$0x3] =	sbarrier.arrive $0xFFFF;
	s2 =	simm.s32 @!p0 $0x1C01  }
0x99: {  	[timem:s3], [sflag:s2] =	dma.local @!p0 [hbm:s0], s1  }
0x9a: {  	s0 =	simm.s32 @!p0 $0x1  }
0x9b: {  	_ =	swait.ge @!p0 [sflag:s0], s1  }
0x9c: {  	s1 =	ssub.s32 @!p0 $0x0, s1;
	[sflag:s0] =	ssyncset.done @!p0 $0x0  }
0x9d: {  	[sflag:s0] =	ssyncadd.s32 @!p0 s1  }
0x9e: {  	[bflag:$0x3] =	sbarrier.arrive $0xFFFF  }
0x9f: {  	_ =	shalt  }

// kernel: kernel.19.cloned.1.call-start
scs
__scs_entry_jumppad:
0x0: {  	(pc) =	sbr.rel $0x88, $3  }
0x1: {  	(tag) =	ssettag $0x0;
	lr =	simm.s32 $0x1  }
0x2: {  	[smem:$0x3F91] =	sst lr;
	_ =	strace $0xD0000000  }
0x3: {  	_ = 	snop  }
0x4: {  	_ = 	snop  }
0x5: {  	_ = 	snop  }
0x6: {  	_ = 	snop  }
0x7: {  	_ = 	snop  }
__scs_overlays_trampoline_lowered:
0x8: {  	[smem:$0x3FA0] =	sst s0  }
0x9: {  	[smem:$0x3FA1] =	sst s1  }
0xa: {  	[smem:$0x3FA2] =	sst s2  }
0xb: {  	[smem:$0x3FA3] =	sst s3  }
0xc: {  	[smem:$0x3FA4] =	sst s4  }
0xd: {  	[smem:$0x3FA5] =	sst s5  }
0xe: {  	[smem:$0x3FA6] =	sst s6  }
0xf: {  	[smem:$0x3FA7] =	sst s7  }
0x10: {  	[smem:$0x3FA8] =	sst s8  }
0x11: {  	[smem:$0x3FA9] =	sst s9;
	s0 =	simm.s32 @!p0 $0x0  }
0x12: {  	s1 =	sld [smem:$0x3F8F];
	s0 =	simm.s32 @p0 $0x1  }
0x13: {  	[smem:$0x3FAA] =	sst s0;
	s0 =	simm.s32 @!p1 $0x0  }
0x14: {  	s2 =	sld [smem:$0x3F8E];
	s0 =	simm.s32 @p1 $0x1  }
0x15: {  	[smem:$0x3FAB] =	sst s0;
	s0 =	simm.s32 @!p2 $0x0  }
0x16: {  	s3 =	sld [smem:$0x3FDB];
	s0 =	simm.s32 @p2 $0x1  }
0x17: {  	s4 =	simm.s32 $0x1BF5;
	[smem:$0x3FAD] =	sst s0  }
0x18: {  	s0 =	sld [smem:$0x3F90];
	_ =	swait.ge [sflag:s4], $0x0  }
0x19: {  	s7 =	sld [smem:$0x3F91]  }
0x1a: {  	s8 =	sadd.s32 $0xFFFFE003, lr  }
0x1b: {  	s9 =	sadd.s32 $0xFFFFFEF7, lr;
	s5 =	simm.s32 $0xFFFFFFFF;
	p2 =	slt.u32 s8, $0xFFFFF086  }
0x1c: {  	p1 =	slt.u32 s9, $0xF7A;
	s5 =	simm.s32 @!p2 $0x0  }
0x1d: {  	s5 =	simm.s32 @p1 $0x1;
	p0 =	seq.s32 s7, s2  }
0x1e: {  	s7 =	smul.u32 @!p0 $0xF7A, s2;
	p2 =	seq.s32 @!p0 s5, $0x0  }
0x1f: {  	s9 =	smul.u32 $0xF7A, s1;
	s8 =	simm.s32 @!p0 $0x1BF5;
	p2 =	por !p2, p0  }
0x20: {  	[sflag:s8] =	ssyncset.s32 @!p0 $0xFFFFF086;
	s6 =	sadd.s32 @!p0 s3, s7;
	s7 =	simm.s32 @!p0 $0x108  }
0x21: {  	s3 =	sadd.s32 s3, s9;
	s6 =	sadd.s32 @!p0 $0x88, s6;
	s7 =	simm.s32 @p2 $0x1082  }
0x22: {  	[simem:s7], [sflag:s8] =	dma.local @!p0 [hbm:s6], $0xF7A  }
0x23: {  	s9 =	sor.u32 $0xD0000000, s2;
	s6 =	simm.s32 $0x108;
	_ =	swait.ge @!p0 [sflag:s8], $0x0  }
0x24: {  	s3 =	sadd.s32 $0x88, s3;
	s6 =	simm.s32 @!p1 $0x1082;
	[sflag:s4] =	ssyncset.s32 $0xFFFFF086  }
0x25: {  	[simem:s6], [sflag:s4] =	dma.local [hbm:s3], $0xF7A  }
0x26: {  	[smem:$0x3F91] =	sst s1;
	(tag) =	ssettag s2;
	_ =	strace s9  }
0x27: {  	s1 =	sld [smem:$0x3FA1]  }
0x28: {  	s2 =	sld [smem:$0x3FA2]  }
0x29: {  	s4 =	sld [smem:$0x3FA4]  }
0x2a: {  	p0 =	seq.s32 s5, $0x0;
	s5 =	sld [smem:$0x3FA5]  }
0x2b: {  	s6 =	sld [smem:$0x3FA6]  }
0x2c: {  	s7 =	sld [smem:$0x3FA7]  }
0x2d: {  	s3 =	simm.s32 $0x108;
	s8 =	sld [smem:$0x3FA8]  }
0x2e: {  	s3 =	simm.s32 @!p0 $0x1082;
	s9 =	sld [smem:$0x3FA9]  }
0x2f: {  	lr =	sadd.s32 s0, s3;
	s0 =	sld [smem:$0x3FA0]  }
0x30: {  	s3 =	sld [smem:$0x3FA3]  }
0x31: {  	[smem:$0x3FAC] =	sst s10  }
0x32: {  	s10 =	sld [smem:$0x3FAA];
	_ =	sdelay $0x3  }
0x33: {  	p0 =	seq.s32 s10, $0x1;
	s10 =	sld [smem:$0x3FAC];
	_ =	sdelay $0x3  }
0x34: {  	[smem:$0x3FAC] =	sst s10  }
0x35: {  	s10 =	sld [smem:$0x3FAB];
	_ =	sdelay $0x3  }
0x36: {  	p1 =	seq.s32 s10, $0x1;
	s10 =	sld [smem:$0x3FAC];
	_ =	sdelay $0x3  }
0x37: {  	[smem:$0x3FAC] =	sst s10  }
0x38: {  	s10 =	sld [smem:$0x3FAD]  }
0x39: {  	_ = 	snop;
	(pc) =	sbr.ind lr, $3  }
0x3a: {  	_ = 	snop  }
0x3b: {  	_ = 	snop  }
0x3c: {  	p2 =	seq.s32 s10, $0x1;
	s10 =	sld [smem:$0x3FAC]  }
0x3d: {  	_ =	shalt  }
0x3e: {  	_ =	shalt  }
0x3f: {  	_ =	shalt  }
0x40: {  	_ =	shalt  }
0x41: {  	_ =	shalt  }
0x42: {  	_ =	shalt  }
0x43: {  	_ =	shalt  }
0x44: {  	_ =	shalt  }
0x45: {  	_ =	shalt  }
0x46: {  	_ =	shalt  }
0x47: {  	_ =	shalt  }
0x48: {  	_ =	shalt  }
0x49: {  	_ =	shalt  }
0x4a: {  	_ =	shalt  }
0x4b: {  	_ =	shalt  }
0x4c: {  	_ =	shalt  }
0x4d: {  	_ =	shalt  }
0x4e: {  	_ =	shalt  }
0x4f: {  	_ =	shalt  }
0x50: {  	_ =	shalt  }
0x51: {  	_ =	shalt  }
0x52: {  	_ =	shalt  }
0x53: {  	_ =	shalt  }
0x54: {  	_ =	shalt  }
0x55: {  	_ =	shalt  }
0x56: {  	_ =	shalt  }
0x57: {  	_ =	shalt  }
0x58: {  	_ =	shalt  }
0x59: {  	_ =	shalt  }
0x5a: {  	_ =	shalt  }
0x5b: {  	_ =	shalt  }
0x5c: {  	_ =	shalt  }
0x5d: {  	_ =	shalt  }
0x5e: {  	_ =	shalt  }
0x5f: {  	_ =	shalt  }
0x60: {  	_ =	shalt  }
0x61: {  	_ =	shalt  }
0x62: {  	_ =	shalt  }
0x63: {  	_ =	shalt  }
0x64: {  	_ =	shalt  }
0x65: {  	_ =	shalt  }
0x66: {  	_ =	shalt  }
0x67: {  	_ =	shalt  }
0x68: {  	_ =	shalt  }
0x69: {  	_ =	shalt  }
0x6a: {  	_ =	shalt  }
0x6b: {  	_ =	shalt  }
0x6c: {  	_ =	shalt  }
0x6d: {  	_ =	shalt  }
0x6e: {  	_ =	shalt  }
0x6f: {  	_ =	shalt  }
0x70: {  	_ =	shalt  }
0x71: {  	_ =	shalt  }
0x72: {  	_ =	shalt  }
0x73: {  	_ =	shalt  }
0x74: {  	_ =	shalt  }
0x75: {  	_ =	shalt  }
0x76: {  	_ =	shalt  }
0x77: {  	_ =	shalt  }
0x78: {  	_ =	shalt  }
0x79: {  	_ =	shalt  }
0x7a: {  	_ =	shalt  }
0x7b: {  	_ =	shalt  }
0x7c: {  	_ =	shalt  }
0x7d: {  	_ =	shalt  }
0x7e: {  	_ =	shalt  }
0x7f: {  	_ =	shalt  }
0x80: {  	_ =	shalt  }
0x81: {  	_ =	shalt  }
0x82: {  	_ =	shalt  }
0x83: {  	_ =	shalt  }
0x84: {  	_ =	shalt  }
0x85: {  	_ =	shalt  }
0x86: {  	_ =	shalt  }
0x87: {  	_ =	shalt  }
.Lfunc_end0:
.L_simem_size_0:
called_computation.3_lowered:
.L_overlay_start_0:
0x88: {  	s2 =	sld [smem:$0x3FD9]  }
0x89: {  	s3 =	sld [smem:$0x3FFE];
	_ =	sdelay $0x1  }
0x8a: {  	s1 =	srdreg.scid  }
0x8b: {  	s0 =	sand.u32 $0x1, s1  }
0x8c: {  	s17 =	sshll.u32 s0, $0xA;
	s2 =	sadd.s32 s3, s2  }
0x8d: {  	s2 =	sadd.s32 s2, s17  }
0x8e: {  	[smem:$0x3FB8] =	sst s2  }
0x8f: {  	_ = 	snop  }
0x90: {  	(tm) =	ssettm $0x1  }
0x91: {  	s18 =	sld [smem:$0x3FFB];
	_ =	sdelay $0x3  }
0x92: {  	_ =	strace s18  }
0x93: {  	s2 =	sld [smem:$0x3FFC];
	_ =	sdelay $0x3  }
0x94: {  	_ =	strace s2  }
0x95: {  	s2 =	sld [smem:$0x3FFD];
	_ =	sdelay $0x3  }
0x96: {  	_ =	strace s2  }
0x97: {  	_ =	strace $0x8FFFFFFF  }
0x98: {  	s19 =	sld [smem:$0x3FDB];
	_ =	sdelay $0x1  }
0x99: {  	s20 =	simm.s32 $_scs_section_size  }
0x9a: {  	s4 =	simm.s32 $_size__tile_overlayer_lowered;
	s5 =	simm.s32 $_tile_overlayer_lowered  }
0x9b: {  	s6 =	simm.s32 $0x1BFF;
	s21 =	sshll.u32 s5, $0x1;
	s3 =	sadd.s32 s20, s19  }
0x9c: {  	s22 =	simm.s32 $0x0;
	s4 =	sshll.u32 s4, $0x1;
	s5 =	sadd.s32 s21, s3  }
0x9d: {  	[timem:s22], [sflag:s6] =	dma.local [hbm:s5], s4  }
0x9e: {  	_ =	swait.ge [sflag:s6], s4  }
0x9f: {  	s4 =	ssub.s32 $0x0, s4;
	[sflag:s6] =	ssyncset.done $0x0  }
0xa0: {  	[sflag:s6] =	ssyncadd.s32 s4;
	_ =	sdelay $0x1  }
0xa1: {  	s23 =	simm.s32 $0x1B8B  }
0xa2: {  	_ =	swait.ge [sflag:s23], $0x1  }
0xa3: {  	[sflag:s23] =	ssyncset.done $0x0  }
0xa4: {  	[sflag:s23] =	ssyncadd.s32 $0xFFFFFFFF  }
0xa5: {  	s4 =	sld [smem:$0x0]  }
0xa6: {  	s5 =	sand.u32 $0xFFFFFFFE, s1  }
0xa7: {  	p0 =	sne.s32 s1, s5  }
0xa8: {  	s5 =	sshll.u32 @p0 s5, $0xE  }
0xa9: {  	s5 =	sadd.s32 @p0 $0x11B8D, s5;
	s6 =	sshll.u32 @p0 s4, $0x11  }
0xaa: {  	s5 =	sor.u32 @p0 s6, s5  }
0xab: {  	[sflag:s5] =	ssyncadd.remote.s32 @p0 $0x1;
	_ =	sdelay $0x1  }
0xac: {  	s5 =	simm.s32 @p0 $0x1B8D  }
0xad: {  	_ =	swait.eq @p0 [sflag:s5], $0x1  }
0xae: {  	[sflag:s5] =	ssyncadd.s32 @p0 $0xFFFFFFFF  }
0xaf: {  	s6 =	sshll.u32 @!p0 s1, $0xE  }
0xb0: {  	s6 =	sor.u32 @!p0 $0x4000, s6;
	s5 =	simm.s32 @!p0 $0x1B8D  }
0xb1: {  	s4 =	sshll.u32 @!p0 s4, $0x11;
	s6 =	sadd.s32 @!p0 $0x11B8D, s6;
	_ =	swait.eq @!p0 [sflag:s5], $0x1  }
0xb2: {  	s4 =	sor.u32 @!p0 s4, s6;
	[sflag:s5] =	ssyncadd.s32 @!p0 $0xFFFFFFFF  }
0xb3: {  	s25 =	simm.s32 $0x1B8E;
	s24 =	sld [smem:$0x3FFE];
	[sflag:s4] =	ssyncadd.remote.s32 @!p0 $0x1  }
0xb4: {  	s26 =	simm.s32 $execute0_lowered;
	[smem:$0x3FD2] =	sst s25  }
0xb5: {  	s5 =	sshll.u32 s26, $0x1;
	_ =	strace $0x8000005A;
	[dreg:$0x1] =	wrdreg $0xFFFFFFFF  }
0xb6: {  	s28 =	simm.s32 $_size_execute0_lowered;
	s3 =	sadd.s32 s3, s5;
	[dreg:$0x0] =	wrdreg $0x0  }
0xb7: {  	s5 =	sshll.u32 s28, $0x1;
	[dreg:$0x2] =	wrdreg s3  }
0xb8: {  	[dreg:$0x3] =	wrdreg s5  }
0xb9: {  	[dreg:$0x4] =	wrdreg $0xC0  }
0xba: {  	_ =	task [dreg:s22], $0x5FFFF  }
0xbb: {  	[dreg:$0x1] =	wrdreg $0xFFFFFFFF  }
0xbc: {  	[dreg:$0x0] =	wrdreg $0x60  }
0xbd: {  	[dreg:$0x2] =	wrdreg s24  }
0xbe: {  	[dreg:$0x3] =	wrdreg $0xC  }
0xbf: {  	_ =	task.clear_ibuf [dreg:s22], $0x4FFFF;
	_ =	strace $0x9000005A  }
0xc0: {  	s29 =	simm.s32 $0xC;
	_ =	strace $0x80000063  }
0xc1: {  	_ =	swait.ge [sflag:s29], $0x1  }
0xc2: {  	[sflag:s29] =	ssyncadd.s32 $0xFFFFFFFF  }
0xc3: {  	_ =	strace $0x90000063  }
0xc4: {  	_ =	sfence  }
0xc5: {  	s30 =	sld [smem:$0x0];
	_ =	sdelay $0x2  }
0xc6: {  	s31 =	sshll.u32 s1, $0xD;
	s1 =	sshrl.u32 s1, $0x2  }
0xc7: {  	s4 =	sand.u32 $0x4000, s31;
	s1 =	sadd.s32 s1, s30  }
0xc8: {  	s0 =	sor.u32 s4, s0;
	s1 =	sshll.u32 s1, $0x11  }
0xc9: {  	s0 =	sor.u32 s1, s0  }
0xca: {  	s0 =	sadd.s32 $0x8F2B, s0  }
0xcb: {  	[sflag:s0] =	ssyncadd.remote.s32 $0x1  }
0xcc: {  	_ =	sfence.sel $0xFFFF  }
0xcd: {  	[dreg:$0x0] =	wrdreg $0xFFFFFFFF;
	(pc) =	sbr.abs _section_cstart, $3  }
0xce: {  	[dreg:$0x1] =	wrdreg $0xFFFFFFFF  }
0xcf: {  	_ =	task.clear_ibuf [dreg:s22], $0x2FFFF;
	_ =	strace $0x9FFFFFFF  }
0xd0: {  	(tm) =	ssettm $0x7FFFFFFF  }
0xd1: {  	_ =	shalt  }
tec
execute0_lowered:
.L_overlay_start_1:
0x0: {  	(tag) =	ssettag $0x1  }
0x1: {  	s5 =	rddreg [dreg:$0x0]  }
0x2: {  	s0 =	rddreg [dreg:$0x1];
	s1 =	simm.s32 $0x0  }
0x3: {  	s2 =	srdreg.scid;
	s9 =	simm.s32 $0x4;
	s10 =	simm.s32 $0x0  }
0x4: {  	[smem:$0x7FF] =	sst s1;
	s3 =	sadd.s32 $0x58BE00, s5;
	s4 =	sadd.s32 $0x67E00, s5  }
0x5: {  	s6 =	sand.u32 $0x1, s2;
	s2 =	stileid.u32;
	s5 =	sadd.s32 $0x68BE00, s5  }
0x6: {  	_ =	strace $0x8000005B;
	s7 =	ssub.s32 $0x2, s6;
	s6 =	sshll.u32 s6, $0x4  }
0x7: {  	v2 =	vlaneseq.u32;
	[dreg:$0x2] =	wrdreg s5;
	s8 =	sshrl.u32 s7, $0x1;
	s6 =	sor.u32 s2, s6  }
0x8: {  	vm0 =	vmmov $0xffff;
	v1 =	vshrl.u32 v2, $0x3;
	s7 =	ssub.s32 s7, s8;
	s31 =	sshll.u32 s6, $0x8;
	s5 =	sshll.u32 s6, $0x4  }
0x9: {  	v0 =	vand.u32 $0x7, v2;
	v2 =	vor.u32 $0x8, v2;
	v1 =	vmul.u32 $0x8, v1;
	s8 =	simm.s32 $0x5;
	s6 =	sadd.s32 s4, s31;
	s7 =	smax.u32 s7, $0x1  }
.LBB2_1:
0xa: {  	_ =	strace $0x8000005C;
	s11 =	simm.s32 $0x10  }
0xb: {  	s12 =	simm.s32 $0x0;
	s13 =	simm.s32 $0x0;
	s14 =	simm.s32 $0x0  }
0xc: {  	[tilespmem:s1], [sflag:$0x1] =	stream.linear.gather [hbm4b:s6+s1], $0x80, $0x200038;
	[tilespmem:$0x10100] =	vst v63  }
0xd: {  	s15 =	simm.s32 $0x0;
	s16 =	simm.s32 $0x1;
	_ =	strace $0x9000005C  }
.LBB2_2:
0xe: {  	s17 =	smov.u32 s12;
	s12 =	sadd.s32 $0x1, s12  }
0xf: {  	p0 =	seq.s32 s12, $0x10  }
0x10: {  	s12 =	simm.s32 @p0 $0x0  }
0x11: {  	p6 =	sne.s32 s11, $0x1;
	p1 =	sne.s32 s17, s12  }
0x12: {  	p0 =	por !p6, !p1  }
0x13: {  	p0 =	por !p0, !p0  }
0x14: {  	s18 =	sadd.s32 @p0 s5, s12  }
0x15: {  	s19 =	sand.u32 @p0 $0x1, s16;
	s18 =	sshll.u32 @p0 s18, $0x4  }
0x16: {  	_ =	strace @p0 $0x8000005D;
	s21 =	simm.s32 @p0 $0x0;
	s18 =	sand.u32 @p0 $0x1FFFFFF0, s18  }
0x17: {  	s20 =	sshll.u32 @p0 s19, $0x7;
	s19 =	sadd.s32 @p0 $0x1, s19;
	s18 =	sadd.s32 @p0 s4, s18  }
0x18: {  	[tilespmem:s20], [sflag:s19] =	stream.linear.gather @p0 [hbm4b:s18+s21], $0x80, $0x200038;
	[tilespmem:$0x10100] =	vst v63  }
0x19: {  	s24 =	sand.u32 $0x1, s15;
	_ =	strace @p0 $0x9000005D  }
0x1a: {  	s18 =	sadd.s32 $0x1, s24;
	_ =	strace $0x8000005E  }
0x1b: {  	_ =	swait.ge [sflag:s18], $0x80  }
0x1c: {  	[sflag:s18] =	ssyncset.done $0x0  }
0x1d: {  	[sflag:s18] =	ssyncadd.s32 $0xFFFFFF80  }
0x1e: {  	s25 =	sshll.u32 s15, $0x7;
	_ =	strace $0x9000005E  }
0x1f: {  	s21 =	sand.u32 $0x80, s25;
	_ =	strace $0x8000005F  }
0x20: {  	v3 =	vld [tilespmem:s21+$0x0];
	_ =	sdelay $0x4  }
0x21: {  	v4 =	vshll.u32 v3, $0x1  }
0x22: {  	v3 =	vand.u32 $0x7, v3;
	v4 =	vand.u32 $0xFFFFFFF0, v4  }
0x23: {  	v3 =	vor.u32 v3, v4  }
0x24: {  	v4 =	vperm.xlane v3, v0;
	_ =	sdelay $0x1  }
0x25: {  	v3 =	vperm.xlane v3, v2;
	v4 =	vadd.s32 v1, v4;
	_ =	sdelay $0x1  }
0x26: {  	s18 =	sand.u32 $0x1, s14;
	v3 =	vadd.s32 v1, v3  }
0x27: {  	s20 =	sshll.u32 s18, $0xF  }
0x28: {  	s19 =	sor.u32 $0x100, s20  }
0x29: {  	[tilespmem:s19], [sflag:$0x5] =	stream.indirect_vreg.gather [hbm4b:s3+s1], $0x80, v4, vm0, $0x2000b8;
	[tilespmem:$0x10100] =	vst v63  }
0x2a: {  	s22 =	sor.u32 $0x900, s20  }
0x2b: {  	[tilespmem:s22], [sflag:$0x5] =	stream.indirect_vreg.gather [hbm4b:s3+s1], $0x80, v3, vm0, $0x2000b8;
	[tilespmem:$0x10100] =	vst v63  }
0x2c: {  	v3 =	vld [tilespmem:s21+$0x10];
	_ =	sdelay $0x4  }
0x2d: {  	v57 =	vshll.u32 v3, $0x1  }
0x2e: {  	v3 =	vand.u32 $0x7, v3;
	v4 =	vand.u32 $0xFFFFFFF0, v57  }
0x2f: {  	v3 =	vor.u32 v3, v4  }
0x30: {  	v4 =	vperm.xlane v3, v0;
	_ =	sdelay $0x1  }
0x31: {  	v3 =	vperm.xlane v3, v2;
	v4 =	vadd.s32 v1, v4;
	_ =	sdelay $0x1  }
0x32: {  	v3 =	vadd.s32 v1, v3;
	_ =	sdelay $0x1  }
0x33: {  	s26 =	sor.u32 $0x1100, s20  }
0x34: {  	[tilespmem:s26], [sflag:$0x5] =	stream.indirect_vreg.gather [hbm4b:s3+s1], $0x80, v4, vm0, $0x2000b8;
	[tilespmem:$0x10100] =	vst v63  }
0x35: {  	s28 =	sor.u32 $0x1900, s20  }
0x36: {  	[tilespmem:s28], [sflag:$0x5] =	stream.indirect_vreg.gather [hbm4b:s3+s1], $0x80, v3, vm0, $0x2000b8;
	[tilespmem:$0x10100] =	vst v63  }
0x37: {  	v3 =	vld [tilespmem:s21+$0x20];
	_ =	sdelay $0x4  }
0x38: {  	v58 =	vshll.u32 v3, $0x1  }
0x39: {  	v3 =	vand.u32 $0x7, v3;
	v4 =	vand.u32 $0xFFFFFFF0, v58  }
0x3a: {  	v3 =	vor.u32 v3, v4  }
0x3b: {  	v4 =	vperm.xlane v3, v0;
	_ =	sdelay $0x1  }
0x3c: {  	v3 =	vperm.xlane v3, v2;
	v4 =	vadd.s32 v1, v4;
	_ =	sdelay $0x1  }
0x3d: {  	v3 =	vadd.s32 v1, v3;
	_ =	sdelay $0x1  }
0x3e: {  	s29 =	sor.u32 $0x2100, s20  }
0x3f: {  	[tilespmem:s29], [sflag:$0x5] =	stream.indirect_vreg.gather [hbm4b:s3+s1], $0x80, v4, vm0, $0x2000b8;
	[tilespmem:$0x10100] =	vst v63  }
0x40: {  	s30 =	sor.u32 $0x2900, s20  }
0x41: {  	[tilespmem:s30], [sflag:$0x5] =	stream.indirect_vreg.gather [hbm4b:s3+s1], $0x80, v3, vm0, $0x2000b8;
	[tilespmem:$0x10100] =	vst v63  }
0x42: {  	v3 =	vld [tilespmem:s21+$0x30];
	_ =	sdelay $0x4  }
0x43: {  	v59 =	vshll.u32 v3, $0x1  }
0x44: {  	v3 =	vand.u32 $0x7, v3;
	v4 =	vand.u32 $0xFFFFFFF0, v59  }
0x45: {  	v3 =	vor.u32 v3, v4  }
0x46: {  	v4 =	vperm.xlane v3, v0;
	_ =	sdelay $0x1  }
0x47: {  	v3 =	vperm.xlane v3, v2;
	v4 =	vadd.s32 v1, v4;
	_ =	sdelay $0x1  }
0x48: {  	v3 =	vadd.s32 v1, v3;
	_ =	sdelay $0x1  }
0x49: {  	s31 =	sor.u32 $0x3100, s20  }
0x4a: {  	[tilespmem:s31], [sflag:$0x5] =	stream.indirect_vreg.gather [hbm4b:s3+s1], $0x80, v4, vm0, $0x2000b8;
	[tilespmem:$0x10100] =	vst v63  }
0x4b: {  	s23 =	sor.u32 $0x3900, s20  }
0x4c: {  	[tilespmem:s23], [sflag:$0x5] =	stream.indirect_vreg.gather [hbm4b:s3+s1], $0x80, v3, vm0, $0x2000b8;
	[tilespmem:$0x10100] =	vst v63  }
0x4d: {  	v3 =	vld [tilespmem:s21+$0x40];
	_ =	sdelay $0x4  }
0x4e: {  	v60 =	vshll.u32 v3, $0x1  }
0x4f: {  	v3 =	vand.u32 $0x7, v3;
	v4 =	vand.u32 $0xFFFFFFF0, v60  }
0x50: {  	v3 =	vor.u32 v3, v4  }
0x51: {  	v4 =	vperm.xlane v3, v0;
	_ =	sdelay $0x1  }
0x52: {  	v3 =	vperm.xlane v3, v2;
	v4 =	vadd.s32 v1, v4;
	_ =	sdelay $0x1  }
0x53: {  	v3 =	vadd.s32 v1, v3;
	_ =	sdelay $0x1  }
0x54: {  	s24 =	sor.u32 $0x4100, s20  }
0x55: {  	[tilespmem:s24], [sflag:$0x5] =	stream.indirect_vreg.gather [hbm4b:s3+s1], $0x80, v4, vm0, $0x2000b8;
	[tilespmem:$0x10100] =	vst v63  }
0x56: {  	s25 =	sor.u32 $0x4900, s20  }
0x57: {  	[tilespmem:s25], [sflag:$0x5] =	stream.indirect_vreg.gather [hbm4b:s3+s1], $0x80, v3, vm0, $0x2000b8;
	[tilespmem:$0x10100] =	vst v63  }
0x58: {  	v3 =	vld [tilespmem:s21+$0x50];
	_ =	sdelay $0x4  }
0x59: {  	v61 =	vshll.u32 v3, $0x1  }
0x5a: {  	v3 =	vand.u32 $0x7, v3;
	v4 =	vand.u32 $0xFFFFFFF0, v61  }
0x5b: {  	v3 =	vor.u32 v3, v4  }
0x5c: {  	v4 =	vperm.xlane v3, v0;
	_ =	sdelay $0x1  }
0x5d: {  	v3 =	vperm.xlane v3, v2;
	v4 =	vadd.s32 v1, v4;
	_ =	sdelay $0x1  }
0x5e: {  	v3 =	vadd.s32 v1, v3;
	_ =	sdelay $0x1  }
0x5f: {  	s26 =	sor.u32 $0x5100, s20  }
0x60: {  	[tilespmem:s26], [sflag:$0x5] =	stream.indirect_vreg.gather [hbm4b:s3+s1], $0x80, v4, vm0, $0x2000b8;
	[tilespmem:$0x10100] =	vst v63  }
0x61: {  	s28 =	sor.u32 $0x5900, s20  }
0x62: {  	[tilespmem:s28], [sflag:$0x5] =	stream.indirect_vreg.gather [hbm4b:s3+s1], $0x80, v3, vm0, $0x2000b8;
	[tilespmem:$0x10100] =	vst v63  }
0x63: {  	v3 =	vld [tilespmem:s21+$0x60];
	_ =	sdelay $0x4  }
0x64: {  	v62 =	vshll.u32 v3, $0x1  }
0x65: {  	v3 =	vand.u32 $0x7, v3;
	v4 =	vand.u32 $0xFFFFFFF0, v62  }
0x66: {  	v3 =	vor.u32 v3, v4  }
0x67: {  	v4 =	vperm.xlane v3, v0;
	_ =	sdelay $0x1  }
0x68: {  	v3 =	vperm.xlane v3, v2;
	v4 =	vadd.s32 v1, v4;
	_ =	sdelay $0x1  }
0x69: {  	v3 =	vadd.s32 v1, v3;
	_ =	sdelay $0x1  }
0x6a: {  	s29 =	sor.u32 $0x6100, s20  }
0x6b: {  	[tilespmem:s29], [sflag:$0x5] =	stream.indirect_vreg.gather [hbm4b:s3+s1], $0x80, v4, vm0, $0x2000b8;
	[tilespmem:$0x10100] =	vst v63  }
0x6c: {  	s30 =	sor.u32 $0x6900, s20  }
0x6d: {  	[tilespmem:s30], [sflag:$0x5] =	stream.indirect_vreg.gather [hbm4b:s3+s1], $0x80, v3, vm0, $0x2000b8;
	[tilespmem:$0x10100] =	vst v63  }
0x6e: {  	v3 =	vld [tilespmem:s21+$0x70];
	_ =	sdelay $0x4  }
0x6f: {  	v63 =	vshll.u32 v3, $0x1  }
0x70: {  	v3 =	vand.u32 $0x7, v3;
	v4 =	vand.u32 $0xFFFFFFF0, v63  }
0x71: {  	v3 =	vor.u32 v3, v4  }
0x72: {  	v4 =	vperm.xlane v3, v0;
	_ =	sdelay $0x1  }
0x73: {  	v3 =	vperm.xlane v3, v2;
	v4 =	vadd.s32 v1, v4;
	_ =	sdelay $0x1  }
0x74: {  	v3 =	vadd.s32 v1, v3;
	_ =	sdelay $0x1  }
0x75: {  	s31 =	sor.u32 $0x7100, s20  }
0x76: {  	[tilespmem:s31], [sflag:$0x5] =	stream.indirect_vreg.gather [hbm4b:s3+s1], $0x80, v4, vm0, $0x2000b8;
	[tilespmem:$0x10100] =	vst v63  }
0x77: {  	s20 =	sor.u32 $0x7900, s20  }
0x78: {  	[tilespmem:s20], [sflag:$0x5] =	stream.indirect_vreg.gather [hbm4b:s3+s1], $0x80, v3, vm0, $0x2000b8;
	[tilespmem:$0x10100] =	vst v63  }
0x79: {  	_ =	swait.ge [sflag:s8], $0x8000  }
0x7a: {  	p2 =	seq.s32 s11, $0x1;
	[sflag:s8] =	ssyncset.done $0x0  }
0x7b: {  	s17 =	sadd.s32 s5, s17;
	p1 =	por p2, p1;
	[sflag:s8] =	ssyncadd.s32 $0xFFFF8000  }
0x7c: {  	s17 =	sshll.u32 @p1 s17, $0xC;
	_ =	strace $0x9000005F  }
0x7d: {  	s17 =	sand.u32 @p1 $0x1FFFF000, s17;
	s21 =	simm.s32 $0x1;
	_ =	strace @p1 $0x80000060  }
0x7e: {  	s18 =	sadd.s32 @p1 $0x3, s18;
	s21 =	simm.s32 @!p0 $0x0;
	s20 =	rddreg [dreg:$0x2]  }
0x7f: {  	p0 =	seq.s32 s11, $0x10;
	s17 =	sadd.s32 @p1 s20, s17;
	s20 =	simm.s32 @p1 $0x0  }
0x80: {  	[hbm4b:s17+s20] =	stream.linear.scatter @p1 [tilespmem:s19], [sflag:s18], $0x8000, $0x200038;
	[tilespmem:$0x10100] =	vst v63  }
0x81: {  	s17 =	simm.s32 $0x1;
	s19 =	simm.s32 $0x1;
	_ =	strace @p1 $0x90000060  }
0x82: {  	s17 =	simm.s32 @!p1 $0x0;
	p1 =	sne.s32 s11, $0x10;
	s11 =	sadd.s32 $0xFFFFFFFF, s11  }
0x83: {  	s18 =	sand.u32 @!p0 $0x1, s13;
	s19 =	simm.s32 @!p1 $0x0;
	p1 =	sne.s32 s11, $0x0  }
.Ltmp0:
0x84: {  	s18 =	sadd.s32 @!p0 $0x3, s18;
	_ =	strace @!p0 $0x80000061;
	(pc) =	sbr.rel @p1 .LBB2_2-.Ltmp0, $4  }
0x85: {  	_ =	swait.ge @!p0 [sflag:s18], $0x8000  }
0x86: {  	[sflag:s18] =	ssyncset.done @!p0 $0x0  }
0x87: {  	s16 =	sadd.s32 s21, s16;
	s14 =	sadd.s32 s17, s14;
	[sflag:s18] =	ssyncadd.s32 @!p0 $0xFFFF8000  }
0x88: {  	s15 =	sadd.s32 s17, s15;
	s13 =	sadd.s32 s19, s13;
	_ =	strace @!p0 $0x90000061  }
0x89: {  	s10 =	sadd.s32 $0x1, s10  }
0x8a: {  	p0 =	sne.s32 s10, s7  }
.Ltmp1:
0x8b: {  	_ =	strace $0x80000062;
	(pc) =	sbr.rel @p0 .LBB2_1-.Ltmp1, $4  }
0x8c: {  	_ =	swait.ge [sflag:s9], $0x8000  }
0x8d: {  	[sflag:s9] =	ssyncset.done $0x0  }
0x8e: {  	[sflag:s9] =	ssyncadd.s32 $0xFFFF8000  }
0x8f: {  	_ =	strace $0x90000062  }
0x90: {  	_ =	sfence.sel $0x180000  }
0x91: {  	[bflag:$0x0] =	sbarrier.arrive $0xFFFF  }
0x92: {  	p0 =	sne.s32 s2, $0x0;
	_ =	strace $0x9000005B  }
0x93: {  	s0 =	sadd.s32 @!p0 $0x100000, s0;
	[bflag:$0x2] =	sbarrier.arrive $0xFFFF  }
0x94: {  	[sflag:s0] =	ssyncadd.tile.s32 @!p0 $0x1;
	_ =	shalt  }
.Lfunc_end2:
_tile_overlayer_lowered:
.L_overlay_start_2:
0x95: {  	(tag) =	ssettag $0x2  }
0x96: {  	s0 =	rddreg [dreg:$0x0];
	s2 =	stileid.u32  }
0x97: {  	s1 =	rddreg [dreg:$0x1];
	p0 =	sne.s32 s2, $0x0  }
0x98: {  	s3 =	rddreg [dreg:$0x2];
	[bflag:$0x3] =	sbarrier.arrive $0xFFFF;
	s2 =	simm.s32 @!p0 $0x1C01  }
0x99: {  	[timem:s3], [sflag:s2] =	dma.local @!p0 [hbm:s0], s1  }
0x9a: {  	s0 =	simm.s32 @!p0 $0x1  }
0x9b: {  	_ =	swait.ge @!p0 [sflag:s0], s1  }
0x9c: {  	s1 =	ssub.s32 @!p0 $0x0, s1;
	[sflag:s0] =	ssyncset.done @!p0 $0x0  }
0x9d: {  	[sflag:s0] =	ssyncadd.s32 @!p0 s1  }
0x9e: {  	[bflag:$0x3] =	sbarrier.arrive $0xFFFF  }
0x9f: {  	_ =	shalt  }

</sc_bundles>
